<compile_context>
chip_gen: v7x
topology: tpu7x:2x2x1
jax: 0.10.2.dev20260603
libtpu: 0.0.44.dev20260713+nightly
codegen_flags: <defaults>
</compile_context>

<pallas_src>
import jax
import jax.numpy as jnp
from jax import lax
from jax.experimental import pallas as pl
from jax.experimental.pallas import tpu as pltpu
from jax.experimental.pallas import tpu_sc as plsc

N0 = 20000
N1 = 20000
E = 640000
D = 64
H = 32
C = 10
CP = 16

NC = 2
NS = 16
NPAD = 20480
ROWS_PER_TILE = NPAD // NS
K = 80

_ROW_BLK = 2000


def _tc1_body(x0_ref, x1_ref, wr0_ref, wo0_ref, wr1_ref, wo1_ref,
              b0_ref, b1_ref, z0_ref, z1_ref, r1_ref, r0_ref):
    x0 = x0_ref[...]
    x1 = x1_ref[...]
    z0_ref[...] = jnp.dot(x0, wr0_ref[...], preferred_element_type=jnp.float32)
    z1_ref[...] = jnp.dot(x1, wr1_ref[...], preferred_element_type=jnp.float32)
    r1_ref[...] = jnp.dot(x1, wo0_ref[...],
                          preferred_element_type=jnp.float32) + b0_ref[...]
    r0_ref[...] = jnp.dot(x0, wo1_ref[...],
                          preferred_element_type=jnp.float32) + b1_ref[...]


def _tc1(x0, x1, wr0, wo0, wr1, wo1, b0, b1):
    g = N0 // _ROW_BLK
    row = pl.BlockSpec((_ROW_BLK, D), lambda i: (i, 0))
    w = pl.BlockSpec((D, H), lambda i: (0, 0))
    b = pl.BlockSpec((1, H), lambda i: (0, 0))
    out = pl.BlockSpec((_ROW_BLK, H), lambda i: (i, 0))
    return pl.pallas_call(
        _tc1_body,
        grid=(g,),
        in_specs=[row, row, w, w, w, w, b, b],
        out_specs=[out, out, out, out],
        out_shape=[jax.ShapeDtypeStruct((N0, H), jnp.float32)] * 4,
    )(x0, x1, wr0, wo0, wr1, wo1, b0, b1)


def _tc2_body(a1_ref, r1_ref, a0_ref, r0_ref, wrel_ref, wroot_ref, b2_ref,
              u1_ref, root2_ref):
    h_v1 = jnp.maximum(a1_ref[...] + r1_ref[...], 0.0)
    h_v0 = jnp.maximum(a0_ref[...] + r0_ref[...], 0.0)
    pad = ((0, 0), (0, CP - C))
    wrel = jnp.pad(wrel_ref[...], pad)
    wroot = jnp.pad(wroot_ref[...], pad)
    b2 = jnp.pad(b2_ref[...], pad)
    u1_ref[...] = jnp.dot(h_v1, wrel,
                          preferred_element_type=jnp.float32).astype(jnp.bfloat16)
    root2_ref[...] = jnp.dot(h_v0, wroot,
                             preferred_element_type=jnp.float32) + b2


def _tc2(a1, r1, a0, r0, wrel, wroot, b2):
    g = N0 // _ROW_BLK
    rowb = pl.BlockSpec((_ROW_BLK, H), lambda i: (i, 0))
    w = pl.BlockSpec((H, C), lambda i: (0, 0))
    b = pl.BlockSpec((1, C), lambda i: (0, 0))
    out = pl.BlockSpec((_ROW_BLK, CP), lambda i: (i, 0))
    return pl.pallas_call(
        _tc2_body,
        grid=(g,),
        in_specs=[rowb, rowb, rowb, rowb, w, w, b],
        out_specs=[out, out],
        out_shape=[jax.ShapeDtypeStruct((N0, CP), jnp.bfloat16),
                   jax.ShapeDtypeStruct((N0, CP), jnp.float32)],
    )(a1, r1, a0, r0, wrel, wroot, b2)


def _tc3_body(p0_ref, p1_ref, root_ref, y_ref, loss_ref):
    i = pl.program_id(0)
    x = (p0_ref[...] + p1_ref[...]).astype(jnp.float32) + root_ref[...]
    col = lax.broadcasted_iota(jnp.int32, (_ROW_BLK, CP), 1)
    valid = col < C
    xm = jnp.where(valid, x, -1e30)
    m = jnp.max(xm, axis=1, keepdims=True)
    ex = jnp.where(valid, jnp.exp(x - m), 0.0)
    lse = m[:, 0] + jnp.log(jnp.sum(ex, axis=1))
    pick = jnp.sum(jnp.where(col == y_ref[...], x, 0.0), axis=1)
    part = (jnp.sum(lse - pick) * (1.0 / N0)).reshape(1, 1)

    @pl.when(i == 0)
    def _():
        loss_ref[...] = jnp.zeros_like(loss_ref)

    loss_ref[...] += part


def _tc3(p0, p1, root2, y2d):
    g = N0 // _ROW_BLK
    full = pl.BlockSpec((_ROW_BLK, CP), lambda i: (i, 0))
    return pl.pallas_call(
        _tc3_body,
        grid=(g,),
        in_specs=[full, full, full, pl.BlockSpec((_ROW_BLK, 1), lambda i: (i, 0))],
        out_specs=pl.BlockSpec((1, 1), lambda i: (0, 0)),
        out_shape=jax.ShapeDtypeStruct((1, 1), jnp.float32),
    )(p0, p1, root2, y2d)


def _edge_pipeline(z_hbm, idx_src, idx_dst, acc, bufs, gsem, ssem, nch,
                   lead):
    nb = len(bufs)
    d = nb - lead
    for b in range(lead):
        pltpu.async_copy(z_hbm.at[idx_src.at[b]], bufs[b], gsem)

    @pl.loop(0, nch, step=nb)
    def _slots(g):
        for b in range(nb):
            ch = g + b
            buf = bufs[b]
            pltpu.make_async_copy(z_hbm.at[idx_src.at[ch]], buf, gsem).wait()
            pltpu.async_copy(buf, acc.at[idx_dst.at[ch]], ssem, add=True)

            @pl.when(ch >= d)
            def _():
                pltpu.make_async_copy(bufs[(b - d) % nb],
                                      acc.at[idx_dst.at[ch]], ssem).wait()

            @pl.when(ch + lead < nch)
            def _():
                pltpu.async_copy(z_hbm.at[idx_src.at[ch + lead]],
                                 bufs[(b + lead) % nb], gsem)

    for b in range(d):
        pltpu.make_async_copy(bufs[b], acc.at[idx_dst.at[0]], ssem).wait()


_NCH1 = E // NS // K


def _sc1_body(z0_hbm, ei0_hbm, z1_hbm, ei1_hbm,
              zeros_hbm, out0_hbm, out1_hbm,
              acc, idx_src, idx_dst, b0, b1, b2, b3, b4, b5, b6, b7, b8, b9,
              gsem, ssem):
    bufs = (b0, b1, b2, b3, b4, b5, b6, b7, b8, b9)
    c = lax.axis_index("c")
    s = lax.axis_index("s")
    pltpu.sync_copy(zeros_hbm, acc.at[pl.ds(s * ROWS_PER_TILE, ROWS_PER_TILE)])
    plsc.subcore_barrier()

    for p in range(2):
        @pl.when(c == 0)
        def _():
            pltpu.sync_copy(ei0_hbm.at[0, s, p], idx_src)
            pltpu.sync_copy(ei0_hbm.at[1, s, p], idx_dst)
            _edge_pipeline(z0_hbm, idx_src, idx_dst, acc, bufs, gsem, ssem,
                           _NCH1 // 2, lead=7)

        @pl.when(c == 1)
        def _():
            pltpu.sync_copy(ei1_hbm.at[0, s, p], idx_src)
            pltpu.sync_copy(ei1_hbm.at[1, s, p], idx_dst)
            _edge_pipeline(z1_hbm, idx_src, idx_dst, acc, bufs, gsem, ssem,
                           _NCH1 // 2, lead=7)

    plsc.subcore_barrier()
    rows = pl.ds(s * ROWS_PER_TILE, ROWS_PER_TILE)

    @pl.when(c == 0)
    def _():
        pltpu.sync_copy(acc.at[rows], out0_hbm.at[rows])

    @pl.when(c == 1)
    def _():
        pltpu.sync_copy(acc.at[rows], out1_hbm.at[rows])


def _sc1(z0, ei0, z1, ei1, zeros_h):
    mesh = plsc.VectorSubcoreMesh(core_axis_name="c", subcore_axis_name="s")
    return pl.kernel(
        _sc1_body,
        compiler_params=pltpu.CompilerParams(use_tc_tiling_on_sc=False),
        out_type=[jax.ShapeDtypeStruct((NPAD, H), jnp.float32),
                  jax.ShapeDtypeStruct((NPAD, H), jnp.float32)],
        mesh=mesh,
        scratch_types=[
            pltpu.VMEM_SHARED((NPAD, H), jnp.float32),
            pltpu.VMEM((_NCH1 // 2, K), jnp.int32),
            pltpu.VMEM((_NCH1 // 2, K), jnp.int32),
            pltpu.VMEM((K, H), jnp.float32),
            pltpu.VMEM((K, H), jnp.float32),
            pltpu.VMEM((K, H), jnp.float32),
            pltpu.VMEM((K, H), jnp.float32),
            pltpu.VMEM((K, H), jnp.float32),
            pltpu.VMEM((K, H), jnp.float32),
            pltpu.VMEM((K, H), jnp.float32),
            pltpu.VMEM((K, H), jnp.float32),
            pltpu.VMEM((K, H), jnp.float32),
            pltpu.VMEM((K, H), jnp.float32),
            pltpu.SemaphoreType.DMA,
            pltpu.SemaphoreType.DMA,
        ],
    )(z0, ei0, z1, ei1, zeros_h)


_NCH2 = E // (NC * NS) // K


def _sc2_body(u1_hbm, ei_hbm, zeros_hbm, out0_hbm, out1_hbm,
              acc, idx_src, idx_dst, b0, b1, b2, b3, b4, gsem, ssem):
    bufs = (b0, b1, b2, b3, b4)
    c = lax.axis_index("c")
    s = lax.axis_index("s")
    pltpu.sync_copy(zeros_hbm, acc.at[pl.ds(s * ROWS_PER_TILE, ROWS_PER_TILE)])
    plsc.subcore_barrier()

    for p in range(2):
        pltpu.sync_copy(ei_hbm.at[0, c, s, p], idx_src)
        pltpu.sync_copy(ei_hbm.at[1, c, s, p], idx_dst)
        _edge_pipeline(u1_hbm, idx_src, idx_dst, acc, bufs, gsem, ssem,
                       _NCH2 // 2, lead=4)

    plsc.subcore_barrier()
    rows = pl.ds(s * ROWS_PER_TILE, ROWS_PER_TILE)

    @pl.when(c == 0)
    def _():
        pltpu.sync_copy(acc.at[rows], out0_hbm.at[rows])

    @pl.when(c == 1)
    def _():
        pltpu.sync_copy(acc.at[rows], out1_hbm.at[rows])


def _sc2(u1, ei1, zeros_h):
    mesh = plsc.VectorSubcoreMesh(core_axis_name="c", subcore_axis_name="s")
    return pl.kernel(
        _sc2_body,
        compiler_params=pltpu.CompilerParams(use_tc_tiling_on_sc=False),
        out_type=[jax.ShapeDtypeStruct((NPAD, CP), jnp.bfloat16),
                  jax.ShapeDtypeStruct((NPAD, CP), jnp.bfloat16)],
        mesh=mesh,
        scratch_types=[
            pltpu.VMEM_SHARED((NPAD, CP), jnp.bfloat16),
            pltpu.VMEM((_NCH2 // 2, K), jnp.int32),
            pltpu.VMEM((_NCH2 // 2, K), jnp.int32),
            pltpu.VMEM((K, CP), jnp.bfloat16),
            pltpu.VMEM((K, CP), jnp.bfloat16),
            pltpu.VMEM((K, CP), jnp.bfloat16),
            pltpu.VMEM((K, CP), jnp.bfloat16),
            pltpu.VMEM((K, CP), jnp.bfloat16),
            pltpu.SemaphoreType.DMA,
            pltpu.SemaphoreType.DMA,
        ],
    )(u1, ei1, zeros_h)


def kernel(x0, x1, edge_index_0, edge_index_1, y,
           W1_rel_0, b1_0, W1_root_0,
           W1_rel_1, b1_1, W1_root_1,
           W2_rel_0, b2_0, W2_root_0,
           W2_rel_1, b2_1, W2_root_1):
    ei0 = edge_index_0.astype(jnp.int32).reshape(2, NS, 2, _NCH1 // 2, K)
    ei1 = edge_index_1.astype(jnp.int32)
    ei1_l1 = ei1.reshape(2, NS, 2, _NCH1 // 2, K)
    ei1_l2 = ei1.reshape(2, NC, NS, 2, _NCH2 // 2, K)

    z0, z1, r1, r0 = _tc1(x0, x1, W1_rel_0, W1_root_0, W1_rel_1, W1_root_1,
                          b1_0.reshape(1, H), b1_1.reshape(1, H))

    zeros32 = jnp.zeros((ROWS_PER_TILE, H), jnp.float32)
    agg_v1, agg_v0 = _sc1(z0, ei0, z1, ei1_l1, zeros32)

    u1, root2 = _tc2(agg_v1, r1, agg_v0, r0, W2_rel_1, W2_root_1,
                     b2_1.reshape(1, C))

    zeros16 = jnp.zeros((ROWS_PER_TILE, CP), jnp.bfloat16)
    p0, p1 = _sc2(u1, ei1_l2, zeros16)

    y2d = y.astype(jnp.int32).reshape(N0, 1)
    loss = _tc3(p0, p1, root2, y2d)
    return loss[0, 0]

# --- scband reference (transcript-rebuilt; emitter-appended) ---
"""Pipeline reference for scband-test-module-11716670783755 (READ-ONLY COPY).

The authoritative reference and input builder live on the scoring server;
editing this copy changes nothing except your own understanding.
"""

import jax, jax.numpy as jnp
import numpy as np

N0 = 20000  # nodes of type v0 (labeled)
N1 = 20000  # nodes of type v1
E = 640000  # edges per relation
D = 64      # input feature dim per node type
H = 32      # hidden size
C = 10      # num classes


def setup_inputs(seed: int = 0) -> dict:
    key = jax.random.key(seed)
    ks = jax.random.split(key, 20)
    x0 = jax.random.normal(ks[0], (N0, D), dtype=jnp.float32)
    x1 = jax.random.normal(ks[1], (N1, D), dtype=jnp.float32)
    # relation r0: v0 -> v1 ; relation r1: v1 -> v0
    ei0_src = jax.random.randint(ks[2], (E,), 0, N0)
    ei0_dst = jax.random.randint(ks[3], (E,), 0, N1)
    edge_index_0 = jnp.stack([ei0_src, ei0_dst]).astype(jnp.int64)
    ei1_src = jax.random.randint(ks[4], (E,), 0, N1)
    ei1_dst = jax.random.randint(ks[5], (E,), 0, N0)
    edge_index_1 = jnp.stack([ei1_src, ei1_dst]).astype(jnp.int64)
    y = jax.random.randint(ks[6], (N0,), 0, C).astype(jnp.int64)
    s1 = 1.0 / np.sqrt(D)
    s2 = 1.0 / np.sqrt(H)
    params = {
        # layer 1, relation r0 (v0 -> v1): GraphConv((D, D), H)
        'W1_rel_0': jax.random.normal(ks[7], (D, H), dtype=jnp.float32) * s1,
        'b1_0': jnp.zeros((H,), dtype=jnp.float32),
        'W1_root_0': jax.random.normal(ks[8], (D, H), dtype=jnp.float32) * s1,
        # layer 1, relation r1 (v1 -> v0)
        'W1_rel_1': jax.random.normal(ks[9], (D, H), dtype=jnp.float32) * s1,
        'b1_1': jnp.zeros((H,), dtype=jnp.float32),
        'W1_root_1': jax.random.normal(ks[10], (D, H), dtype=jnp.float32) * s1,
        # layer 2, relation r0 (v0 -> v1): GraphConv(H, C)
        'W2_rel_0': jax.random.normal(ks[11], (H, C), dtype=jnp.float32) * s2,
        'b2_0': jnp.zeros((C,), dtype=jnp.float32),
        'W2_root_0': jax.random.normal(ks[12], (H, C), dtype=jnp.float32) * s2,
        # layer 2, relation r1 (v1 -> v0)
        'W2_rel_1': jax.random.normal(ks[13], (H, C), dtype=jnp.float32) * s2,
        'b2_1': jnp.zeros((C,), dtype=jnp.float32),
        'W2_root_1': jax.random.normal(ks[14], (H, C), dtype=jnp.float32) * s2,
    }
    inp = {'x0': x0, 'x1': x1, 'edge_index_0': edge_index_0,
           'edge_index_1': edge_index_1, 'y': y}
    inp.update(params)
    return inp


def _graph_conv(x_src, x_dst, edge_index, W_rel, b, W_root, n_dst):
    # PyG GraphConv with aggr='add' and bipartite (in_src, in_dst):
    # out = lin_rel(sum_{j in N(i)} x_src[j]) + lin_root(x_dst[i])
    msgs = x_src[edge_index[0]]
    agg = jax.ops.segment_sum(msgs, edge_index[1], num_segments=n_dst)
    return agg @ W_rel + b + x_dst @ W_root


def reference(x0, x1, edge_index_0, edge_index_1, y,
              W1_rel_0, b1_0, W1_root_0,
              W1_rel_1, b1_1, W1_root_1,
              W2_rel_0, b2_0, W2_root_0,
              W2_rel_1, b2_1, W2_root_1):
    # HeteroConv layer 1: each dst type receives from exactly one relation
    h_v1 = _graph_conv(x0, x1, edge_index_0, W1_rel_0, b1_0, W1_root_0, N1)
    h_v0 = _graph_conv(x1, x0, edge_index_1, W1_rel_1, b1_1, W1_root_1, N0)
    h_v0 = jax.nn.relu(h_v0)
    h_v1 = jax.nn.relu(h_v1)
    # HeteroConv layer 2
    out_v1 = _graph_conv(h_v0, h_v1, edge_index_0, W2_rel_0, b2_0, W2_root_0, N1)
    out_v0 = _graph_conv(h_v1, h_v0, edge_index_1, W2_rel_1, b2_1, W2_root_1, N0)
    # CrossEntropyLoss (mean) on the labeled node type (v0)
    logp = jax.nn.log_softmax(out_v0, axis=-1)
    loss = -jnp.mean(jnp.take_along_axis(logp, y[:, None], axis=1))
    # out_v1 computed for faithfulness to torch forward (unused in loss)
    return loss

if __name__ == "__main__":
    import jax
    _d = setup_inputs()
    print(jax.jit(kernel)(*tuple(_d.values())))

</pallas_src>

<mosaic_0001>
#map = affine_map<(d0, d1) -> (0, 0)>
#map1 = affine_map<(d0, d1) -> (0, 0, 0, 0, 0, 0)>
module attributes {stable_mosaic.version = 14 : i64} {
  func.func @_sc2_body(%arg0: i32, %arg1: i32, %arg2: memref<20000x16xbf16, #tpu.memory_space<hbm>>, %arg3: memref<2x2x16x2x125x80xi32, #tpu.memory_space<hbm>>, %arg4: memref<1280x16xbf16, #tpu.memory_space<hbm>>, %arg5: memref<20480x16xbf16, #tpu.memory_space<hbm>>, %arg6: memref<20480x16xbf16, #tpu.memory_space<hbm>>, %arg7: memref<20480x16xbf16, #tpu.memory_space<vmem_shared>>, %arg8: memref<125x80xi32, #tpu.memory_space<vmem>>, %arg9: memref<125x80xi32, #tpu.memory_space<vmem>>, %arg10: memref<80x16xbf16, #tpu.memory_space<vmem>>, %arg11: memref<80x16xbf16, #tpu.memory_space<vmem>>, %arg12: memref<80x16xbf16, #tpu.memory_space<vmem>>, %arg13: memref<80x16xbf16, #tpu.memory_space<vmem>>, %arg14: memref<80x16xbf16, #tpu.memory_space<vmem>>, %arg15: memref<!tpu.dma_semaphore, #tpu.memory_space<semaphore_mem>>, %arg16: memref<!tpu.dma_semaphore, #tpu.memory_space<semaphore_mem>>) attributes {dimension_semantics = [#tpu.dimension_semantics<core_parallel>, #tpu.dimension_semantics<subcore_parallel>], iteration_bounds = array<i64: 2, 16>, scalar_prefetch = 0 : i64, scratch_operands = 10 : i64, tpu.core_type = #tpu.core_type<sc_vector_subcore>, window_params = [{transform_indices = #map}, {transform_indices = #map1}, {transform_indices = #map}, {transform_indices = #map}, {transform_indices = #map}]} {
    %mul3A = arith.constant 1280 : i32
    %mul3A_0 = arith.muli %arg1, %mul3A : i32
    "tpu.region"() ({
      %run_scoped3A_95 = tpu.sem_alloc : memref<!tpu.dma_semaphore, #tpu.memory_space<semaphore_mem>>
      %dma_start3A_96 = arith.constant 0 : i32
      %dma_start3A_97 = tpu.memref_slice %arg7[%mul3A_0, %dma_start3A_96] : memref<20480x16xbf16, #tpu.memory_space<vmem_shared>> -> memref<1280x16xbf16, #tpu.memory_space<vmem_shared>>
      tpu.enqueue_dma source(%arg4 : memref<1280x16xbf16, #tpu.memory_space<hbm>>) target(%dma_start3A_97 : memref<1280x16xbf16, #tpu.memory_space<vmem_shared>>) target_semaphore(%run_scoped3A_95 : memref<!tpu.dma_semaphore, #tpu.memory_space<semaphore_mem>>)
      %dma_wait3A_98 = arith.constant 0 : i32
      %dma_wait3A_99 = tpu.memref_slice %arg7[%mul3A_0, %dma_wait3A_98] : memref<20480x16xbf16, #tpu.memory_space<vmem_shared>> -> memref<1280x16xbf16, #tpu.memory_space<vmem_shared>>
      tpu.wait_dma2 semaphore(%run_scoped3A_95 : memref<!tpu.dma_semaphore, #tpu.memory_space<semaphore_mem>>) src(%arg4 : memref<1280x16xbf16, #tpu.memory_space<hbm>>) dst(%dma_wait3A_99 : memref<1280x16xbf16, #tpu.memory_space<vmem_shared>>)
      tpu.yield
    }) : () -> ()
    %barrier3A = arith.constant 0 : index
    tpu.barrier barrier_id(%barrier3A)
    %run_scoped3A = arith.constant 0 : i32
    %run_scoped3A_1 = arith.constant 0 : i32
    "tpu.region"() ({
      %run_scoped3A_95 = tpu.sem_alloc : memref<!tpu.dma_semaphore, #tpu.memory_space<semaphore_mem>>
      %dma_start3A_96 = arith.constant 0 : i32
      %dma_start3A_97 = arith.constant 0 : i32
      %dma_start3A_98 = tpu.memref_slice %arg3[%run_scoped3A, %arg0, %arg1, %run_scoped3A_1, %dma_start3A_96, %dma_start3A_97] : memref<2x2x16x2x125x80xi32, #tpu.memory_space<hbm>> -> memref<1x1x1x1x125x80xi32, #tpu.memory_space<hbm>>
      %dma_start3A_99 = tpu.memref_squeeze %dma_start3A_98 : memref<1x1x1x1x125x80xi32, #tpu.memory_space<hbm>> -> memref<125x80xi32, #tpu.memory_space<hbm>>
      %dma_start3A_100 = arith.constant 0 : i32
      %dma_start3A_101 = arith.constant 0 : i32
      %dma_start3A_102 = tpu.memref_slice %arg3[%run_scoped3A, %arg0, %arg1, %run_scoped3A_1, %dma_start3A_100, %dma_start3A_101] : memref<2x2x16x2x125x80xi32, #tpu.memory_space<hbm>> -> memref<1x1x1x1x125x80xi32, #tpu.memory_space<hbm>>
      %dma_start3A_103 = tpu.memref_squeeze %dma_start3A_102 : memref<1x1x1x1x125x80xi32, #tpu.memory_space<hbm>> -> memref<125x80xi32, #tpu.memory_space<hbm>>
      tpu.enqueue_dma source(%dma_start3A_103 : memref<125x80xi32, #tpu.memory_space<hbm>>) target(%arg8 : memref<125x80xi32, #tpu.memory_space<vmem>>) target_semaphore(%run_scoped3A_95 : memref<!tpu.dma_semaphore, #tpu.memory_space<semaphore_mem>>)
      %dma_wait3A_104 = arith.constant 0 : i32
      %dma_wait3A_105 = arith.constant 0 : i32
      %dma_wait3A_106 = tpu.memref_slice %arg3[%run_scoped3A, %arg0, %arg1, %run_scoped3A_1, %dma_wait3A_104, %dma_wait3A_105] : memref<2x2x16x2x125x80xi32, #tpu.memory_space<hbm>> -> memref<1x1x1x1x125x80xi32, #tpu.memory_space<hbm>>
      %dma_wait3A_107 = tpu.memref_squeeze %dma_wait3A_106 : memref<1x1x1x1x125x80xi32, #tpu.memory_space<hbm>> -> memref<125x80xi32, #tpu.memory_space<hbm>>
      %dma_wait3A_108 = arith.constant 0 : i32
      %dma_wait3A_109 = arith.constant 0 : i32
      %dma_wait3A_110 = tpu.memref_slice %arg3[%run_scoped3A, %arg0, %arg1, %run_scoped3A_1, %dma_wait3A_108, %dma_wait3A_109] : memref<2x2x16x2x125x80xi32, #tpu.memory_space<hbm>> -> memref<1x1x1x1x125x80xi32, #tpu.memory_space<hbm>>
      %dma_wait3A_111 = tpu.memref_squeeze %dma_wait3A_110 : memref<1x1x1x1x125x80xi32, #tpu.memory_space<hbm>> -> memref<125x80xi32, #tpu.memory_space<hbm>>
      tpu.wait_dma2 semaphore(%run_scoped3A_95 : memref<!tpu.dma_semaphore, #tpu.memory_space<semaphore_mem>>) src(%dma_wait3A_111 : memref<125x80xi32, #tpu.memory_space<hbm>>) dst(%arg8 : memref<125x80xi32, #tpu.memory_space<vmem>>)
      tpu.yield
    }) : () -> ()
    %run_scoped3A_2 = arith.constant 1 : i32
    %run_scoped3A_3 = arith.constant 0 : i32
    "tpu.region"() ({
      %run_scoped3A_95 = tpu.sem_alloc : memref<!tpu.dma_semaphore, #tpu.memory_space<semaphore_mem>>
      %dma_start3A_96 = arith.constant 0 : i32
      %dma_start3A_97 = arith.constant 0 : i32
      %dma_start3A_98 = tpu.memref_slice %arg3[%run_scoped3A_2, %arg0, %arg1, %run_scoped3A_3, %dma_start3A_96, %dma_start3A_97] : memref<2x2x16x2x125x80xi32, #tpu.memory_space<hbm>> -> memref<1x1x1x1x125x80xi32, #tpu.memory_space<hbm>>
      %dma_start3A_99 = tpu.memref_squeeze %dma_start3A_98 : memref<1x1x1x1x125x80xi32, #tpu.memory_space<hbm>> -> memref<125x80xi32, #tpu.memory_space<hbm>>
      %dma_start3A_100 = arith.constant 0 : i32
      %dma_start3A_101 = arith.constant 0 : i32
      %dma_start3A_102 = tpu.memref_slice %arg3[%run_scoped3A_2, %arg0, %arg1, %run_scoped3A_3, %dma_start3A_100, %dma_start3A_101] : memref<2x2x16x2x125x80xi32, #tpu.memory_space<hbm>> -> memref<1x1x1x1x125x80xi32, #tpu.memory_space<hbm>>
      %dma_start3A_103 = tpu.memref_squeeze %dma_start3A_102 : memref<1x1x1x1x125x80xi32, #tpu.memory_space<hbm>> -> memref<125x80xi32, #tpu.memory_space<hbm>>
      tpu.enqueue_dma source(%dma_start3A_103 : memref<125x80xi32, #tpu.memory_space<hbm>>) target(%arg9 : memref<125x80xi32, #tpu.memory_space<vmem>>) target_semaphore(%run_scoped3A_95 : memref<!tpu.dma_semaphore, #tpu.memory_space<semaphore_mem>>)
      %dma_wait3A_104 = arith.constant 0 : i32
      %dma_wait3A_105 = arith.constant 0 : i32
      %dma_wait3A_106 = tpu.memref_slice %arg3[%run_scoped3A_2, %arg0, %arg1, %run_scoped3A_3, %dma_wait3A_104, %dma_wait3A_105] : memref<2x2x16x2x125x80xi32, #tpu.memory_space<hbm>> -> memref<1x1x1x1x125x80xi32, #tpu.memory_space<hbm>>
      %dma_wait3A_107 = tpu.memref_squeeze %dma_wait3A_106 : memref<1x1x1x1x125x80xi32, #tpu.memory_space<hbm>> -> memref<125x80xi32, #tpu.memory_space<hbm>>
      %dma_wait3A_108 = arith.constant 0 : i32
      %dma_wait3A_109 = arith.constant 0 : i32
      %dma_wait3A_110 = tpu.memref_slice %arg3[%run_scoped3A_2, %arg0, %arg1, %run_scoped3A_3, %dma_wait3A_108, %dma_wait3A_109] : memref<2x2x16x2x125x80xi32, #tpu.memory_space<hbm>> -> memref<1x1x1x1x125x80xi32, #tpu.memory_space<hbm>>
      %dma_wait3A_111 = tpu.memref_squeeze %dma_wait3A_110 : memref<1x1x1x1x125x80xi32, #tpu.memory_space<hbm>> -> memref<125x80xi32, #tpu.memory_space<hbm>>
      tpu.wait_dma2 semaphore(%run_scoped3A_95 : memref<!tpu.dma_semaphore, #tpu.memory_space<semaphore_mem>>) src(%dma_wait3A_111 : memref<125x80xi32, #tpu.memory_space<hbm>>) dst(%arg9 : memref<125x80xi32, #tpu.memory_space<vmem>>)
      tpu.yield
    }) : () -> ()
    %dma_start3A = arith.constant 0 : i32
    %dma_start3A_4 = arith.constant 0 : i32
    %dma_start3A_5 = tpu.memref_slice %arg8[%dma_start3A, %dma_start3A_4] : memref<125x80xi32, #tpu.memory_space<vmem>> -> memref<1x80xi32, #tpu.memory_space<vmem>>
    %dma_start3A_6 = tpu.memref_squeeze %dma_start3A_5 : memref<1x80xi32, #tpu.memory_space<vmem>> -> memref<80xi32, #tpu.memory_space<vmem>>
    %dma_start3A_7 = arith.constant 0 : i32
    %dma_start3A_8 = arith.constant 0 : i32
    %dma_start3A_9 = tpu.memref_slice %arg2[%dma_start3A_7, %dma_start3A_8] : memref<20000x16xbf16, #tpu.memory_space<hbm>> -> memref<20000x16xbf16, #tpu.memory_space<hbm>>
    tpu.enqueue_indirect_dma source(%dma_start3A_9 : memref<20000x16xbf16, #tpu.memory_space<hbm>>) target(%arg10 : memref<80x16xbf16, #tpu.memory_space<vmem>>) offsets(%dma_start3A_6 : memref<80xi32, #tpu.memory_space<vmem>>) semaphore(%arg15 : memref<!tpu.dma_semaphore, #tpu.memory_space<semaphore_mem>>)
    %dma_start3A_10 = arith.constant 1 : i32
    %dma_start3A_11 = arith.constant 0 : i32
    %dma_start3A_12 = tpu.memref_slice %arg8[%dma_start3A_10, %dma_start3A_11] : memref<125x80xi32, #tpu.memory_space<vmem>> -> memref<1x80xi32, #tpu.memory_space<vmem>>
    %dma_start3A_13 = tpu.memref_squeeze %dma_start3A_12 : memref<1x80xi32, #tpu.memory_space<vmem>> -> memref<80xi32, #tpu.memory_space<vmem>>
    %dma_start3A_14 = arith.constant 0 : i32
    %dma_start3A_15 = arith.constant 0 : i32
    %dma_start3A_16 = tpu.memref_slice %arg2[%dma_start3A_14, %dma_start3A_15] : memref<20000x16xbf16, #tpu.memory_space<hbm>> -> memref<20000x16xbf16, #tpu.memory_space<hbm>>
    tpu.enqueue_indirect_dma source(%dma_start3A_16 : memref<20000x16xbf16, #tpu.memory_space<hbm>>) target(%arg11 : memref<80x16xbf16, #tpu.memory_space<vmem>>) offsets(%dma_start3A_13 : memref<80xi32, #tpu.memory_space<vmem>>) semaphore(%arg15 : memref<!tpu.dma_semaphore, #tpu.memory_space<semaphore_mem>>)
    %dma_start3A_17 = arith.constant 2 : i32
    %dma_start3A_18 = arith.constant 0 : i32
    %dma_start3A_19 = tpu.memref_slice %arg8[%dma_start3A_17, %dma_start3A_18] : memref<125x80xi32, #tpu.memory_space<vmem>> -> memref<1x80xi32, #tpu.memory_space<vmem>>
    %dma_start3A_20 = tpu.memref_squeeze %dma_start3A_19 : memref<1x80xi32, #tpu.memory_space<vmem>> -> memref<80xi32, #tpu.memory_space<vmem>>
    %dma_start3A_21 = arith.constant 0 : i32
    %dma_start3A_22 = arith.constant 0 : i32
    %dma_start3A_23 = tpu.memref_slice %arg2[%dma_start3A_21, %dma_start3A_22] : memref<20000x16xbf16, #tpu.memory_space<hbm>> -> memref<20000x16xbf16, #tpu.memory_space<hbm>>
    tpu.enqueue_indirect_dma source(%dma_start3A_23 : memref<20000x16xbf16, #tpu.memory_space<hbm>>) target(%arg12 : memref<80x16xbf16, #tpu.memory_space<vmem>>) offsets(%dma_start3A_20 : memref<80xi32, #tpu.memory_space<vmem>>) semaphore(%arg15 : memref<!tpu.dma_semaphore, #tpu.memory_space<semaphore_mem>>)
    %dma_start3A_24 = arith.constant 3 : i32
    %dma_start3A_25 = arith.constant 0 : i32
    %dma_start3A_26 = tpu.memref_slice %arg8[%dma_start3A_24, %dma_start3A_25] : memref<125x80xi32, #tpu.memory_space<vmem>> -> memref<1x80xi32, #tpu.memory_space<vmem>>
    %dma_start3A_27 = tpu.memref_squeeze %dma_start3A_26 : memref<1x80xi32, #tpu.memory_space<vmem>> -> memref<80xi32, #tpu.memory_space<vmem>>
    %dma_start3A_28 = arith.constant 0 : i32
    %dma_start3A_29 = arith.constant 0 : i32
    %dma_start3A_30 = tpu.memref_slice %arg2[%dma_start3A_28, %dma_start3A_29] : memref<20000x16xbf16, #tpu.memory_space<hbm>> -> memref<20000x16xbf16, #tpu.memory_space<hbm>>
    tpu.enqueue_indirect_dma source(%dma_start3A_30 : memref<20000x16xbf16, #tpu.memory_space<hbm>>) target(%arg13 : memref<80x16xbf16, #tpu.memory_space<vmem>>) offsets(%dma_start3A_27 : memref<80xi32, #tpu.memory_space<vmem>>) semaphore(%arg15 : memref<!tpu.dma_semaphore, #tpu.memory_space<semaphore_mem>>)
    %scan3A = arith.constant 0 : i32
    %scan3A_31 = arith.constant 25 : i32
    %scan3A_32 = arith.addi %scan3A, %scan3A_31 : i32
    %scan3A_33 = arith.constant 1 : i32
    scf.for %scan3A_95 = %scan3A to %scan3A_32 step %scan3A_33  : i32 {
      %mul3A_96 = arith.constant 5 : i32
      %mul3A_97 = arith.muli %scan3A_95, %mul3A_96 : i32
      %add3A = arith.constant 0 : i32
      %add3A_98 = arith.addi %add3A, %mul3A_97 : i32
      %add3A_99 = arith.constant 0 : i32
      %add3A_100 = arith.addi %add3A_98, %add3A_99 : i32
      %dma_wait3A_101 = arith.constant 0 : i32
      %dma_wait3A_102 = tpu.memref_slice %arg8[%add3A_100, %dma_wait3A_101] : memref<125x80xi32, #tpu.memory_space<vmem>> -> memref<1x80xi32, #tpu.memory_space<vmem>>
      %dma_wait3A_103 = tpu.memref_squeeze %dma_wait3A_102 : memref<1x80xi32, #tpu.memory_space<vmem>> -> memref<80xi32, #tpu.memory_space<vmem>>
      %dma_wait3A_104 = arith.constant 0 : i32
      %dma_wait3A_105 = arith.constant 0 : i32
      %dma_wait3A_106 = tpu.memref_slice %arg2[%dma_wait3A_104, %dma_wait3A_105] : memref<20000x16xbf16, #tpu.memory_space<hbm>> -> memref<20000x16xbf16, #tpu.memory_space<hbm>>
      tpu.wait_indirect_dma semaphore(%arg15 : memref<!tpu.dma_semaphore, #tpu.memory_space<semaphore_mem>>) src(%dma_wait3A_106 : memref<20000x16xbf16, #tpu.memory_space<hbm>>) dst(%arg10 : memref<80x16xbf16, #tpu.memory_space<vmem>>)
      %dma_start3A_107 = arith.constant 0 : i32
      %dma_start3A_108 = tpu.memref_slice %arg9[%add3A_100, %dma_start3A_107] : memref<125x80xi32, #tpu.memory_space<vmem>> -> memref<1x80xi32, #tpu.memory_space<vmem>>
      %dma_start3A_109 = tpu.memref_squeeze %dma_start3A_108 : memref<1x80xi32, #tpu.memory_space<vmem>> -> memref<80xi32, #tpu.memory_space<vmem>>
      %dma_start3A_110 = arith.constant 0 : i32
      %dma_start3A_111 = arith.constant 0 : i32
      %dma_start3A_112 = tpu.memref_slice %arg7[%dma_start3A_110, %dma_start3A_111] : memref<20480x16xbf16, #tpu.memory_space<vmem_shared>> -> memref<20480x16xbf16, #tpu.memory_space<vmem_shared>>
      tpu.enqueue_indirect_dma source(%arg10 : memref<80x16xbf16, #tpu.memory_space<vmem>>) target(%dma_start3A_112 : memref<20480x16xbf16, #tpu.memory_space<vmem_shared>>) offsets(%dma_start3A_109 : memref<80xi32, #tpu.memory_space<vmem>>) semaphore(%arg16 : memref<!tpu.dma_semaphore, #tpu.memory_space<semaphore_mem>>) {add = true}
      %ge3A = arith.constant 1 : i32
      %ge3A_113 = arith.cmpi sge, %add3A_100, %ge3A : i32
      %convert_element_type3A_114 = arith.extui %ge3A_113 : i1 to i32
      %cond3A_115 = arith.constant 0 : i32
      %cond3A_116 = arith.cmpi ne, %convert_element_type3A_114, %cond3A_115 : i32
      scf.if %cond3A_116 {
        %dma_wait3A_227 = arith.constant 0 : i32
        %dma_wait3A_228 = tpu.memref_slice %arg9[%add3A_100, %dma_wait3A_227] : memref<125x80xi32, #tpu.memory_space<vmem>> -> memref<1x80xi32, #tpu.memory_space<vmem>>
        %dma_wait3A_229 = tpu.memref_squeeze %dma_wait3A_228 : memref<1x80xi32, #tpu.memory_space<vmem>> -> memref<80xi32, #tpu.memory_space<vmem>>
        %dma_wait3A_230 = arith.constant 0 : i32
        %dma_wait3A_231 = arith.constant 0 : i32
        %dma_wait3A_232 = tpu.memref_slice %arg7[%dma_wait3A_230, %dma_wait3A_231] : memref<20480x16xbf16, #tpu.memory_space<vmem_shared>> -> memref<20480x16xbf16, #tpu.memory_space<vmem_shared>>
        tpu.wait_indirect_dma semaphore(%arg16 : memref<!tpu.dma_semaphore, #tpu.memory_space<semaphore_mem>>) src(%arg14 : memref<80x16xbf16, #tpu.memory_space<vmem>>) dst(%dma_wait3A_232 : memref<20480x16xbf16, #tpu.memory_space<vmem_shared>>)
      } else {
      }
      %add3A_117 = arith.constant 4 : i32
      %add3A_118 = arith.addi %add3A_100, %add3A_117 : i32
      %lt3A = arith.constant 125 : i32
      %lt3A_119 = arith.cmpi slt, %add3A_118, %lt3A : i32
      %convert_element_type3A_120 = arith.extui %lt3A_119 : i1 to i32
      %cond3A_121 = arith.constant 0 : i32
      %cond3A_122 = arith.cmpi ne, %convert_element_type3A_120, %cond3A_121 : i32
      scf.if %cond3A_122 {
        %add3A_227 = arith.constant 4 : i32
        %add3A_228 = arith.addi %add3A_100, %add3A_227 : i32
        %dma_start3A_229 = arith.constant 0 : i32
        %dma_start3A_230 = tpu.memref_slice %arg8[%add3A_228, %dma_start3A_229] : memref<125x80xi32, #tpu.memory_space<vmem>> -> memref<1x80xi32, #tpu.memory_space<vmem>>
        %dma_start3A_231 = tpu.memref_squeeze %dma_start3A_230 : memref<1x80xi32, #tpu.memory_space<vmem>> -> memref<80xi32, #tpu.memory_space<vmem>>
        %dma_start3A_232 = arith.constant 0 : i32
        %dma_start3A_233 = arith.constant 0 : i32
        %dma_start3A_234 = tpu.memref_slice %arg2[%dma_start3A_232, %dma_start3A_233] : memref<20000x16xbf16, #tpu.memory_space<hbm>> -> memref<20000x16xbf16, #tpu.memory_space<hbm>>
        tpu.enqueue_indirect_dma source(%dma_start3A_234 : memref<20000x16xbf16, #tpu.memory_space<hbm>>) target(%arg14 : memref<80x16xbf16, #tpu.memory_space<vmem>>) offsets(%dma_start3A_231 : memref<80xi32, #tpu.memory_space<vmem>>) semaphore(%arg15 : memref<!tpu.dma_semaphore, #tpu.memory_space<semaphore_mem>>)
      } else {
      }
      %add3A_123 = arith.constant 1 : i32
      %add3A_124 = arith.addi %add3A_98, %add3A_123 : i32
      %dma_wait3A_125 = arith.constant 0 : i32
      %dma_wait3A_126 = tpu.memref_slice %arg8[%add3A_124, %dma_wait3A_125] : memref<125x80xi32, #tpu.memory_space<vmem>> -> memref<1x80xi32, #tpu.memory_space<vmem>>
      %dma_wait3A_127 = tpu.memref_squeeze %dma_wait3A_126 : memref<1x80xi32, #tpu.memory_space<vmem>> -> memref<80xi32, #tpu.memory_space<vmem>>
      %dma_wait3A_128 = arith.constant 0 : i32
      %dma_wait3A_129 = arith.constant 0 : i32
      %dma_wait3A_130 = tpu.memref_slice %arg2[%dma_wait3A_128, %dma_wait3A_129] : memref<20000x16xbf16, #tpu.memory_space<hbm>> -> memref<20000x16xbf16, #tpu.memory_space<hbm>>
      tpu.wait_indirect_dma semaphore(%arg15 : memref<!tpu.dma_semaphore, #tpu.memory_space<semaphore_mem>>) src(%dma_wait3A_130 : memref<20000x16xbf16, #tpu.memory_space<hbm>>) dst(%arg11 : memref<80x16xbf16, #tpu.memory_space<vmem>>)
      %dma_start3A_131 = arith.constant 0 : i32
      %dma_start3A_132 = tpu.memref_slice %arg9[%add3A_124, %dma_start3A_131] : memref<125x80xi32, #tpu.memory_space<vmem>> -> memref<1x80xi32, #tpu.memory_space<vmem>>
      %dma_start3A_133 = tpu.memref_squeeze %dma_start3A_132 : memref<1x80xi32, #tpu.memory_space<vmem>> -> memref<80xi32, #tpu.memory_space<vmem>>
      %dma_start3A_134 = arith.constant 0 : i32
      %dma_start3A_135 = arith.constant 0 : i32
      %dma_start3A_136 = tpu.memref_slice %arg7[%dma_start3A_134, %dma_start3A_135] : memref<20480x16xbf16, #tpu.memory_space<vmem_shared>> -> memref<20480x16xbf16, #tpu.memory_space<vmem_shared>>
      tpu.enqueue_indirect_dma source(%arg11 : memref<80x16xbf16, #tpu.memory_space<vmem>>) target(%dma_start3A_136 : memref<20480x16xbf16, #tpu.memory_space<vmem_shared>>) offsets(%dma_start3A_133 : memref<80xi32, #tpu.memory_space<vmem>>) semaphore(%arg16 : memref<!tpu.dma_semaphore, #tpu.memory_space<semaphore_mem>>) {add = true}
      %ge3A_137 = arith.constant 1 : i32
      %ge3A_138 = arith.cmpi sge, %add3A_124, %ge3A_137 : i32
      %convert_element_type3A_139 = arith.extui %ge3A_138 : i1 to i32
      %cond3A_140 = arith.constant 0 : i32
      %cond3A_141 = arith.cmpi ne, %convert_element_type3A_139, %cond3A_140 : i32
      scf.if %cond3A_141 {
        %dma_wait3A_227 = arith.constant 0 : i32
        %dma_wait3A_228 = tpu.memref_slice %arg9[%add3A_124, %dma_wait3A_227] : memref<125x80xi32, #tpu.memory_space<vmem>> -> memref<1x80xi32, #tpu.memory_space<vmem>>
        %dma_wait3A_229 = tpu.memref_squeeze %dma_wait3A_228 : memref<1x80xi32, #tpu.memory_space<vmem>> -> memref<80xi32, #tpu.memory_space<vmem>>
        %dma_wait3A_230 = arith.constant 0 : i32
        %dma_wait3A_231 = arith.constant 0 : i32
        %dma_wait3A_232 = tpu.memref_slice %arg7[%dma_wait3A_230, %dma_wait3A_231] : memref<20480x16xbf16, #tpu.memory_space<vmem_shared>> -> memref<20480x16xbf16, #tpu.memory_space<vmem_shared>>
        tpu.wait_indirect_dma semaphore(%arg16 : memref<!tpu.dma_semaphore, #tpu.memory_space<semaphore_mem>>) src(%arg10 : memref<80x16xbf16, #tpu.memory_space<vmem>>) dst(%dma_wait3A_232 : memref<20480x16xbf16, #tpu.memory_space<vmem_shared>>)
      } else {
      }
      %add3A_142 = arith.constant 4 : i32
      %add3A_143 = arith.addi %add3A_124, %add3A_142 : i32
      %lt3A_144 = arith.constant 125 : i32
      %lt3A_145 = arith.cmpi slt, %add3A_143, %lt3A_144 : i32
      %convert_element_type3A_146 = arith.extui %lt3A_145 : i1 to i32
      %cond3A_147 = arith.constant 0 : i32
      %cond3A_148 = arith.cmpi ne, %convert_element_type3A_146, %cond3A_147 : i32
      scf.if %cond3A_148 {
        %add3A_227 = arith.constant 4 : i32
        %add3A_228 = arith.addi %add3A_124, %add3A_227 : i32
        %dma_start3A_229 = arith.constant 0 : i32
        %dma_start3A_230 = tpu.memref_slice %arg8[%add3A_228, %dma_start3A_229] : memref<125x80xi32, #tpu.memory_space<vmem>> -> memref<1x80xi32, #tpu.memory_space<vmem>>
        %dma_start3A_231 = tpu.memref_squeeze %dma_start3A_230 : memref<1x80xi32, #tpu.memory_space<vmem>> -> memref<80xi32, #tpu.memory_space<vmem>>
        %dma_start3A_232 = arith.constant 0 : i32
        %dma_start3A_233 = arith.constant 0 : i32
        %dma_start3A_234 = tpu.memref_slice %arg2[%dma_start3A_232, %dma_start3A_233] : memref<20000x16xbf16, #tpu.memory_space<hbm>> -> memref<20000x16xbf16, #tpu.memory_space<hbm>>
        tpu.enqueue_indirect_dma source(%dma_start3A_234 : memref<20000x16xbf16, #tpu.memory_space<hbm>>) target(%arg10 : memref<80x16xbf16, #tpu.memory_space<vmem>>) offsets(%dma_start3A_231 : memref<80xi32, #tpu.memory_space<vmem>>) semaphore(%arg15 : memref<!tpu.dma_semaphore, #tpu.memory_space<semaphore_mem>>)
      } else {
      }
      %add3A_149 = arith.constant 2 : i32
      %add3A_150 = arith.addi %add3A_98, %add3A_149 : i32
      %dma_wait3A_151 = arith.constant 0 : i32
      %dma_wait3A_152 = tpu.memref_slice %arg8[%add3A_150, %dma_wait3A_151] : memref<125x80xi32, #tpu.memory_space<vmem>> -> memref<1x80xi32, #tpu.memory_space<vmem>>
      %dma_wait3A_153 = tpu.memref_squeeze %dma_wait3A_152 : memref<1x80xi32, #tpu.memory_space<vmem>> -> memref<80xi32, #tpu.memory_space<vmem>>
      %dma_wait3A_154 = arith.constant 0 : i32
      %dma_wait3A_155 = arith.constant 0 : i32
      %dma_wait3A_156 = tpu.memref_slice %arg2[%dma_wait3A_154, %dma_wait3A_155] : memref<20000x16xbf16, #tpu.memory_space<hbm>> -> memref<20000x16xbf16, #tpu.memory_space<hbm>>
      tpu.wait_indirect_dma semaphore(%arg15 : memref<!tpu.dma_semaphore, #tpu.memory_space<semaphore_mem>>) src(%dma_wait3A_156 : memref<20000x16xbf16, #tpu.memory_space<hbm>>) dst(%arg12 : memref<80x16xbf16, #tpu.memory_space<vmem>>)
      %dma_start3A_157 = arith.constant 0 : i32
      %dma_start3A_158 = tpu.memref_slice %arg9[%add3A_150, %dma_start3A_157] : memref<125x80xi32, #tpu.memory_space<vmem>> -> memref<1x80xi32, #tpu.memory_space<vmem>>
      %dma_start3A_159 = tpu.memref_squeeze %dma_start3A_158 : memref<1x80xi32, #tpu.memory_space<vmem>> -> memref<80xi32, #tpu.memory_space<vmem>>
      %dma_start3A_160 = arith.constant 0 : i32
      %dma_start3A_161 = arith.constant 0 : i32
      %dma_start3A_162 = tpu.memref_slice %arg7[%dma_start3A_160, %dma_start3A_161] : memref<20480x16xbf16, #tpu.memory_space<vmem_shared>> -> memref<20480x16xbf16, #tpu.memory_space<vmem_shared>>
      tpu.enqueue_indirect_dma source(%arg12 : memref<80x16xbf16, #tpu.memory_space<vmem>>) target(%dma_start3A_162 : memref<20480x16xbf16, #tpu.memory_space<vmem_shared>>) offsets(%dma_start3A_159 : memref<80xi32, #tpu.memory_space<vmem>>) semaphore(%arg16 : memref<!tpu.dma_semaphore, #tpu.memory_space<semaphore_mem>>) {add = true}
      %ge3A_163 = arith.constant 1 : i32
      %ge3A_164 = arith.cmpi sge, %add3A_150, %ge3A_163 : i32
      %convert_element_type3A_165 = arith.extui %ge3A_164 : i1 to i32
      %cond3A_166 = arith.constant 0 : i32
      %cond3A_167 = arith.cmpi ne, %convert_element_type3A_165, %cond3A_166 : i32
      scf.if %cond3A_167 {
        %dma_wait3A_227 = arith.constant 0 : i32
        %dma_wait3A_228 = tpu.memref_slice %arg9[%add3A_150, %dma_wait3A_227] : memref<125x80xi32, #tpu.memory_space<vmem>> -> memref<1x80xi32, #tpu.memory_space<vmem>>
        %dma_wait3A_229 = tpu.memref_squeeze %dma_wait3A_228 : memref<1x80xi32, #tpu.memory_space<vmem>> -> memref<80xi32, #tpu.memory_space<vmem>>
        %dma_wait3A_230 = arith.constant 0 : i32
        %dma_wait3A_231 = arith.constant 0 : i32
        %dma_wait3A_232 = tpu.memref_slice %arg7[%dma_wait3A_230, %dma_wait3A_231] : memref<20480x16xbf16, #tpu.memory_space<vmem_shared>> -> memref<20480x16xbf16, #tpu.memory_space<vmem_shared>>
        tpu.wait_indirect_dma semaphore(%arg16 : memref<!tpu.dma_semaphore, #tpu.memory_space<semaphore_mem>>) src(%arg11 : memref<80x16xbf16, #tpu.memory_space<vmem>>) dst(%dma_wait3A_232 : memref<20480x16xbf16, #tpu.memory_space<vmem_shared>>)
      } else {
      }
      %add3A_168 = arith.constant 4 : i32
      %add3A_169 = arith.addi %add3A_150, %add3A_168 : i32
      %lt3A_170 = arith.constant 125 : i32
      %lt3A_171 = arith.cmpi slt, %add3A_169, %lt3A_170 : i32
      %convert_element_type3A_172 = arith.extui %lt3A_171 : i1 to i32
      %cond3A_173 = arith.constant 0 : i32
      %cond3A_174 = arith.cmpi ne, %convert_element_type3A_172, %cond3A_173 : i32
      scf.if %cond3A_174 {
        %add3A_227 = arith.constant 4 : i32
        %add3A_228 = arith.addi %add3A_150, %add3A_227 : i32
        %dma_start3A_229 = arith.constant 0 : i32
        %dma_start3A_230 = tpu.memref_slice %arg8[%add3A_228, %dma_start3A_229] : memref<125x80xi32, #tpu.memory_space<vmem>> -> memref<1x80xi32, #tpu.memory_space<vmem>>
        %dma_start3A_231 = tpu.memref_squeeze %dma_start3A_230 : memref<1x80xi32, #tpu.memory_space<vmem>> -> memref<80xi32, #tpu.memory_space<vmem>>
        %dma_start3A_232 = arith.constant 0 : i32
        %dma_start3A_233 = arith.constant 0 : i32
        %dma_start3A_234 = tpu.memref_slice %arg2[%dma_start3A_232, %dma_start3A_233] : memref<20000x16xbf16, #tpu.memory_space<hbm>> -> memref<20000x16xbf16, #tpu.memory_space<hbm>>
        tpu.enqueue_indirect_dma source(%dma_start3A_234 : memref<20000x16xbf16, #tpu.memory_space<hbm>>) target(%arg11 : memref<80x16xbf16, #tpu.memory_space<vmem>>) offsets(%dma_start3A_231 : memref<80xi32, #tpu.memory_space<vmem>>) semaphore(%arg15 : memref<!tpu.dma_semaphore, #tpu.memory_space<semaphore_mem>>)
      } else {
      }
      %add3A_175 = arith.constant 3 : i32
      %add3A_176 = arith.addi %add3A_98, %add3A_175 : i32
      %dma_wait3A_177 = arith.constant 0 : i32
      %dma_wait3A_178 = tpu.memref_slice %arg8[%add3A_176, %dma_wait3A_177] : memref<125x80xi32, #tpu.memory_space<vmem>> -> memref<1x80xi32, #tpu.memory_space<vmem>>
      %dma_wait3A_179 = tpu.memref_squeeze %dma_wait3A_178 : memref<1x80xi32, #tpu.memory_space<vmem>> -> memref<80xi32, #tpu.memory_space<vmem>>
      %dma_wait3A_180 = arith.constant 0 : i32
      %dma_wait3A_181 = arith.constant 0 : i32
      %dma_wait3A_182 = tpu.memref_slice %arg2[%dma_wait3A_180, %dma_wait3A_181] : memref<20000x16xbf16, #tpu.memory_space<hbm>> -> memref<20000x16xbf16, #tpu.memory_space<hbm>>
      tpu.wait_indirect_dma semaphore(%arg15 : memref<!tpu.dma_semaphore, #tpu.memory_space<semaphore_mem>>) src(%dma_wait3A_182 : memref<20000x16xbf16, #tpu.memory_space<hbm>>) dst(%arg13 : memref<80x16xbf16, #tpu.memory_space<vmem>>)
      %dma_start3A_183 = arith.constant 0 : i32
      %dma_start3A_184 = tpu.memref_slice %arg9[%add3A_176, %dma_start3A_183] : memref<125x80xi32, #tpu.memory_space<vmem>> -> memref<1x80xi32, #tpu.memory_space<vmem>>
      %dma_start3A_185 = tpu.memref_squeeze %dma_start3A_184 : memref<1x80xi32, #tpu.memory_space<vmem>> -> memref<80xi32, #tpu.memory_space<vmem>>
      %dma_start3A_186 = arith.constant 0 : i32
      %dma_start3A_187 = arith.constant 0 : i32
      %dma_start3A_188 = tpu.memref_slice %arg7[%dma_start3A_186, %dma_start3A_187] : memref<20480x16xbf16, #tpu.memory_space<vmem_shared>> -> memref<20480x16xbf16, #tpu.memory_space<vmem_shared>>
      tpu.enqueue_indirect_dma source(%arg13 : memref<80x16xbf16, #tpu.memory_space<vmem>>) target(%dma_start3A_188 : memref<20480x16xbf16, #tpu.memory_space<vmem_shared>>) offsets(%dma_start3A_185 : memref<80xi32, #tpu.memory_space<vmem>>) semaphore(%arg16 : memref<!tpu.dma_semaphore, #tpu.memory_space<semaphore_mem>>) {add = true}
      %ge3A_189 = arith.constant 1 : i32
      %ge3A_190 = arith.cmpi sge, %add3A_176, %ge3A_189 : i32
      %convert_element_type3A_191 = arith.extui %ge3A_190 : i1 to i32
      %cond3A_192 = arith.constant 0 : i32
      %cond3A_193 = arith.cmpi ne, %convert_element_type3A_191, %cond3A_192 : i32
      scf.if %cond3A_193 {
        %dma_wait3A_227 = arith.constant 0 : i32
        %dma_wait3A_228 = tpu.memref_slice %arg9[%add3A_176, %dma_wait3A_227] : memref<125x80xi32, #tpu.memory_space<vmem>> -> memref<1x80xi32, #tpu.memory_space<vmem>>
        %dma_wait3A_229 = tpu.memref_squeeze %dma_wait3A_228 : memref<1x80xi32, #tpu.memory_space<vmem>> -> memref<80xi32, #tpu.memory_space<vmem>>
        %dma_wait3A_230 = arith.constant 0 : i32
        %dma_wait3A_231 = arith.constant 0 : i32
        %dma_wait3A_232 = tpu.memref_slice %arg7[%dma_wait3A_230, %dma_wait3A_231] : memref<20480x16xbf16, #tpu.memory_space<vmem_shared>> -> memref<20480x16xbf16, #tpu.memory_space<vmem_shared>>
        tpu.wait_indirect_dma semaphore(%arg16 : memref<!tpu.dma_semaphore, #tpu.memory_space<semaphore_mem>>) src(%arg12 : memref<80x16xbf16, #tpu.memory_space<vmem>>) dst(%dma_wait3A_232 : memref<20480x16xbf16, #tpu.memory_space<vmem_shared>>)
      } else {
      }
      %add3A_194 = arith.constant 4 : i32
      %add3A_195 = arith.addi %add3A_176, %add3A_194 : i32
      %lt3A_196 = arith.constant 125 : i32
      %lt3A_197 = arith.cmpi slt, %add3A_195, %lt3A_196 : i32
      %convert_element_type3A_198 = arith.extui %lt3A_197 : i1 to i32
      %cond3A_199 = arith.constant 0 : i32
      %cond3A_200 = arith.cmpi ne, %convert_element_type3A_198, %cond3A_199 : i32
      scf.if %cond3A_200 {
        %add3A_227 = arith.constant 4 : i32
        %add3A_228 = arith.addi %add3A_176, %add3A_227 : i32
        %dma_start3A_229 = arith.constant 0 : i32
        %dma_start3A_230 = tpu.memref_slice %arg8[%add3A_228, %dma_start3A_229] : memref<125x80xi32, #tpu.memory_space<vmem>> -> memref<1x80xi32, #tpu.memory_space<vmem>>
        %dma_start3A_231 = tpu.memref_squeeze %dma_start3A_230 : memref<1x80xi32, #tpu.memory_space<vmem>> -> memref<80xi32, #tpu.memory_space<vmem>>
        %dma_start3A_232 = arith.constant 0 : i32
        %dma_start3A_233 = arith.constant 0 : i32
        %dma_start3A_234 = tpu.memref_slice %arg2[%dma_start3A_232, %dma_start3A_233] : memref<20000x16xbf16, #tpu.memory_space<hbm>> -> memref<20000x16xbf16, #tpu.memory_space<hbm>>
        tpu.enqueue_indirect_dma source(%dma_start3A_234 : memref<20000x16xbf16, #tpu.memory_space<hbm>>) target(%arg12 : memref<80x16xbf16, #tpu.memory_space<vmem>>) offsets(%dma_start3A_231 : memref<80xi32, #tpu.memory_space<vmem>>) semaphore(%arg15 : memref<!tpu.dma_semaphore, #tpu.memory_space<semaphore_mem>>)
      } else {
      }
      %add3A_201 = arith.constant 4 : i32
      %add3A_202 = arith.addi %add3A_98, %add3A_201 : i32
      %dma_wait3A_203 = arith.constant 0 : i32
      %dma_wait3A_204 = tpu.memref_slice %arg8[%add3A_202, %dma_wait3A_203] : memref<125x80xi32, #tpu.memory_space<vmem>> -> memref<1x80xi32, #tpu.memory_space<vmem>>
      %dma_wait3A_205 = tpu.memref_squeeze %dma_wait3A_204 : memref<1x80xi32, #tpu.memory_space<vmem>> -> memref<80xi32, #tpu.memory_space<vmem>>
      %dma_wait3A_206 = arith.constant 0 : i32
      %dma_wait3A_207 = arith.constant 0 : i32
      %dma_wait3A_208 = tpu.memref_slice %arg2[%dma_wait3A_206, %dma_wait3A_207] : memref<20000x16xbf16, #tpu.memory_space<hbm>> -> memref<20000x16xbf16, #tpu.memory_space<hbm>>
      tpu.wait_indirect_dma semaphore(%arg15 : memref<!tpu.dma_semaphore, #tpu.memory_space<semaphore_mem>>) src(%dma_wait3A_208 : memref<20000x16xbf16, #tpu.memory_space<hbm>>) dst(%arg14 : memref<80x16xbf16, #tpu.memory_space<vmem>>)
      %dma_start3A_209 = arith.constant 0 : i32
      %dma_start3A_210 = tpu.memref_slice %arg9[%add3A_202, %dma_start3A_209] : memref<125x80xi32, #tpu.memory_space<vmem>> -> memref<1x80xi32, #tpu.memory_space<vmem>>
      %dma_start3A_211 = tpu.memref_squeeze %dma_start3A_210 : memref<1x80xi32, #tpu.memory_space<vmem>> -> memref<80xi32, #tpu.memory_space<vmem>>
      %dma_start3A_212 = arith.constant 0 : i32
      %dma_start3A_213 = arith.constant 0 : i32
      %dma_start3A_214 = tpu.memref_slice %arg7[%dma_start3A_212, %dma_start3A_213] : memref<20480x16xbf16, #tpu.memory_space<vmem_shared>> -> memref<20480x16xbf16, #tpu.memory_space<vmem_shared>>
      tpu.enqueue_indirect_dma source(%arg14 : memref<80x16xbf16, #tpu.memory_space<vmem>>) target(%dma_start3A_214 : memref<20480x16xbf16, #tpu.memory_space<vmem_shared>>) offsets(%dma_start3A_211 : memref<80xi32, #tpu.memory_space<vmem>>) semaphore(%arg16 : memref<!tpu.dma_semaphore, #tpu.memory_space<semaphore_mem>>) {add = true}
      %ge3A_215 = arith.constant 1 : i32
      %ge3A_216 = arith.cmpi sge, %add3A_202, %ge3A_215 : i32
      %convert_element_type3A_217 = arith.extui %ge3A_216 : i1 to i32
      %cond3A_218 = arith.constant 0 : i32
      %cond3A_219 = arith.cmpi ne, %convert_element_type3A_217, %cond3A_218 : i32
      scf.if %cond3A_219 {
        %dma_wait3A_227 = arith.constant 0 : i32
        %dma_wait3A_228 = tpu.memref_slice %arg9[%add3A_202, %dma_wait3A_227] : memref<125x80xi32, #tpu.memory_space<vmem>> -> memref<1x80xi32, #tpu.memory_space<vmem>>
        %dma_wait3A_229 = tpu.memref_squeeze %dma_wait3A_228 : memref<1x80xi32, #tpu.memory_space<vmem>> -> memref<80xi32, #tpu.memory_space<vmem>>
        %dma_wait3A_230 = arith.constant 0 : i32
        %dma_wait3A_231 = arith.constant 0 : i32
        %dma_wait3A_232 = tpu.memref_slice %arg7[%dma_wait3A_230, %dma_wait3A_231] : memref<20480x16xbf16, #tpu.memory_space<vmem_shared>> -> memref<20480x16xbf16, #tpu.memory_space<vmem_shared>>
        tpu.wait_indirect_dma semaphore(%arg16 : memref<!tpu.dma_semaphore, #tpu.memory_space<semaphore_mem>>) src(%arg13 : memref<80x16xbf16, #tpu.memory_space<vmem>>) dst(%dma_wait3A_232 : memref<20480x16xbf16, #tpu.memory_space<vmem_shared>>)
      } else {
      }
      %add3A_220 = arith.constant 4 : i32
      %add3A_221 = arith.addi %add3A_202, %add3A_220 : i32
      %lt3A_222 = arith.constant 125 : i32
      %lt3A_223 = arith.cmpi slt, %add3A_221, %lt3A_222 : i32
      %convert_element_type3A_224 = arith.extui %lt3A_223 : i1 to i32
      %cond3A_225 = arith.constant 0 : i32
      %cond3A_226 = arith.cmpi ne, %convert_element_type3A_224, %cond3A_225 : i32
      scf.if %cond3A_226 {
        %add3A_227 = arith.constant 4 : i32
        %add3A_228 = arith.addi %add3A_202, %add3A_227 : i32
        %dma_start3A_229 = arith.constant 0 : i32
        %dma_start3A_230 = tpu.memref_slice %arg8[%add3A_228, %dma_start3A_229] : memref<125x80xi32, #tpu.memory_space<vmem>> -> memref<1x80xi32, #tpu.memory_space<vmem>>
        %dma_start3A_231 = tpu.memref_squeeze %dma_start3A_230 : memref<1x80xi32, #tpu.memory_space<vmem>> -> memref<80xi32, #tpu.memory_space<vmem>>
        %dma_start3A_232 = arith.constant 0 : i32
        %dma_start3A_233 = arith.constant 0 : i32
        %dma_start3A_234 = tpu.memref_slice %arg2[%dma_start3A_232, %dma_start3A_233] : memref<20000x16xbf16, #tpu.memory_space<hbm>> -> memref<20000x16xbf16, #tpu.memory_space<hbm>>
        tpu.enqueue_indirect_dma source(%dma_start3A_234 : memref<20000x16xbf16, #tpu.memory_space<hbm>>) target(%arg13 : memref<80x16xbf16, #tpu.memory_space<vmem>>) offsets(%dma_start3A_231 : memref<80xi32, #tpu.memory_space<vmem>>) semaphore(%arg15 : memref<!tpu.dma_semaphore, #tpu.memory_space<semaphore_mem>>)
      } else {
      }
    }
    %scan3A_34 = arith.constant 25 : i32
    %dma_wait3A = arith.constant 0 : i32
    %dma_wait3A_35 = arith.constant 0 : i32
    %dma_wait3A_36 = tpu.memref_slice %arg9[%dma_wait3A, %dma_wait3A_35] : memref<125x80xi32, #tpu.memory_space<vmem>> -> memref<1x80xi32, #tpu.memory_space<vmem>>
    %dma_wait3A_37 = tpu.memref_squeeze %dma_wait3A_36 : memref<1x80xi32, #tpu.memory_space<vmem>> -> memref<80xi32, #tpu.memory_space<vmem>>
    %dma_wait3A_38 = arith.constant 0 : i32
    %dma_wait3A_39 = arith.constant 0 : i32
    %dma_wait3A_40 = tpu.memref_slice %arg7[%dma_wait3A_38, %dma_wait3A_39] : memref<20480x16xbf16, #tpu.memory_space<vmem_shared>> -> memref<20480x16xbf16, #tpu.memory_space<vmem_shared>>
    tpu.wait_indirect_dma semaphore(%arg16 : memref<!tpu.dma_semaphore, #tpu.memory_space<semaphore_mem>>) src(%arg10 : memref<80x16xbf16, #tpu.memory_space<vmem>>) dst(%dma_wait3A_40 : memref<20480x16xbf16, #tpu.memory_space<vmem_shared>>)
    %run_scoped3A_41 = arith.constant 0 : i32
    %run_scoped3A_42 = arith.constant 1 : i32
    "tpu.region"() ({
      %run_scoped3A_95 = tpu.sem_alloc : memref<!tpu.dma_semaphore, #tpu.memory_space<semaphore_mem>>
      %dma_start3A_96 = arith.constant 0 : i32
      %dma_start3A_97 = arith.constant 0 : i32
      %dma_start3A_98 = tpu.memref_slice %arg3[%run_scoped3A_41, %arg0, %arg1, %run_scoped3A_42, %dma_start3A_96, %dma_start3A_97] : memref<2x2x16x2x125x80xi32, #tpu.memory_space<hbm>> -> memref<1x1x1x1x125x80xi32, #tpu.memory_space<hbm>>
      %dma_start3A_99 = tpu.memref_squeeze %dma_start3A_98 : memref<1x1x1x1x125x80xi32, #tpu.memory_space<hbm>> -> memref<125x80xi32, #tpu.memory_space<hbm>>
      %dma_start3A_100 = arith.constant 0 : i32
      %dma_start3A_101 = arith.constant 0 : i32
      %dma_start3A_102 = tpu.memref_slice %arg3[%run_scoped3A_41, %arg0, %arg1, %run_scoped3A_42, %dma_start3A_100, %dma_start3A_101] : memref<2x2x16x2x125x80xi32, #tpu.memory_space<hbm>> -> memref<1x1x1x1x125x80xi32, #tpu.memory_space<hbm>>
      %dma_start3A_103 = tpu.memref_squeeze %dma_start3A_102 : memref<1x1x1x1x125x80xi32, #tpu.memory_space<hbm>> -> memref<125x80xi32, #tpu.memory_space<hbm>>
      tpu.enqueue_dma source(%dma_start3A_103 : memref<125x80xi32, #tpu.memory_space<hbm>>) target(%arg8 : memref<125x80xi32, #tpu.memory_space<vmem>>) target_semaphore(%run_scoped3A_95 : memref<!tpu.dma_semaphore, #tpu.memory_space<semaphore_mem>>)
      %dma_wait3A_104 = arith.constant 0 : i32
      %dma_wait3A_105 = arith.constant 0 : i32
      %dma_wait3A_106 = tpu.memref_slice %arg3[%run_scoped3A_41, %arg0, %arg1, %run_scoped3A_42, %dma_wait3A_104, %dma_wait3A_105] : memref<2x2x16x2x125x80xi32, #tpu.memory_space<hbm>> -> memref<1x1x1x1x125x80xi32, #tpu.memory_space<hbm>>
      %dma_wait3A_107 = tpu.memref_squeeze %dma_wait3A_106 : memref<1x1x1x1x125x80xi32, #tpu.memory_space<hbm>> -> memref<125x80xi32, #tpu.memory_space<hbm>>
      %dma_wait3A_108 = arith.constant 0 : i32
      %dma_wait3A_109 = arith.constant 0 : i32
      %dma_wait3A_110 = tpu.memref_slice %arg3[%run_scoped3A_41, %arg0, %arg1, %run_scoped3A_42, %dma_wait3A_108, %dma_wait3A_109] : memref<2x2x16x2x125x80xi32, #tpu.memory_space<hbm>> -> memref<1x1x1x1x125x80xi32, #tpu.memory_space<hbm>>
      %dma_wait3A_111 = tpu.memref_squeeze %dma_wait3A_110 : memref<1x1x1x1x125x80xi32, #tpu.memory_space<hbm>> -> memref<125x80xi32, #tpu.memory_space<hbm>>
      tpu.wait_dma2 semaphore(%run_scoped3A_95 : memref<!tpu.dma_semaphore, #tpu.memory_space<semaphore_mem>>) src(%dma_wait3A_111 : memref<125x80xi32, #tpu.memory_space<hbm>>) dst(%arg8 : memref<125x80xi32, #tpu.memory_space<vmem>>)
      tpu.yield
    }) : () -> ()
    %run_scoped3A_43 = arith.constant 1 : i32
    %run_scoped3A_44 = arith.constant 1 : i32
    "tpu.region"() ({
      %run_scoped3A_95 = tpu.sem_alloc : memref<!tpu.dma_semaphore, #tpu.memory_space<semaphore_mem>>
      %dma_start3A_96 = arith.constant 0 : i32
      %dma_start3A_97 = arith.constant 0 : i32
      %dma_start3A_98 = tpu.memref_slice %arg3[%run_scoped3A_43, %arg0, %arg1, %run_scoped3A_44, %dma_start3A_96, %dma_start3A_97] : memref<2x2x16x2x125x80xi32, #tpu.memory_space<hbm>> -> memref<1x1x1x1x125x80xi32, #tpu.memory_space<hbm>>
      %dma_start3A_99 = tpu.memref_squeeze %dma_start3A_98 : memref<1x1x1x1x125x80xi32, #tpu.memory_space<hbm>> -> memref<125x80xi32, #tpu.memory_space<hbm>>
      %dma_start3A_100 = arith.constant 0 : i32
      %dma_start3A_101 = arith.constant 0 : i32
      %dma_start3A_102 = tpu.memref_slice %arg3[%run_scoped3A_43, %arg0, %arg1, %run_scoped3A_44, %dma_start3A_100, %dma_start3A_101] : memref<2x2x16x2x125x80xi32, #tpu.memory_space<hbm>> -> memref<1x1x1x1x125x80xi32, #tpu.memory_space<hbm>>
      %dma_start3A_103 = tpu.memref_squeeze %dma_start3A_102 : memref<1x1x1x1x125x80xi32, #tpu.memory_space<hbm>> -> memref<125x80xi32, #tpu.memory_space<hbm>>
      tpu.enqueue_dma source(%dma_start3A_103 : memref<125x80xi32, #tpu.memory_space<hbm>>) target(%arg9 : memref<125x80xi32, #tpu.memory_space<vmem>>) target_semaphore(%run_scoped3A_95 : memref<!tpu.dma_semaphore, #tpu.memory_space<semaphore_mem>>)
      %dma_wait3A_104 = arith.constant 0 : i32
      %dma_wait3A_105 = arith.constant 0 : i32
      %dma_wait3A_106 = tpu.memref_slice %arg3[%run_scoped3A_43, %arg0, %arg1, %run_scoped3A_44, %dma_wait3A_104, %dma_wait3A_105] : memref<2x2x16x2x125x80xi32, #tpu.memory_space<hbm>> -> memref<1x1x1x1x125x80xi32, #tpu.memory_space<hbm>>
      %dma_wait3A_107 = tpu.memref_squeeze %dma_wait3A_106 : memref<1x1x1x1x125x80xi32, #tpu.memory_space<hbm>> -> memref<125x80xi32, #tpu.memory_space<hbm>>
      %dma_wait3A_108 = arith.constant 0 : i32
      %dma_wait3A_109 = arith.constant 0 : i32
      %dma_wait3A_110 = tpu.memref_slice %arg3[%run_scoped3A_43, %arg0, %arg1, %run_scoped3A_44, %dma_wait3A_108, %dma_wait3A_109] : memref<2x2x16x2x125x80xi32, #tpu.memory_space<hbm>> -> memref<1x1x1x1x125x80xi32, #tpu.memory_space<hbm>>
      %dma_wait3A_111 = tpu.memref_squeeze %dma_wait3A_110 : memref<1x1x1x1x125x80xi32, #tpu.memory_space<hbm>> -> memref<125x80xi32, #tpu.memory_space<hbm>>
      tpu.wait_dma2 semaphore(%run_scoped3A_95 : memref<!tpu.dma_semaphore, #tpu.memory_space<semaphore_mem>>) src(%dma_wait3A_111 : memref<125x80xi32, #tpu.memory_space<hbm>>) dst(%arg9 : memref<125x80xi32, #tpu.memory_space<vmem>>)
      tpu.yield
    }) : () -> ()
    %dma_start3A_45 = arith.constant 0 : i32
    %dma_start3A_46 = arith.constant 0 : i32
    %dma_start3A_47 = tpu.memref_slice %arg8[%dma_start3A_45, %dma_start3A_46] : memref<125x80xi32, #tpu.memory_space<vmem>> -> memref<1x80xi32, #tpu.memory_space<vmem>>
    %dma_start3A_48 = tpu.memref_squeeze %dma_start3A_47 : memref<1x80xi32, #tpu.memory_space<vmem>> -> memref<80xi32, #tpu.memory_space<vmem>>
    %dma_start3A_49 = arith.constant 0 : i32
    %dma_start3A_50 = arith.constant 0 : i32
    %dma_start3A_51 = tpu.memref_slice %arg2[%dma_start3A_49, %dma_start3A_50] : memref<20000x16xbf16, #tpu.memory_space<hbm>> -> memref<20000x16xbf16, #tpu.memory_space<hbm>>
    tpu.enqueue_indirect_dma source(%dma_start3A_51 : memref<20000x16xbf16, #tpu.memory_space<hbm>>) target(%arg10 : memref<80x16xbf16, #tpu.memory_space<vmem>>) offsets(%dma_start3A_48 : memref<80xi32, #tpu.memory_space<vmem>>) semaphore(%arg15 : memref<!tpu.dma_semaphore, #tpu.memory_space<semaphore_mem>>)
    %dma_start3A_52 = arith.constant 1 : i32
    %dma_start3A_53 = arith.constant 0 : i32
    %dma_start3A_54 = tpu.memref_slice %arg8[%dma_start3A_52, %dma_start3A_53] : memref<125x80xi32, #tpu.memory_space<vmem>> -> memref<1x80xi32, #tpu.memory_space<vmem>>
    %dma_start3A_55 = tpu.memref_squeeze %dma_start3A_54 : memref<1x80xi32, #tpu.memory_space<vmem>> -> memref<80xi32, #tpu.memory_space<vmem>>
    %dma_start3A_56 = arith.constant 0 : i32
    %dma_start3A_57 = arith.constant 0 : i32
    %dma_start3A_58 = tpu.memref_slice %arg2[%dma_start3A_56, %dma_start3A_57] : memref<20000x16xbf16, #tpu.memory_space<hbm>> -> memref<20000x16xbf16, #tpu.memory_space<hbm>>
    tpu.enqueue_indirect_dma source(%dma_start3A_58 : memref<20000x16xbf16, #tpu.memory_space<hbm>>) target(%arg11 : memref<80x16xbf16, #tpu.memory_space<vmem>>) offsets(%dma_start3A_55 : memref<80xi32, #tpu.memory_space<vmem>>) semaphore(%arg15 : memref<!tpu.dma_semaphore, #tpu.memory_space<semaphore_mem>>)
    %dma_start3A_59 = arith.constant 2 : i32
    %dma_start3A_60 = arith.constant 0 : i32
    %dma_start3A_61 = tpu.memref_slice %arg8[%dma_start3A_59, %dma_start3A_60] : memref<125x80xi32, #tpu.memory_space<vmem>> -> memref<1x80xi32, #tpu.memory_space<vmem>>
    %dma_start3A_62 = tpu.memref_squeeze %dma_start3A_61 : memref<1x80xi32, #tpu.memory_space<vmem>> -> memref<80xi32, #tpu.memory_space<vmem>>
    %dma_start3A_63 = arith.constant 0 : i32
    %dma_start3A_64 = arith.constant 0 : i32
    %dma_start3A_65 = tpu.memref_slice %arg2[%dma_start3A_63, %dma_start3A_64] : memref<20000x16xbf16, #tpu.memory_space<hbm>> -> memref<20000x16xbf16, #tpu.memory_space<hbm>>
    tpu.enqueue_indirect_dma source(%dma_start3A_65 : memref<20000x16xbf16, #tpu.memory_space<hbm>>) target(%arg12 : memref<80x16xbf16, #tpu.memory_space<vmem>>) offsets(%dma_start3A_62 : memref<80xi32, #tpu.memory_space<vmem>>) semaphore(%arg15 : memref<!tpu.dma_semaphore, #tpu.memory_space<semaphore_mem>>)
    %dma_start3A_66 = arith.constant 3 : i32
    %dma_start3A_67 = arith.constant 0 : i32
    %dma_start3A_68 = tpu.memref_slice %arg8[%dma_start3A_66, %dma_start3A_67] : memref<125x80xi32, #tpu.memory_space<vmem>> -> memref<1x80xi32, #tpu.memory_space<vmem>>
    %dma_start3A_69 = tpu.memref_squeeze %dma_start3A_68 : memref<1x80xi32, #tpu.memory_space<vmem>> -> memref<80xi32, #tpu.memory_space<vmem>>
    %dma_start3A_70 = arith.constant 0 : i32
    %dma_start3A_71 = arith.constant 0 : i32
    %dma_start3A_72 = tpu.memref_slice %arg2[%dma_start3A_70, %dma_start3A_71] : memref<20000x16xbf16, #tpu.memory_space<hbm>> -> memref<20000x16xbf16, #tpu.memory_space<hbm>>
    tpu.enqueue_indirect_dma source(%dma_start3A_72 : memref<20000x16xbf16, #tpu.memory_space<hbm>>) target(%arg13 : memref<80x16xbf16, #tpu.memory_space<vmem>>) offsets(%dma_start3A_69 : memref<80xi32, #tpu.memory_space<vmem>>) semaphore(%arg15 : memref<!tpu.dma_semaphore, #tpu.memory_space<semaphore_mem>>)
    %scan3A_73 = arith.constant 0 : i32
    %scan3A_74 = arith.constant 25 : i32
    %scan3A_75 = arith.addi %scan3A_73, %scan3A_74 : i32
    %scan3A_76 = arith.constant 1 : i32
    scf.for %scan3A_95 = %scan3A_73 to %scan3A_75 step %scan3A_76  : i32 {
      %mul3A_96 = arith.constant 5 : i32
      %mul3A_97 = arith.muli %scan3A_95, %mul3A_96 : i32
      %add3A = arith.constant 0 : i32
      %add3A_98 = arith.addi %add3A, %mul3A_97 : i32
      %add3A_99 = arith.constant 0 : i32
      %add3A_100 = arith.addi %add3A_98, %add3A_99 : i32
      %dma_wait3A_101 = arith.constant 0 : i32
      %dma_wait3A_102 = tpu.memref_slice %arg8[%add3A_100, %dma_wait3A_101] : memref<125x80xi32, #tpu.memory_space<vmem>> -> memref<1x80xi32, #tpu.memory_space<vmem>>
      %dma_wait3A_103 = tpu.memref_squeeze %dma_wait3A_102 : memref<1x80xi32, #tpu.memory_space<vmem>> -> memref<80xi32, #tpu.memory_space<vmem>>
      %dma_wait3A_104 = arith.constant 0 : i32
      %dma_wait3A_105 = arith.constant 0 : i32
      %dma_wait3A_106 = tpu.memref_slice %arg2[%dma_wait3A_104, %dma_wait3A_105] : memref<20000x16xbf16, #tpu.memory_space<hbm>> -> memref<20000x16xbf16, #tpu.memory_space<hbm>>
      tpu.wait_indirect_dma semaphore(%arg15 : memref<!tpu.dma_semaphore, #tpu.memory_space<semaphore_mem>>) src(%dma_wait3A_106 : memref<20000x16xbf16, #tpu.memory_space<hbm>>) dst(%arg10 : memref<80x16xbf16, #tpu.memory_space<vmem>>)
      %dma_start3A_107 = arith.constant 0 : i32
      %dma_start3A_108 = tpu.memref_slice %arg9[%add3A_100, %dma_start3A_107] : memref<125x80xi32, #tpu.memory_space<vmem>> -> memref<1x80xi32, #tpu.memory_space<vmem>>
      %dma_start3A_109 = tpu.memref_squeeze %dma_start3A_108 : memref<1x80xi32, #tpu.memory_space<vmem>> -> memref<80xi32, #tpu.memory_space<vmem>>
      %dma_start3A_110 = arith.constant 0 : i32
      %dma_start3A_111 = arith.constant 0 : i32
      %dma_start3A_112 = tpu.memref_slice %arg7[%dma_start3A_110, %dma_start3A_111] : memref<20480x16xbf16, #tpu.memory_space<vmem_shared>> -> memref<20480x16xbf16, #tpu.memory_space<vmem_shared>>
      tpu.enqueue_indirect_dma source(%arg10 : memref<80x16xbf16, #tpu.memory_space<vmem>>) target(%dma_start3A_112 : memref<20480x16xbf16, #tpu.memory_space<vmem_shared>>) offsets(%dma_start3A_109 : memref<80xi32, #tpu.memory_space<vmem>>) semaphore(%arg16 : memref<!tpu.dma_semaphore, #tpu.memory_space<semaphore_mem>>) {add = true}
      %ge3A = arith.constant 1 : i32
      %ge3A_113 = arith.cmpi sge, %add3A_100, %ge3A : i32
      %convert_element_type3A_114 = arith.extui %ge3A_113 : i1 to i32
      %cond3A_115 = arith.constant 0 : i32
      %cond3A_116 = arith.cmpi ne, %convert_element_type3A_114, %cond3A_115 : i32
      scf.if %cond3A_116 {
        %dma_wait3A_227 = arith.constant 0 : i32
        %dma_wait3A_228 = tpu.memref_slice %arg9[%add3A_100, %dma_wait3A_227] : memref<125x80xi32, #tpu.memory_space<vmem>> -> memref<1x80xi32, #tpu.memory_space<vmem>>
        %dma_wait3A_229 = tpu.memref_squeeze %dma_wait3A_228 : memref<1x80xi32, #tpu.memory_space<vmem>> -> memref<80xi32, #tpu.memory_space<vmem>>
        %dma_wait3A_230 = arith.constant 0 : i32
        %dma_wait3A_231 = arith.constant 0 : i32
        %dma_wait3A_232 = tpu.memref_slice %arg7[%dma_wait3A_230, %dma_wait3A_231] : memref<20480x16xbf16, #tpu.memory_space<vmem_shared>> -> memref<20480x16xbf16, #tpu.memory_space<vmem_shared>>
        tpu.wait_indirect_dma semaphore(%arg16 : memref<!tpu.dma_semaphore, #tpu.memory_space<semaphore_mem>>) src(%arg14 : memref<80x16xbf16, #tpu.memory_space<vmem>>) dst(%dma_wait3A_232 : memref<20480x16xbf16, #tpu.memory_space<vmem_shared>>)
      } else {
      }
      %add3A_117 = arith.constant 4 : i32
      %add3A_118 = arith.addi %add3A_100, %add3A_117 : i32
      %lt3A = arith.constant 125 : i32
      %lt3A_119 = arith.cmpi slt, %add3A_118, %lt3A : i32
      %convert_element_type3A_120 = arith.extui %lt3A_119 : i1 to i32
      %cond3A_121 = arith.constant 0 : i32
      %cond3A_122 = arith.cmpi ne, %convert_element_type3A_120, %cond3A_121 : i32
      scf.if %cond3A_122 {
        %add3A_227 = arith.constant 4 : i32
        %add3A_228 = arith.addi %add3A_100, %add3A_227 : i32
        %dma_start3A_229 = arith.constant 0 : i32
        %dma_start3A_230 = tpu.memref_slice %arg8[%add3A_228, %dma_start3A_229] : memref<125x80xi32, #tpu.memory_space<vmem>> -> memref<1x80xi32, #tpu.memory_space<vmem>>
        %dma_start3A_231 = tpu.memref_squeeze %dma_start3A_230 : memref<1x80xi32, #tpu.memory_space<vmem>> -> memref<80xi32, #tpu.memory_space<vmem>>
        %dma_start3A_232 = arith.constant 0 : i32
        %dma_start3A_233 = arith.constant 0 : i32
        %dma_start3A_234 = tpu.memref_slice %arg2[%dma_start3A_232, %dma_start3A_233] : memref<20000x16xbf16, #tpu.memory_space<hbm>> -> memref<20000x16xbf16, #tpu.memory_space<hbm>>
        tpu.enqueue_indirect_dma source(%dma_start3A_234 : memref<20000x16xbf16, #tpu.memory_space<hbm>>) target(%arg14 : memref<80x16xbf16, #tpu.memory_space<vmem>>) offsets(%dma_start3A_231 : memref<80xi32, #tpu.memory_space<vmem>>) semaphore(%arg15 : memref<!tpu.dma_semaphore, #tpu.memory_space<semaphore_mem>>)
      } else {
      }
      %add3A_123 = arith.constant 1 : i32
      %add3A_124 = arith.addi %add3A_98, %add3A_123 : i32
      %dma_wait3A_125 = arith.constant 0 : i32
      %dma_wait3A_126 = tpu.memref_slice %arg8[%add3A_124, %dma_wait3A_125] : memref<125x80xi32, #tpu.memory_space<vmem>> -> memref<1x80xi32, #tpu.memory_space<vmem>>
      %dma_wait3A_127 = tpu.memref_squeeze %dma_wait3A_126 : memref<1x80xi32, #tpu.memory_space<vmem>> -> memref<80xi32, #tpu.memory_space<vmem>>
      %dma_wait3A_128 = arith.constant 0 : i32
      %dma_wait3A_129 = arith.constant 0 : i32
      %dma_wait3A_130 = tpu.memref_slice %arg2[%dma_wait3A_128, %dma_wait3A_129] : memref<20000x16xbf16, #tpu.memory_space<hbm>> -> memref<20000x16xbf16, #tpu.memory_space<hbm>>
      tpu.wait_indirect_dma semaphore(%arg15 : memref<!tpu.dma_semaphore, #tpu.memory_space<semaphore_mem>>) src(%dma_wait3A_130 : memref<20000x16xbf16, #tpu.memory_space<hbm>>) dst(%arg11 : memref<80x16xbf16, #tpu.memory_space<vmem>>)
      %dma_start3A_131 = arith.constant 0 : i32
      %dma_start3A_132 = tpu.memref_slice %arg9[%add3A_124, %dma_start3A_131] : memref<125x80xi32, #tpu.memory_space<vmem>> -> memref<1x80xi32, #tpu.memory_space<vmem>>
      %dma_start3A_133 = tpu.memref_squeeze %dma_start3A_132 : memref<1x80xi32, #tpu.memory_space<vmem>> -> memref<80xi32, #tpu.memory_space<vmem>>
      %dma_start3A_134 = arith.constant 0 : i32
      %dma_start3A_135 = arith.constant 0 : i32
      %dma_start3A_136 = tpu.memref_slice %arg7[%dma_start3A_134, %dma_start3A_135] : memref<20480x16xbf16, #tpu.memory_space<vmem_shared>> -> memref<20480x16xbf16, #tpu.memory_space<vmem_shared>>
      tpu.enqueue_indirect_dma source(%arg11 : memref<80x16xbf16, #tpu.memory_space<vmem>>) target(%dma_start3A_136 : memref<20480x16xbf16, #tpu.memory_space<vmem_shared>>) offsets(%dma_start3A_133 : memref<80xi32, #tpu.memory_space<vmem>>) semaphore(%arg16 : memref<!tpu.dma_semaphore, #tpu.memory_space<semaphore_mem>>) {add = true}
      %ge3A_137 = arith.constant 1 : i32
      %ge3A_138 = arith.cmpi sge, %add3A_124, %ge3A_137 : i32
      %convert_element_type3A_139 = arith.extui %ge3A_138 : i1 to i32
      %cond3A_140 = arith.constant 0 : i32
      %cond3A_141 = arith.cmpi ne, %convert_element_type3A_139, %cond3A_140 : i32
      scf.if %cond3A_141 {
        %dma_wait3A_227 = arith.constant 0 : i32
        %dma_wait3A_228 = tpu.memref_slice %arg9[%add3A_124, %dma_wait3A_227] : memref<125x80xi32, #tpu.memory_space<vmem>> -> memref<1x80xi32, #tpu.memory_space<vmem>>
        %dma_wait3A_229 = tpu.memref_squeeze %dma_wait3A_228 : memref<1x80xi32, #tpu.memory_space<vmem>> -> memref<80xi32, #tpu.memory_space<vmem>>
        %dma_wait3A_230 = arith.constant 0 : i32
        %dma_wait3A_231 = arith.constant 0 : i32
        %dma_wait3A_232 = tpu.memref_slice %arg7[%dma_wait3A_230, %dma_wait3A_231] : memref<20480x16xbf16, #tpu.memory_space<vmem_shared>> -> memref<20480x16xbf16, #tpu.memory_space<vmem_shared>>
        tpu.wait_indirect_dma semaphore(%arg16 : memref<!tpu.dma_semaphore, #tpu.memory_space<semaphore_mem>>) src(%arg10 : memref<80x16xbf16, #tpu.memory_space<vmem>>) dst(%dma_wait3A_232 : memref<20480x16xbf16, #tpu.memory_space<vmem_shared>>)
      } else {
      }
      %add3A_142 = arith.constant 4 : i32
      %add3A_143 = arith.addi %add3A_124, %add3A_142 : i32
      %lt3A_144 = arith.constant 125 : i32
      %lt3A_145 = arith.cmpi slt, %add3A_143, %lt3A_144 : i32
      %convert_element_type3A_146 = arith.extui %lt3A_145 : i1 to i32
      %cond3A_147 = arith.constant 0 : i32
      %cond3A_148 = arith.cmpi ne, %convert_element_type3A_146, %cond3A_147 : i32
      scf.if %cond3A_148 {
        %add3A_227 = arith.constant 4 : i32
        %add3A_228 = arith.addi %add3A_124, %add3A_227 : i32
        %dma_start3A_229 = arith.constant 0 : i32
        %dma_start3A_230 = tpu.memref_slice %arg8[%add3A_228, %dma_start3A_229] : memref<125x80xi32, #tpu.memory_space<vmem>> -> memref<1x80xi32, #tpu.memory_space<vmem>>
        %dma_start3A_231 = tpu.memref_squeeze %dma_start3A_230 : memref<1x80xi32, #tpu.memory_space<vmem>> -> memref<80xi32, #tpu.memory_space<vmem>>
        %dma_start3A_232 = arith.constant 0 : i32
        %dma_start3A_233 = arith.constant 0 : i32
        %dma_start3A_234 = tpu.memref_slice %arg2[%dma_start3A_232, %dma_start3A_233] : memref<20000x16xbf16, #tpu.memory_space<hbm>> -> memref<20000x16xbf16, #tpu.memory_space<hbm>>
        tpu.enqueue_indirect_dma source(%dma_start3A_234 : memref<20000x16xbf16, #tpu.memory_space<hbm>>) target(%arg10 : memref<80x16xbf16, #tpu.memory_space<vmem>>) offsets(%dma_start3A_231 : memref<80xi32, #tpu.memory_space<vmem>>) semaphore(%arg15 : memref<!tpu.dma_semaphore, #tpu.memory_space<semaphore_mem>>)
      } else {
      }
      %add3A_149 = arith.constant 2 : i32
      %add3A_150 = arith.addi %add3A_98, %add3A_149 : i32
      %dma_wait3A_151 = arith.constant 0 : i32
      %dma_wait3A_152 = tpu.memref_slice %arg8[%add3A_150, %dma_wait3A_151] : memref<125x80xi32, #tpu.memory_space<vmem>> -> memref<1x80xi32, #tpu.memory_space<vmem>>
      %dma_wait3A_153 = tpu.memref_squeeze %dma_wait3A_152 : memref<1x80xi32, #tpu.memory_space<vmem>> -> memref<80xi32, #tpu.memory_space<vmem>>
      %dma_wait3A_154 = arith.constant 0 : i32
      %dma_wait3A_155 = arith.constant 0 : i32
      %dma_wait3A_156 = tpu.memref_slice %arg2[%dma_wait3A_154, %dma_wait3A_155] : memref<20000x16xbf16, #tpu.memory_space<hbm>> -> memref<20000x16xbf16, #tpu.memory_space<hbm>>
      tpu.wait_indirect_dma semaphore(%arg15 : memref<!tpu.dma_semaphore, #tpu.memory_space<semaphore_mem>>) src(%dma_wait3A_156 : memref<20000x16xbf16, #tpu.memory_space<hbm>>) dst(%arg12 : memref<80x16xbf16, #tpu.memory_space<vmem>>)
      %dma_start3A_157 = arith.constant 0 : i32
      %dma_start3A_158 = tpu.memref_slice %arg9[%add3A_150, %dma_start3A_157] : memref<125x80xi32, #tpu.memory_space<vmem>> -> memref<1x80xi32, #tpu.memory_space<vmem>>
      %dma_start3A_159 = tpu.memref_squeeze %dma_start3A_158 : memref<1x80xi32, #tpu.memory_space<vmem>> -> memref<80xi32, #tpu.memory_space<vmem>>
      %dma_start3A_160 = arith.constant 0 : i32
      %dma_start3A_161 = arith.constant 0 : i32
      %dma_start3A_162 = tpu.memref_slice %arg7[%dma_start3A_160, %dma_start3A_161] : memref<20480x16xbf16, #tpu.memory_space<vmem_shared>> -> memref<20480x16xbf16, #tpu.memory_space<vmem_shared>>
      tpu.enqueue_indirect_dma source(%arg12 : memref<80x16xbf16, #tpu.memory_space<vmem>>) target(%dma_start3A_162 : memref<20480x16xbf16, #tpu.memory_space<vmem_shared>>) offsets(%dma_start3A_159 : memref<80xi32, #tpu.memory_space<vmem>>) semaphore(%arg16 : memref<!tpu.dma_semaphore, #tpu.memory_space<semaphore_mem>>) {add = true}
      %ge3A_163 = arith.constant 1 : i32
      %ge3A_164 = arith.cmpi sge, %add3A_150, %ge3A_163 : i32
      %convert_element_type3A_165 = arith.extui %ge3A_164 : i1 to i32
      %cond3A_166 = arith.constant 0 : i32
      %cond3A_167 = arith.cmpi ne, %convert_element_type3A_165, %cond3A_166 : i32
      scf.if %cond3A_167 {
        %dma_wait3A_227 = arith.constant 0 : i32
        %dma_wait3A_228 = tpu.memref_slice %arg9[%add3A_150, %dma_wait3A_227] : memref<125x80xi32, #tpu.memory_space<vmem>> -> memref<1x80xi32, #tpu.memory_space<vmem>>
        %dma_wait3A_229 = tpu.memref_squeeze %dma_wait3A_228 : memref<1x80xi32, #tpu.memory_space<vmem>> -> memref<80xi32, #tpu.memory_space<vmem>>
        %dma_wait3A_230 = arith.constant 0 : i32
        %dma_wait3A_231 = arith.constant 0 : i32
        %dma_wait3A_232 = tpu.memref_slice %arg7[%dma_wait3A_230, %dma_wait3A_231] : memref<20480x16xbf16, #tpu.memory_space<vmem_shared>> -> memref<20480x16xbf16, #tpu.memory_space<vmem_shared>>
        tpu.wait_indirect_dma semaphore(%arg16 : memref<!tpu.dma_semaphore, #tpu.memory_space<semaphore_mem>>) src(%arg11 : memref<80x16xbf16, #tpu.memory_space<vmem>>) dst(%dma_wait3A_232 : memref<20480x16xbf16, #tpu.memory_space<vmem_shared>>)
      } else {
      }
      %add3A_168 = arith.constant 4 : i32
      %add3A_169 = arith.addi %add3A_150, %add3A_168 : i32
      %lt3A_170 = arith.constant 125 : i32
      %lt3A_171 = arith.cmpi slt, %add3A_169, %lt3A_170 : i32
      %convert_element_type3A_172 = arith.extui %lt3A_171 : i1 to i32
      %cond3A_173 = arith.constant 0 : i32
      %cond3A_174 = arith.cmpi ne, %convert_element_type3A_172, %cond3A_173 : i32
      scf.if %cond3A_174 {
        %add3A_227 = arith.constant 4 : i32
        %add3A_228 = arith.addi %add3A_150, %add3A_227 : i32
        %dma_start3A_229 = arith.constant 0 : i32
        %dma_start3A_230 = tpu.memref_slice %arg8[%add3A_228, %dma_start3A_229] : memref<125x80xi32, #tpu.memory_space<vmem>> -> memref<1x80xi32, #tpu.memory_space<vmem>>
        %dma_start3A_231 = tpu.memref_squeeze %dma_start3A_230 : memref<1x80xi32, #tpu.memory_space<vmem>> -> memref<80xi32, #tpu.memory_space<vmem>>
        %dma_start3A_232 = arith.constant 0 : i32
        %dma_start3A_233 = arith.constant 0 : i32
        %dma_start3A_234 = tpu.memref_slice %arg2[%dma_start3A_232, %dma_start3A_233] : memref<20000x16xbf16, #tpu.memory_space<hbm>> -> memref<20000x16xbf16, #tpu.memory_space<hbm>>
        tpu.enqueue_indirect_dma source(%dma_start3A_234 : memref<20000x16xbf16, #tpu.memory_space<hbm>>) target(%arg11 : memref<80x16xbf16, #tpu.memory_space<vmem>>) offsets(%dma_start3A_231 : memref<80xi32, #tpu.memory_space<vmem>>) semaphore(%arg15 : memref<!tpu.dma_semaphore, #tpu.memory_space<semaphore_mem>>)
      } else {
      }
      %add3A_175 = arith.constant 3 : i32
      %add3A_176 = arith.addi %add3A_98, %add3A_175 : i32
      %dma_wait3A_177 = arith.constant 0 : i32
      %dma_wait3A_178 = tpu.memref_slice %arg8[%add3A_176, %dma_wait3A_177] : memref<125x80xi32, #tpu.memory_space<vmem>> -> memref<1x80xi32, #tpu.memory_space<vmem>>
      %dma_wait3A_179 = tpu.memref_squeeze %dma_wait3A_178 : memref<1x80xi32, #tpu.memory_space<vmem>> -> memref<80xi32, #tpu.memory_space<vmem>>
      %dma_wait3A_180 = arith.constant 0 : i32
      %dma_wait3A_181 = arith.constant 0 : i32
      %dma_wait3A_182 = tpu.memref_slice %arg2[%dma_wait3A_180, %dma_wait3A_181] : memref<20000x16xbf16, #tpu.memory_space<hbm>> -> memref<20000x16xbf16, #tpu.memory_space<hbm>>
      tpu.wait_indirect_dma semaphore(%arg15 : memref<!tpu.dma_semaphore, #tpu.memory_space<semaphore_mem>>) src(%dma_wait3A_182 : memref<20000x16xbf16, #tpu.memory_space<hbm>>) dst(%arg13 : memref<80x16xbf16, #tpu.memory_space<vmem>>)
      %dma_start3A_183 = arith.constant 0 : i32
      %dma_start3A_184 = tpu.memref_slice %arg9[%add3A_176, %dma_start3A_183] : memref<125x80xi32, #tpu.memory_space<vmem>> -> memref<1x80xi32, #tpu.memory_space<vmem>>
      %dma_start3A_185 = tpu.memref_squeeze %dma_start3A_184 : memref<1x80xi32, #tpu.memory_space<vmem>> -> memref<80xi32, #tpu.memory_space<vmem>>
      %dma_start3A_186 = arith.constant 0 : i32
      %dma_start3A_187 = arith.constant 0 : i32
      %dma_start3A_188 = tpu.memref_slice %arg7[%dma_start3A_186, %dma_start3A_187] : memref<20480x16xbf16, #tpu.memory_space<vmem_shared>> -> memref<20480x16xbf16, #tpu.memory_space<vmem_shared>>
      tpu.enqueue_indirect_dma source(%arg13 : memref<80x16xbf16, #tpu.memory_space<vmem>>) target(%dma_start3A_188 : memref<20480x16xbf16, #tpu.memory_space<vmem_shared>>) offsets(%dma_start3A_185 : memref<80xi32, #tpu.memory_space<vmem>>) semaphore(%arg16 : memref<!tpu.dma_semaphore, #tpu.memory_space<semaphore_mem>>) {add = true}
      %ge3A_189 = arith.constant 1 : i32
      %ge3A_190 = arith.cmpi sge, %add3A_176, %ge3A_189 : i32
      %convert_element_type3A_191 = arith.extui %ge3A_190 : i1 to i32
      %cond3A_192 = arith.constant 0 : i32
      %cond3A_193 = arith.cmpi ne, %convert_element_type3A_191, %cond3A_192 : i32
      scf.if %cond3A_193 {
        %dma_wait3A_227 = arith.constant 0 : i32
        %dma_wait3A_228 = tpu.memref_slice %arg9[%add3A_176, %dma_wait3A_227] : memref<125x80xi32, #tpu.memory_space<vmem>> -> memref<1x80xi32, #tpu.memory_space<vmem>>
        %dma_wait3A_229 = tpu.memref_squeeze %dma_wait3A_228 : memref<1x80xi32, #tpu.memory_space<vmem>> -> memref<80xi32, #tpu.memory_space<vmem>>
        %dma_wait3A_230 = arith.constant 0 : i32
        %dma_wait3A_231 = arith.constant 0 : i32
        %dma_wait3A_232 = tpu.memref_slice %arg7[%dma_wait3A_230, %dma_wait3A_231] : memref<20480x16xbf16, #tpu.memory_space<vmem_shared>> -> memref<20480x16xbf16, #tpu.memory_space<vmem_shared>>
        tpu.wait_indirect_dma semaphore(%arg16 : memref<!tpu.dma_semaphore, #tpu.memory_space<semaphore_mem>>) src(%arg12 : memref<80x16xbf16, #tpu.memory_space<vmem>>) dst(%dma_wait3A_232 : memref<20480x16xbf16, #tpu.memory_space<vmem_shared>>)
      } else {
      }
      %add3A_194 = arith.constant 4 : i32
      %add3A_195 = arith.addi %add3A_176, %add3A_194 : i32
      %lt3A_196 = arith.constant 125 : i32
      %lt3A_197 = arith.cmpi slt, %add3A_195, %lt3A_196 : i32
      %convert_element_type3A_198 = arith.extui %lt3A_197 : i1 to i32
      %cond3A_199 = arith.constant 0 : i32
      %cond3A_200 = arith.cmpi ne, %convert_element_type3A_198, %cond3A_199 : i32
      scf.if %cond3A_200 {
        %add3A_227 = arith.constant 4 : i32
        %add3A_228 = arith.addi %add3A_176, %add3A_227 : i32
        %dma_start3A_229 = arith.constant 0 : i32
        %dma_start3A_230 = tpu.memref_slice %arg8[%add3A_228, %dma_start3A_229] : memref<125x80xi32, #tpu.memory_space<vmem>> -> memref<1x80xi32, #tpu.memory_space<vmem>>
        %dma_start3A_231 = tpu.memref_squeeze %dma_start3A_230 : memref<1x80xi32, #tpu.memory_space<vmem>> -> memref<80xi32, #tpu.memory_space<vmem>>
        %dma_start3A_232 = arith.constant 0 : i32
        %dma_start3A_233 = arith.constant 0 : i32
        %dma_start3A_234 = tpu.memref_slice %arg2[%dma_start3A_232, %dma_start3A_233] : memref<20000x16xbf16, #tpu.memory_space<hbm>> -> memref<20000x16xbf16, #tpu.memory_space<hbm>>
        tpu.enqueue_indirect_dma source(%dma_start3A_234 : memref<20000x16xbf16, #tpu.memory_space<hbm>>) target(%arg12 : memref<80x16xbf16, #tpu.memory_space<vmem>>) offsets(%dma_start3A_231 : memref<80xi32, #tpu.memory_space<vmem>>) semaphore(%arg15 : memref<!tpu.dma_semaphore, #tpu.memory_space<semaphore_mem>>)
      } else {
      }
      %add3A_201 = arith.constant 4 : i32
      %add3A_202 = arith.addi %add3A_98, %add3A_201 : i32
      %dma_wait3A_203 = arith.constant 0 : i32
      %dma_wait3A_204 = tpu.memref_slice %arg8[%add3A_202, %dma_wait3A_203] : memref<125x80xi32, #tpu.memory_space<vmem>> -> memref<1x80xi32, #tpu.memory_space<vmem>>
      %dma_wait3A_205 = tpu.memref_squeeze %dma_wait3A_204 : memref<1x80xi32, #tpu.memory_space<vmem>> -> memref<80xi32, #tpu.memory_space<vmem>>
      %dma_wait3A_206 = arith.constant 0 : i32
      %dma_wait3A_207 = arith.constant 0 : i32
      %dma_wait3A_208 = tpu.memref_slice %arg2[%dma_wait3A_206, %dma_wait3A_207] : memref<20000x16xbf16, #tpu.memory_space<hbm>> -> memref<20000x16xbf16, #tpu.memory_space<hbm>>
      tpu.wait_indirect_dma semaphore(%arg15 : memref<!tpu.dma_semaphore, #tpu.memory_space<semaphore_mem>>) src(%dma_wait3A_208 : memref<20000x16xbf16, #tpu.memory_space<hbm>>) dst(%arg14 : memref<80x16xbf16, #tpu.memory_space<vmem>>)
      %dma_start3A_209 = arith.constant 0 : i32
      %dma_start3A_210 = tpu.memref_slice %arg9[%add3A_202, %dma_start3A_209] : memref<125x80xi32, #tpu.memory_space<vmem>> -> memref<1x80xi32, #tpu.memory_space<vmem>>
      %dma_start3A_211 = tpu.memref_squeeze %dma_start3A_210 : memref<1x80xi32, #tpu.memory_space<vmem>> -> memref<80xi32, #tpu.memory_space<vmem>>
      %dma_start3A_212 = arith.constant 0 : i32
      %dma_start3A_213 = arith.constant 0 : i32
      %dma_start3A_214 = tpu.memref_slice %arg7[%dma_start3A_212, %dma_start3A_213] : memref<20480x16xbf16, #tpu.memory_space<vmem_shared>> -> memref<20480x16xbf16, #tpu.memory_space<vmem_shared>>
      tpu.enqueue_indirect_dma source(%arg14 : memref<80x16xbf16, #tpu.memory_space<vmem>>) target(%dma_start3A_214 : memref<20480x16xbf16, #tpu.memory_space<vmem_shared>>) offsets(%dma_start3A_211 : memref<80xi32, #tpu.memory_space<vmem>>) semaphore(%arg16 : memref<!tpu.dma_semaphore, #tpu.memory_space<semaphore_mem>>) {add = true}
      %ge3A_215 = arith.constant 1 : i32
      %ge3A_216 = arith.cmpi sge, %add3A_202, %ge3A_215 : i32
      %convert_element_type3A_217 = arith.extui %ge3A_216 : i1 to i32
      %cond3A_218 = arith.constant 0 : i32
      %cond3A_219 = arith.cmpi ne, %convert_element_type3A_217, %cond3A_218 : i32
      scf.if %cond3A_219 {
        %dma_wait3A_227 = arith.constant 0 : i32
        %dma_wait3A_228 = tpu.memref_slice %arg9[%add3A_202, %dma_wait3A_227] : memref<125x80xi32, #tpu.memory_space<vmem>> -> memref<1x80xi32, #tpu.memory_space<vmem>>
        %dma_wait3A_229 = tpu.memref_squeeze %dma_wait3A_228 : memref<1x80xi32, #tpu.memory_space<vmem>> -> memref<80xi32, #tpu.memory_space<vmem>>
        %dma_wait3A_230 = arith.constant 0 : i32
        %dma_wait3A_231 = arith.constant 0 : i32
        %dma_wait3A_232 = tpu.memref_slice %arg7[%dma_wait3A_230, %dma_wait3A_231] : memref<20480x16xbf16, #tpu.memory_space<vmem_shared>> -> memref<20480x16xbf16, #tpu.memory_space<vmem_shared>>
        tpu.wait_indirect_dma semaphore(%arg16 : memref<!tpu.dma_semaphore, #tpu.memory_space<semaphore_mem>>) src(%arg13 : memref<80x16xbf16, #tpu.memory_space<vmem>>) dst(%dma_wait3A_232 : memref<20480x16xbf16, #tpu.memory_space<vmem_shared>>)
      } else {
      }
      %add3A_220 = arith.constant 4 : i32
      %add3A_221 = arith.addi %add3A_202, %add3A_220 : i32
      %lt3A_222 = arith.constant 125 : i32
      %lt3A_223 = arith.cmpi slt, %add3A_221, %lt3A_222 : i32
      %convert_element_type3A_224 = arith.extui %lt3A_223 : i1 to i32
      %cond3A_225 = arith.constant 0 : i32
      %cond3A_226 = arith.cmpi ne, %convert_element_type3A_224, %cond3A_225 : i32
      scf.if %cond3A_226 {
        %add3A_227 = arith.constant 4 : i32
        %add3A_228 = arith.addi %add3A_202, %add3A_227 : i32
        %dma_start3A_229 = arith.constant 0 : i32
        %dma_start3A_230 = tpu.memref_slice %arg8[%add3A_228, %dma_start3A_229] : memref<125x80xi32, #tpu.memory_space<vmem>> -> memref<1x80xi32, #tpu.memory_space<vmem>>
        %dma_start3A_231 = tpu.memref_squeeze %dma_start3A_230 : memref<1x80xi32, #tpu.memory_space<vmem>> -> memref<80xi32, #tpu.memory_space<vmem>>
        %dma_start3A_232 = arith.constant 0 : i32
        %dma_start3A_233 = arith.constant 0 : i32
        %dma_start3A_234 = tpu.memref_slice %arg2[%dma_start3A_232, %dma_start3A_233] : memref<20000x16xbf16, #tpu.memory_space<hbm>> -> memref<20000x16xbf16, #tpu.memory_space<hbm>>
        tpu.enqueue_indirect_dma source(%dma_start3A_234 : memref<20000x16xbf16, #tpu.memory_space<hbm>>) target(%arg13 : memref<80x16xbf16, #tpu.memory_space<vmem>>) offsets(%dma_start3A_231 : memref<80xi32, #tpu.memory_space<vmem>>) semaphore(%arg15 : memref<!tpu.dma_semaphore, #tpu.memory_space<semaphore_mem>>)
      } else {
      }
    }
    %scan3A_77 = arith.constant 25 : i32
    %dma_wait3A_78 = arith.constant 0 : i32
    %dma_wait3A_79 = arith.constant 0 : i32
    %dma_wait3A_80 = tpu.memref_slice %arg9[%dma_wait3A_78, %dma_wait3A_79] : memref<125x80xi32, #tpu.memory_space<vmem>> -> memref<1x80xi32, #tpu.memory_space<vmem>>
    %dma_wait3A_81 = tpu.memref_squeeze %dma_wait3A_80 : memref<1x80xi32, #tpu.memory_space<vmem>> -> memref<80xi32, #tpu.memory_space<vmem>>
    %dma_wait3A_82 = arith.constant 0 : i32
    %dma_wait3A_83 = arith.constant 0 : i32
    %dma_wait3A_84 = tpu.memref_slice %arg7[%dma_wait3A_82, %dma_wait3A_83] : memref<20480x16xbf16, #tpu.memory_space<vmem_shared>> -> memref<20480x16xbf16, #tpu.memory_space<vmem_shared>>
    tpu.wait_indirect_dma semaphore(%arg16 : memref<!tpu.dma_semaphore, #tpu.memory_space<semaphore_mem>>) src(%arg10 : memref<80x16xbf16, #tpu.memory_space<vmem>>) dst(%dma_wait3A_84 : memref<20480x16xbf16, #tpu.memory_space<vmem_shared>>)
    %barrier3A_85 = arith.constant 0 : index
    tpu.barrier barrier_id(%barrier3A_85)
    %mul3A_86 = arith.constant 1280 : i32
    %mul3A_87 = arith.muli %arg1, %mul3A_86 : i32
    %eq3A = arith.constant 0 : i32
    %eq3A_88 = arith.cmpi eq, %arg0, %eq3A : i32
    %convert_element_type3A = arith.extui %eq3A_88 : i1 to i32
    %cond3A = arith.constant 0 : i32
    %cond3A_89 = arith.cmpi ne, %convert_element_type3A, %cond3A : i32
    scf.if %cond3A_89 {
      "tpu.region"() ({
        %run_scoped3A_95 = tpu.sem_alloc : memref<!tpu.dma_semaphore, #tpu.memory_space<semaphore_mem>>
        %dma_start3A_96 = arith.constant 0 : i32
        %dma_start3A_97 = tpu.memref_slice %arg5[%mul3A_87, %dma_start3A_96] : memref<20480x16xbf16, #tpu.memory_space<hbm>> -> memref<1280x16xbf16, #tpu.memory_space<hbm>>
        %dma_start3A_98 = arith.constant 0 : i32
        %dma_start3A_99 = tpu.memref_slice %arg7[%mul3A_87, %dma_start3A_98] : memref<20480x16xbf16, #tpu.memory_space<vmem_shared>> -> memref<1280x16xbf16, #tpu.memory_space<vmem_shared>>
        tpu.enqueue_dma source(%dma_start3A_99 : memref<1280x16xbf16, #tpu.memory_space<vmem_shared>>) target(%dma_start3A_97 : memref<1280x16xbf16, #tpu.memory_space<hbm>>) target_semaphore(%run_scoped3A_95 : memref<!tpu.dma_semaphore, #tpu.memory_space<semaphore_mem>>)
        %dma_wait3A_100 = arith.constant 0 : i32
        %dma_wait3A_101 = tpu.memref_slice %arg5[%mul3A_87, %dma_wait3A_100] : memref<20480x16xbf16, #tpu.memory_space<hbm>> -> memref<1280x16xbf16, #tpu.memory_space<hbm>>
        %dma_wait3A_102 = arith.constant 0 : i32
        %dma_wait3A_103 = tpu.memref_slice %arg7[%mul3A_87, %dma_wait3A_102] : memref<20480x16xbf16, #tpu.memory_space<vmem_shared>> -> memref<1280x16xbf16, #tpu.memory_space<vmem_shared>>
        tpu.wait_dma2 semaphore(%run_scoped3A_95 : memref<!tpu.dma_semaphore, #tpu.memory_space<semaphore_mem>>) src(%dma_wait3A_103 : memref<1280x16xbf16, #tpu.memory_space<vmem_shared>>) dst(%dma_wait3A_101 : memref<1280x16xbf16, #tpu.memory_space<hbm>>)
        tpu.yield
      }) : () -> ()
    } else {
    }
    %eq3A_90 = arith.constant 1 : i32
    %eq3A_91 = arith.cmpi eq, %arg0, %eq3A_90 : i32
    %convert_element_type3A_92 = arith.extui %eq3A_91 : i1 to i32
    %cond3A_93 = arith.constant 0 : i32
    %cond3A_94 = arith.cmpi ne, %convert_element_type3A_92, %cond3A_93 : i32
    scf.if %cond3A_94 {
      "tpu.region"() ({
        %run_scoped3A_95 = tpu.sem_alloc : memref<!tpu.dma_semaphore, #tpu.memory_space<semaphore_mem>>
        %dma_start3A_96 = arith.constant 0 : i32
        %dma_start3A_97 = tpu.memref_slice %arg6[%mul3A_87, %dma_start3A_96] : memref<20480x16xbf16, #tpu.memory_space<hbm>> -> memref<1280x16xbf16, #tpu.memory_space<hbm>>
        %dma_start3A_98 = arith.constant 0 : i32
        %dma_start3A_99 = tpu.memref_slice %arg7[%mul3A_87, %dma_start3A_98] : memref<20480x16xbf16, #tpu.memory_space<vmem_shared>> -> memref<1280x16xbf16, #tpu.memory_space<vmem_shared>>
        tpu.enqueue_dma source(%dma_start3A_99 : memref<1280x16xbf16, #tpu.memory_space<vmem_shared>>) target(%dma_start3A_97 : memref<1280x16xbf16, #tpu.memory_space<hbm>>) target_semaphore(%run_scoped3A_95 : memref<!tpu.dma_semaphore, #tpu.memory_space<semaphore_mem>>)
        %dma_wait3A_100 = arith.constant 0 : i32
        %dma_wait3A_101 = tpu.memref_slice %arg6[%mul3A_87, %dma_wait3A_100] : memref<20480x16xbf16, #tpu.memory_space<hbm>> -> memref<1280x16xbf16, #tpu.memory_space<hbm>>
        %dma_wait3A_102 = arith.constant 0 : i32
        %dma_wait3A_103 = tpu.memref_slice %arg7[%mul3A_87, %dma_wait3A_102] : memref<20480x16xbf16, #tpu.memory_space<vmem_shared>> -> memref<1280x16xbf16, #tpu.memory_space<vmem_shared>>
        tpu.wait_dma2 semaphore(%run_scoped3A_95 : memref<!tpu.dma_semaphore, #tpu.memory_space<semaphore_mem>>) src(%dma_wait3A_103 : memref<1280x16xbf16, #tpu.memory_space<vmem_shared>>) dst(%dma_wait3A_101 : memref<1280x16xbf16, #tpu.memory_space<hbm>>)
        tpu.yield
      }) : () -> ()
    } else {
    }
    return
  }
}

#map = affine_map<(d0, d1) -> (0, 0)>
#map1 = affine_map<(d0, d1) -> (0, 0, 0, 0, 0)>
module attributes {stable_mosaic.version = 14 : i64} {
  func.func @_sc1_body(%arg0: i32, %arg1: i32, %arg2: memref<20000x32xf32, #tpu.memory_space<hbm>>, %arg3: memref<2x16x2x250x80xi32, #tpu.memory_space<hbm>>, %arg4: memref<20000x32xf32, #tpu.memory_space<hbm>>, %arg5: memref<2x16x2x250x80xi32, #tpu.memory_space<hbm>>, %arg6: memref<1280x32xf32, #tpu.memory_space<hbm>>, %arg7: memref<20480x32xf32, #tpu.memory_space<hbm>>, %arg8: memref<20480x32xf32, #tpu.memory_space<hbm>>, %arg9: memref<20480x32xf32, #tpu.memory_space<vmem_shared>>, %arg10: memref<250x80xi32, #tpu.memory_space<vmem>>, %arg11: memref<250x80xi32, #tpu.memory_space<vmem>>, %arg12: memref<80x32xf32, #tpu.memory_space<vmem>>, %arg13: memref<80x32xf32, #tpu.memory_space<vmem>>, %arg14: memref<80x32xf32, #tpu.memory_space<vmem>>, %arg15: memref<80x32xf32, #tpu.memory_space<vmem>>, %arg16: memref<80x32xf32, #tpu.memory_space<vmem>>, %arg17: memref<80x32xf32, #tpu.memory_space<vmem>>, %arg18: memref<80x32xf32, #tpu.memory_space<vmem>>, %arg19: memref<80x32xf32, #tpu.memory_space<vmem>>, %arg20: memref<80x32xf32, #tpu.memory_space<vmem>>, %arg21: memref<80x32xf32, #tpu.memory_space<vmem>>, %arg22: memref<!tpu.dma_semaphore, #tpu.memory_space<semaphore_mem>>, %arg23: memref<!tpu.dma_semaphore, #tpu.memory_space<semaphore_mem>>) attributes {dimension_semantics = [#tpu.dimension_semantics<core_parallel>, #tpu.dimension_semantics<subcore_parallel>], iteration_bounds = array<i64: 2, 16>, scalar_prefetch = 0 : i64, scratch_operands = 15 : i64, tpu.core_type = #tpu.core_type<sc_vector_subcore>, window_params = [{transform_indices = #map}, {transform_indices = #map1}, {transform_indices = #map}, {transform_indices = #map1}, {transform_indices = #map}, {transform_indices = #map}, {transform_indices = #map}]} {
    %mul3A = arith.constant 1280 : i32
    %mul3A_0 = arith.muli %arg1, %mul3A : i32
    "tpu.region"() ({
      %run_scoped3A = tpu.sem_alloc : memref<!tpu.dma_semaphore, #tpu.memory_space<semaphore_mem>>
      %dma_start3A = arith.constant 0 : i32
      %dma_start3A_31 = tpu.memref_slice %arg9[%mul3A_0, %dma_start3A] : memref<20480x32xf32, #tpu.memory_space<vmem_shared>> -> memref<1280x32xf32, #tpu.memory_space<vmem_shared>>
      tpu.enqueue_dma source(%arg6 : memref<1280x32xf32, #tpu.memory_space<hbm>>) target(%dma_start3A_31 : memref<1280x32xf32, #tpu.memory_space<vmem_shared>>) target_semaphore(%run_scoped3A : memref<!tpu.dma_semaphore, #tpu.memory_space<semaphore_mem>>)
      %dma_wait3A = arith.constant 0 : i32
      %dma_wait3A_32 = tpu.memref_slice %arg9[%mul3A_0, %dma_wait3A] : memref<20480x32xf32, #tpu.memory_space<vmem_shared>> -> memref<1280x32xf32, #tpu.memory_space<vmem_shared>>
      tpu.wait_dma2 semaphore(%run_scoped3A : memref<!tpu.dma_semaphore, #tpu.memory_space<semaphore_mem>>) src(%arg6 : memref<1280x32xf32, #tpu.memory_space<hbm>>) dst(%dma_wait3A_32 : memref<1280x32xf32, #tpu.memory_space<vmem_shared>>)
      tpu.yield
    }) : () -> ()
    %barrier3A = arith.constant 0 : index
    tpu.barrier barrier_id(%barrier3A)
    %eq3A = arith.constant 0 : i32
    %eq3A_1 = arith.cmpi eq, %arg0, %eq3A : i32
    %convert_element_type3A = arith.extui %eq3A_1 : i1 to i32
    %cond3A = arith.constant 0 : i32
    %cond3A_2 = arith.cmpi ne, %convert_element_type3A, %cond3A : i32
    scf.if %cond3A_2 {
      %run_scoped3A = arith.constant 0 : i32
      %run_scoped3A_31 = arith.constant 0 : i32
      "tpu.region"() ({
        %run_scoped3A_106 = tpu.sem_alloc : memref<!tpu.dma_semaphore, #tpu.memory_space<semaphore_mem>>
        %dma_start3A_107 = arith.constant 0 : i32
        %dma_start3A_108 = arith.constant 0 : i32
        %dma_start3A_109 = tpu.memref_slice %arg3[%run_scoped3A, %arg1, %run_scoped3A_31, %dma_start3A_107, %dma_start3A_108] : memref<2x16x2x250x80xi32, #tpu.memory_space<hbm>> -> memref<1x1x1x250x80xi32, #tpu.memory_space<hbm>>
        %dma_start3A_110 = tpu.memref_squeeze %dma_start3A_109 : memref<1x1x1x250x80xi32, #tpu.memory_space<hbm>> -> memref<250x80xi32, #tpu.memory_space<hbm>>
        %dma_start3A_111 = arith.constant 0 : i32
        %dma_start3A_112 = arith.constant 0 : i32
        %dma_start3A_113 = tpu.memref_slice %arg3[%run_scoped3A, %arg1, %run_scoped3A_31, %dma_start3A_111, %dma_start3A_112] : memref<2x16x2x250x80xi32, #tpu.memory_space<hbm>> -> memref<1x1x1x250x80xi32, #tpu.memory_space<hbm>>
        %dma_start3A_114 = tpu.memref_squeeze %dma_start3A_113 : memref<1x1x1x250x80xi32, #tpu.memory_space<hbm>> -> memref<250x80xi32, #tpu.memory_space<hbm>>
        tpu.enqueue_dma source(%dma_start3A_114 : memref<250x80xi32, #tpu.memory_space<hbm>>) target(%arg10 : memref<250x80xi32, #tpu.memory_space<vmem>>) target_semaphore(%run_scoped3A_106 : memref<!tpu.dma_semaphore, #tpu.memory_space<semaphore_mem>>)
        %dma_wait3A_115 = arith.constant 0 : i32
        %dma_wait3A_116 = arith.constant 0 : i32
        %dma_wait3A_117 = tpu.memref_slice %arg3[%run_scoped3A, %arg1, %run_scoped3A_31, %dma_wait3A_115, %dma_wait3A_116] : memref<2x16x2x250x80xi32, #tpu.memory_space<hbm>> -> memref<1x1x1x250x80xi32, #tpu.memory_space<hbm>>
        %dma_wait3A_118 = tpu.memref_squeeze %dma_wait3A_117 : memref<1x1x1x250x80xi32, #tpu.memory_space<hbm>> -> memref<250x80xi32, #tpu.memory_space<hbm>>
        %dma_wait3A_119 = arith.constant 0 : i32
        %dma_wait3A_120 = arith.constant 0 : i32
        %dma_wait3A_121 = tpu.memref_slice %arg3[%run_scoped3A, %arg1, %run_scoped3A_31, %dma_wait3A_119, %dma_wait3A_120] : memref<2x16x2x250x80xi32, #tpu.memory_space<hbm>> -> memref<1x1x1x250x80xi32, #tpu.memory_space<hbm>>
        %dma_wait3A_122 = tpu.memref_squeeze %dma_wait3A_121 : memref<1x1x1x250x80xi32, #tpu.memory_space<hbm>> -> memref<250x80xi32, #tpu.memory_space<hbm>>
        tpu.wait_dma2 semaphore(%run_scoped3A_106 : memref<!tpu.dma_semaphore, #tpu.memory_space<semaphore_mem>>) src(%dma_wait3A_122 : memref<250x80xi32, #tpu.memory_space<hbm>>) dst(%arg10 : memref<250x80xi32, #tpu.memory_space<vmem>>)
        tpu.yield
      }) : () -> ()
      %run_scoped3A_32 = arith.constant 1 : i32
      %run_scoped3A_33 = arith.constant 0 : i32
      "tpu.region"() ({
        %run_scoped3A_106 = tpu.sem_alloc : memref<!tpu.dma_semaphore, #tpu.memory_space<semaphore_mem>>
        %dma_start3A_107 = arith.constant 0 : i32
        %dma_start3A_108 = arith.constant 0 : i32
        %dma_start3A_109 = tpu.memref_slice %arg3[%run_scoped3A_32, %arg1, %run_scoped3A_33, %dma_start3A_107, %dma_start3A_108] : memref<2x16x2x250x80xi32, #tpu.memory_space<hbm>> -> memref<1x1x1x250x80xi32, #tpu.memory_space<hbm>>
        %dma_start3A_110 = tpu.memref_squeeze %dma_start3A_109 : memref<1x1x1x250x80xi32, #tpu.memory_space<hbm>> -> memref<250x80xi32, #tpu.memory_space<hbm>>
        %dma_start3A_111 = arith.constant 0 : i32
        %dma_start3A_112 = arith.constant 0 : i32
        %dma_start3A_113 = tpu.memref_slice %arg3[%run_scoped3A_32, %arg1, %run_scoped3A_33, %dma_start3A_111, %dma_start3A_112] : memref<2x16x2x250x80xi32, #tpu.memory_space<hbm>> -> memref<1x1x1x250x80xi32, #tpu.memory_space<hbm>>
        %dma_start3A_114 = tpu.memref_squeeze %dma_start3A_113 : memref<1x1x1x250x80xi32, #tpu.memory_space<hbm>> -> memref<250x80xi32, #tpu.memory_space<hbm>>
        tpu.enqueue_dma source(%dma_start3A_114 : memref<250x80xi32, #tpu.memory_space<hbm>>) target(%arg11 : memref<250x80xi32, #tpu.memory_space<vmem>>) target_semaphore(%run_scoped3A_106 : memref<!tpu.dma_semaphore, #tpu.memory_space<semaphore_mem>>)
        %dma_wait3A_115 = arith.constant 0 : i32
        %dma_wait3A_116 = arith.constant 0 : i32
        %dma_wait3A_117 = tpu.memref_slice %arg3[%run_scoped3A_32, %arg1, %run_scoped3A_33, %dma_wait3A_115, %dma_wait3A_116] : memref<2x16x2x250x80xi32, #tpu.memory_space<hbm>> -> memref<1x1x1x250x80xi32, #tpu.memory_space<hbm>>
        %dma_wait3A_118 = tpu.memref_squeeze %dma_wait3A_117 : memref<1x1x1x250x80xi32, #tpu.memory_space<hbm>> -> memref<250x80xi32, #tpu.memory_space<hbm>>
        %dma_wait3A_119 = arith.constant 0 : i32
        %dma_wait3A_120 = arith.constant 0 : i32
        %dma_wait3A_121 = tpu.memref_slice %arg3[%run_scoped3A_32, %arg1, %run_scoped3A_33, %dma_wait3A_119, %dma_wait3A_120] : memref<2x16x2x250x80xi32, #tpu.memory_space<hbm>> -> memref<1x1x1x250x80xi32, #tpu.memory_space<hbm>>
        %dma_wait3A_122 = tpu.memref_squeeze %dma_wait3A_121 : memref<1x1x1x250x80xi32, #tpu.memory_space<hbm>> -> memref<250x80xi32, #tpu.memory_space<hbm>>
        tpu.wait_dma2 semaphore(%run_scoped3A_106 : memref<!tpu.dma_semaphore, #tpu.memory_space<semaphore_mem>>) src(%dma_wait3A_122 : memref<250x80xi32, #tpu.memory_space<hbm>>) dst(%arg11 : memref<250x80xi32, #tpu.memory_space<vmem>>)
        tpu.yield
      }) : () -> ()
      %dma_start3A = arith.constant 0 : i32
      %dma_start3A_34 = arith.constant 0 : i32
      %dma_start3A_35 = tpu.memref_slice %arg10[%dma_start3A, %dma_start3A_34] : memref<250x80xi32, #tpu.memory_space<vmem>> -> memref<1x80xi32, #tpu.memory_space<vmem>>
      %dma_start3A_36 = tpu.memref_squeeze %dma_start3A_35 : memref<1x80xi32, #tpu.memory_space<vmem>> -> memref<80xi32, #tpu.memory_space<vmem>>
      %dma_start3A_37 = arith.constant 0 : i32
      %dma_start3A_38 = arith.constant 0 : i32
      %dma_start3A_39 = tpu.memref_slice %arg2[%dma_start3A_37, %dma_start3A_38] : memref<20000x32xf32, #tpu.memory_space<hbm>> -> memref<20000x32xf32, #tpu.memory_space<hbm>>
      tpu.enqueue_indirect_dma source(%dma_start3A_39 : memref<20000x32xf32, #tpu.memory_space<hbm>>) target(%arg12 : memref<80x32xf32, #tpu.memory_space<vmem>>) offsets(%dma_start3A_36 : memref<80xi32, #tpu.memory_space<vmem>>) semaphore(%arg22 : memref<!tpu.dma_semaphore, #tpu.memory_space<semaphore_mem>>)
      %dma_start3A_40 = arith.constant 1 : i32
      %dma_start3A_41 = arith.constant 0 : i32
      %dma_start3A_42 = tpu.memref_slice %arg10[%dma_start3A_40, %dma_start3A_41] : memref<250x80xi32, #tpu.memory_space<vmem>> -> memref<1x80xi32, #tpu.memory_space<vmem>>
      %dma_start3A_43 = tpu.memref_squeeze %dma_start3A_42 : memref<1x80xi32, #tpu.memory_space<vmem>> -> memref<80xi32, #tpu.memory_space<vmem>>
      %dma_start3A_44 = arith.constant 0 : i32
      %dma_start3A_45 = arith.constant 0 : i32
      %dma_start3A_46 = tpu.memref_slice %arg2[%dma_start3A_44, %dma_start3A_45] : memref<20000x32xf32, #tpu.memory_space<hbm>> -> memref<20000x32xf32, #tpu.memory_space<hbm>>
      tpu.enqueue_indirect_dma source(%dma_start3A_46 : memref<20000x32xf32, #tpu.memory_space<hbm>>) target(%arg13 : memref<80x32xf32, #tpu.memory_space<vmem>>) offsets(%dma_start3A_43 : memref<80xi32, #tpu.memory_space<vmem>>) semaphore(%arg22 : memref<!tpu.dma_semaphore, #tpu.memory_space<semaphore_mem>>)
      %dma_start3A_47 = arith.constant 2 : i32
      %dma_start3A_48 = arith.constant 0 : i32
      %dma_start3A_49 = tpu.memref_slice %arg10[%dma_start3A_47, %dma_start3A_48] : memref<250x80xi32, #tpu.memory_space<vmem>> -> memref<1x80xi32, #tpu.memory_space<vmem>>
      %dma_start3A_50 = tpu.memref_squeeze %dma_start3A_49 : memref<1x80xi32, #tpu.memory_space<vmem>> -> memref<80xi32, #tpu.memory_space<vmem>>
      %dma_start3A_51 = arith.constant 0 : i32
      %dma_start3A_52 = arith.constant 0 : i32
      %dma_start3A_53 = tpu.memref_slice %arg2[%dma_start3A_51, %dma_start3A_52] : memref<20000x32xf32, #tpu.memory_space<hbm>> -> memref<20000x32xf32, #tpu.memory_space<hbm>>
      tpu.enqueue_indirect_dma source(%dma_start3A_53 : memref<20000x32xf32, #tpu.memory_space<hbm>>) target(%arg14 : memref<80x32xf32, #tpu.memory_space<vmem>>) offsets(%dma_start3A_50 : memref<80xi32, #tpu.memory_space<vmem>>) semaphore(%arg22 : memref<!tpu.dma_semaphore, #tpu.memory_space<semaphore_mem>>)
      %dma_start3A_54 = arith.constant 3 : i32
      %dma_start3A_55 = arith.constant 0 : i32
      %dma_start3A_56 = tpu.memref_slice %arg10[%dma_start3A_54, %dma_start3A_55] : memref<250x80xi32, #tpu.memory_space<vmem>> -> memref<1x80xi32, #tpu.memory_space<vmem>>
      %dma_start3A_57 = tpu.memref_squeeze %dma_start3A_56 : memref<1x80xi32, #tpu.memory_space<vmem>> -> memref<80xi32, #tpu.memory_space<vmem>>
      %dma_start3A_58 = arith.constant 0 : i32
      %dma_start3A_59 = arith.constant 0 : i32
      %dma_start3A_60 = tpu.memref_slice %arg2[%dma_start3A_58, %dma_start3A_59] : memref<20000x32xf32, #tpu.memory_space<hbm>> -> memref<20000x32xf32, #tpu.memory_space<hbm>>
      tpu.enqueue_indirect_dma source(%dma_start3A_60 : memref<20000x32xf32, #tpu.memory_space<hbm>>) target(%arg15 : memref<80x32xf32, #tpu.memory_space<vmem>>) offsets(%dma_start3A_57 : memref<80xi32, #tpu.memory_space<vmem>>) semaphore(%arg22 : memref<!tpu.dma_semaphore, #tpu.memory_space<semaphore_mem>>)
      %dma_start3A_61 = arith.constant 4 : i32
      %dma_start3A_62 = arith.constant 0 : i32
      %dma_start3A_63 = tpu.memref_slice %arg10[%dma_start3A_61, %dma_start3A_62] : memref<250x80xi32, #tpu.memory_space<vmem>> -> memref<1x80xi32, #tpu.memory_space<vmem>>
      %dma_start3A_64 = tpu.memref_squeeze %dma_start3A_63 : memref<1x80xi32, #tpu.memory_space<vmem>> -> memref<80xi32, #tpu.memory_space<vmem>>
      %dma_start3A_65 = arith.constant 0 : i32
      %dma_start3A_66 = arith.constant 0 : i32
      %dma_start3A_67 = tpu.memref_slice %arg2[%dma_start3A_65, %dma_start3A_66] : memref<20000x32xf32, #tpu.memory_space<hbm>> -> memref<20000x32xf32, #tpu.memory_space<hbm>>
      tpu.enqueue_indirect_dma source(%dma_start3A_67 : memref<20000x32xf32, #tpu.memory_space<hbm>>) target(%arg16 : memref<80x32xf32, #tpu.memory_space<vmem>>) offsets(%dma_start3A_64 : memref<80xi32, #tpu.memory_space<vmem>>) semaphore(%arg22 : memref<!tpu.dma_semaphore, #tpu.memory_space<semaphore_mem>>)
      %dma_start3A_68 = arith.constant 5 : i32
      %dma_start3A_69 = arith.constant 0 : i32
      %dma_start3A_70 = tpu.memref_slice %arg10[%dma_start3A_68, %dma_start3A_69] : memref<250x80xi32, #tpu.memory_space<vmem>> -> memref<1x80xi32, #tpu.memory_space<vmem>>
      %dma_start3A_71 = tpu.memref_squeeze %dma_start3A_70 : memref<1x80xi32, #tpu.memory_space<vmem>> -> memref<80xi32, #tpu.memory_space<vmem>>
      %dma_start3A_72 = arith.constant 0 : i32
      %dma_start3A_73 = arith.constant 0 : i32
      %dma_start3A_74 = tpu.memref_slice %arg2[%dma_start3A_72, %dma_start3A_73] : memref<20000x32xf32, #tpu.memory_space<hbm>> -> memref<20000x32xf32, #tpu.memory_space<hbm>>
      tpu.enqueue_indirect_dma source(%dma_start3A_74 : memref<20000x32xf32, #tpu.memory_space<hbm>>) target(%arg17 : memref<80x32xf32, #tpu.memory_space<vmem>>) offsets(%dma_start3A_71 : memref<80xi32, #tpu.memory_space<vmem>>) semaphore(%arg22 : memref<!tpu.dma_semaphore, #tpu.memory_space<semaphore_mem>>)
      %dma_start3A_75 = arith.constant 6 : i32
      %dma_start3A_76 = arith.constant 0 : i32
      %dma_start3A_77 = tpu.memref_slice %arg10[%dma_start3A_75, %dma_start3A_76] : memref<250x80xi32, #tpu.memory_space<vmem>> -> memref<1x80xi32, #tpu.memory_space<vmem>>
      %dma_start3A_78 = tpu.memref_squeeze %dma_start3A_77 : memref<1x80xi32, #tpu.memory_space<vmem>> -> memref<80xi32, #tpu.memory_space<vmem>>
      %dma_start3A_79 = arith.constant 0 : i32
      %dma_start3A_80 = arith.constant 0 : i32
      %dma_start3A_81 = tpu.memref_slice %arg2[%dma_start3A_79, %dma_start3A_80] : memref<20000x32xf32, #tpu.memory_space<hbm>> -> memref<20000x32xf32, #tpu.memory_space<hbm>>
      tpu.enqueue_indirect_dma source(%dma_start3A_81 : memref<20000x32xf32, #tpu.memory_space<hbm>>) target(%arg18 : memref<80x32xf32, #tpu.memory_space<vmem>>) offsets(%dma_start3A_78 : memref<80xi32, #tpu.memory_space<vmem>>) semaphore(%arg22 : memref<!tpu.dma_semaphore, #tpu.memory_space<semaphore_mem>>)
      %scan3A = arith.constant 0 : i32
      %scan3A_82 = arith.constant 25 : i32
      %scan3A_83 = arith.addi %scan3A, %scan3A_82 : i32
      %scan3A_84 = arith.constant 1 : i32
      scf.for %scan3A_106 = %scan3A to %scan3A_83 step %scan3A_84  : i32 {
        %mul3A_107 = arith.constant 10 : i32
        %mul3A_108 = arith.muli %scan3A_106, %mul3A_107 : i32
        %add3A = arith.constant 0 : i32
        %add3A_109 = arith.addi %add3A, %mul3A_108 : i32
        %add3A_110 = arith.constant 0 : i32
        %add3A_111 = arith.addi %add3A_109, %add3A_110 : i32
        %dma_wait3A_112 = arith.constant 0 : i32
        %dma_wait3A_113 = tpu.memref_slice %arg10[%add3A_111, %dma_wait3A_112] : memref<250x80xi32, #tpu.memory_space<vmem>> -> memref<1x80xi32, #tpu.memory_space<vmem>>
        %dma_wait3A_114 = tpu.memref_squeeze %dma_wait3A_113 : memref<1x80xi32, #tpu.memory_space<vmem>> -> memref<80xi32, #tpu.memory_space<vmem>>
        %dma_wait3A_115 = arith.constant 0 : i32
        %dma_wait3A_116 = arith.constant 0 : i32
        %dma_wait3A_117 = tpu.memref_slice %arg2[%dma_wait3A_115, %dma_wait3A_116] : memref<20000x32xf32, #tpu.memory_space<hbm>> -> memref<20000x32xf32, #tpu.memory_space<hbm>>
        tpu.wait_indirect_dma semaphore(%arg22 : memref<!tpu.dma_semaphore, #tpu.memory_space<semaphore_mem>>) src(%dma_wait3A_117 : memref<20000x32xf32, #tpu.memory_space<hbm>>) dst(%arg12 : memref<80x32xf32, #tpu.memory_space<vmem>>)
        %dma_start3A_118 = arith.constant 0 : i32
        %dma_start3A_119 = tpu.memref_slice %arg11[%add3A_111, %dma_start3A_118] : memref<250x80xi32, #tpu.memory_space<vmem>> -> memref<1x80xi32, #tpu.memory_space<vmem>>
        %dma_start3A_120 = tpu.memref_squeeze %dma_start3A_119 : memref<1x80xi32, #tpu.memory_space<vmem>> -> memref<80xi32, #tpu.memory_space<vmem>>
        %dma_start3A_121 = arith.constant 0 : i32
        %dma_start3A_122 = arith.constant 0 : i32
        %dma_start3A_123 = tpu.memref_slice %arg9[%dma_start3A_121, %dma_start3A_122] : memref<20480x32xf32, #tpu.memory_space<vmem_shared>> -> memref<20480x32xf32, #tpu.memory_space<vmem_shared>>
        tpu.enqueue_indirect_dma source(%arg12 : memref<80x32xf32, #tpu.memory_space<vmem>>) target(%dma_start3A_123 : memref<20480x32xf32, #tpu.memory_space<vmem_shared>>) offsets(%dma_start3A_120 : memref<80xi32, #tpu.memory_space<vmem>>) semaphore(%arg23 : memref<!tpu.dma_semaphore, #tpu.memory_space<semaphore_mem>>) {add = true}
        %ge3A = arith.constant 3 : i32
        %ge3A_124 = arith.cmpi sge, %add3A_111, %ge3A : i32
        %convert_element_type3A_125 = arith.extui %ge3A_124 : i1 to i32
        %cond3A_126 = arith.constant 0 : i32
        %cond3A_127 = arith.cmpi ne, %convert_element_type3A_125, %cond3A_126 : i32
        scf.if %cond3A_127 {
          %dma_wait3A_368 = arith.constant 0 : i32
          %dma_wait3A_369 = tpu.memref_slice %arg11[%add3A_111, %dma_wait3A_368] : memref<250x80xi32, #tpu.memory_space<vmem>> -> memref<1x80xi32, #tpu.memory_space<vmem>>
          %dma_wait3A_370 = tpu.memref_squeeze %dma_wait3A_369 : memref<1x80xi32, #tpu.memory_space<vmem>> -> memref<80xi32, #tpu.memory_space<vmem>>
          %dma_wait3A_371 = arith.constant 0 : i32
          %dma_wait3A_372 = arith.constant 0 : i32
          %dma_wait3A_373 = tpu.memref_slice %arg9[%dma_wait3A_371, %dma_wait3A_372] : memref<20480x32xf32, #tpu.memory_space<vmem_shared>> -> memref<20480x32xf32, #tpu.memory_space<vmem_shared>>
          tpu.wait_indirect_dma semaphore(%arg23 : memref<!tpu.dma_semaphore, #tpu.memory_space<semaphore_mem>>) src(%arg19 : memref<80x32xf32, #tpu.memory_space<vmem>>) dst(%dma_wait3A_373 : memref<20480x32xf32, #tpu.memory_space<vmem_shared>>)
        } else {
        }
        %add3A_128 = arith.constant 7 : i32
        %add3A_129 = arith.addi %add3A_111, %add3A_128 : i32
        %lt3A = arith.constant 250 : i32
        %lt3A_130 = arith.cmpi slt, %add3A_129, %lt3A : i32
        %convert_element_type3A_131 = arith.extui %lt3A_130 : i1 to i32
        %cond3A_132 = arith.constant 0 : i32
        %cond3A_133 = arith.cmpi ne, %convert_element_type3A_131, %cond3A_132 : i32
        scf.if %cond3A_133 {
          %add3A_368 = arith.constant 7 : i32
          %add3A_369 = arith.addi %add3A_111, %add3A_368 : i32
          %dma_start3A_370 = arith.constant 0 : i32
          %dma_start3A_371 = tpu.memref_slice %arg10[%add3A_369, %dma_start3A_370] : memref<250x80xi32, #tpu.memory_space<vmem>> -> memref<1x80xi32, #tpu.memory_space<vmem>>
          %dma_start3A_372 = tpu.memref_squeeze %dma_start3A_371 : memref<1x80xi32, #tpu.memory_space<vmem>> -> memref<80xi32, #tpu.memory_space<vmem>>
          %dma_start3A_373 = arith.constant 0 : i32
          %dma_start3A_374 = arith.constant 0 : i32
          %dma_start3A_375 = tpu.memref_slice %arg2[%dma_start3A_373, %dma_start3A_374] : memref<20000x32xf32, #tpu.memory_space<hbm>> -> memref<20000x32xf32, #tpu.memory_space<hbm>>
          tpu.enqueue_indirect_dma source(%dma_start3A_375 : memref<20000x32xf32, #tpu.memory_space<hbm>>) target(%arg19 : memref<80x32xf32, #tpu.memory_space<vmem>>) offsets(%dma_start3A_372 : memref<80xi32, #tpu.memory_space<vmem>>) semaphore(%arg22 : memref<!tpu.dma_semaphore, #tpu.memory_space<semaphore_mem>>)
        } else {
        }
        %add3A_134 = arith.constant 1 : i32
        %add3A_135 = arith.addi %add3A_109, %add3A_134 : i32
        %dma_wait3A_136 = arith.constant 0 : i32
        %dma_wait3A_137 = tpu.memref_slice %arg10[%add3A_135, %dma_wait3A_136] : memref<250x80xi32, #tpu.memory_space<vmem>> -> memref<1x80xi32, #tpu.memory_space<vmem>>
        %dma_wait3A_138 = tpu.memref_squeeze %dma_wait3A_137 : memref<1x80xi32, #tpu.memory_space<vmem>> -> memref<80xi32, #tpu.memory_space<vmem>>
        %dma_wait3A_139 = arith.constant 0 : i32
        %dma_wait3A_140 = arith.constant 0 : i32
        %dma_wait3A_141 = tpu.memref_slice %arg2[%dma_wait3A_139, %dma_wait3A_140] : memref<20000x32xf32, #tpu.memory_space<hbm>> -> memref<20000x32xf32, #tpu.memory_space<hbm>>
        tpu.wait_indirect_dma semaphore(%arg22 : memref<!tpu.dma_semaphore, #tpu.memory_space<semaphore_mem>>) src(%dma_wait3A_141 : memref<20000x32xf32, #tpu.memory_space<hbm>>) dst(%arg13 : memref<80x32xf32, #tpu.memory_space<vmem>>)
        %dma_start3A_142 = arith.constant 0 : i32
        %dma_start3A_143 = tpu.memref_slice %arg11[%add3A_135, %dma_start3A_142] : memref<250x80xi32, #tpu.memory_space<vmem>> -> memref<1x80xi32, #tpu.memory_space<vmem>>
        %dma_start3A_144 = tpu.memref_squeeze %dma_start3A_143 : memref<1x80xi32, #tpu.memory_space<vmem>> -> memref<80xi32, #tpu.memory_space<vmem>>
        %dma_start3A_145 = arith.constant 0 : i32
        %dma_start3A_146 = arith.constant 0 : i32
        %dma_start3A_147 = tpu.memref_slice %arg9[%dma_start3A_145, %dma_start3A_146] : memref<20480x32xf32, #tpu.memory_space<vmem_shared>> -> memref<20480x32xf32, #tpu.memory_space<vmem_shared>>
        tpu.enqueue_indirect_dma source(%arg13 : memref<80x32xf32, #tpu.memory_space<vmem>>) target(%dma_start3A_147 : memref<20480x32xf32, #tpu.memory_space<vmem_shared>>) offsets(%dma_start3A_144 : memref<80xi32, #tpu.memory_space<vmem>>) semaphore(%arg23 : memref<!tpu.dma_semaphore, #tpu.memory_space<semaphore_mem>>) {add = true}
        %ge3A_148 = arith.constant 3 : i32
        %ge3A_149 = arith.cmpi sge, %add3A_135, %ge3A_148 : i32
        %convert_element_type3A_150 = arith.extui %ge3A_149 : i1 to i32
        %cond3A_151 = arith.constant 0 : i32
        %cond3A_152 = arith.cmpi ne, %convert_element_type3A_150, %cond3A_151 : i32
        scf.if %cond3A_152 {
          %dma_wait3A_368 = arith.constant 0 : i32
          %dma_wait3A_369 = tpu.memref_slice %arg11[%add3A_135, %dma_wait3A_368] : memref<250x80xi32, #tpu.memory_space<vmem>> -> memref<1x80xi32, #tpu.memory_space<vmem>>
          %dma_wait3A_370 = tpu.memref_squeeze %dma_wait3A_369 : memref<1x80xi32, #tpu.memory_space<vmem>> -> memref<80xi32, #tpu.memory_space<vmem>>
          %dma_wait3A_371 = arith.constant 0 : i32
          %dma_wait3A_372 = arith.constant 0 : i32
          %dma_wait3A_373 = tpu.memref_slice %arg9[%dma_wait3A_371, %dma_wait3A_372] : memref<20480x32xf32, #tpu.memory_space<vmem_shared>> -> memref<20480x32xf32, #tpu.memory_space<vmem_shared>>
          tpu.wait_indirect_dma semaphore(%arg23 : memref<!tpu.dma_semaphore, #tpu.memory_space<semaphore_mem>>) src(%arg20 : memref<80x32xf32, #tpu.memory_space<vmem>>) dst(%dma_wait3A_373 : memref<20480x32xf32, #tpu.memory_space<vmem_shared>>)
        } else {
        }
        %add3A_153 = arith.constant 7 : i32
        %add3A_154 = arith.addi %add3A_135, %add3A_153 : i32
        %lt3A_155 = arith.constant 250 : i32
        %lt3A_156 = arith.cmpi slt, %add3A_154, %lt3A_155 : i32
        %convert_element_type3A_157 = arith.extui %lt3A_156 : i1 to i32
        %cond3A_158 = arith.constant 0 : i32
        %cond3A_159 = arith.cmpi ne, %convert_element_type3A_157, %cond3A_158 : i32
        scf.if %cond3A_159 {
          %add3A_368 = arith.constant 7 : i32
          %add3A_369 = arith.addi %add3A_135, %add3A_368 : i32
          %dma_start3A_370 = arith.constant 0 : i32
          %dma_start3A_371 = tpu.memref_slice %arg10[%add3A_369, %dma_start3A_370] : memref<250x80xi32, #tpu.memory_space<vmem>> -> memref<1x80xi32, #tpu.memory_space<vmem>>
          %dma_start3A_372 = tpu.memref_squeeze %dma_start3A_371 : memref<1x80xi32, #tpu.memory_space<vmem>> -> memref<80xi32, #tpu.memory_space<vmem>>
          %dma_start3A_373 = arith.constant 0 : i32
          %dma_start3A_374 = arith.constant 0 : i32
          %dma_start3A_375 = tpu.memref_slice %arg2[%dma_start3A_373, %dma_start3A_374] : memref<20000x32xf32, #tpu.memory_space<hbm>> -> memref<20000x32xf32, #tpu.memory_space<hbm>>
          tpu.enqueue_indirect_dma source(%dma_start3A_375 : memref<20000x32xf32, #tpu.memory_space<hbm>>) target(%arg20 : memref<80x32xf32, #tpu.memory_space<vmem>>) offsets(%dma_start3A_372 : memref<80xi32, #tpu.memory_space<vmem>>) semaphore(%arg22 : memref<!tpu.dma_semaphore, #tpu.memory_space<semaphore_mem>>)
        } else {
        }
        %add3A_160 = arith.constant 2 : i32
        %add3A_161 = arith.addi %add3A_109, %add3A_160 : i32
        %dma_wait3A_162 = arith.constant 0 : i32
        %dma_wait3A_163 = tpu.memref_slice %arg10[%add3A_161, %dma_wait3A_162] : memref<250x80xi32, #tpu.memory_space<vmem>> -> memref<1x80xi32, #tpu.memory_space<vmem>>
        %dma_wait3A_164 = tpu.memref_squeeze %dma_wait3A_163 : memref<1x80xi32, #tpu.memory_space<vmem>> -> memref<80xi32, #tpu.memory_space<vmem>>
        %dma_wait3A_165 = arith.constant 0 : i32
        %dma_wait3A_166 = arith.constant 0 : i32
        %dma_wait3A_167 = tpu.memref_slice %arg2[%dma_wait3A_165, %dma_wait3A_166] : memref<20000x32xf32, #tpu.memory_space<hbm>> -> memref<20000x32xf32, #tpu.memory_space<hbm>>
        tpu.wait_indirect_dma semaphore(%arg22 : memref<!tpu.dma_semaphore, #tpu.memory_space<semaphore_mem>>) src(%dma_wait3A_167 : memref<20000x32xf32, #tpu.memory_space<hbm>>) dst(%arg14 : memref<80x32xf32, #tpu.memory_space<vmem>>)
        %dma_start3A_168 = arith.constant 0 : i32
        %dma_start3A_169 = tpu.memref_slice %arg11[%add3A_161, %dma_start3A_168] : memref<250x80xi32, #tpu.memory_space<vmem>> -> memref<1x80xi32, #tpu.memory_space<vmem>>
        %dma_start3A_170 = tpu.memref_squeeze %dma_start3A_169 : memref<1x80xi32, #tpu.memory_space<vmem>> -> memref<80xi32, #tpu.memory_space<vmem>>
        %dma_start3A_171 = arith.constant 0 : i32
        %dma_start3A_172 = arith.constant 0 : i32
        %dma_start3A_173 = tpu.memref_slice %arg9[%dma_start3A_171, %dma_start3A_172] : memref<20480x32xf32, #tpu.memory_space<vmem_shared>> -> memref<20480x32xf32, #tpu.memory_space<vmem_shared>>
        tpu.enqueue_indirect_dma source(%arg14 : memref<80x32xf32, #tpu.memory_space<vmem>>) target(%dma_start3A_173 : memref<20480x32xf32, #tpu.memory_space<vmem_shared>>) offsets(%dma_start3A_170 : memref<80xi32, #tpu.memory_space<vmem>>) semaphore(%arg23 : memref<!tpu.dma_semaphore, #tpu.memory_space<semaphore_mem>>) {add = true}
        %ge3A_174 = arith.constant 3 : i32
        %ge3A_175 = arith.cmpi sge, %add3A_161, %ge3A_174 : i32
        %convert_element_type3A_176 = arith.extui %ge3A_175 : i1 to i32
        %cond3A_177 = arith.constant 0 : i32
        %cond3A_178 = arith.cmpi ne, %convert_element_type3A_176, %cond3A_177 : i32
        scf.if %cond3A_178 {
          %dma_wait3A_368 = arith.constant 0 : i32
          %dma_wait3A_369 = tpu.memref_slice %arg11[%add3A_161, %dma_wait3A_368] : memref<250x80xi32, #tpu.memory_space<vmem>> -> memref<1x80xi32, #tpu.memory_space<vmem>>
          %dma_wait3A_370 = tpu.memref_squeeze %dma_wait3A_369 : memref<1x80xi32, #tpu.memory_space<vmem>> -> memref<80xi32, #tpu.memory_space<vmem>>
          %dma_wait3A_371 = arith.constant 0 : i32
          %dma_wait3A_372 = arith.constant 0 : i32
          %dma_wait3A_373 = tpu.memref_slice %arg9[%dma_wait3A_371, %dma_wait3A_372] : memref<20480x32xf32, #tpu.memory_space<vmem_shared>> -> memref<20480x32xf32, #tpu.memory_space<vmem_shared>>
          tpu.wait_indirect_dma semaphore(%arg23 : memref<!tpu.dma_semaphore, #tpu.memory_space<semaphore_mem>>) src(%arg21 : memref<80x32xf32, #tpu.memory_space<vmem>>) dst(%dma_wait3A_373 : memref<20480x32xf32, #tpu.memory_space<vmem_shared>>)
        } else {
        }
        %add3A_179 = arith.constant 7 : i32
        %add3A_180 = arith.addi %add3A_161, %add3A_179 : i32
        %lt3A_181 = arith.constant 250 : i32
        %lt3A_182 = arith.cmpi slt, %add3A_180, %lt3A_181 : i32
        %convert_element_type3A_183 = arith.extui %lt3A_182 : i1 to i32
        %cond3A_184 = arith.constant 0 : i32
        %cond3A_185 = arith.cmpi ne, %convert_element_type3A_183, %cond3A_184 : i32
        scf.if %cond3A_185 {
          %add3A_368 = arith.constant 7 : i32
          %add3A_369 = arith.addi %add3A_161, %add3A_368 : i32
          %dma_start3A_370 = arith.constant 0 : i32
          %dma_start3A_371 = tpu.memref_slice %arg10[%add3A_369, %dma_start3A_370] : memref<250x80xi32, #tpu.memory_space<vmem>> -> memref<1x80xi32, #tpu.memory_space<vmem>>
          %dma_start3A_372 = tpu.memref_squeeze %dma_start3A_371 : memref<1x80xi32, #tpu.memory_space<vmem>> -> memref<80xi32, #tpu.memory_space<vmem>>
          %dma_start3A_373 = arith.constant 0 : i32
          %dma_start3A_374 = arith.constant 0 : i32
          %dma_start3A_375 = tpu.memref_slice %arg2[%dma_start3A_373, %dma_start3A_374] : memref<20000x32xf32, #tpu.memory_space<hbm>> -> memref<20000x32xf32, #tpu.memory_space<hbm>>
          tpu.enqueue_indirect_dma source(%dma_start3A_375 : memref<20000x32xf32, #tpu.memory_space<hbm>>) target(%arg21 : memref<80x32xf32, #tpu.memory_space<vmem>>) offsets(%dma_start3A_372 : memref<80xi32, #tpu.memory_space<vmem>>) semaphore(%arg22 : memref<!tpu.dma_semaphore, #tpu.memory_space<semaphore_mem>>)
        } else {
        }
        %add3A_186 = arith.constant 3 : i32
        %add3A_187 = arith.addi %add3A_109, %add3A_186 : i32
        %dma_wait3A_188 = arith.constant 0 : i32
        %dma_wait3A_189 = tpu.memref_slice %arg10[%add3A_187, %dma_wait3A_188] : memref<250x80xi32, #tpu.memory_space<vmem>> -> memref<1x80xi32, #tpu.memory_space<vmem>>
        %dma_wait3A_190 = tpu.memref_squeeze %dma_wait3A_189 : memref<1x80xi32, #tpu.memory_space<vmem>> -> memref<80xi32, #tpu.memory_space<vmem>>
        %dma_wait3A_191 = arith.constant 0 : i32
        %dma_wait3A_192 = arith.constant 0 : i32
        %dma_wait3A_193 = tpu.memref_slice %arg2[%dma_wait3A_191, %dma_wait3A_192] : memref<20000x32xf32, #tpu.memory_space<hbm>> -> memref<20000x32xf32, #tpu.memory_space<hbm>>
        tpu.wait_indirect_dma semaphore(%arg22 : memref<!tpu.dma_semaphore, #tpu.memory_space<semaphore_mem>>) src(%dma_wait3A_193 : memref<20000x32xf32, #tpu.memory_space<hbm>>) dst(%arg15 : memref<80x32xf32, #tpu.memory_space<vmem>>)
        %dma_start3A_194 = arith.constant 0 : i32
        %dma_start3A_195 = tpu.memref_slice %arg11[%add3A_187, %dma_start3A_194] : memref<250x80xi32, #tpu.memory_space<vmem>> -> memref<1x80xi32, #tpu.memory_space<vmem>>
        %dma_start3A_196 = tpu.memref_squeeze %dma_start3A_195 : memref<1x80xi32, #tpu.memory_space<vmem>> -> memref<80xi32, #tpu.memory_space<vmem>>
        %dma_start3A_197 = arith.constant 0 : i32
        %dma_start3A_198 = arith.constant 0 : i32
        %dma_start3A_199 = tpu.memref_slice %arg9[%dma_start3A_197, %dma_start3A_198] : memref<20480x32xf32, #tpu.memory_space<vmem_shared>> -> memref<20480x32xf32, #tpu.memory_space<vmem_shared>>
        tpu.enqueue_indirect_dma source(%arg15 : memref<80x32xf32, #tpu.memory_space<vmem>>) target(%dma_start3A_199 : memref<20480x32xf32, #tpu.memory_space<vmem_shared>>) offsets(%dma_start3A_196 : memref<80xi32, #tpu.memory_space<vmem>>) semaphore(%arg23 : memref<!tpu.dma_semaphore, #tpu.memory_space<semaphore_mem>>) {add = true}
        %ge3A_200 = arith.constant 3 : i32
        %ge3A_201 = arith.cmpi sge, %add3A_187, %ge3A_200 : i32
        %convert_element_type3A_202 = arith.extui %ge3A_201 : i1 to i32
        %cond3A_203 = arith.constant 0 : i32
        %cond3A_204 = arith.cmpi ne, %convert_element_type3A_202, %cond3A_203 : i32
        scf.if %cond3A_204 {
          %dma_wait3A_368 = arith.constant 0 : i32
          %dma_wait3A_369 = tpu.memref_slice %arg11[%add3A_187, %dma_wait3A_368] : memref<250x80xi32, #tpu.memory_space<vmem>> -> memref<1x80xi32, #tpu.memory_space<vmem>>
          %dma_wait3A_370 = tpu.memref_squeeze %dma_wait3A_369 : memref<1x80xi32, #tpu.memory_space<vmem>> -> memref<80xi32, #tpu.memory_space<vmem>>
          %dma_wait3A_371 = arith.constant 0 : i32
          %dma_wait3A_372 = arith.constant 0 : i32
          %dma_wait3A_373 = tpu.memref_slice %arg9[%dma_wait3A_371, %dma_wait3A_372] : memref<20480x32xf32, #tpu.memory_space<vmem_shared>> -> memref<20480x32xf32, #tpu.memory_space<vmem_shared>>
          tpu.wait_indirect_dma semaphore(%arg23 : memref<!tpu.dma_semaphore, #tpu.memory_space<semaphore_mem>>) src(%arg12 : memref<80x32xf32, #tpu.memory_space<vmem>>) dst(%dma_wait3A_373 : memref<20480x32xf32, #tpu.memory_space<vmem_shared>>)
        } else {
        }
        %add3A_205 = arith.constant 7 : i32
        %add3A_206 = arith.addi %add3A_187, %add3A_205 : i32
        %lt3A_207 = arith.constant 250 : i32
        %lt3A_208 = arith.cmpi slt, %add3A_206, %lt3A_207 : i32
        %convert_element_type3A_209 = arith.extui %lt3A_208 : i1 to i32
        %cond3A_210 = arith.constant 0 : i32
        %cond3A_211 = arith.cmpi ne, %convert_element_type3A_209, %cond3A_210 : i32
        scf.if %cond3A_211 {
          %add3A_368 = arith.constant 7 : i32
          %add3A_369 = arith.addi %add3A_187, %add3A_368 : i32
          %dma_start3A_370 = arith.constant 0 : i32
          %dma_start3A_371 = tpu.memref_slice %arg10[%add3A_369, %dma_start3A_370] : memref<250x80xi32, #tpu.memory_space<vmem>> -> memref<1x80xi32, #tpu.memory_space<vmem>>
          %dma_start3A_372 = tpu.memref_squeeze %dma_start3A_371 : memref<1x80xi32, #tpu.memory_space<vmem>> -> memref<80xi32, #tpu.memory_space<vmem>>
          %dma_start3A_373 = arith.constant 0 : i32
          %dma_start3A_374 = arith.constant 0 : i32
          %dma_start3A_375 = tpu.memref_slice %arg2[%dma_start3A_373, %dma_start3A_374] : memref<20000x32xf32, #tpu.memory_space<hbm>> -> memref<20000x32xf32, #tpu.memory_space<hbm>>
          tpu.enqueue_indirect_dma source(%dma_start3A_375 : memref<20000x32xf32, #tpu.memory_space<hbm>>) target(%arg12 : memref<80x32xf32, #tpu.memory_space<vmem>>) offsets(%dma_start3A_372 : memref<80xi32, #tpu.memory_space<vmem>>) semaphore(%arg22 : memref<!tpu.dma_semaphore, #tpu.memory_space<semaphore_mem>>)
        } else {
        }
        %add3A_212 = arith.constant 4 : i32
        %add3A_213 = arith.addi %add3A_109, %add3A_212 : i32
        %dma_wait3A_214 = arith.constant 0 : i32
        %dma_wait3A_215 = tpu.memref_slice %arg10[%add3A_213, %dma_wait3A_214] : memref<250x80xi32, #tpu.memory_space<vmem>> -> memref<1x80xi32, #tpu.memory_space<vmem>>
        %dma_wait3A_216 = tpu.memref_squeeze %dma_wait3A_215 : memref<1x80xi32, #tpu.memory_space<vmem>> -> memref<80xi32, #tpu.memory_space<vmem>>
        %dma_wait3A_217 = arith.constant 0 : i32
        %dma_wait3A_218 = arith.constant 0 : i32
        %dma_wait3A_219 = tpu.memref_slice %arg2[%dma_wait3A_217, %dma_wait3A_218] : memref<20000x32xf32, #tpu.memory_space<hbm>> -> memref<20000x32xf32, #tpu.memory_space<hbm>>
        tpu.wait_indirect_dma semaphore(%arg22 : memref<!tpu.dma_semaphore, #tpu.memory_space<semaphore_mem>>) src(%dma_wait3A_219 : memref<20000x32xf32, #tpu.memory_space<hbm>>) dst(%arg16 : memref<80x32xf32, #tpu.memory_space<vmem>>)
        %dma_start3A_220 = arith.constant 0 : i32
        %dma_start3A_221 = tpu.memref_slice %arg11[%add3A_213, %dma_start3A_220] : memref<250x80xi32, #tpu.memory_space<vmem>> -> memref<1x80xi32, #tpu.memory_space<vmem>>
        %dma_start3A_222 = tpu.memref_squeeze %dma_start3A_221 : memref<1x80xi32, #tpu.memory_space<vmem>> -> memref<80xi32, #tpu.memory_space<vmem>>
        %dma_start3A_223 = arith.constant 0 : i32
        %dma_start3A_224 = arith.constant 0 : i32
        %dma_start3A_225 = tpu.memref_slice %arg9[%dma_start3A_223, %dma_start3A_224] : memref<20480x32xf32, #tpu.memory_space<vmem_shared>> -> memref<20480x32xf32, #tpu.memory_space<vmem_shared>>
        tpu.enqueue_indirect_dma source(%arg16 : memref<80x32xf32, #tpu.memory_space<vmem>>) target(%dma_start3A_225 : memref<20480x32xf32, #tpu.memory_space<vmem_shared>>) offsets(%dma_start3A_222 : memref<80xi32, #tpu.memory_space<vmem>>) semaphore(%arg23 : memref<!tpu.dma_semaphore, #tpu.memory_space<semaphore_mem>>) {add = true}
        %ge3A_226 = arith.constant 3 : i32
        %ge3A_227 = arith.cmpi sge, %add3A_213, %ge3A_226 : i32
        %convert_element_type3A_228 = arith.extui %ge3A_227 : i1 to i32
        %cond3A_229 = arith.constant 0 : i32
        %cond3A_230 = arith.cmpi ne, %convert_element_type3A_228, %cond3A_229 : i32
        scf.if %cond3A_230 {
          %dma_wait3A_368 = arith.constant 0 : i32
          %dma_wait3A_369 = tpu.memref_slice %arg11[%add3A_213, %dma_wait3A_368] : memref<250x80xi32, #tpu.memory_space<vmem>> -> memref<1x80xi32, #tpu.memory_space<vmem>>
          %dma_wait3A_370 = tpu.memref_squeeze %dma_wait3A_369 : memref<1x80xi32, #tpu.memory_space<vmem>> -> memref<80xi32, #tpu.memory_space<vmem>>
          %dma_wait3A_371 = arith.constant 0 : i32
          %dma_wait3A_372 = arith.constant 0 : i32
          %dma_wait3A_373 = tpu.memref_slice %arg9[%dma_wait3A_371, %dma_wait3A_372] : memref<20480x32xf32, #tpu.memory_space<vmem_shared>> -> memref<20480x32xf32, #tpu.memory_space<vmem_shared>>
          tpu.wait_indirect_dma semaphore(%arg23 : memref<!tpu.dma_semaphore, #tpu.memory_space<semaphore_mem>>) src(%arg13 : memref<80x32xf32, #tpu.memory_space<vmem>>) dst(%dma_wait3A_373 : memref<20480x32xf32, #tpu.memory_space<vmem_shared>>)
        } else {
        }
        %add3A_231 = arith.constant 7 : i32
        %add3A_232 = arith.addi %add3A_213, %add3A_231 : i32
        %lt3A_233 = arith.constant 250 : i32
        %lt3A_234 = arith.cmpi slt, %add3A_232, %lt3A_233 : i32
        %convert_element_type3A_235 = arith.extui %lt3A_234 : i1 to i32
        %cond3A_236 = arith.constant 0 : i32
        %cond3A_237 = arith.cmpi ne, %convert_element_type3A_235, %cond3A_236 : i32
        scf.if %cond3A_237 {
          %add3A_368 = arith.constant 7 : i32
          %add3A_369 = arith.addi %add3A_213, %add3A_368 : i32
          %dma_start3A_370 = arith.constant 0 : i32
          %dma_start3A_371 = tpu.memref_slice %arg10[%add3A_369, %dma_start3A_370] : memref<250x80xi32, #tpu.memory_space<vmem>> -> memref<1x80xi32, #tpu.memory_space<vmem>>
          %dma_start3A_372 = tpu.memref_squeeze %dma_start3A_371 : memref<1x80xi32, #tpu.memory_space<vmem>> -> memref<80xi32, #tpu.memory_space<vmem>>
          %dma_start3A_373 = arith.constant 0 : i32
          %dma_start3A_374 = arith.constant 0 : i32
          %dma_start3A_375 = tpu.memref_slice %arg2[%dma_start3A_373, %dma_start3A_374] : memref<20000x32xf32, #tpu.memory_space<hbm>> -> memref<20000x32xf32, #tpu.memory_space<hbm>>
          tpu.enqueue_indirect_dma source(%dma_start3A_375 : memref<20000x32xf32, #tpu.memory_space<hbm>>) target(%arg13 : memref<80x32xf32, #tpu.memory_space<vmem>>) offsets(%dma_start3A_372 : memref<80xi32, #tpu.memory_space<vmem>>) semaphore(%arg22 : memref<!tpu.dma_semaphore, #tpu.memory_space<semaphore_mem>>)
        } else {
        }
        %add3A_238 = arith.constant 5 : i32
        %add3A_239 = arith.addi %add3A_109, %add3A_238 : i32
        %dma_wait3A_240 = arith.constant 0 : i32
        %dma_wait3A_241 = tpu.memref_slice %arg10[%add3A_239, %dma_wait3A_240] : memref<250x80xi32, #tpu.memory_space<vmem>> -> memref<1x80xi32, #tpu.memory_space<vmem>>
        %dma_wait3A_242 = tpu.memref_squeeze %dma_wait3A_241 : memref<1x80xi32, #tpu.memory_space<vmem>> -> memref<80xi32, #tpu.memory_space<vmem>>
        %dma_wait3A_243 = arith.constant 0 : i32
        %dma_wait3A_244 = arith.constant 0 : i32
        %dma_wait3A_245 = tpu.memref_slice %arg2[%dma_wait3A_243, %dma_wait3A_244] : memref<20000x32xf32, #tpu.memory_space<hbm>> -> memref<20000x32xf32, #tpu.memory_space<hbm>>
        tpu.wait_indirect_dma semaphore(%arg22 : memref<!tpu.dma_semaphore, #tpu.memory_space<semaphore_mem>>) src(%dma_wait3A_245 : memref<20000x32xf32, #tpu.memory_space<hbm>>) dst(%arg17 : memref<80x32xf32, #tpu.memory_space<vmem>>)
        %dma_start3A_246 = arith.constant 0 : i32
        %dma_start3A_247 = tpu.memref_slice %arg11[%add3A_239, %dma_start3A_246] : memref<250x80xi32, #tpu.memory_space<vmem>> -> memref<1x80xi32, #tpu.memory_space<vmem>>
        %dma_start3A_248 = tpu.memref_squeeze %dma_start3A_247 : memref<1x80xi32, #tpu.memory_space<vmem>> -> memref<80xi32, #tpu.memory_space<vmem>>
        %dma_start3A_249 = arith.constant 0 : i32
        %dma_start3A_250 = arith.constant 0 : i32
        %dma_start3A_251 = tpu.memref_slice %arg9[%dma_start3A_249, %dma_start3A_250] : memref<20480x32xf32, #tpu.memory_space<vmem_shared>> -> memref<20480x32xf32, #tpu.memory_space<vmem_shared>>
        tpu.enqueue_indirect_dma source(%arg17 : memref<80x32xf32, #tpu.memory_space<vmem>>) target(%dma_start3A_251 : memref<20480x32xf32, #tpu.memory_space<vmem_shared>>) offsets(%dma_start3A_248 : memref<80xi32, #tpu.memory_space<vmem>>) semaphore(%arg23 : memref<!tpu.dma_semaphore, #tpu.memory_space<semaphore_mem>>) {add = true}
        %ge3A_252 = arith.constant 3 : i32
        %ge3A_253 = arith.cmpi sge, %add3A_239, %ge3A_252 : i32
        %convert_element_type3A_254 = arith.extui %ge3A_253 : i1 to i32
        %cond3A_255 = arith.constant 0 : i32
        %cond3A_256 = arith.cmpi ne, %convert_element_type3A_254, %cond3A_255 : i32
        scf.if %cond3A_256 {
          %dma_wait3A_368 = arith.constant 0 : i32
          %dma_wait3A_369 = tpu.memref_slice %arg11[%add3A_239, %dma_wait3A_368] : memref<250x80xi32, #tpu.memory_space<vmem>> -> memref<1x80xi32, #tpu.memory_space<vmem>>
          %dma_wait3A_370 = tpu.memref_squeeze %dma_wait3A_369 : memref<1x80xi32, #tpu.memory_space<vmem>> -> memref<80xi32, #tpu.memory_space<vmem>>
          %dma_wait3A_371 = arith.constant 0 : i32
          %dma_wait3A_372 = arith.constant 0 : i32
          %dma_wait3A_373 = tpu.memref_slice %arg9[%dma_wait3A_371, %dma_wait3A_372] : memref<20480x32xf32, #tpu.memory_space<vmem_shared>> -> memref<20480x32xf32, #tpu.memory_space<vmem_shared>>
          tpu.wait_indirect_dma semaphore(%arg23 : memref<!tpu.dma_semaphore, #tpu.memory_space<semaphore_mem>>) src(%arg14 : memref<80x32xf32, #tpu.memory_space<vmem>>) dst(%dma_wait3A_373 : memref<20480x32xf32, #tpu.memory_space<vmem_shared>>)
        } else {
        }
        %add3A_257 = arith.constant 7 : i32
        %add3A_258 = arith.addi %add3A_239, %add3A_257 : i32
        %lt3A_259 = arith.constant 250 : i32
        %lt3A_260 = arith.cmpi slt, %add3A_258, %lt3A_259 : i32
        %convert_element_type3A_261 = arith.extui %lt3A_260 : i1 to i32
        %cond3A_262 = arith.constant 0 : i32
        %cond3A_263 = arith.cmpi ne, %convert_element_type3A_261, %cond3A_262 : i32
        scf.if %cond3A_263 {
          %add3A_368 = arith.constant 7 : i32
          %add3A_369 = arith.addi %add3A_239, %add3A_368 : i32
          %dma_start3A_370 = arith.constant 0 : i32
          %dma_start3A_371 = tpu.memref_slice %arg10[%add3A_369, %dma_start3A_370] : memref<250x80xi32, #tpu.memory_space<vmem>> -> memref<1x80xi32, #tpu.memory_space<vmem>>
          %dma_start3A_372 = tpu.memref_squeeze %dma_start3A_371 : memref<1x80xi32, #tpu.memory_space<vmem>> -> memref<80xi32, #tpu.memory_space<vmem>>
          %dma_start3A_373 = arith.constant 0 : i32
          %dma_start3A_374 = arith.constant 0 : i32
          %dma_start3A_375 = tpu.memref_slice %arg2[%dma_start3A_373, %dma_start3A_374] : memref<20000x32xf32, #tpu.memory_space<hbm>> -> memref<20000x32xf32, #tpu.memory_space<hbm>>
          tpu.enqueue_indirect_dma source(%dma_start3A_375 : memref<20000x32xf32, #tpu.memory_space<hbm>>) target(%arg14 : memref<80x32xf32, #tpu.memory_space<vmem>>) offsets(%dma_start3A_372 : memref<80xi32, #tpu.memory_space<vmem>>) semaphore(%arg22 : memref<!tpu.dma_semaphore, #tpu.memory_space<semaphore_mem>>)
        } else {
        }
        %add3A_264 = arith.constant 6 : i32
        %add3A_265 = arith.addi %add3A_109, %add3A_264 : i32
        %dma_wait3A_266 = arith.constant 0 : i32
        %dma_wait3A_267 = tpu.memref_slice %arg10[%add3A_265, %dma_wait3A_266] : memref<250x80xi32, #tpu.memory_space<vmem>> -> memref<1x80xi32, #tpu.memory_space<vmem>>
        %dma_wait3A_268 = tpu.memref_squeeze %dma_wait3A_267 : memref<1x80xi32, #tpu.memory_space<vmem>> -> memref<80xi32, #tpu.memory_space<vmem>>
        %dma_wait3A_269 = arith.constant 0 : i32
        %dma_wait3A_270 = arith.constant 0 : i32
        %dma_wait3A_271 = tpu.memref_slice %arg2[%dma_wait3A_269, %dma_wait3A_270] : memref<20000x32xf32, #tpu.memory_space<hbm>> -> memref<20000x32xf32, #tpu.memory_space<hbm>>
        tpu.wait_indirect_dma semaphore(%arg22 : memref<!tpu.dma_semaphore, #tpu.memory_space<semaphore_mem>>) src(%dma_wait3A_271 : memref<20000x32xf32, #tpu.memory_space<hbm>>) dst(%arg18 : memref<80x32xf32, #tpu.memory_space<vmem>>)
        %dma_start3A_272 = arith.constant 0 : i32
        %dma_start3A_273 = tpu.memref_slice %arg11[%add3A_265, %dma_start3A_272] : memref<250x80xi32, #tpu.memory_space<vmem>> -> memref<1x80xi32, #tpu.memory_space<vmem>>
        %dma_start3A_274 = tpu.memref_squeeze %dma_start3A_273 : memref<1x80xi32, #tpu.memory_space<vmem>> -> memref<80xi32, #tpu.memory_space<vmem>>
        %dma_start3A_275 = arith.constant 0 : i32
        %dma_start3A_276 = arith.constant 0 : i32
        %dma_start3A_277 = tpu.memref_slice %arg9[%dma_start3A_275, %dma_start3A_276] : memref<20480x32xf32, #tpu.memory_space<vmem_shared>> -> memref<20480x32xf32, #tpu.memory_space<vmem_shared>>
        tpu.enqueue_indirect_dma source(%arg18 : memref<80x32xf32, #tpu.memory_space<vmem>>) target(%dma_start3A_277 : memref<20480x32xf32, #tpu.memory_space<vmem_shared>>) offsets(%dma_start3A_274 : memref<80xi32, #tpu.memory_space<vmem>>) semaphore(%arg23 : memref<!tpu.dma_semaphore, #tpu.memory_space<semaphore_mem>>) {add = true}
        %ge3A_278 = arith.constant 3 : i32
        %ge3A_279 = arith.cmpi sge, %add3A_265, %ge3A_278 : i32
        %convert_element_type3A_280 = arith.extui %ge3A_279 : i1 to i32
        %cond3A_281 = arith.constant 0 : i32
        %cond3A_282 = arith.cmpi ne, %convert_element_type3A_280, %cond3A_281 : i32
        scf.if %cond3A_282 {
          %dma_wait3A_368 = arith.constant 0 : i32
          %dma_wait3A_369 = tpu.memref_slice %arg11[%add3A_265, %dma_wait3A_368] : memref<250x80xi32, #tpu.memory_space<vmem>> -> memref<1x80xi32, #tpu.memory_space<vmem>>
          %dma_wait3A_370 = tpu.memref_squeeze %dma_wait3A_369 : memref<1x80xi32, #tpu.memory_space<vmem>> -> memref<80xi32, #tpu.memory_space<vmem>>
          %dma_wait3A_371 = arith.constant 0 : i32
          %dma_wait3A_372 = arith.constant 0 : i32
          %dma_wait3A_373 = tpu.memref_slice %arg9[%dma_wait3A_371, %dma_wait3A_372] : memref<20480x32xf32, #tpu.memory_space<vmem_shared>> -> memref<20480x32xf32, #tpu.memory_space<vmem_shared>>
          tpu.wait_indirect_dma semaphore(%arg23 : memref<!tpu.dma_semaphore, #tpu.memory_space<semaphore_mem>>) src(%arg15 : memref<80x32xf32, #tpu.memory_space<vmem>>) dst(%dma_wait3A_373 : memref<20480x32xf32, #tpu.memory_space<vmem_shared>>)
        } else {
        }
        %add3A_283 = arith.constant 7 : i32
        %add3A_284 = arith.addi %add3A_265, %add3A_283 : i32
        %lt3A_285 = arith.constant 250 : i32
        %lt3A_286 = arith.cmpi slt, %add3A_284, %lt3A_285 : i32
        %convert_element_type3A_287 = arith.extui %lt3A_286 : i1 to i32
        %cond3A_288 = arith.constant 0 : i32
        %cond3A_289 = arith.cmpi ne, %convert_element_type3A_287, %cond3A_288 : i32
        scf.if %cond3A_289 {
          %add3A_368 = arith.constant 7 : i32
          %add3A_369 = arith.addi %add3A_265, %add3A_368 : i32
          %dma_start3A_370 = arith.constant 0 : i32
          %dma_start3A_371 = tpu.memref_slice %arg10[%add3A_369, %dma_start3A_370] : memref<250x80xi32, #tpu.memory_space<vmem>> -> memref<1x80xi32, #tpu.memory_space<vmem>>
          %dma_start3A_372 = tpu.memref_squeeze %dma_start3A_371 : memref<1x80xi32, #tpu.memory_space<vmem>> -> memref<80xi32, #tpu.memory_space<vmem>>
          %dma_start3A_373 = arith.constant 0 : i32
          %dma_start3A_374 = arith.constant 0 : i32
          %dma_start3A_375 = tpu.memref_slice %arg2[%dma_start3A_373, %dma_start3A_374] : memref<20000x32xf32, #tpu.memory_space<hbm>> -> memref<20000x32xf32, #tpu.memory_space<hbm>>
          tpu.enqueue_indirect_dma source(%dma_start3A_375 : memref<20000x32xf32, #tpu.memory_space<hbm>>) target(%arg15 : memref<80x32xf32, #tpu.memory_space<vmem>>) offsets(%dma_start3A_372 : memref<80xi32, #tpu.memory_space<vmem>>) semaphore(%arg22 : memref<!tpu.dma_semaphore, #tpu.memory_space<semaphore_mem>>)
        } else {
        }
        %add3A_290 = arith.constant 7 : i32
        %add3A_291 = arith.addi %add3A_109, %add3A_290 : i32
        %dma_wait3A_292 = arith.constant 0 : i32
        %dma_wait3A_293 = tpu.memref_slice %arg10[%add3A_291, %dma_wait3A_292] : memref<250x80xi32, #tpu.memory_space<vmem>> -> memref<1x80xi32, #tpu.memory_space<vmem>>
        %dma_wait3A_294 = tpu.memref_squeeze %dma_wait3A_293 : memref<1x80xi32, #tpu.memory_space<vmem>> -> memref<80xi32, #tpu.memory_space<vmem>>
        %dma_wait3A_295 = arith.constant 0 : i32
        %dma_wait3A_296 = arith.constant 0 : i32
        %dma_wait3A_297 = tpu.memref_slice %arg2[%dma_wait3A_295, %dma_wait3A_296] : memref<20000x32xf32, #tpu.memory_space<hbm>> -> memref<20000x32xf32, #tpu.memory_space<hbm>>
        tpu.wait_indirect_dma semaphore(%arg22 : memref<!tpu.dma_semaphore, #tpu.memory_space<semaphore_mem>>) src(%dma_wait3A_297 : memref<20000x32xf32, #tpu.memory_space<hbm>>) dst(%arg19 : memref<80x32xf32, #tpu.memory_space<vmem>>)
        %dma_start3A_298 = arith.constant 0 : i32
        %dma_start3A_299 = tpu.memref_slice %arg11[%add3A_291, %dma_start3A_298] : memref<250x80xi32, #tpu.memory_space<vmem>> -> memref<1x80xi32, #tpu.memory_space<vmem>>
        %dma_start3A_300 = tpu.memref_squeeze %dma_start3A_299 : memref<1x80xi32, #tpu.memory_space<vmem>> -> memref<80xi32, #tpu.memory_space<vmem>>
        %dma_start3A_301 = arith.constant 0 : i32
        %dma_start3A_302 = arith.constant 0 : i32
        %dma_start3A_303 = tpu.memref_slice %arg9[%dma_start3A_301, %dma_start3A_302] : memref<20480x32xf32, #tpu.memory_space<vmem_shared>> -> memref<20480x32xf32, #tpu.memory_space<vmem_shared>>
        tpu.enqueue_indirect_dma source(%arg19 : memref<80x32xf32, #tpu.memory_space<vmem>>) target(%dma_start3A_303 : memref<20480x32xf32, #tpu.memory_space<vmem_shared>>) offsets(%dma_start3A_300 : memref<80xi32, #tpu.memory_space<vmem>>) semaphore(%arg23 : memref<!tpu.dma_semaphore, #tpu.memory_space<semaphore_mem>>) {add = true}
        %ge3A_304 = arith.constant 3 : i32
        %ge3A_305 = arith.cmpi sge, %add3A_291, %ge3A_304 : i32
        %convert_element_type3A_306 = arith.extui %ge3A_305 : i1 to i32
        %cond3A_307 = arith.constant 0 : i32
        %cond3A_308 = arith.cmpi ne, %convert_element_type3A_306, %cond3A_307 : i32
        scf.if %cond3A_308 {
          %dma_wait3A_368 = arith.constant 0 : i32
          %dma_wait3A_369 = tpu.memref_slice %arg11[%add3A_291, %dma_wait3A_368] : memref<250x80xi32, #tpu.memory_space<vmem>> -> memref<1x80xi32, #tpu.memory_space<vmem>>
          %dma_wait3A_370 = tpu.memref_squeeze %dma_wait3A_369 : memref<1x80xi32, #tpu.memory_space<vmem>> -> memref<80xi32, #tpu.memory_space<vmem>>
          %dma_wait3A_371 = arith.constant 0 : i32
          %dma_wait3A_372 = arith.constant 0 : i32
          %dma_wait3A_373 = tpu.memref_slice %arg9[%dma_wait3A_371, %dma_wait3A_372] : memref<20480x32xf32, #tpu.memory_space<vmem_shared>> -> memref<20480x32xf32, #tpu.memory_space<vmem_shared>>
          tpu.wait_indirect_dma semaphore(%arg23 : memref<!tpu.dma_semaphore, #tpu.memory_space<semaphore_mem>>) src(%arg16 : memref<80x32xf32, #tpu.memory_space<vmem>>) dst(%dma_wait3A_373 : memref<20480x32xf32, #tpu.memory_space<vmem_shared>>)
        } else {
        }
        %add3A_309 = arith.constant 7 : i32
        %add3A_310 = arith.addi %add3A_291, %add3A_309 : i32
        %lt3A_311 = arith.constant 250 : i32
        %lt3A_312 = arith.cmpi slt, %add3A_310, %lt3A_311 : i32
        %convert_element_type3A_313 = arith.extui %lt3A_312 : i1 to i32
        %cond3A_314 = arith.constant 0 : i32
        %cond3A_315 = arith.cmpi ne, %convert_element_type3A_313, %cond3A_314 : i32
        scf.if %cond3A_315 {
          %add3A_368 = arith.constant 7 : i32
          %add3A_369 = arith.addi %add3A_291, %add3A_368 : i32
          %dma_start3A_370 = arith.constant 0 : i32
          %dma_start3A_371 = tpu.memref_slice %arg10[%add3A_369, %dma_start3A_370] : memref<250x80xi32, #tpu.memory_space<vmem>> -> memref<1x80xi32, #tpu.memory_space<vmem>>
          %dma_start3A_372 = tpu.memref_squeeze %dma_start3A_371 : memref<1x80xi32, #tpu.memory_space<vmem>> -> memref<80xi32, #tpu.memory_space<vmem>>
          %dma_start3A_373 = arith.constant 0 : i32
          %dma_start3A_374 = arith.constant 0 : i32
          %dma_start3A_375 = tpu.memref_slice %arg2[%dma_start3A_373, %dma_start3A_374] : memref<20000x32xf32, #tpu.memory_space<hbm>> -> memref<20000x32xf32, #tpu.memory_space<hbm>>
          tpu.enqueue_indirect_dma source(%dma_start3A_375 : memref<20000x32xf32, #tpu.memory_space<hbm>>) target(%arg16 : memref<80x32xf32, #tpu.memory_space<vmem>>) offsets(%dma_start3A_372 : memref<80xi32, #tpu.memory_space<vmem>>) semaphore(%arg22 : memref<!tpu.dma_semaphore, #tpu.memory_space<semaphore_mem>>)
        } else {
        }
        %add3A_316 = arith.constant 8 : i32
        %add3A_317 = arith.addi %add3A_109, %add3A_316 : i32
        %dma_wait3A_318 = arith.constant 0 : i32
        %dma_wait3A_319 = tpu.memref_slice %arg10[%add3A_317, %dma_wait3A_318] : memref<250x80xi32, #tpu.memory_space<vmem>> -> memref<1x80xi32, #tpu.memory_space<vmem>>
        %dma_wait3A_320 = tpu.memref_squeeze %dma_wait3A_319 : memref<1x80xi32, #tpu.memory_space<vmem>> -> memref<80xi32, #tpu.memory_space<vmem>>
        %dma_wait3A_321 = arith.constant 0 : i32
        %dma_wait3A_322 = arith.constant 0 : i32
        %dma_wait3A_323 = tpu.memref_slice %arg2[%dma_wait3A_321, %dma_wait3A_322] : memref<20000x32xf32, #tpu.memory_space<hbm>> -> memref<20000x32xf32, #tpu.memory_space<hbm>>
        tpu.wait_indirect_dma semaphore(%arg22 : memref<!tpu.dma_semaphore, #tpu.memory_space<semaphore_mem>>) src(%dma_wait3A_323 : memref<20000x32xf32, #tpu.memory_space<hbm>>) dst(%arg20 : memref<80x32xf32, #tpu.memory_space<vmem>>)
        %dma_start3A_324 = arith.constant 0 : i32
        %dma_start3A_325 = tpu.memref_slice %arg11[%add3A_317, %dma_start3A_324] : memref<250x80xi32, #tpu.memory_space<vmem>> -> memref<1x80xi32, #tpu.memory_space<vmem>>
        %dma_start3A_326 = tpu.memref_squeeze %dma_start3A_325 : memref<1x80xi32, #tpu.memory_space<vmem>> -> memref<80xi32, #tpu.memory_space<vmem>>
        %dma_start3A_327 = arith.constant 0 : i32
        %dma_start3A_328 = arith.constant 0 : i32
        %dma_start3A_329 = tpu.memref_slice %arg9[%dma_start3A_327, %dma_start3A_328] : memref<20480x32xf32, #tpu.memory_space<vmem_shared>> -> memref<20480x32xf32, #tpu.memory_space<vmem_shared>>
        tpu.enqueue_indirect_dma source(%arg20 : memref<80x32xf32, #tpu.memory_space<vmem>>) target(%dma_start3A_329 : memref<20480x32xf32, #tpu.memory_space<vmem_shared>>) offsets(%dma_start3A_326 : memref<80xi32, #tpu.memory_space<vmem>>) semaphore(%arg23 : memref<!tpu.dma_semaphore, #tpu.memory_space<semaphore_mem>>) {add = true}
        %ge3A_330 = arith.constant 3 : i32
        %ge3A_331 = arith.cmpi sge, %add3A_317, %ge3A_330 : i32
        %convert_element_type3A_332 = arith.extui %ge3A_331 : i1 to i32
        %cond3A_333 = arith.constant 0 : i32
        %cond3A_334 = arith.cmpi ne, %convert_element_type3A_332, %cond3A_333 : i32
        scf.if %cond3A_334 {
          %dma_wait3A_368 = arith.constant 0 : i32
          %dma_wait3A_369 = tpu.memref_slice %arg11[%add3A_317, %dma_wait3A_368] : memref<250x80xi32, #tpu.memory_space<vmem>> -> memref<1x80xi32, #tpu.memory_space<vmem>>
          %dma_wait3A_370 = tpu.memref_squeeze %dma_wait3A_369 : memref<1x80xi32, #tpu.memory_space<vmem>> -> memref<80xi32, #tpu.memory_space<vmem>>
          %dma_wait3A_371 = arith.constant 0 : i32
          %dma_wait3A_372 = arith.constant 0 : i32
          %dma_wait3A_373 = tpu.memref_slice %arg9[%dma_wait3A_371, %dma_wait3A_372] : memref<20480x32xf32, #tpu.memory_space<vmem_shared>> -> memref<20480x32xf32, #tpu.memory_space<vmem_shared>>
          tpu.wait_indirect_dma semaphore(%arg23 : memref<!tpu.dma_semaphore, #tpu.memory_space<semaphore_mem>>) src(%arg17 : memref<80x32xf32, #tpu.memory_space<vmem>>) dst(%dma_wait3A_373 : memref<20480x32xf32, #tpu.memory_space<vmem_shared>>)
        } else {
        }
        %add3A_335 = arith.constant 7 : i32
        %add3A_336 = arith.addi %add3A_317, %add3A_335 : i32
        %lt3A_337 = arith.constant 250 : i32
        %lt3A_338 = arith.cmpi slt, %add3A_336, %lt3A_337 : i32
        %convert_element_type3A_339 = arith.extui %lt3A_338 : i1 to i32
        %cond3A_340 = arith.constant 0 : i32
        %cond3A_341 = arith.cmpi ne, %convert_element_type3A_339, %cond3A_340 : i32
        scf.if %cond3A_341 {
          %add3A_368 = arith.constant 7 : i32
          %add3A_369 = arith.addi %add3A_317, %add3A_368 : i32
          %dma_start3A_370 = arith.constant 0 : i32
          %dma_start3A_371 = tpu.memref_slice %arg10[%add3A_369, %dma_start3A_370] : memref<250x80xi32, #tpu.memory_space<vmem>> -> memref<1x80xi32, #tpu.memory_space<vmem>>
          %dma_start3A_372 = tpu.memref_squeeze %dma_start3A_371 : memref<1x80xi32, #tpu.memory_space<vmem>> -> memref<80xi32, #tpu.memory_space<vmem>>
          %dma_start3A_373 = arith.constant 0 : i32
          %dma_start3A_374 = arith.constant 0 : i32
          %dma_start3A_375 = tpu.memref_slice %arg2[%dma_start3A_373, %dma_start3A_374] : memref<20000x32xf32, #tpu.memory_space<hbm>> -> memref<20000x32xf32, #tpu.memory_space<hbm>>
          tpu.enqueue_indirect_dma source(%dma_start3A_375 : memref<20000x32xf32, #tpu.memory_space<hbm>>) target(%arg17 : memref<80x32xf32, #tpu.memory_space<vmem>>) offsets(%dma_start3A_372 : memref<80xi32, #tpu.memory_space<vmem>>) semaphore(%arg22 : memref<!tpu.dma_semaphore, #tpu.memory_space<semaphore_mem>>)
        } else {
        }
        %add3A_342 = arith.constant 9 : i32
        %add3A_343 = arith.addi %add3A_109, %add3A_342 : i32
        %dma_wait3A_344 = arith.constant 0 : i32
        %dma_wait3A_345 = tpu.memref_slice %arg10[%add3A_343, %dma_wait3A_344] : memref<250x80xi32, #tpu.memory_space<vmem>> -> memref<1x80xi32, #tpu.memory_space<vmem>>
        %dma_wait3A_346 = tpu.memref_squeeze %dma_wait3A_345 : memref<1x80xi32, #tpu.memory_space<vmem>> -> memref<80xi32, #tpu.memory_space<vmem>>
        %dma_wait3A_347 = arith.constant 0 : i32
        %dma_wait3A_348 = arith.constant 0 : i32
        %dma_wait3A_349 = tpu.memref_slice %arg2[%dma_wait3A_347, %dma_wait3A_348] : memref<20000x32xf32, #tpu.memory_space<hbm>> -> memref<20000x32xf32, #tpu.memory_space<hbm>>
        tpu.wait_indirect_dma semaphore(%arg22 : memref<!tpu.dma_semaphore, #tpu.memory_space<semaphore_mem>>) src(%dma_wait3A_349 : memref<20000x32xf32, #tpu.memory_space<hbm>>) dst(%arg21 : memref<80x32xf32, #tpu.memory_space<vmem>>)
        %dma_start3A_350 = arith.constant 0 : i32
        %dma_start3A_351 = tpu.memref_slice %arg11[%add3A_343, %dma_start3A_350] : memref<250x80xi32, #tpu.memory_space<vmem>> -> memref<1x80xi32, #tpu.memory_space<vmem>>
        %dma_start3A_352 = tpu.memref_squeeze %dma_start3A_351 : memref<1x80xi32, #tpu.memory_space<vmem>> -> memref<80xi32, #tpu.memory_space<vmem>>
        %dma_start3A_353 = arith.constant 0 : i32
        %dma_start3A_354 = arith.constant 0 : i32
        %dma_start3A_355 = tpu.memref_slice %arg9[%dma_start3A_353, %dma_start3A_354] : memref<20480x32xf32, #tpu.memory_space<vmem_shared>> -> memref<20480x32xf32, #tpu.memory_space<vmem_shared>>
        tpu.enqueue_indirect_dma source(%arg21 : memref<80x32xf32, #tpu.memory_space<vmem>>) target(%dma_start3A_355 : memref<20480x32xf32, #tpu.memory_space<vmem_shared>>) offsets(%dma_start3A_352 : memref<80xi32, #tpu.memory_space<vmem>>) semaphore(%arg23 : memref<!tpu.dma_semaphore, #tpu.memory_space<semaphore_mem>>) {add = true}
        %ge3A_356 = arith.constant 3 : i32
        %ge3A_357 = arith.cmpi sge, %add3A_343, %ge3A_356 : i32
        %convert_element_type3A_358 = arith.extui %ge3A_357 : i1 to i32
        %cond3A_359 = arith.constant 0 : i32
        %cond3A_360 = arith.cmpi ne, %convert_element_type3A_358, %cond3A_359 : i32
        scf.if %cond3A_360 {
          %dma_wait3A_368 = arith.constant 0 : i32
          %dma_wait3A_369 = tpu.memref_slice %arg11[%add3A_343, %dma_wait3A_368] : memref<250x80xi32, #tpu.memory_space<vmem>> -> memref<1x80xi32, #tpu.memory_space<vmem>>
          %dma_wait3A_370 = tpu.memref_squeeze %dma_wait3A_369 : memref<1x80xi32, #tpu.memory_space<vmem>> -> memref<80xi32, #tpu.memory_space<vmem>>
          %dma_wait3A_371 = arith.constant 0 : i32
          %dma_wait3A_372 = arith.constant 0 : i32
          %dma_wait3A_373 = tpu.memref_slice %arg9[%dma_wait3A_371, %dma_wait3A_372] : memref<20480x32xf32, #tpu.memory_space<vmem_shared>> -> memref<20480x32xf32, #tpu.memory_space<vmem_shared>>
          tpu.wait_indirect_dma semaphore(%arg23 : memref<!tpu.dma_semaphore, #tpu.memory_space<semaphore_mem>>) src(%arg18 : memref<80x32xf32, #tpu.memory_space<vmem>>) dst(%dma_wait3A_373 : memref<20480x32xf32, #tpu.memory_space<vmem_shared>>)
        } else {
        }
        %add3A_361 = arith.constant 7 : i32
        %add3A_362 = arith.addi %add3A_343, %add3A_361 : i32
        %lt3A_363 = arith.constant 250 : i32
        %lt3A_364 = arith.cmpi slt, %add3A_362, %lt3A_363 : i32
        %convert_element_type3A_365 = arith.extui %lt3A_364 : i1 to i32
        %cond3A_366 = arith.constant 0 : i32
        %cond3A_367 = arith.cmpi ne, %convert_element_type3A_365, %cond3A_366 : i32
        scf.if %cond3A_367 {
          %add3A_368 = arith.constant 7 : i32
          %add3A_369 = arith.addi %add3A_343, %add3A_368 : i32
          %dma_start3A_370 = arith.constant 0 : i32
          %dma_start3A_371 = tpu.memref_slice %arg10[%add3A_369, %dma_start3A_370] : memref<250x80xi32, #tpu.memory_space<vmem>> -> memref<1x80xi32, #tpu.memory_space<vmem>>
          %dma_start3A_372 = tpu.memref_squeeze %dma_start3A_371 : memref<1x80xi32, #tpu.memory_space<vmem>> -> memref<80xi32, #tpu.memory_space<vmem>>
          %dma_start3A_373 = arith.constant 0 : i32
          %dma_start3A_374 = arith.constant 0 : i32
          %dma_start3A_375 = tpu.memref_slice %arg2[%dma_start3A_373, %dma_start3A_374] : memref<20000x32xf32, #tpu.memory_space<hbm>> -> memref<20000x32xf32, #tpu.memory_space<hbm>>
          tpu.enqueue_indirect_dma source(%dma_start3A_375 : memref<20000x32xf32, #tpu.memory_space<hbm>>) target(%arg18 : memref<80x32xf32, #tpu.memory_space<vmem>>) offsets(%dma_start3A_372 : memref<80xi32, #tpu.memory_space<vmem>>) semaphore(%arg22 : memref<!tpu.dma_semaphore, #tpu.memory_space<semaphore_mem>>)
        } else {
        }
      }
      %scan3A_85 = arith.constant 25 : i32
      %dma_wait3A = arith.constant 0 : i32
      %dma_wait3A_86 = arith.constant 0 : i32
      %dma_wait3A_87 = tpu.memref_slice %arg11[%dma_wait3A, %dma_wait3A_86] : memref<250x80xi32, #tpu.memory_space<vmem>> -> memref<1x80xi32, #tpu.memory_space<vmem>>
      %dma_wait3A_88 = tpu.memref_squeeze %dma_wait3A_87 : memref<1x80xi32, #tpu.memory_space<vmem>> -> memref<80xi32, #tpu.memory_space<vmem>>
      %dma_wait3A_89 = arith.constant 0 : i32
      %dma_wait3A_90 = arith.constant 0 : i32
      %dma_wait3A_91 = tpu.memref_slice %arg9[%dma_wait3A_89, %dma_wait3A_90] : memref<20480x32xf32, #tpu.memory_space<vmem_shared>> -> memref<20480x32xf32, #tpu.memory_space<vmem_shared>>
      tpu.wait_indirect_dma semaphore(%arg23 : memref<!tpu.dma_semaphore, #tpu.memory_space<semaphore_mem>>) src(%arg12 : memref<80x32xf32, #tpu.memory_space<vmem>>) dst(%dma_wait3A_91 : memref<20480x32xf32, #tpu.memory_space<vmem_shared>>)
      %dma_wait3A_92 = arith.constant 0 : i32
      %dma_wait3A_93 = arith.constant 0 : i32
      %dma_wait3A_94 = tpu.memref_slice %arg11[%dma_wait3A_92, %dma_wait3A_93] : memref<250x80xi32, #tpu.memory_space<vmem>> -> memref<1x80xi32, #tpu.memory_space<vmem>>
      %dma_wait3A_95 = tpu.memref_squeeze %dma_wait3A_94 : memref<1x80xi32, #tpu.memory_space<vmem>> -> memref<80xi32, #tpu.memory_space<vmem>>
      %dma_wait3A_96 = arith.constant 0 : i32
      %dma_wait3A_97 = arith.constant 0 : i32
      %dma_wait3A_98 = tpu.memref_slice %arg9[%dma_wait3A_96, %dma_wait3A_97] : memref<20480x32xf32, #tpu.memory_space<vmem_shared>> -> memref<20480x32xf32, #tpu.memory_space<vmem_shared>>
      tpu.wait_indirect_dma semaphore(%arg23 : memref<!tpu.dma_semaphore, #tpu.memory_space<semaphore_mem>>) src(%arg13 : memref<80x32xf32, #tpu.memory_space<vmem>>) dst(%dma_wait3A_98 : memref<20480x32xf32, #tpu.memory_space<vmem_shared>>)
      %dma_wait3A_99 = arith.constant 0 : i32
      %dma_wait3A_100 = arith.constant 0 : i32
      %dma_wait3A_101 = tpu.memref_slice %arg11[%dma_wait3A_99, %dma_wait3A_100] : memref<250x80xi32, #tpu.memory_space<vmem>> -> memref<1x80xi32, #tpu.memory_space<vmem>>
      %dma_wait3A_102 = tpu.memref_squeeze %dma_wait3A_101 : memref<1x80xi32, #tpu.memory_space<vmem>> -> memref<80xi32, #tpu.memory_space<vmem>>
      %dma_wait3A_103 = arith.constant 0 : i32
      %dma_wait3A_104 = arith.constant 0 : i32
      %dma_wait3A_105 = tpu.memref_slice %arg9[%dma_wait3A_103, %dma_wait3A_104] : memref<20480x32xf32, #tpu.memory_space<vmem_shared>> -> memref<20480x32xf32, #tpu.memory_space<vmem_shared>>
      tpu.wait_indirect_dma semaphore(%arg23 : memref<!tpu.dma_semaphore, #tpu.memory_space<semaphore_mem>>) src(%arg14 : memref<80x32xf32, #tpu.memory_space<vmem>>) dst(%dma_wait3A_105 : memref<20480x32xf32, #tpu.memory_space<vmem_shared>>)
    } else {
    }
    %eq3A_3 = arith.constant 1 : i32
    %eq3A_4 = arith.cmpi eq, %arg0, %eq3A_3 : i32
    %convert_element_type3A_5 = arith.extui %eq3A_4 : i1 to i32
    %cond3A_6 = arith.constant 0 : i32
    %cond3A_7 = arith.cmpi ne, %convert_element_type3A_5, %cond3A_6 : i32
    scf.if %cond3A_7 {
      %run_scoped3A = arith.constant 0 : i32
      %run_scoped3A_31 = arith.constant 0 : i32
      "tpu.region"() ({
        %run_scoped3A_106 = tpu.sem_alloc : memref<!tpu.dma_semaphore, #tpu.memory_space<semaphore_mem>>
        %dma_start3A_107 = arith.constant 0 : i32
        %dma_start3A_108 = arith.constant 0 : i32
        %dma_start3A_109 = tpu.memref_slice %arg5[%run_scoped3A, %arg1, %run_scoped3A_31, %dma_start3A_107, %dma_start3A_108] : memref<2x16x2x250x80xi32, #tpu.memory_space<hbm>> -> memref<1x1x1x250x80xi32, #tpu.memory_space<hbm>>
        %dma_start3A_110 = tpu.memref_squeeze %dma_start3A_109 : memref<1x1x1x250x80xi32, #tpu.memory_space<hbm>> -> memref<250x80xi32, #tpu.memory_space<hbm>>
        %dma_start3A_111 = arith.constant 0 : i32
        %dma_start3A_112 = arith.constant 0 : i32
        %dma_start3A_113 = tpu.memref_slice %arg5[%run_scoped3A, %arg1, %run_scoped3A_31, %dma_start3A_111, %dma_start3A_112] : memref<2x16x2x250x80xi32, #tpu.memory_space<hbm>> -> memref<1x1x1x250x80xi32, #tpu.memory_space<hbm>>
        %dma_start3A_114 = tpu.memref_squeeze %dma_start3A_113 : memref<1x1x1x250x80xi32, #tpu.memory_space<hbm>> -> memref<250x80xi32, #tpu.memory_space<hbm>>
        tpu.enqueue_dma source(%dma_start3A_114 : memref<250x80xi32, #tpu.memory_space<hbm>>) target(%arg10 : memref<250x80xi32, #tpu.memory_space<vmem>>) target_semaphore(%run_scoped3A_106 : memref<!tpu.dma_semaphore, #tpu.memory_space<semaphore_mem>>)
        %dma_wait3A_115 = arith.constant 0 : i32
        %dma_wait3A_116 = arith.constant 0 : i32
        %dma_wait3A_117 = tpu.memref_slice %arg5[%run_scoped3A, %arg1, %run_scoped3A_31, %dma_wait3A_115, %dma_wait3A_116] : memref<2x16x2x250x80xi32, #tpu.memory_space<hbm>> -> memref<1x1x1x250x80xi32, #tpu.memory_space<hbm>>
        %dma_wait3A_118 = tpu.memref_squeeze %dma_wait3A_117 : memref<1x1x1x250x80xi32, #tpu.memory_space<hbm>> -> memref<250x80xi32, #tpu.memory_space<hbm>>
        %dma_wait3A_119 = arith.constant 0 : i32
        %dma_wait3A_120 = arith.constant 0 : i32
        %dma_wait3A_121 = tpu.memref_slice %arg5[%run_scoped3A, %arg1, %run_scoped3A_31, %dma_wait3A_119, %dma_wait3A_120] : memref<2x16x2x250x80xi32, #tpu.memory_space<hbm>> -> memref<1x1x1x250x80xi32, #tpu.memory_space<hbm>>
        %dma_wait3A_122 = tpu.memref_squeeze %dma_wait3A_121 : memref<1x1x1x250x80xi32, #tpu.memory_space<hbm>> -> memref<250x80xi32, #tpu.memory_space<hbm>>
        tpu.wait_dma2 semaphore(%run_scoped3A_106 : memref<!tpu.dma_semaphore, #tpu.memory_space<semaphore_mem>>) src(%dma_wait3A_122 : memref<250x80xi32, #tpu.memory_space<hbm>>) dst(%arg10 : memref<250x80xi32, #tpu.memory_space<vmem>>)
        tpu.yield
      }) : () -> ()
      %run_scoped3A_32 = arith.constant 1 : i32
      %run_scoped3A_33 = arith.constant 0 : i32
      "tpu.region"() ({
        %run_scoped3A_106 = tpu.sem_alloc : memref<!tpu.dma_semaphore, #tpu.memory_space<semaphore_mem>>
        %dma_start3A_107 = arith.constant 0 : i32
        %dma_start3A_108 = arith.constant 0 : i32
        %dma_start3A_109 = tpu.memref_slice %arg5[%run_scoped3A_32, %arg1, %run_scoped3A_33, %dma_start3A_107, %dma_start3A_108] : memref<2x16x2x250x80xi32, #tpu.memory_space<hbm>> -> memref<1x1x1x250x80xi32, #tpu.memory_space<hbm>>
        %dma_start3A_110 = tpu.memref_squeeze %dma_start3A_109 : memref<1x1x1x250x80xi32, #tpu.memory_space<hbm>> -> memref<250x80xi32, #tpu.memory_space<hbm>>
        %dma_start3A_111 = arith.constant 0 : i32
        %dma_start3A_112 = arith.constant 0 : i32
        %dma_start3A_113 = tpu.memref_slice %arg5[%run_scoped3A_32, %arg1, %run_scoped3A_33, %dma_start3A_111, %dma_start3A_112] : memref<2x16x2x250x80xi32, #tpu.memory_space<hbm>> -> memref<1x1x1x250x80xi32, #tpu.memory_space<hbm>>
        %dma_start3A_114 = tpu.memref_squeeze %dma_start3A_113 : memref<1x1x1x250x80xi32, #tpu.memory_space<hbm>> -> memref<250x80xi32, #tpu.memory_space<hbm>>
        tpu.enqueue_dma source(%dma_start3A_114 : memref<250x80xi32, #tpu.memory_space<hbm>>) target(%arg11 : memref<250x80xi32, #tpu.memory_space<vmem>>) target_semaphore(%run_scoped3A_106 : memref<!tpu.dma_semaphore, #tpu.memory_space<semaphore_mem>>)
        %dma_wait3A_115 = arith.constant 0 : i32
        %dma_wait3A_116 = arith.constant 0 : i32
        %dma_wait3A_117 = tpu.memref_slice %arg5[%run_scoped3A_32, %arg1, %run_scoped3A_33, %dma_wait3A_115, %dma_wait3A_116] : memref<2x16x2x250x80xi32, #tpu.memory_space<hbm>> -> memref<1x1x1x250x80xi32, #tpu.memory_space<hbm>>
        %dma_wait3A_118 = tpu.memref_squeeze %dma_wait3A_117 : memref<1x1x1x250x80xi32, #tpu.memory_space<hbm>> -> memref<250x80xi32, #tpu.memory_space<hbm>>
        %dma_wait3A_119 = arith.constant 0 : i32
        %dma_wait3A_120 = arith.constant 0 : i32
        %dma_wait3A_121 = tpu.memref_slice %arg5[%run_scoped3A_32, %arg1, %run_scoped3A_33, %dma_wait3A_119, %dma_wait3A_120] : memref<2x16x2x250x80xi32, #tpu.memory_space<hbm>> -> memref<1x1x1x250x80xi32, #tpu.memory_space<hbm>>
        %dma_wait3A_122 = tpu.memref_squeeze %dma_wait3A_121 : memref<1x1x1x250x80xi32, #tpu.memory_space<hbm>> -> memref<250x80xi32, #tpu.memory_space<hbm>>
        tpu.wait_dma2 semaphore(%run_scoped3A_106 : memref<!tpu.dma_semaphore, #tpu.memory_space<semaphore_mem>>) src(%dma_wait3A_122 : memref<250x80xi32, #tpu.memory_space<hbm>>) dst(%arg11 : memref<250x80xi32, #tpu.memory_space<vmem>>)
        tpu.yield
      }) : () -> ()
      %dma_start3A = arith.constant 0 : i32
      %dma_start3A_34 = arith.constant 0 : i32
      %dma_start3A_35 = tpu.memref_slice %arg10[%dma_start3A, %dma_start3A_34] : memref<250x80xi32, #tpu.memory_space<vmem>> -> memref<1x80xi32, #tpu.memory_space<vmem>>
      %dma_start3A_36 = tpu.memref_squeeze %dma_start3A_35 : memref<1x80xi32, #tpu.memory_space<vmem>> -> memref<80xi32, #tpu.memory_space<vmem>>
      %dma_start3A_37 = arith.constant 0 : i32
      %dma_start3A_38 = arith.constant 0 : i32
      %dma_start3A_39 = tpu.memref_slice %arg4[%dma_start3A_37, %dma_start3A_38] : memref<20000x32xf32, #tpu.memory_space<hbm>> -> memref<20000x32xf32, #tpu.memory_space<hbm>>
      tpu.enqueue_indirect_dma source(%dma_start3A_39 : memref<20000x32xf32, #tpu.memory_space<hbm>>) target(%arg12 : memref<80x32xf32, #tpu.memory_space<vmem>>) offsets(%dma_start3A_36 : memref<80xi32, #tpu.memory_space<vmem>>) semaphore(%arg22 : memref<!tpu.dma_semaphore, #tpu.memory_space<semaphore_mem>>)
      %dma_start3A_40 = arith.constant 1 : i32
      %dma_start3A_41 = arith.constant 0 : i32
      %dma_start3A_42 = tpu.memref_slice %arg10[%dma_start3A_40, %dma_start3A_41] : memref<250x80xi32, #tpu.memory_space<vmem>> -> memref<1x80xi32, #tpu.memory_space<vmem>>
      %dma_start3A_43 = tpu.memref_squeeze %dma_start3A_42 : memref<1x80xi32, #tpu.memory_space<vmem>> -> memref<80xi32, #tpu.memory_space<vmem>>
      %dma_start3A_44 = arith.constant 0 : i32
      %dma_start3A_45 = arith.constant 0 : i32
      %dma_start3A_46 = tpu.memref_slice %arg4[%dma_start3A_44, %dma_start3A_45] : memref<20000x32xf32, #tpu.memory_space<hbm>> -> memref<20000x32xf32, #tpu.memory_space<hbm>>
      tpu.enqueue_indirect_dma source(%dma_start3A_46 : memref<20000x32xf32, #tpu.memory_space<hbm>>) target(%arg13 : memref<80x32xf32, #tpu.memory_space<vmem>>) offsets(%dma_start3A_43 : memref<80xi32, #tpu.memory_space<vmem>>) semaphore(%arg22 : memref<!tpu.dma_semaphore, #tpu.memory_space<semaphore_mem>>)
      %dma_start3A_47 = arith.constant 2 : i32
      %dma_start3A_48 = arith.constant 0 : i32
      %dma_start3A_49 = tpu.memref_slice %arg10[%dma_start3A_47, %dma_start3A_48] : memref<250x80xi32, #tpu.memory_space<vmem>> -> memref<1x80xi32, #tpu.memory_space<vmem>>
      %dma_start3A_50 = tpu.memref_squeeze %dma_start3A_49 : memref<1x80xi32, #tpu.memory_space<vmem>> -> memref<80xi32, #tpu.memory_space<vmem>>
      %dma_start3A_51 = arith.constant 0 : i32
      %dma_start3A_52 = arith.constant 0 : i32
      %dma_start3A_53 = tpu.memref_slice %arg4[%dma_start3A_51, %dma_start3A_52] : memref<20000x32xf32, #tpu.memory_space<hbm>> -> memref<20000x32xf32, #tpu.memory_space<hbm>>
      tpu.enqueue_indirect_dma source(%dma_start3A_53 : memref<20000x32xf32, #tpu.memory_space<hbm>>) target(%arg14 : memref<80x32xf32, #tpu.memory_space<vmem>>) offsets(%dma_start3A_50 : memref<80xi32, #tpu.memory_space<vmem>>) semaphore(%arg22 : memref<!tpu.dma_semaphore, #tpu.memory_space<semaphore_mem>>)
      %dma_start3A_54 = arith.constant 3 : i32
      %dma_start3A_55 = arith.constant 0 : i32
      %dma_start3A_56 = tpu.memref_slice %arg10[%dma_start3A_54, %dma_start3A_55] : memref<250x80xi32, #tpu.memory_space<vmem>> -> memref<1x80xi32, #tpu.memory_space<vmem>>
      %dma_start3A_57 = tpu.memref_squeeze %dma_start3A_56 : memref<1x80xi32, #tpu.memory_space<vmem>> -> memref<80xi32, #tpu.memory_space<vmem>>
      %dma_start3A_58 = arith.constant 0 : i32
      %dma_start3A_59 = arith.constant 0 : i32
      %dma_start3A_60 = tpu.memref_slice %arg4[%dma_start3A_58, %dma_start3A_59] : memref<20000x32xf32, #tpu.memory_space<hbm>> -> memref<20000x32xf32, #tpu.memory_space<hbm>>
      tpu.enqueue_indirect_dma source(%dma_start3A_60 : memref<20000x32xf32, #tpu.memory_space<hbm>>) target(%arg15 : memref<80x32xf32, #tpu.memory_space<vmem>>) offsets(%dma_start3A_57 : memref<80xi32, #tpu.memory_space<vmem>>) semaphore(%arg22 : memref<!tpu.dma_semaphore, #tpu.memory_space<semaphore_mem>>)
      %dma_start3A_61 = arith.constant 4 : i32
      %dma_start3A_62 = arith.constant 0 : i32
      %dma_start3A_63 = tpu.memref_slice %arg10[%dma_start3A_61, %dma_start3A_62] : memref<250x80xi32, #tpu.memory_space<vmem>> -> memref<1x80xi32, #tpu.memory_space<vmem>>
      %dma_start3A_64 = tpu.memref_squeeze %dma_start3A_63 : memref<1x80xi32, #tpu.memory_space<vmem>> -> memref<80xi32, #tpu.memory_space<vmem>>
      %dma_start3A_65 = arith.constant 0 : i32
      %dma_start3A_66 = arith.constant 0 : i32
      %dma_start3A_67 = tpu.memref_slice %arg4[%dma_start3A_65, %dma_start3A_66] : memref<20000x32xf32, #tpu.memory_space<hbm>> -> memref<20000x32xf32, #tpu.memory_space<hbm>>
      tpu.enqueue_indirect_dma source(%dma_start3A_67 : memref<20000x32xf32, #tpu.memory_space<hbm>>) target(%arg16 : memref<80x32xf32, #tpu.memory_space<vmem>>) offsets(%dma_start3A_64 : memref<80xi32, #tpu.memory_space<vmem>>) semaphore(%arg22 : memref<!tpu.dma_semaphore, #tpu.memory_space<semaphore_mem>>)
      %dma_start3A_68 = arith.constant 5 : i32
      %dma_start3A_69 = arith.constant 0 : i32
      %dma_start3A_70 = tpu.memref_slice %arg10[%dma_start3A_68, %dma_start3A_69] : memref<250x80xi32, #tpu.memory_space<vmem>> -> memref<1x80xi32, #tpu.memory_space<vmem>>
      %dma_start3A_71 = tpu.memref_squeeze %dma_start3A_70 : memref<1x80xi32, #tpu.memory_space<vmem>> -> memref<80xi32, #tpu.memory_space<vmem>>
      %dma_start3A_72 = arith.constant 0 : i32
      %dma_start3A_73 = arith.constant 0 : i32
      %dma_start3A_74 = tpu.memref_slice %arg4[%dma_start3A_72, %dma_start3A_73] : memref<20000x32xf32, #tpu.memory_space<hbm>> -> memref<20000x32xf32, #tpu.memory_space<hbm>>
      tpu.enqueue_indirect_dma source(%dma_start3A_74 : memref<20000x32xf32, #tpu.memory_space<hbm>>) target(%arg17 : memref<80x32xf32, #tpu.memory_space<vmem>>) offsets(%dma_start3A_71 : memref<80xi32, #tpu.memory_space<vmem>>) semaphore(%arg22 : memref<!tpu.dma_semaphore, #tpu.memory_space<semaphore_mem>>)
      %dma_start3A_75 = arith.constant 6 : i32
      %dma_start3A_76 = arith.constant 0 : i32
      %dma_start3A_77 = tpu.memref_slice %arg10[%dma_start3A_75, %dma_start3A_76] : memref<250x80xi32, #tpu.memory_space<vmem>> -> memref<1x80xi32, #tpu.memory_space<vmem>>
      %dma_start3A_78 = tpu.memref_squeeze %dma_start3A_77 : memref<1x80xi32, #tpu.memory_space<vmem>> -> memref<80xi32, #tpu.memory_space<vmem>>
      %dma_start3A_79 = arith.constant 0 : i32
      %dma_start3A_80 = arith.constant 0 : i32
      %dma_start3A_81 = tpu.memref_slice %arg4[%dma_start3A_79, %dma_start3A_80] : memref<20000x32xf32, #tpu.memory_space<hbm>> -> memref<20000x32xf32, #tpu.memory_space<hbm>>
      tpu.enqueue_indirect_dma source(%dma_start3A_81 : memref<20000x32xf32, #tpu.memory_space<hbm>>) target(%arg18 : memref<80x32xf32, #tpu.memory_space<vmem>>) offsets(%dma_start3A_78 : memref<80xi32, #tpu.memory_space<vmem>>) semaphore(%arg22 : memref<!tpu.dma_semaphore, #tpu.memory_space<semaphore_mem>>)
      %scan3A = arith.constant 0 : i32
      %scan3A_82 = arith.constant 25 : i32
      %scan3A_83 = arith.addi %scan3A, %scan3A_82 : i32
      %scan3A_84 = arith.constant 1 : i32
      scf.for %scan3A_106 = %scan3A to %scan3A_83 step %scan3A_84  : i32 {
        %mul3A_107 = arith.constant 10 : i32
        %mul3A_108 = arith.muli %scan3A_106, %mul3A_107 : i32
        %add3A = arith.constant 0 : i32
        %add3A_109 = arith.addi %add3A, %mul3A_108 : i32
        %add3A_110 = arith.constant 0 : i32
        %add3A_111 = arith.addi %add3A_109, %add3A_110 : i32
        %dma_wait3A_112 = arith.constant 0 : i32
        %dma_wait3A_113 = tpu.memref_slice %arg10[%add3A_111, %dma_wait3A_112] : memref<250x80xi32, #tpu.memory_space<vmem>> -> memref<1x80xi32, #tpu.memory_space<vmem>>
        %dma_wait3A_114 = tpu.memref_squeeze %dma_wait3A_113 : memref<1x80xi32, #tpu.memory_space<vmem>> -> memref<80xi32, #tpu.memory_space<vmem>>
        %dma_wait3A_115 = arith.constant 0 : i32
        %dma_wait3A_116 = arith.constant 0 : i32
        %dma_wait3A_117 = tpu.memref_slice %arg4[%dma_wait3A_115, %dma_wait3A_116] : memref<20000x32xf32, #tpu.memory_space<hbm>> -> memref<20000x32xf32, #tpu.memory_space<hbm>>
        tpu.wait_indirect_dma semaphore(%arg22 : memref<!tpu.dma_semaphore, #tpu.memory_space<semaphore_mem>>) src(%dma_wait3A_117 : memref<20000x32xf32, #tpu.memory_space<hbm>>) dst(%arg12 : memref<80x32xf32, #tpu.memory_space<vmem>>)
        %dma_start3A_118 = arith.constant 0 : i32
        %dma_start3A_119 = tpu.memref_slice %arg11[%add3A_111, %dma_start3A_118] : memref<250x80xi32, #tpu.memory_space<vmem>> -> memref<1x80xi32, #tpu.memory_space<vmem>>
        %dma_start3A_120 = tpu.memref_squeeze %dma_start3A_119 : memref<1x80xi32, #tpu.memory_space<vmem>> -> memref<80xi32, #tpu.memory_space<vmem>>
        %dma_start3A_121 = arith.constant 0 : i32
        %dma_start3A_122 = arith.constant 0 : i32
        %dma_start3A_123 = tpu.memref_slice %arg9[%dma_start3A_121, %dma_start3A_122] : memref<20480x32xf32, #tpu.memory_space<vmem_shared>> -> memref<20480x32xf32, #tpu.memory_space<vmem_shared>>
        tpu.enqueue_indirect_dma source(%arg12 : memref<80x32xf32, #tpu.memory_space<vmem>>) target(%dma_start3A_123 : memref<20480x32xf32, #tpu.memory_space<vmem_shared>>) offsets(%dma_start3A_120 : memref<80xi32, #tpu.memory_space<vmem>>) semaphore(%arg23 : memref<!tpu.dma_semaphore, #tpu.memory_space<semaphore_mem>>) {add = true}
        %ge3A = arith.constant 3 : i32
        %ge3A_124 = arith.cmpi sge, %add3A_111, %ge3A : i32
        %convert_element_type3A_125 = arith.extui %ge3A_124 : i1 to i32
        %cond3A_126 = arith.constant 0 : i32
        %cond3A_127 = arith.cmpi ne, %convert_element_type3A_125, %cond3A_126 : i32
        scf.if %cond3A_127 {
          %dma_wait3A_368 = arith.constant 0 : i32
          %dma_wait3A_369 = tpu.memref_slice %arg11[%add3A_111, %dma_wait3A_368] : memref<250x80xi32, #tpu.memory_space<vmem>> -> memref<1x80xi32, #tpu.memory_space<vmem>>
          %dma_wait3A_370 = tpu.memref_squeeze %dma_wait3A_369 : memref<1x80xi32, #tpu.memory_space<vmem>> -> memref<80xi32, #tpu.memory_space<vmem>>
          %dma_wait3A_371 = arith.constant 0 : i32
          %dma_wait3A_372 = arith.constant 0 : i32
          %dma_wait3A_373 = tpu.memref_slice %arg9[%dma_wait3A_371, %dma_wait3A_372] : memref<20480x32xf32, #tpu.memory_space<vmem_shared>> -> memref<20480x32xf32, #tpu.memory_space<vmem_shared>>
          tpu.wait_indirect_dma semaphore(%arg23 : memref<!tpu.dma_semaphore, #tpu.memory_space<semaphore_mem>>) src(%arg19 : memref<80x32xf32, #tpu.memory_space<vmem>>) dst(%dma_wait3A_373 : memref<20480x32xf32, #tpu.memory_space<vmem_shared>>)
        } else {
        }
        %add3A_128 = arith.constant 7 : i32
        %add3A_129 = arith.addi %add3A_111, %add3A_128 : i32
        %lt3A = arith.constant 250 : i32
        %lt3A_130 = arith.cmpi slt, %add3A_129, %lt3A : i32
        %convert_element_type3A_131 = arith.extui %lt3A_130 : i1 to i32
        %cond3A_132 = arith.constant 0 : i32
        %cond3A_133 = arith.cmpi ne, %convert_element_type3A_131, %cond3A_132 : i32
        scf.if %cond3A_133 {
          %add3A_368 = arith.constant 7 : i32
          %add3A_369 = arith.addi %add3A_111, %add3A_368 : i32
          %dma_start3A_370 = arith.constant 0 : i32
          %dma_start3A_371 = tpu.memref_slice %arg10[%add3A_369, %dma_start3A_370] : memref<250x80xi32, #tpu.memory_space<vmem>> -> memref<1x80xi32, #tpu.memory_space<vmem>>
          %dma_start3A_372 = tpu.memref_squeeze %dma_start3A_371 : memref<1x80xi32, #tpu.memory_space<vmem>> -> memref<80xi32, #tpu.memory_space<vmem>>
          %dma_start3A_373 = arith.constant 0 : i32
          %dma_start3A_374 = arith.constant 0 : i32
          %dma_start3A_375 = tpu.memref_slice %arg4[%dma_start3A_373, %dma_start3A_374] : memref<20000x32xf32, #tpu.memory_space<hbm>> -> memref<20000x32xf32, #tpu.memory_space<hbm>>
          tpu.enqueue_indirect_dma source(%dma_start3A_375 : memref<20000x32xf32, #tpu.memory_space<hbm>>) target(%arg19 : memref<80x32xf32, #tpu.memory_space<vmem>>) offsets(%dma_start3A_372 : memref<80xi32, #tpu.memory_space<vmem>>) semaphore(%arg22 : memref<!tpu.dma_semaphore, #tpu.memory_space<semaphore_mem>>)
        } else {
        }
        %add3A_134 = arith.constant 1 : i32
        %add3A_135 = arith.addi %add3A_109, %add3A_134 : i32
        %dma_wait3A_136 = arith.constant 0 : i32
        %dma_wait3A_137 = tpu.memref_slice %arg10[%add3A_135, %dma_wait3A_136] : memref<250x80xi32, #tpu.memory_space<vmem>> -> memref<1x80xi32, #tpu.memory_space<vmem>>
        %dma_wait3A_138 = tpu.memref_squeeze %dma_wait3A_137 : memref<1x80xi32, #tpu.memory_space<vmem>> -> memref<80xi32, #tpu.memory_space<vmem>>
        %dma_wait3A_139 = arith.constant 0 : i32
        %dma_wait3A_140 = arith.constant 0 : i32
        %dma_wait3A_141 = tpu.memref_slice %arg4[%dma_wait3A_139, %dma_wait3A_140] : memref<20000x32xf32, #tpu.memory_space<hbm>> -> memref<20000x32xf32, #tpu.memory_space<hbm>>
        tpu.wait_indirect_dma semaphore(%arg22 : memref<!tpu.dma_semaphore, #tpu.memory_space<semaphore_mem>>) src(%dma_wait3A_141 : memref<20000x32xf32, #tpu.memory_space<hbm>>) dst(%arg13 : memref<80x32xf32, #tpu.memory_space<vmem>>)
        %dma_start3A_142 = arith.constant 0 : i32
        %dma_start3A_143 = tpu.memref_slice %arg11[%add3A_135, %dma_start3A_142] : memref<250x80xi32, #tpu.memory_space<vmem>> -> memref<1x80xi32, #tpu.memory_space<vmem>>
        %dma_start3A_144 = tpu.memref_squeeze %dma_start3A_143 : memref<1x80xi32, #tpu.memory_space<vmem>> -> memref<80xi32, #tpu.memory_space<vmem>>
        %dma_start3A_145 = arith.constant 0 : i32
        %dma_start3A_146 = arith.constant 0 : i32
        %dma_start3A_147 = tpu.memref_slice %arg9[%dma_start3A_145, %dma_start3A_146] : memref<20480x32xf32, #tpu.memory_space<vmem_shared>> -> memref<20480x32xf32, #tpu.memory_space<vmem_shared>>
        tpu.enqueue_indirect_dma source(%arg13 : memref<80x32xf32, #tpu.memory_space<vmem>>) target(%dma_start3A_147 : memref<20480x32xf32, #tpu.memory_space<vmem_shared>>) offsets(%dma_start3A_144 : memref<80xi32, #tpu.memory_space<vmem>>) semaphore(%arg23 : memref<!tpu.dma_semaphore, #tpu.memory_space<semaphore_mem>>) {add = true}
        %ge3A_148 = arith.constant 3 : i32
        %ge3A_149 = arith.cmpi sge, %add3A_135, %ge3A_148 : i32
        %convert_element_type3A_150 = arith.extui %ge3A_149 : i1 to i32
        %cond3A_151 = arith.constant 0 : i32
        %cond3A_152 = arith.cmpi ne, %convert_element_type3A_150, %cond3A_151 : i32
        scf.if %cond3A_152 {
          %dma_wait3A_368 = arith.constant 0 : i32
          %dma_wait3A_369 = tpu.memref_slice %arg11[%add3A_135, %dma_wait3A_368] : memref<250x80xi32, #tpu.memory_space<vmem>> -> memref<1x80xi32, #tpu.memory_space<vmem>>
          %dma_wait3A_370 = tpu.memref_squeeze %dma_wait3A_369 : memref<1x80xi32, #tpu.memory_space<vmem>> -> memref<80xi32, #tpu.memory_space<vmem>>
          %dma_wait3A_371 = arith.constant 0 : i32
          %dma_wait3A_372 = arith.constant 0 : i32
          %dma_wait3A_373 = tpu.memref_slice %arg9[%dma_wait3A_371, %dma_wait3A_372] : memref<20480x32xf32, #tpu.memory_space<vmem_shared>> -> memref<20480x32xf32, #tpu.memory_space<vmem_shared>>
          tpu.wait_indirect_dma semaphore(%arg23 : memref<!tpu.dma_semaphore, #tpu.memory_space<semaphore_mem>>) src(%arg20 : memref<80x32xf32, #tpu.memory_space<vmem>>) dst(%dma_wait3A_373 : memref<20480x32xf32, #tpu.memory_space<vmem_shared>>)
        } else {
        }
        %add3A_153 = arith.constant 7 : i32
        %add3A_154 = arith.addi %add3A_135, %add3A_153 : i32
        %lt3A_155 = arith.constant 250 : i32
        %lt3A_156 = arith.cmpi slt, %add3A_154, %lt3A_155 : i32
        %convert_element_type3A_157 = arith.extui %lt3A_156 : i1 to i32
        %cond3A_158 = arith.constant 0 : i32
        %cond3A_159 = arith.cmpi ne, %convert_element_type3A_157, %cond3A_158 : i32
        scf.if %cond3A_159 {
          %add3A_368 = arith.constant 7 : i32
          %add3A_369 = arith.addi %add3A_135, %add3A_368 : i32
          %dma_start3A_370 = arith.constant 0 : i32
          %dma_start3A_371 = tpu.memref_slice %arg10[%add3A_369, %dma_start3A_370] : memref<250x80xi32, #tpu.memory_space<vmem>> -> memref<1x80xi32, #tpu.memory_space<vmem>>
          %dma_start3A_372 = tpu.memref_squeeze %dma_start3A_371 : memref<1x80xi32, #tpu.memory_space<vmem>> -> memref<80xi32, #tpu.memory_space<vmem>>
          %dma_start3A_373 = arith.constant 0 : i32
          %dma_start3A_374 = arith.constant 0 : i32
          %dma_start3A_375 = tpu.memref_slice %arg4[%dma_start3A_373, %dma_start3A_374] : memref<20000x32xf32, #tpu.memory_space<hbm>> -> memref<20000x32xf32, #tpu.memory_space<hbm>>
          tpu.enqueue_indirect_dma source(%dma_start3A_375 : memref<20000x32xf32, #tpu.memory_space<hbm>>) target(%arg20 : memref<80x32xf32, #tpu.memory_space<vmem>>) offsets(%dma_start3A_372 : memref<80xi32, #tpu.memory_space<vmem>>) semaphore(%arg22 : memref<!tpu.dma_semaphore, #tpu.memory_space<semaphore_mem>>)
        } else {
        }
        %add3A_160 = arith.constant 2 : i32
        %add3A_161 = arith.addi %add3A_109, %add3A_160 : i32
        %dma_wait3A_162 = arith.constant 0 : i32
        %dma_wait3A_163 = tpu.memref_slice %arg10[%add3A_161, %dma_wait3A_162] : memref<250x80xi32, #tpu.memory_space<vmem>> -> memref<1x80xi32, #tpu.memory_space<vmem>>
        %dma_wait3A_164 = tpu.memref_squeeze %dma_wait3A_163 : memref<1x80xi32, #tpu.memory_space<vmem>> -> memref<80xi32, #tpu.memory_space<vmem>>
        %dma_wait3A_165 = arith.constant 0 : i32
        %dma_wait3A_166 = arith.constant 0 : i32
        %dma_wait3A_167 = tpu.memref_slice %arg4[%dma_wait3A_165, %dma_wait3A_166] : memref<20000x32xf32, #tpu.memory_space<hbm>> -> memref<20000x32xf32, #tpu.memory_space<hbm>>
        tpu.wait_indirect_dma semaphore(%arg22 : memref<!tpu.dma_semaphore, #tpu.memory_space<semaphore_mem>>) src(%dma_wait3A_167 : memref<20000x32xf32, #tpu.memory_space<hbm>>) dst(%arg14 : memref<80x32xf32, #tpu.memory_space<vmem>>)
        %dma_start3A_168 = arith.constant 0 : i32
        %dma_start3A_169 = tpu.memref_slice %arg11[%add3A_161, %dma_start3A_168] : memref<250x80xi32, #tpu.memory_space<vmem>> -> memref<1x80xi32, #tpu.memory_space<vmem>>
        %dma_start3A_170 = tpu.memref_squeeze %dma_start3A_169 : memref<1x80xi32, #tpu.memory_space<vmem>> -> memref<80xi32, #tpu.memory_space<vmem>>
        %dma_start3A_171 = arith.constant 0 : i32
        %dma_start3A_172 = arith.constant 0 : i32
        %dma_start3A_173 = tpu.memref_slice %arg9[%dma_start3A_171, %dma_start3A_172] : memref<20480x32xf32, #tpu.memory_space<vmem_shared>> -> memref<20480x32xf32, #tpu.memory_space<vmem_shared>>
        tpu.enqueue_indirect_dma source(%arg14 : memref<80x32xf32, #tpu.memory_space<vmem>>) target(%dma_start3A_173 : memref<20480x32xf32, #tpu.memory_space<vmem_shared>>) offsets(%dma_start3A_170 : memref<80xi32, #tpu.memory_space<vmem>>) semaphore(%arg23 : memref<!tpu.dma_semaphore, #tpu.memory_space<semaphore_mem>>) {add = true}
        %ge3A_174 = arith.constant 3 : i32
        %ge3A_175 = arith.cmpi sge, %add3A_161, %ge3A_174 : i32
        %convert_element_type3A_176 = arith.extui %ge3A_175 : i1 to i32
        %cond3A_177 = arith.constant 0 : i32
        %cond3A_178 = arith.cmpi ne, %convert_element_type3A_176, %cond3A_177 : i32
        scf.if %cond3A_178 {
          %dma_wait3A_368 = arith.constant 0 : i32
          %dma_wait3A_369 = tpu.memref_slice %arg11[%add3A_161, %dma_wait3A_368] : memref<250x80xi32, #tpu.memory_space<vmem>> -> memref<1x80xi32, #tpu.memory_space<vmem>>
          %dma_wait3A_370 = tpu.memref_squeeze %dma_wait3A_369 : memref<1x80xi32, #tpu.memory_space<vmem>> -> memref<80xi32, #tpu.memory_space<vmem>>
          %dma_wait3A_371 = arith.constant 0 : i32
          %dma_wait3A_372 = arith.constant 0 : i32
          %dma_wait3A_373 = tpu.memref_slice %arg9[%dma_wait3A_371, %dma_wait3A_372] : memref<20480x32xf32, #tpu.memory_space<vmem_shared>> -> memref<20480x32xf32, #tpu.memory_space<vmem_shared>>
          tpu.wait_indirect_dma semaphore(%arg23 : memref<!tpu.dma_semaphore, #tpu.memory_space<semaphore_mem>>) src(%arg21 : memref<80x32xf32, #tpu.memory_space<vmem>>) dst(%dma_wait3A_373 : memref<20480x32xf32, #tpu.memory_space<vmem_shared>>)
        } else {
        }
        %add3A_179 = arith.constant 7 : i32
        %add3A_180 = arith.addi %add3A_161, %add3A_179 : i32
        %lt3A_181 = arith.constant 250 : i32
        %lt3A_182 = arith.cmpi slt, %add3A_180, %lt3A_181 : i32
        %convert_element_type3A_183 = arith.extui %lt3A_182 : i1 to i32
        %cond3A_184 = arith.constant 0 : i32
        %cond3A_185 = arith.cmpi ne, %convert_element_type3A_183, %cond3A_184 : i32
        scf.if %cond3A_185 {
          %add3A_368 = arith.constant 7 : i32
          %add3A_369 = arith.addi %add3A_161, %add3A_368 : i32
          %dma_start3A_370 = arith.constant 0 : i32
          %dma_start3A_371 = tpu.memref_slice %arg10[%add3A_369, %dma_start3A_370] : memref<250x80xi32, #tpu.memory_space<vmem>> -> memref<1x80xi32, #tpu.memory_space<vmem>>
          %dma_start3A_372 = tpu.memref_squeeze %dma_start3A_371 : memref<1x80xi32, #tpu.memory_space<vmem>> -> memref<80xi32, #tpu.memory_space<vmem>>
          %dma_start3A_373 = arith.constant 0 : i32
          %dma_start3A_374 = arith.constant 0 : i32
          %dma_start3A_375 = tpu.memref_slice %arg4[%dma_start3A_373, %dma_start3A_374] : memref<20000x32xf32, #tpu.memory_space<hbm>> -> memref<20000x32xf32, #tpu.memory_space<hbm>>
          tpu.enqueue_indirect_dma source(%dma_start3A_375 : memref<20000x32xf32, #tpu.memory_space<hbm>>) target(%arg21 : memref<80x32xf32, #tpu.memory_space<vmem>>) offsets(%dma_start3A_372 : memref<80xi32, #tpu.memory_space<vmem>>) semaphore(%arg22 : memref<!tpu.dma_semaphore, #tpu.memory_space<semaphore_mem>>)
        } else {
        }
        %add3A_186 = arith.constant 3 : i32
        %add3A_187 = arith.addi %add3A_109, %add3A_186 : i32
        %dma_wait3A_188 = arith.constant 0 : i32
        %dma_wait3A_189 = tpu.memref_slice %arg10[%add3A_187, %dma_wait3A_188] : memref<250x80xi32, #tpu.memory_space<vmem>> -> memref<1x80xi32, #tpu.memory_space<vmem>>
        %dma_wait3A_190 = tpu.memref_squeeze %dma_wait3A_189 : memref<1x80xi32, #tpu.memory_space<vmem>> -> memref<80xi32, #tpu.memory_space<vmem>>
        %dma_wait3A_191 = arith.constant 0 : i32
        %dma_wait3A_192 = arith.constant 0 : i32
        %dma_wait3A_193 = tpu.memref_slice %arg4[%dma_wait3A_191, %dma_wait3A_192] : memref<20000x32xf32, #tpu.memory_space<hbm>> -> memref<20000x32xf32, #tpu.memory_space<hbm>>
        tpu.wait_indirect_dma semaphore(%arg22 : memref<!tpu.dma_semaphore, #tpu.memory_space<semaphore_mem>>) src(%dma_wait3A_193 : memref<20000x32xf32, #tpu.memory_space<hbm>>) dst(%arg15 : memref<80x32xf32, #tpu.memory_space<vmem>>)
        %dma_start3A_194 = arith.constant 0 : i32
        %dma_start3A_195 = tpu.memref_slice %arg11[%add3A_187, %dma_start3A_194] : memref<250x80xi32, #tpu.memory_space<vmem>> -> memref<1x80xi32, #tpu.memory_space<vmem>>
        %dma_start3A_196 = tpu.memref_squeeze %dma_start3A_195 : memref<1x80xi32, #tpu.memory_space<vmem>> -> memref<80xi32, #tpu.memory_space<vmem>>
        %dma_start3A_197 = arith.constant 0 : i32
        %dma_start3A_198 = arith.constant 0 : i32
        %dma_start3A_199 = tpu.memref_slice %arg9[%dma_start3A_197, %dma_start3A_198] : memref<20480x32xf32, #tpu.memory_space<vmem_shared>> -> memref<20480x32xf32, #tpu.memory_space<vmem_shared>>
        tpu.enqueue_indirect_dma source(%arg15 : memref<80x32xf32, #tpu.memory_space<vmem>>) target(%dma_start3A_199 : memref<20480x32xf32, #tpu.memory_space<vmem_shared>>) offsets(%dma_start3A_196 : memref<80xi32, #tpu.memory_space<vmem>>) semaphore(%arg23 : memref<!tpu.dma_semaphore, #tpu.memory_space<semaphore_mem>>) {add = true}
        %ge3A_200 = arith.constant 3 : i32
        %ge3A_201 = arith.cmpi sge, %add3A_187, %ge3A_200 : i32
        %convert_element_type3A_202 = arith.extui %ge3A_201 : i1 to i32
        %cond3A_203 = arith.constant 0 : i32
        %cond3A_204 = arith.cmpi ne, %convert_element_type3A_202, %cond3A_203 : i32
        scf.if %cond3A_204 {
          %dma_wait3A_368 = arith.constant 0 : i32
          %dma_wait3A_369 = tpu.memref_slice %arg11[%add3A_187, %dma_wait3A_368] : memref<250x80xi32, #tpu.memory_space<vmem>> -> memref<1x80xi32, #tpu.memory_space<vmem>>
          %dma_wait3A_370 = tpu.memref_squeeze %dma_wait3A_369 : memref<1x80xi32, #tpu.memory_space<vmem>> -> memref<80xi32, #tpu.memory_space<vmem>>
          %dma_wait3A_371 = arith.constant 0 : i32
          %dma_wait3A_372 = arith.constant 0 : i32
          %dma_wait3A_373 = tpu.memref_slice %arg9[%dma_wait3A_371, %dma_wait3A_372] : memref<20480x32xf32, #tpu.memory_space<vmem_shared>> -> memref<20480x32xf32, #tpu.memory_space<vmem_shared>>
          tpu.wait_indirect_dma semaphore(%arg23 : memref<!tpu.dma_semaphore, #tpu.memory_space<semaphore_mem>>) src(%arg12 : memref<80x32xf32, #tpu.memory_space<vmem>>) dst(%dma_wait3A_373 : memref<20480x32xf32, #tpu.memory_space<vmem_shared>>)
        } else {
        }
        %add3A_205 = arith.constant 7 : i32
        %add3A_206 = arith.addi %add3A_187, %add3A_205 : i32
        %lt3A_207 = arith.constant 250 : i32
        %lt3A_208 = arith.cmpi slt, %add3A_206, %lt3A_207 : i32
        %convert_element_type3A_209 = arith.extui %lt3A_208 : i1 to i32
        %cond3A_210 = arith.constant 0 : i32
        %cond3A_211 = arith.cmpi ne, %convert_element_type3A_209, %cond3A_210 : i32
        scf.if %cond3A_211 {
          %add3A_368 = arith.constant 7 : i32
          %add3A_369 = arith.addi %add3A_187, %add3A_368 : i32
          %dma_start3A_370 = arith.constant 0 : i32
          %dma_start3A_371 = tpu.memref_slice %arg10[%add3A_369, %dma_start3A_370] : memref<250x80xi32, #tpu.memory_space<vmem>> -> memref<1x80xi32, #tpu.memory_space<vmem>>
          %dma_start3A_372 = tpu.memref_squeeze %dma_start3A_371 : memref<1x80xi32, #tpu.memory_space<vmem>> -> memref<80xi32, #tpu.memory_space<vmem>>
          %dma_start3A_373 = arith.constant 0 : i32
          %dma_start3A_374 = arith.constant 0 : i32
          %dma_start3A_375 = tpu.memref_slice %arg4[%dma_start3A_373, %dma_start3A_374] : memref<20000x32xf32, #tpu.memory_space<hbm>> -> memref<20000x32xf32, #tpu.memory_space<hbm>>
          tpu.enqueue_indirect_dma source(%dma_start3A_375 : memref<20000x32xf32, #tpu.memory_space<hbm>>) target(%arg12 : memref<80x32xf32, #tpu.memory_space<vmem>>) offsets(%dma_start3A_372 : memref<80xi32, #tpu.memory_space<vmem>>) semaphore(%arg22 : memref<!tpu.dma_semaphore, #tpu.memory_space<semaphore_mem>>)
        } else {
        }
        %add3A_212 = arith.constant 4 : i32
        %add3A_213 = arith.addi %add3A_109, %add3A_212 : i32
        %dma_wait3A_214 = arith.constant 0 : i32
        %dma_wait3A_215 = tpu.memref_slice %arg10[%add3A_213, %dma_wait3A_214] : memref<250x80xi32, #tpu.memory_space<vmem>> -> memref<1x80xi32, #tpu.memory_space<vmem>>
        %dma_wait3A_216 = tpu.memref_squeeze %dma_wait3A_215 : memref<1x80xi32, #tpu.memory_space<vmem>> -> memref<80xi32, #tpu.memory_space<vmem>>
        %dma_wait3A_217 = arith.constant 0 : i32
        %dma_wait3A_218 = arith.constant 0 : i32
        %dma_wait3A_219 = tpu.memref_slice %arg4[%dma_wait3A_217, %dma_wait3A_218] : memref<20000x32xf32, #tpu.memory_space<hbm>> -> memref<20000x32xf32, #tpu.memory_space<hbm>>
        tpu.wait_indirect_dma semaphore(%arg22 : memref<!tpu.dma_semaphore, #tpu.memory_space<semaphore_mem>>) src(%dma_wait3A_219 : memref<20000x32xf32, #tpu.memory_space<hbm>>) dst(%arg16 : memref<80x32xf32, #tpu.memory_space<vmem>>)
        %dma_start3A_220 = arith.constant 0 : i32
        %dma_start3A_221 = tpu.memref_slice %arg11[%add3A_213, %dma_start3A_220] : memref<250x80xi32, #tpu.memory_space<vmem>> -> memref<1x80xi32, #tpu.memory_space<vmem>>
        %dma_start3A_222 = tpu.memref_squeeze %dma_start3A_221 : memref<1x80xi32, #tpu.memory_space<vmem>> -> memref<80xi32, #tpu.memory_space<vmem>>
        %dma_start3A_223 = arith.constant 0 : i32
        %dma_start3A_224 = arith.constant 0 : i32
        %dma_start3A_225 = tpu.memref_slice %arg9[%dma_start3A_223, %dma_start3A_224] : memref<20480x32xf32, #tpu.memory_space<vmem_shared>> -> memref<20480x32xf32, #tpu.memory_space<vmem_shared>>
        tpu.enqueue_indirect_dma source(%arg16 : memref<80x32xf32, #tpu.memory_space<vmem>>) target(%dma_start3A_225 : memref<20480x32xf32, #tpu.memory_space<vmem_shared>>) offsets(%dma_start3A_222 : memref<80xi32, #tpu.memory_space<vmem>>) semaphore(%arg23 : memref<!tpu.dma_semaphore, #tpu.memory_space<semaphore_mem>>) {add = true}
        %ge3A_226 = arith.constant 3 : i32
        %ge3A_227 = arith.cmpi sge, %add3A_213, %ge3A_226 : i32
        %convert_element_type3A_228 = arith.extui %ge3A_227 : i1 to i32
        %cond3A_229 = arith.constant 0 : i32
        %cond3A_230 = arith.cmpi ne, %convert_element_type3A_228, %cond3A_229 : i32
        scf.if %cond3A_230 {
          %dma_wait3A_368 = arith.constant 0 : i32
          %dma_wait3A_369 = tpu.memref_slice %arg11[%add3A_213, %dma_wait3A_368] : memref<250x80xi32, #tpu.memory_space<vmem>> -> memref<1x80xi32, #tpu.memory_space<vmem>>
          %dma_wait3A_370 = tpu.memref_squeeze %dma_wait3A_369 : memref<1x80xi32, #tpu.memory_space<vmem>> -> memref<80xi32, #tpu.memory_space<vmem>>
          %dma_wait3A_371 = arith.constant 0 : i32
          %dma_wait3A_372 = arith.constant 0 : i32
          %dma_wait3A_373 = tpu.memref_slice %arg9[%dma_wait3A_371, %dma_wait3A_372] : memref<20480x32xf32, #tpu.memory_space<vmem_shared>> -> memref<20480x32xf32, #tpu.memory_space<vmem_shared>>
          tpu.wait_indirect_dma semaphore(%arg23 : memref<!tpu.dma_semaphore, #tpu.memory_space<semaphore_mem>>) src(%arg13 : memref<80x32xf32, #tpu.memory_space<vmem>>) dst(%dma_wait3A_373 : memref<20480x32xf32, #tpu.memory_space<vmem_shared>>)
        } else {
        }
        %add3A_231 = arith.constant 7 : i32
        %add3A_232 = arith.addi %add3A_213, %add3A_231 : i32
        %lt3A_233 = arith.constant 250 : i32
        %lt3A_234 = arith.cmpi slt, %add3A_232, %lt3A_233 : i32
        %convert_element_type3A_235 = arith.extui %lt3A_234 : i1 to i32
        %cond3A_236 = arith.constant 0 : i32
        %cond3A_237 = arith.cmpi ne, %convert_element_type3A_235, %cond3A_236 : i32
        scf.if %cond3A_237 {
          %add3A_368 = arith.constant 7 : i32
          %add3A_369 = arith.addi %add3A_213, %add3A_368 : i32
          %dma_start3A_370 = arith.constant 0 : i32
          %dma_start3A_371 = tpu.memref_slice %arg10[%add3A_369, %dma_start3A_370] : memref<250x80xi32, #tpu.memory_space<vmem>> -> memref<1x80xi32, #tpu.memory_space<vmem>>
          %dma_start3A_372 = tpu.memref_squeeze %dma_start3A_371 : memref<1x80xi32, #tpu.memory_space<vmem>> -> memref<80xi32, #tpu.memory_space<vmem>>
          %dma_start3A_373 = arith.constant 0 : i32
          %dma_start3A_374 = arith.constant 0 : i32
          %dma_start3A_375 = tpu.memref_slice %arg4[%dma_start3A_373, %dma_start3A_374] : memref<20000x32xf32, #tpu.memory_space<hbm>> -> memref<20000x32xf32, #tpu.memory_space<hbm>>
          tpu.enqueue_indirect_dma source(%dma_start3A_375 : memref<20000x32xf32, #tpu.memory_space<hbm>>) target(%arg13 : memref<80x32xf32, #tpu.memory_space<vmem>>) offsets(%dma_start3A_372 : memref<80xi32, #tpu.memory_space<vmem>>) semaphore(%arg22 : memref<!tpu.dma_semaphore, #tpu.memory_space<semaphore_mem>>)
        } else {
        }
        %add3A_238 = arith.constant 5 : i32
        %add3A_239 = arith.addi %add3A_109, %add3A_238 : i32
        %dma_wait3A_240 = arith.constant 0 : i32
        %dma_wait3A_241 = tpu.memref_slice %arg10[%add3A_239, %dma_wait3A_240] : memref<250x80xi32, #tpu.memory_space<vmem>> -> memref<1x80xi32, #tpu.memory_space<vmem>>
        %dma_wait3A_242 = tpu.memref_squeeze %dma_wait3A_241 : memref<1x80xi32, #tpu.memory_space<vmem>> -> memref<80xi32, #tpu.memory_space<vmem>>
        %dma_wait3A_243 = arith.constant 0 : i32
        %dma_wait3A_244 = arith.constant 0 : i32
        %dma_wait3A_245 = tpu.memref_slice %arg4[%dma_wait3A_243, %dma_wait3A_244] : memref<20000x32xf32, #tpu.memory_space<hbm>> -> memref<20000x32xf32, #tpu.memory_space<hbm>>
        tpu.wait_indirect_dma semaphore(%arg22 : memref<!tpu.dma_semaphore, #tpu.memory_space<semaphore_mem>>) src(%dma_wait3A_245 : memref<20000x32xf32, #tpu.memory_space<hbm>>) dst(%arg17 : memref<80x32xf32, #tpu.memory_space<vmem>>)
        %dma_start3A_246 = arith.constant 0 : i32
        %dma_start3A_247 = tpu.memref_slice %arg11[%add3A_239, %dma_start3A_246] : memref<250x80xi32, #tpu.memory_space<vmem>> -> memref<1x80xi32, #tpu.memory_space<vmem>>
        %dma_start3A_248 = tpu.memref_squeeze %dma_start3A_247 : memref<1x80xi32, #tpu.memory_space<vmem>> -> memref<80xi32, #tpu.memory_space<vmem>>
        %dma_start3A_249 = arith.constant 0 : i32
        %dma_start3A_250 = arith.constant 0 : i32
        %dma_start3A_251 = tpu.memref_slice %arg9[%dma_start3A_249, %dma_start3A_250] : memref<20480x32xf32, #tpu.memory_space<vmem_shared>> -> memref<20480x32xf32, #tpu.memory_space<vmem_shared>>
        tpu.enqueue_indirect_dma source(%arg17 : memref<80x32xf32, #tpu.memory_space<vmem>>) target(%dma_start3A_251 : memref<20480x32xf32, #tpu.memory_space<vmem_shared>>) offsets(%dma_start3A_248 : memref<80xi32, #tpu.memory_space<vmem>>) semaphore(%arg23 : memref<!tpu.dma_semaphore, #tpu.memory_space<semaphore_mem>>) {add = true}
        %ge3A_252 = arith.constant 3 : i32
        %ge3A_253 = arith.cmpi sge, %add3A_239, %ge3A_252 : i32
        %convert_element_type3A_254 = arith.extui %ge3A_253 : i1 to i32
        %cond3A_255 = arith.constant 0 : i32
        %cond3A_256 = arith.cmpi ne, %convert_element_type3A_254, %cond3A_255 : i32
        scf.if %cond3A_256 {
          %dma_wait3A_368 = arith.constant 0 : i32
          %dma_wait3A_369 = tpu.memref_slice %arg11[%add3A_239, %dma_wait3A_368] : memref<250x80xi32, #tpu.memory_space<vmem>> -> memref<1x80xi32, #tpu.memory_space<vmem>>
          %dma_wait3A_370 = tpu.memref_squeeze %dma_wait3A_369 : memref<1x80xi32, #tpu.memory_space<vmem>> -> memref<80xi32, #tpu.memory_space<vmem>>
          %dma_wait3A_371 = arith.constant 0 : i32
          %dma_wait3A_372 = arith.constant 0 : i32
          %dma_wait3A_373 = tpu.memref_slice %arg9[%dma_wait3A_371, %dma_wait3A_372] : memref<20480x32xf32, #tpu.memory_space<vmem_shared>> -> memref<20480x32xf32, #tpu.memory_space<vmem_shared>>
          tpu.wait_indirect_dma semaphore(%arg23 : memref<!tpu.dma_semaphore, #tpu.memory_space<semaphore_mem>>) src(%arg14 : memref<80x32xf32, #tpu.memory_space<vmem>>) dst(%dma_wait3A_373 : memref<20480x32xf32, #tpu.memory_space<vmem_shared>>)
        } else {
        }
        %add3A_257 = arith.constant 7 : i32
        %add3A_258 = arith.addi %add3A_239, %add3A_257 : i32
        %lt3A_259 = arith.constant 250 : i32
        %lt3A_260 = arith.cmpi slt, %add3A_258, %lt3A_259 : i32
        %convert_element_type3A_261 = arith.extui %lt3A_260 : i1 to i32
        %cond3A_262 = arith.constant 0 : i32
        %cond3A_263 = arith.cmpi ne, %convert_element_type3A_261, %cond3A_262 : i32
        scf.if %cond3A_263 {
          %add3A_368 = arith.constant 7 : i32
          %add3A_369 = arith.addi %add3A_239, %add3A_368 : i32
          %dma_start3A_370 = arith.constant 0 : i32
          %dma_start3A_371 = tpu.memref_slice %arg10[%add3A_369, %dma_start3A_370] : memref<250x80xi32, #tpu.memory_space<vmem>> -> memref<1x80xi32, #tpu.memory_space<vmem>>
          %dma_start3A_372 = tpu.memref_squeeze %dma_start3A_371 : memref<1x80xi32, #tpu.memory_space<vmem>> -> memref<80xi32, #tpu.memory_space<vmem>>
          %dma_start3A_373 = arith.constant 0 : i32
          %dma_start3A_374 = arith.constant 0 : i32
          %dma_start3A_375 = tpu.memref_slice %arg4[%dma_start3A_373, %dma_start3A_374] : memref<20000x32xf32, #tpu.memory_space<hbm>> -> memref<20000x32xf32, #tpu.memory_space<hbm>>
          tpu.enqueue_indirect_dma source(%dma_start3A_375 : memref<20000x32xf32, #tpu.memory_space<hbm>>) target(%arg14 : memref<80x32xf32, #tpu.memory_space<vmem>>) offsets(%dma_start3A_372 : memref<80xi32, #tpu.memory_space<vmem>>) semaphore(%arg22 : memref<!tpu.dma_semaphore, #tpu.memory_space<semaphore_mem>>)
        } else {
        }
        %add3A_264 = arith.constant 6 : i32
        %add3A_265 = arith.addi %add3A_109, %add3A_264 : i32
        %dma_wait3A_266 = arith.constant 0 : i32
        %dma_wait3A_267 = tpu.memref_slice %arg10[%add3A_265, %dma_wait3A_266] : memref<250x80xi32, #tpu.memory_space<vmem>> -> memref<1x80xi32, #tpu.memory_space<vmem>>
        %dma_wait3A_268 = tpu.memref_squeeze %dma_wait3A_267 : memref<1x80xi32, #tpu.memory_space<vmem>> -> memref<80xi32, #tpu.memory_space<vmem>>
        %dma_wait3A_269 = arith.constant 0 : i32
        %dma_wait3A_270 = arith.constant 0 : i32
        %dma_wait3A_271 = tpu.memref_slice %arg4[%dma_wait3A_269, %dma_wait3A_270] : memref<20000x32xf32, #tpu.memory_space<hbm>> -> memref<20000x32xf32, #tpu.memory_space<hbm>>
        tpu.wait_indirect_dma semaphore(%arg22 : memref<!tpu.dma_semaphore, #tpu.memory_space<semaphore_mem>>) src(%dma_wait3A_271 : memref<20000x32xf32, #tpu.memory_space<hbm>>) dst(%arg18 : memref<80x32xf32, #tpu.memory_space<vmem>>)
        %dma_start3A_272 = arith.constant 0 : i32
        %dma_start3A_273 = tpu.memref_slice %arg11[%add3A_265, %dma_start3A_272] : memref<250x80xi32, #tpu.memory_space<vmem>> -> memref<1x80xi32, #tpu.memory_space<vmem>>
        %dma_start3A_274 = tpu.memref_squeeze %dma_start3A_273 : memref<1x80xi32, #tpu.memory_space<vmem>> -> memref<80xi32, #tpu.memory_space<vmem>>
        %dma_start3A_275 = arith.constant 0 : i32
        %dma_start3A_276 = arith.constant 0 : i32
        %dma_start3A_277 = tpu.memref_slice %arg9[%dma_start3A_275, %dma_start3A_276] : memref<20480x32xf32, #tpu.memory_space<vmem_shared>> -> memref<20480x32xf32, #tpu.memory_space<vmem_shared>>
        tpu.enqueue_indirect_dma source(%arg18 : memref<80x32xf32, #tpu.memory_space<vmem>>) target(%dma_start3A_277 : memref<20480x32xf32, #tpu.memory_space<vmem_shared>>) offsets(%dma_start3A_274 : memref<80xi32, #tpu.memory_space<vmem>>) semaphore(%arg23 : memref<!tpu.dma_semaphore, #tpu.memory_space<semaphore_mem>>) {add = true}
        %ge3A_278 = arith.constant 3 : i32
        %ge3A_279 = arith.cmpi sge, %add3A_265, %ge3A_278 : i32
        %convert_element_type3A_280 = arith.extui %ge3A_279 : i1 to i32
        %cond3A_281 = arith.constant 0 : i32
        %cond3A_282 = arith.cmpi ne, %convert_element_type3A_280, %cond3A_281 : i32
        scf.if %cond3A_282 {
          %dma_wait3A_368 = arith.constant 0 : i32
          %dma_wait3A_369 = tpu.memref_slice %arg11[%add3A_265, %dma_wait3A_368] : memref<250x80xi32, #tpu.memory_space<vmem>> -> memref<1x80xi32, #tpu.memory_space<vmem>>
          %dma_wait3A_370 = tpu.memref_squeeze %dma_wait3A_369 : memref<1x80xi32, #tpu.memory_space<vmem>> -> memref<80xi32, #tpu.memory_space<vmem>>
          %dma_wait3A_371 = arith.constant 0 : i32
          %dma_wait3A_372 = arith.constant 0 : i32
          %dma_wait3A_373 = tpu.memref_slice %arg9[%dma_wait3A_371, %dma_wait3A_372] : memref<20480x32xf32, #tpu.memory_space<vmem_shared>> -> memref<20480x32xf32, #tpu.memory_space<vmem_shared>>
          tpu.wait_indirect_dma semaphore(%arg23 : memref<!tpu.dma_semaphore, #tpu.memory_space<semaphore_mem>>) src(%arg15 : memref<80x32xf32, #tpu.memory_space<vmem>>) dst(%dma_wait3A_373 : memref<20480x32xf32, #tpu.memory_space<vmem_shared>>)
        } else {
        }
        %add3A_283 = arith.constant 7 : i32
        %add3A_284 = arith.addi %add3A_265, %add3A_283 : i32
        %lt3A_285 = arith.constant 250 : i32
        %lt3A_286 = arith.cmpi slt, %add3A_284, %lt3A_285 : i32
        %convert_element_type3A_287 = arith.extui %lt3A_286 : i1 to i32
        %cond3A_288 = arith.constant 0 : i32
        %cond3A_289 = arith.cmpi ne, %convert_element_type3A_287, %cond3A_288 : i32
        scf.if %cond3A_289 {
          %add3A_368 = arith.constant 7 : i32
          %add3A_369 = arith.addi %add3A_265, %add3A_368 : i32
          %dma_start3A_370 = arith.constant 0 : i32
          %dma_start3A_371 = tpu.memref_slice %arg10[%add3A_369, %dma_start3A_370] : memref<250x80xi32, #tpu.memory_space<vmem>> -> memref<1x80xi32, #tpu.memory_space<vmem>>
          %dma_start3A_372 = tpu.memref_squeeze %dma_start3A_371 : memref<1x80xi32, #tpu.memory_space<vmem>> -> memref<80xi32, #tpu.memory_space<vmem>>
          %dma_start3A_373 = arith.constant 0 : i32
          %dma_start3A_374 = arith.constant 0 : i32
          %dma_start3A_375 = tpu.memref_slice %arg4[%dma_start3A_373, %dma_start3A_374] : memref<20000x32xf32, #tpu.memory_space<hbm>> -> memref<20000x32xf32, #tpu.memory_space<hbm>>
          tpu.enqueue_indirect_dma source(%dma_start3A_375 : memref<20000x32xf32, #tpu.memory_space<hbm>>) target(%arg15 : memref<80x32xf32, #tpu.memory_space<vmem>>) offsets(%dma_start3A_372 : memref<80xi32, #tpu.memory_space<vmem>>) semaphore(%arg22 : memref<!tpu.dma_semaphore, #tpu.memory_space<semaphore_mem>>)
        } else {
        }
        %add3A_290 = arith.constant 7 : i32
        %add3A_291 = arith.addi %add3A_109, %add3A_290 : i32
        %dma_wait3A_292 = arith.constant 0 : i32
        %dma_wait3A_293 = tpu.memref_slice %arg10[%add3A_291, %dma_wait3A_292] : memref<250x80xi32, #tpu.memory_space<vmem>> -> memref<1x80xi32, #tpu.memory_space<vmem>>
        %dma_wait3A_294 = tpu.memref_squeeze %dma_wait3A_293 : memref<1x80xi32, #tpu.memory_space<vmem>> -> memref<80xi32, #tpu.memory_space<vmem>>
        %dma_wait3A_295 = arith.constant 0 : i32
        %dma_wait3A_296 = arith.constant 0 : i32
        %dma_wait3A_297 = tpu.memref_slice %arg4[%dma_wait3A_295, %dma_wait3A_296] : memref<20000x32xf32, #tpu.memory_space<hbm>> -> memref<20000x32xf32, #tpu.memory_space<hbm>>
        tpu.wait_indirect_dma semaphore(%arg22 : memref<!tpu.dma_semaphore, #tpu.memory_space<semaphore_mem>>) src(%dma_wait3A_297 : memref<20000x32xf32, #tpu.memory_space<hbm>>) dst(%arg19 : memref<80x32xf32, #tpu.memory_space<vmem>>)
        %dma_start3A_298 = arith.constant 0 : i32
        %dma_start3A_299 = tpu.memref_slice %arg11[%add3A_291, %dma_start3A_298] : memref<250x80xi32, #tpu.memory_space<vmem>> -> memref<1x80xi32, #tpu.memory_space<vmem>>
        %dma_start3A_300 = tpu.memref_squeeze %dma_start3A_299 : memref<1x80xi32, #tpu.memory_space<vmem>> -> memref<80xi32, #tpu.memory_space<vmem>>
        %dma_start3A_301 = arith.constant 0 : i32
        %dma_start3A_302 = arith.constant 0 : i32
        %dma_start3A_303 = tpu.memref_slice %arg9[%dma_start3A_301, %dma_start3A_302] : memref<20480x32xf32, #tpu.memory_space<vmem_shared>> -> memref<20480x32xf32, #tpu.memory_space<vmem_shared>>
        tpu.enqueue_indirect_dma source(%arg19 : memref<80x32xf32, #tpu.memory_space<vmem>>) target(%dma_start3A_303 : memref<20480x32xf32, #tpu.memory_space<vmem_shared>>) offsets(%dma_start3A_300 : memref<80xi32, #tpu.memory_space<vmem>>) semaphore(%arg23 : memref<!tpu.dma_semaphore, #tpu.memory_space<semaphore_mem>>) {add = true}
        %ge3A_304 = arith.constant 3 : i32
        %ge3A_305 = arith.cmpi sge, %add3A_291, %ge3A_304 : i32
        %convert_element_type3A_306 = arith.extui %ge3A_305 : i1 to i32
        %cond3A_307 = arith.constant 0 : i32
        %cond3A_308 = arith.cmpi ne, %convert_element_type3A_306, %cond3A_307 : i32
        scf.if %cond3A_308 {
          %dma_wait3A_368 = arith.constant 0 : i32
          %dma_wait3A_369 = tpu.memref_slice %arg11[%add3A_291, %dma_wait3A_368] : memref<250x80xi32, #tpu.memory_space<vmem>> -> memref<1x80xi32, #tpu.memory_space<vmem>>
          %dma_wait3A_370 = tpu.memref_squeeze %dma_wait3A_369 : memref<1x80xi32, #tpu.memory_space<vmem>> -> memref<80xi32, #tpu.memory_space<vmem>>
          %dma_wait3A_371 = arith.constant 0 : i32
          %dma_wait3A_372 = arith.constant 0 : i32
          %dma_wait3A_373 = tpu.memref_slice %arg9[%dma_wait3A_371, %dma_wait3A_372] : memref<20480x32xf32, #tpu.memory_space<vmem_shared>> -> memref<20480x32xf32, #tpu.memory_space<vmem_shared>>
          tpu.wait_indirect_dma semaphore(%arg23 : memref<!tpu.dma_semaphore, #tpu.memory_space<semaphore_mem>>) src(%arg16 : memref<80x32xf32, #tpu.memory_space<vmem>>) dst(%dma_wait3A_373 : memref<20480x32xf32, #tpu.memory_space<vmem_shared>>)
        } else {
        }
        %add3A_309 = arith.constant 7 : i32
        %add3A_310 = arith.addi %add3A_291, %add3A_309 : i32
        %lt3A_311 = arith.constant 250 : i32
        %lt3A_312 = arith.cmpi slt, %add3A_310, %lt3A_311 : i32
        %convert_element_type3A_313 = arith.extui %lt3A_312 : i1 to i32
        %cond3A_314 = arith.constant 0 : i32
        %cond3A_315 = arith.cmpi ne, %convert_element_type3A_313, %cond3A_314 : i32
        scf.if %cond3A_315 {
          %add3A_368 = arith.constant 7 : i32
          %add3A_369 = arith.addi %add3A_291, %add3A_368 : i32
          %dma_start3A_370 = arith.constant 0 : i32
          %dma_start3A_371 = tpu.memref_slice %arg10[%add3A_369, %dma_start3A_370] : memref<250x80xi32, #tpu.memory_space<vmem>> -> memref<1x80xi32, #tpu.memory_space<vmem>>
          %dma_start3A_372 = tpu.memref_squeeze %dma_start3A_371 : memref<1x80xi32, #tpu.memory_space<vmem>> -> memref<80xi32, #tpu.memory_space<vmem>>
          %dma_start3A_373 = arith.constant 0 : i32
          %dma_start3A_374 = arith.constant 0 : i32
          %dma_start3A_375 = tpu.memref_slice %arg4[%dma_start3A_373, %dma_start3A_374] : memref<20000x32xf32, #tpu.memory_space<hbm>> -> memref<20000x32xf32, #tpu.memory_space<hbm>>
          tpu.enqueue_indirect_dma source(%dma_start3A_375 : memref<20000x32xf32, #tpu.memory_space<hbm>>) target(%arg16 : memref<80x32xf32, #tpu.memory_space<vmem>>) offsets(%dma_start3A_372 : memref<80xi32, #tpu.memory_space<vmem>>) semaphore(%arg22 : memref<!tpu.dma_semaphore, #tpu.memory_space<semaphore_mem>>)
        } else {
        }
        %add3A_316 = arith.constant 8 : i32
        %add3A_317 = arith.addi %add3A_109, %add3A_316 : i32
        %dma_wait3A_318 = arith.constant 0 : i32
        %dma_wait3A_319 = tpu.memref_slice %arg10[%add3A_317, %dma_wait3A_318] : memref<250x80xi32, #tpu.memory_space<vmem>> -> memref<1x80xi32, #tpu.memory_space<vmem>>
        %dma_wait3A_320 = tpu.memref_squeeze %dma_wait3A_319 : memref<1x80xi32, #tpu.memory_space<vmem>> -> memref<80xi32, #tpu.memory_space<vmem>>
        %dma_wait3A_321 = arith.constant 0 : i32
        %dma_wait3A_322 = arith.constant 0 : i32
        %dma_wait3A_323 = tpu.memref_slice %arg4[%dma_wait3A_321, %dma_wait3A_322] : memref<20000x32xf32, #tpu.memory_space<hbm>> -> memref<20000x32xf32, #tpu.memory_space<hbm>>
        tpu.wait_indirect_dma semaphore(%arg22 : memref<!tpu.dma_semaphore, #tpu.memory_space<semaphore_mem>>) src(%dma_wait3A_323 : memref<20000x32xf32, #tpu.memory_space<hbm>>) dst(%arg20 : memref<80x32xf32, #tpu.memory_space<vmem>>)
        %dma_start3A_324 = arith.constant 0 : i32
        %dma_start3A_325 = tpu.memref_slice %arg11[%add3A_317, %dma_start3A_324] : memref<250x80xi32, #tpu.memory_space<vmem>> -> memref<1x80xi32, #tpu.memory_space<vmem>>
        %dma_start3A_326 = tpu.memref_squeeze %dma_start3A_325 : memref<1x80xi32, #tpu.memory_space<vmem>> -> memref<80xi32, #tpu.memory_space<vmem>>
        %dma_start3A_327 = arith.constant 0 : i32
        %dma_start3A_328 = arith.constant 0 : i32
        %dma_start3A_329 = tpu.memref_slice %arg9[%dma_start3A_327, %dma_start3A_328] : memref<20480x32xf32, #tpu.memory_space<vmem_shared>> -> memref<20480x32xf32, #tpu.memory_space<vmem_shared>>
        tpu.enqueue_indirect_dma source(%arg20 : memref<80x32xf32, #tpu.memory_space<vmem>>) target(%dma_start3A_329 : memref<20480x32xf32, #tpu.memory_space<vmem_shared>>) offsets(%dma_start3A_326 : memref<80xi32, #tpu.memory_space<vmem>>) semaphore(%arg23 : memref<!tpu.dma_semaphore, #tpu.memory_space<semaphore_mem>>) {add = true}
        %ge3A_330 = arith.constant 3 : i32
        %ge3A_331 = arith.cmpi sge, %add3A_317, %ge3A_330 : i32
        %convert_element_type3A_332 = arith.extui %ge3A_331 : i1 to i32
        %cond3A_333 = arith.constant 0 : i32
        %cond3A_334 = arith.cmpi ne, %convert_element_type3A_332, %cond3A_333 : i32
        scf.if %cond3A_334 {
          %dma_wait3A_368 = arith.constant 0 : i32
          %dma_wait3A_369 = tpu.memref_slice %arg11[%add3A_317, %dma_wait3A_368] : memref<250x80xi32, #tpu.memory_space<vmem>> -> memref<1x80xi32, #tpu.memory_space<vmem>>
          %dma_wait3A_370 = tpu.memref_squeeze %dma_wait3A_369 : memref<1x80xi32, #tpu.memory_space<vmem>> -> memref<80xi32, #tpu.memory_space<vmem>>
          %dma_wait3A_371 = arith.constant 0 : i32
          %dma_wait3A_372 = arith.constant 0 : i32
          %dma_wait3A_373 = tpu.memref_slice %arg9[%dma_wait3A_371, %dma_wait3A_372] : memref<20480x32xf32, #tpu.memory_space<vmem_shared>> -> memref<20480x32xf32, #tpu.memory_space<vmem_shared>>
          tpu.wait_indirect_dma semaphore(%arg23 : memref<!tpu.dma_semaphore, #tpu.memory_space<semaphore_mem>>) src(%arg17 : memref<80x32xf32, #tpu.memory_space<vmem>>) dst(%dma_wait3A_373 : memref<20480x32xf32, #tpu.memory_space<vmem_shared>>)
        } else {
        }
        %add3A_335 = arith.constant 7 : i32
        %add3A_336 = arith.addi %add3A_317, %add3A_335 : i32
        %lt3A_337 = arith.constant 250 : i32
        %lt3A_338 = arith.cmpi slt, %add3A_336, %lt3A_337 : i32
        %convert_element_type3A_339 = arith.extui %lt3A_338 : i1 to i32
        %cond3A_340 = arith.constant 0 : i32
        %cond3A_341 = arith.cmpi ne, %convert_element_type3A_339, %cond3A_340 : i32
        scf.if %cond3A_341 {
          %add3A_368 = arith.constant 7 : i32
          %add3A_369 = arith.addi %add3A_317, %add3A_368 : i32
          %dma_start3A_370 = arith.constant 0 : i32
          %dma_start3A_371 = tpu.memref_slice %arg10[%add3A_369, %dma_start3A_370] : memref<250x80xi32, #tpu.memory_space<vmem>> -> memref<1x80xi32, #tpu.memory_space<vmem>>
          %dma_start3A_372 = tpu.memref_squeeze %dma_start3A_371 : memref<1x80xi32, #tpu.memory_space<vmem>> -> memref<80xi32, #tpu.memory_space<vmem>>
          %dma_start3A_373 = arith.constant 0 : i32
          %dma_start3A_374 = arith.constant 0 : i32
          %dma_start3A_375 = tpu.memref_slice %arg4[%dma_start3A_373, %dma_start3A_374] : memref<20000x32xf32, #tpu.memory_space<hbm>> -> memref<20000x32xf32, #tpu.memory_space<hbm>>
          tpu.enqueue_indirect_dma source(%dma_start3A_375 : memref<20000x32xf32, #tpu.memory_space<hbm>>) target(%arg17 : memref<80x32xf32, #tpu.memory_space<vmem>>) offsets(%dma_start3A_372 : memref<80xi32, #tpu.memory_space<vmem>>) semaphore(%arg22 : memref<!tpu.dma_semaphore, #tpu.memory_space<semaphore_mem>>)
        } else {
        }
        %add3A_342 = arith.constant 9 : i32
        %add3A_343 = arith.addi %add3A_109, %add3A_342 : i32
        %dma_wait3A_344 = arith.constant 0 : i32
        %dma_wait3A_345 = tpu.memref_slice %arg10[%add3A_343, %dma_wait3A_344] : memref<250x80xi32, #tpu.memory_space<vmem>> -> memref<1x80xi32, #tpu.memory_space<vmem>>
        %dma_wait3A_346 = tpu.memref_squeeze %dma_wait3A_345 : memref<1x80xi32, #tpu.memory_space<vmem>> -> memref<80xi32, #tpu.memory_space<vmem>>
        %dma_wait3A_347 = arith.constant 0 : i32
        %dma_wait3A_348 = arith.constant 0 : i32
        %dma_wait3A_349 = tpu.memref_slice %arg4[%dma_wait3A_347, %dma_wait3A_348] : memref<20000x32xf32, #tpu.memory_space<hbm>> -> memref<20000x32xf32, #tpu.memory_space<hbm>>
        tpu.wait_indirect_dma semaphore(%arg22 : memref<!tpu.dma_semaphore, #tpu.memory_space<semaphore_mem>>) src(%dma_wait3A_349 : memref<20000x32xf32, #tpu.memory_space<hbm>>) dst(%arg21 : memref<80x32xf32, #tpu.memory_space<vmem>>)
        %dma_start3A_350 = arith.constant 0 : i32
        %dma_start3A_351 = tpu.memref_slice %arg11[%add3A_343, %dma_start3A_350] : memref<250x80xi32, #tpu.memory_space<vmem>> -> memref<1x80xi32, #tpu.memory_space<vmem>>
        %dma_start3A_352 = tpu.memref_squeeze %dma_start3A_351 : memref<1x80xi32, #tpu.memory_space<vmem>> -> memref<80xi32, #tpu.memory_space<vmem>>
        %dma_start3A_353 = arith.constant 0 : i32
        %dma_start3A_354 = arith.constant 0 : i32
        %dma_start3A_355 = tpu.memref_slice %arg9[%dma_start3A_353, %dma_start3A_354] : memref<20480x32xf32, #tpu.memory_space<vmem_shared>> -> memref<20480x32xf32, #tpu.memory_space<vmem_shared>>
        tpu.enqueue_indirect_dma source(%arg21 : memref<80x32xf32, #tpu.memory_space<vmem>>) target(%dma_start3A_355 : memref<20480x32xf32, #tpu.memory_space<vmem_shared>>) offsets(%dma_start3A_352 : memref<80xi32, #tpu.memory_space<vmem>>) semaphore(%arg23 : memref<!tpu.dma_semaphore, #tpu.memory_space<semaphore_mem>>) {add = true}
        %ge3A_356 = arith.constant 3 : i32
        %ge3A_357 = arith.cmpi sge, %add3A_343, %ge3A_356 : i32
        %convert_element_type3A_358 = arith.extui %ge3A_357 : i1 to i32
        %cond3A_359 = arith.constant 0 : i32
        %cond3A_360 = arith.cmpi ne, %convert_element_type3A_358, %cond3A_359 : i32
        scf.if %cond3A_360 {
          %dma_wait3A_368 = arith.constant 0 : i32
          %dma_wait3A_369 = tpu.memref_slice %arg11[%add3A_343, %dma_wait3A_368] : memref<250x80xi32, #tpu.memory_space<vmem>> -> memref<1x80xi32, #tpu.memory_space<vmem>>
          %dma_wait3A_370 = tpu.memref_squeeze %dma_wait3A_369 : memref<1x80xi32, #tpu.memory_space<vmem>> -> memref<80xi32, #tpu.memory_space<vmem>>
          %dma_wait3A_371 = arith.constant 0 : i32
          %dma_wait3A_372 = arith.constant 0 : i32
          %dma_wait3A_373 = tpu.memref_slice %arg9[%dma_wait3A_371, %dma_wait3A_372] : memref<20480x32xf32, #tpu.memory_space<vmem_shared>> -> memref<20480x32xf32, #tpu.memory_space<vmem_shared>>
          tpu.wait_indirect_dma semaphore(%arg23 : memref<!tpu.dma_semaphore, #tpu.memory_space<semaphore_mem>>) src(%arg18 : memref<80x32xf32, #tpu.memory_space<vmem>>) dst(%dma_wait3A_373 : memref<20480x32xf32, #tpu.memory_space<vmem_shared>>)
        } else {
        }
        %add3A_361 = arith.constant 7 : i32
        %add3A_362 = arith.addi %add3A_343, %add3A_361 : i32
        %lt3A_363 = arith.constant 250 : i32
        %lt3A_364 = arith.cmpi slt, %add3A_362, %lt3A_363 : i32
        %convert_element_type3A_365 = arith.extui %lt3A_364 : i1 to i32
        %cond3A_366 = arith.constant 0 : i32
        %cond3A_367 = arith.cmpi ne, %convert_element_type3A_365, %cond3A_366 : i32
        scf.if %cond3A_367 {
          %add3A_368 = arith.constant 7 : i32
          %add3A_369 = arith.addi %add3A_343, %add3A_368 : i32
          %dma_start3A_370 = arith.constant 0 : i32
          %dma_start3A_371 = tpu.memref_slice %arg10[%add3A_369, %dma_start3A_370] : memref<250x80xi32, #tpu.memory_space<vmem>> -> memref<1x80xi32, #tpu.memory_space<vmem>>
          %dma_start3A_372 = tpu.memref_squeeze %dma_start3A_371 : memref<1x80xi32, #tpu.memory_space<vmem>> -> memref<80xi32, #tpu.memory_space<vmem>>
          %dma_start3A_373 = arith.constant 0 : i32
          %dma_start3A_374 = arith.constant 0 : i32
          %dma_start3A_375 = tpu.memref_slice %arg4[%dma_start3A_373, %dma_start3A_374] : memref<20000x32xf32, #tpu.memory_space<hbm>> -> memref<20000x32xf32, #tpu.memory_space<hbm>>
          tpu.enqueue_indirect_dma source(%dma_start3A_375 : memref<20000x32xf32, #tpu.memory_space<hbm>>) target(%arg18 : memref<80x32xf32, #tpu.memory_space<vmem>>) offsets(%dma_start3A_372 : memref<80xi32, #tpu.memory_space<vmem>>) semaphore(%arg22 : memref<!tpu.dma_semaphore, #tpu.memory_space<semaphore_mem>>)
        } else {
        }
      }
      %scan3A_85 = arith.constant 25 : i32
      %dma_wait3A = arith.constant 0 : i32
      %dma_wait3A_86 = arith.constant 0 : i32
      %dma_wait3A_87 = tpu.memref_slice %arg11[%dma_wait3A, %dma_wait3A_86] : memref<250x80xi32, #tpu.memory_space<vmem>> -> memref<1x80xi32, #tpu.memory_space<vmem>>
      %dma_wait3A_88 = tpu.memref_squeeze %dma_wait3A_87 : memref<1x80xi32, #tpu.memory_space<vmem>> -> memref<80xi32, #tpu.memory_space<vmem>>
      %dma_wait3A_89 = arith.constant 0 : i32
      %dma_wait3A_90 = arith.constant 0 : i32
      %dma_wait3A_91 = tpu.memref_slice %arg9[%dma_wait3A_89, %dma_wait3A_90] : memref<20480x32xf32, #tpu.memory_space<vmem_shared>> -> memref<20480x32xf32, #tpu.memory_space<vmem_shared>>
      tpu.wait_indirect_dma semaphore(%arg23 : memref<!tpu.dma_semaphore, #tpu.memory_space<semaphore_mem>>) src(%arg12 : memref<80x32xf32, #tpu.memory_space<vmem>>) dst(%dma_wait3A_91 : memref<20480x32xf32, #tpu.memory_space<vmem_shared>>)
      %dma_wait3A_92 = arith.constant 0 : i32
      %dma_wait3A_93 = arith.constant 0 : i32
      %dma_wait3A_94 = tpu.memref_slice %arg11[%dma_wait3A_92, %dma_wait3A_93] : memref<250x80xi32, #tpu.memory_space<vmem>> -> memref<1x80xi32, #tpu.memory_space<vmem>>
      %dma_wait3A_95 = tpu.memref_squeeze %dma_wait3A_94 : memref<1x80xi32, #tpu.memory_space<vmem>> -> memref<80xi32, #tpu.memory_space<vmem>>
      %dma_wait3A_96 = arith.constant 0 : i32
      %dma_wait3A_97 = arith.constant 0 : i32
      %dma_wait3A_98 = tpu.memref_slice %arg9[%dma_wait3A_96, %dma_wait3A_97] : memref<20480x32xf32, #tpu.memory_space<vmem_shared>> -> memref<20480x32xf32, #tpu.memory_space<vmem_shared>>
      tpu.wait_indirect_dma semaphore(%arg23 : memref<!tpu.dma_semaphore, #tpu.memory_space<semaphore_mem>>) src(%arg13 : memref<80x32xf32, #tpu.memory_space<vmem>>) dst(%dma_wait3A_98 : memref<20480x32xf32, #tpu.memory_space<vmem_shared>>)
      %dma_wait3A_99 = arith.constant 0 : i32
      %dma_wait3A_100 = arith.constant 0 : i32
      %dma_wait3A_101 = tpu.memref_slice %arg11[%dma_wait3A_99, %dma_wait3A_100] : memref<250x80xi32, #tpu.memory_space<vmem>> -> memref<1x80xi32, #tpu.memory_space<vmem>>
      %dma_wait3A_102 = tpu.memref_squeeze %dma_wait3A_101 : memref<1x80xi32, #tpu.memory_space<vmem>> -> memref<80xi32, #tpu.memory_space<vmem>>
      %dma_wait3A_103 = arith.constant 0 : i32
      %dma_wait3A_104 = arith.constant 0 : i32
      %dma_wait3A_105 = tpu.memref_slice %arg9[%dma_wait3A_103, %dma_wait3A_104] : memref<20480x32xf32, #tpu.memory_space<vmem_shared>> -> memref<20480x32xf32, #tpu.memory_space<vmem_shared>>
      tpu.wait_indirect_dma semaphore(%arg23 : memref<!tpu.dma_semaphore, #tpu.memory_space<semaphore_mem>>) src(%arg14 : memref<80x32xf32, #tpu.memory_space<vmem>>) dst(%dma_wait3A_105 : memref<20480x32xf32, #tpu.memory_space<vmem_shared>>)
    } else {
    }
    %eq3A_8 = arith.constant 0 : i32
    %eq3A_9 = arith.cmpi eq, %arg0, %eq3A_8 : i32
    %convert_element_type3A_10 = arith.extui %eq3A_9 : i1 to i32
    %cond3A_11 = arith.constant 0 : i32
    %cond3A_12 = arith.cmpi ne, %convert_element_type3A_10, %cond3A_11 : i32
    scf.if %cond3A_12 {
      %run_scoped3A = arith.constant 0 : i32
      %run_scoped3A_31 = arith.constant 1 : i32
      "tpu.region"() ({
        %run_scoped3A_106 = tpu.sem_alloc : memref<!tpu.dma_semaphore, #tpu.memory_space<semaphore_mem>>
        %dma_start3A_107 = arith.constant 0 : i32
        %dma_start3A_108 = arith.constant 0 : i32
        %dma_start3A_109 = tpu.memref_slice %arg3[%run_scoped3A, %arg1, %run_scoped3A_31, %dma_start3A_107, %dma_start3A_108] : memref<2x16x2x250x80xi32, #tpu.memory_space<hbm>> -> memref<1x1x1x250x80xi32, #tpu.memory_space<hbm>>
        %dma_start3A_110 = tpu.memref_squeeze %dma_start3A_109 : memref<1x1x1x250x80xi32, #tpu.memory_space<hbm>> -> memref<250x80xi32, #tpu.memory_space<hbm>>
        %dma_start3A_111 = arith.constant 0 : i32
        %dma_start3A_112 = arith.constant 0 : i32
        %dma_start3A_113 = tpu.memref_slice %arg3[%run_scoped3A, %arg1, %run_scoped3A_31, %dma_start3A_111, %dma_start3A_112] : memref<2x16x2x250x80xi32, #tpu.memory_space<hbm>> -> memref<1x1x1x250x80xi32, #tpu.memory_space<hbm>>
        %dma_start3A_114 = tpu.memref_squeeze %dma_start3A_113 : memref<1x1x1x250x80xi32, #tpu.memory_space<hbm>> -> memref<250x80xi32, #tpu.memory_space<hbm>>
        tpu.enqueue_dma source(%dma_start3A_114 : memref<250x80xi32, #tpu.memory_space<hbm>>) target(%arg10 : memref<250x80xi32, #tpu.memory_space<vmem>>) target_semaphore(%run_scoped3A_106 : memref<!tpu.dma_semaphore, #tpu.memory_space<semaphore_mem>>)
        %dma_wait3A_115 = arith.constant 0 : i32
        %dma_wait3A_116 = arith.constant 0 : i32
        %dma_wait3A_117 = tpu.memref_slice %arg3[%run_scoped3A, %arg1, %run_scoped3A_31, %dma_wait3A_115, %dma_wait3A_116] : memref<2x16x2x250x80xi32, #tpu.memory_space<hbm>> -> memref<1x1x1x250x80xi32, #tpu.memory_space<hbm>>
        %dma_wait3A_118 = tpu.memref_squeeze %dma_wait3A_117 : memref<1x1x1x250x80xi32, #tpu.memory_space<hbm>> -> memref<250x80xi32, #tpu.memory_space<hbm>>
        %dma_wait3A_119 = arith.constant 0 : i32
        %dma_wait3A_120 = arith.constant 0 : i32
        %dma_wait3A_121 = tpu.memref_slice %arg3[%run_scoped3A, %arg1, %run_scoped3A_31, %dma_wait3A_119, %dma_wait3A_120] : memref<2x16x2x250x80xi32, #tpu.memory_space<hbm>> -> memref<1x1x1x250x80xi32, #tpu.memory_space<hbm>>
        %dma_wait3A_122 = tpu.memref_squeeze %dma_wait3A_121 : memref<1x1x1x250x80xi32, #tpu.memory_space<hbm>> -> memref<250x80xi32, #tpu.memory_space<hbm>>
        tpu.wait_dma2 semaphore(%run_scoped3A_106 : memref<!tpu.dma_semaphore, #tpu.memory_space<semaphore_mem>>) src(%dma_wait3A_122 : memref<250x80xi32, #tpu.memory_space<hbm>>) dst(%arg10 : memref<250x80xi32, #tpu.memory_space<vmem>>)
        tpu.yield
      }) : () -> ()
      %run_scoped3A_32 = arith.constant 1 : i32
      %run_scoped3A_33 = arith.constant 1 : i32
      "tpu.region"() ({
        %run_scoped3A_106 = tpu.sem_alloc : memref<!tpu.dma_semaphore, #tpu.memory_space<semaphore_mem>>
        %dma_start3A_107 = arith.constant 0 : i32
        %dma_start3A_108 = arith.constant 0 : i32
        %dma_start3A_109 = tpu.memref_slice %arg3[%run_scoped3A_32, %arg1, %run_scoped3A_33, %dma_start3A_107, %dma_start3A_108] : memref<2x16x2x250x80xi32, #tpu.memory_space<hbm>> -> memref<1x1x1x250x80xi32, #tpu.memory_space<hbm>>
        %dma_start3A_110 = tpu.memref_squeeze %dma_start3A_109 : memref<1x1x1x250x80xi32, #tpu.memory_space<hbm>> -> memref<250x80xi32, #tpu.memory_space<hbm>>
        %dma_start3A_111 = arith.constant 0 : i32
        %dma_start3A_112 = arith.constant 0 : i32
        %dma_start3A_113 = tpu.memref_slice %arg3[%run_scoped3A_32, %arg1, %run_scoped3A_33, %dma_start3A_111, %dma_start3A_112] : memref<2x16x2x250x80xi32, #tpu.memory_space<hbm>> -> memref<1x1x1x250x80xi32, #tpu.memory_space<hbm>>
        %dma_start3A_114 = tpu.memref_squeeze %dma_start3A_113 : memref<1x1x1x250x80xi32, #tpu.memory_space<hbm>> -> memref<250x80xi32, #tpu.memory_space<hbm>>
        tpu.enqueue_dma source(%dma_start3A_114 : memref<250x80xi32, #tpu.memory_space<hbm>>) target(%arg11 : memref<250x80xi32, #tpu.memory_space<vmem>>) target_semaphore(%run_scoped3A_106 : memref<!tpu.dma_semaphore, #tpu.memory_space<semaphore_mem>>)
        %dma_wait3A_115 = arith.constant 0 : i32
        %dma_wait3A_116 = arith.constant 0 : i32
        %dma_wait3A_117 = tpu.memref_slice %arg3[%run_scoped3A_32, %arg1, %run_scoped3A_33, %dma_wait3A_115, %dma_wait3A_116] : memref<2x16x2x250x80xi32, #tpu.memory_space<hbm>> -> memref<1x1x1x250x80xi32, #tpu.memory_space<hbm>>
        %dma_wait3A_118 = tpu.memref_squeeze %dma_wait3A_117 : memref<1x1x1x250x80xi32, #tpu.memory_space<hbm>> -> memref<250x80xi32, #tpu.memory_space<hbm>>
        %dma_wait3A_119 = arith.constant 0 : i32
        %dma_wait3A_120 = arith.constant 0 : i32
        %dma_wait3A_121 = tpu.memref_slice %arg3[%run_scoped3A_32, %arg1, %run_scoped3A_33, %dma_wait3A_119, %dma_wait3A_120] : memref<2x16x2x250x80xi32, #tpu.memory_space<hbm>> -> memref<1x1x1x250x80xi32, #tpu.memory_space<hbm>>
        %dma_wait3A_122 = tpu.memref_squeeze %dma_wait3A_121 : memref<1x1x1x250x80xi32, #tpu.memory_space<hbm>> -> memref<250x80xi32, #tpu.memory_space<hbm>>
        tpu.wait_dma2 semaphore(%run_scoped3A_106 : memref<!tpu.dma_semaphore, #tpu.memory_space<semaphore_mem>>) src(%dma_wait3A_122 : memref<250x80xi32, #tpu.memory_space<hbm>>) dst(%arg11 : memref<250x80xi32, #tpu.memory_space<vmem>>)
        tpu.yield
      }) : () -> ()
      %dma_start3A = arith.constant 0 : i32
      %dma_start3A_34 = arith.constant 0 : i32
      %dma_start3A_35 = tpu.memref_slice %arg10[%dma_start3A, %dma_start3A_34] : memref<250x80xi32, #tpu.memory_space<vmem>> -> memref<1x80xi32, #tpu.memory_space<vmem>>
      %dma_start3A_36 = tpu.memref_squeeze %dma_start3A_35 : memref<1x80xi32, #tpu.memory_space<vmem>> -> memref<80xi32, #tpu.memory_space<vmem>>
      %dma_start3A_37 = arith.constant 0 : i32
      %dma_start3A_38 = arith.constant 0 : i32
      %dma_start3A_39 = tpu.memref_slice %arg2[%dma_start3A_37, %dma_start3A_38] : memref<20000x32xf32, #tpu.memory_space<hbm>> -> memref<20000x32xf32, #tpu.memory_space<hbm>>
      tpu.enqueue_indirect_dma source(%dma_start3A_39 : memref<20000x32xf32, #tpu.memory_space<hbm>>) target(%arg12 : memref<80x32xf32, #tpu.memory_space<vmem>>) offsets(%dma_start3A_36 : memref<80xi32, #tpu.memory_space<vmem>>) semaphore(%arg22 : memref<!tpu.dma_semaphore, #tpu.memory_space<semaphore_mem>>)
      %dma_start3A_40 = arith.constant 1 : i32
      %dma_start3A_41 = arith.constant 0 : i32
      %dma_start3A_42 = tpu.memref_slice %arg10[%dma_start3A_40, %dma_start3A_41] : memref<250x80xi32, #tpu.memory_space<vmem>> -> memref<1x80xi32, #tpu.memory_space<vmem>>
      %dma_start3A_43 = tpu.memref_squeeze %dma_start3A_42 : memref<1x80xi32, #tpu.memory_space<vmem>> -> memref<80xi32, #tpu.memory_space<vmem>>
      %dma_start3A_44 = arith.constant 0 : i32
      %dma_start3A_45 = arith.constant 0 : i32
      %dma_start3A_46 = tpu.memref_slice %arg2[%dma_start3A_44, %dma_start3A_45] : memref<20000x32xf32, #tpu.memory_space<hbm>> -> memref<20000x32xf32, #tpu.memory_space<hbm>>
      tpu.enqueue_indirect_dma source(%dma_start3A_46 : memref<20000x32xf32, #tpu.memory_space<hbm>>) target(%arg13 : memref<80x32xf32, #tpu.memory_space<vmem>>) offsets(%dma_start3A_43 : memref<80xi32, #tpu.memory_space<vmem>>) semaphore(%arg22 : memref<!tpu.dma_semaphore, #tpu.memory_space<semaphore_mem>>)
      %dma_start3A_47 = arith.constant 2 : i32
      %dma_start3A_48 = arith.constant 0 : i32
      %dma_start3A_49 = tpu.memref_slice %arg10[%dma_start3A_47, %dma_start3A_48] : memref<250x80xi32, #tpu.memory_space<vmem>> -> memref<1x80xi32, #tpu.memory_space<vmem>>
      %dma_start3A_50 = tpu.memref_squeeze %dma_start3A_49 : memref<1x80xi32, #tpu.memory_space<vmem>> -> memref<80xi32, #tpu.memory_space<vmem>>
      %dma_start3A_51 = arith.constant 0 : i32
      %dma_start3A_52 = arith.constant 0 : i32
      %dma_start3A_53 = tpu.memref_slice %arg2[%dma_start3A_51, %dma_start3A_52] : memref<20000x32xf32, #tpu.memory_space<hbm>> -> memref<20000x32xf32, #tpu.memory_space<hbm>>
      tpu.enqueue_indirect_dma source(%dma_start3A_53 : memref<20000x32xf32, #tpu.memory_space<hbm>>) target(%arg14 : memref<80x32xf32, #tpu.memory_space<vmem>>) offsets(%dma_start3A_50 : memref<80xi32, #tpu.memory_space<vmem>>) semaphore(%arg22 : memref<!tpu.dma_semaphore, #tpu.memory_space<semaphore_mem>>)
      %dma_start3A_54 = arith.constant 3 : i32
      %dma_start3A_55 = arith.constant 0 : i32
      %dma_start3A_56 = tpu.memref_slice %arg10[%dma_start3A_54, %dma_start3A_55] : memref<250x80xi32, #tpu.memory_space<vmem>> -> memref<1x80xi32, #tpu.memory_space<vmem>>
      %dma_start3A_57 = tpu.memref_squeeze %dma_start3A_56 : memref<1x80xi32, #tpu.memory_space<vmem>> -> memref<80xi32, #tpu.memory_space<vmem>>
      %dma_start3A_58 = arith.constant 0 : i32
      %dma_start3A_59 = arith.constant 0 : i32
      %dma_start3A_60 = tpu.memref_slice %arg2[%dma_start3A_58, %dma_start3A_59] : memref<20000x32xf32, #tpu.memory_space<hbm>> -> memref<20000x32xf32, #tpu.memory_space<hbm>>
      tpu.enqueue_indirect_dma source(%dma_start3A_60 : memref<20000x32xf32, #tpu.memory_space<hbm>>) target(%arg15 : memref<80x32xf32, #tpu.memory_space<vmem>>) offsets(%dma_start3A_57 : memref<80xi32, #tpu.memory_space<vmem>>) semaphore(%arg22 : memref<!tpu.dma_semaphore, #tpu.memory_space<semaphore_mem>>)
      %dma_start3A_61 = arith.constant 4 : i32
      %dma_start3A_62 = arith.constant 0 : i32
      %dma_start3A_63 = tpu.memref_slice %arg10[%dma_start3A_61, %dma_start3A_62] : memref<250x80xi32, #tpu.memory_space<vmem>> -> memref<1x80xi32, #tpu.memory_space<vmem>>
      %dma_start3A_64 = tpu.memref_squeeze %dma_start3A_63 : memref<1x80xi32, #tpu.memory_space<vmem>> -> memref<80xi32, #tpu.memory_space<vmem>>
      %dma_start3A_65 = arith.constant 0 : i32
      %dma_start3A_66 = arith.constant 0 : i32
      %dma_start3A_67 = tpu.memref_slice %arg2[%dma_start3A_65, %dma_start3A_66] : memref<20000x32xf32, #tpu.memory_space<hbm>> -> memref<20000x32xf32, #tpu.memory_space<hbm>>
      tpu.enqueue_indirect_dma source(%dma_start3A_67 : memref<20000x32xf32, #tpu.memory_space<hbm>>) target(%arg16 : memref<80x32xf32, #tpu.memory_space<vmem>>) offsets(%dma_start3A_64 : memref<80xi32, #tpu.memory_space<vmem>>) semaphore(%arg22 : memref<!tpu.dma_semaphore, #tpu.memory_space<semaphore_mem>>)
      %dma_start3A_68 = arith.constant 5 : i32
      %dma_start3A_69 = arith.constant 0 : i32
      %dma_start3A_70 = tpu.memref_slice %arg10[%dma_start3A_68, %dma_start3A_69] : memref<250x80xi32, #tpu.memory_space<vmem>> -> memref<1x80xi32, #tpu.memory_space<vmem>>
      %dma_start3A_71 = tpu.memref_squeeze %dma_start3A_70 : memref<1x80xi32, #tpu.memory_space<vmem>> -> memref<80xi32, #tpu.memory_space<vmem>>
      %dma_start3A_72 = arith.constant 0 : i32
      %dma_start3A_73 = arith.constant 0 : i32
      %dma_start3A_74 = tpu.memref_slice %arg2[%dma_start3A_72, %dma_start3A_73] : memref<20000x32xf32, #tpu.memory_space<hbm>> -> memref<20000x32xf32, #tpu.memory_space<hbm>>
      tpu.enqueue_indirect_dma source(%dma_start3A_74 : memref<20000x32xf32, #tpu.memory_space<hbm>>) target(%arg17 : memref<80x32xf32, #tpu.memory_space<vmem>>) offsets(%dma_start3A_71 : memref<80xi32, #tpu.memory_space<vmem>>) semaphore(%arg22 : memref<!tpu.dma_semaphore, #tpu.memory_space<semaphore_mem>>)
      %dma_start3A_75 = arith.constant 6 : i32
      %dma_start3A_76 = arith.constant 0 : i32
      %dma_start3A_77 = tpu.memref_slice %arg10[%dma_start3A_75, %dma_start3A_76] : memref<250x80xi32, #tpu.memory_space<vmem>> -> memref<1x80xi32, #tpu.memory_space<vmem>>
      %dma_start3A_78 = tpu.memref_squeeze %dma_start3A_77 : memref<1x80xi32, #tpu.memory_space<vmem>> -> memref<80xi32, #tpu.memory_space<vmem>>
      %dma_start3A_79 = arith.constant 0 : i32
      %dma_start3A_80 = arith.constant 0 : i32
      %dma_start3A_81 = tpu.memref_slice %arg2[%dma_start3A_79, %dma_start3A_80] : memref<20000x32xf32, #tpu.memory_space<hbm>> -> memref<20000x32xf32, #tpu.memory_space<hbm>>
      tpu.enqueue_indirect_dma source(%dma_start3A_81 : memref<20000x32xf32, #tpu.memory_space<hbm>>) target(%arg18 : memref<80x32xf32, #tpu.memory_space<vmem>>) offsets(%dma_start3A_78 : memref<80xi32, #tpu.memory_space<vmem>>) semaphore(%arg22 : memref<!tpu.dma_semaphore, #tpu.memory_space<semaphore_mem>>)
      %scan3A = arith.constant 0 : i32
      %scan3A_82 = arith.constant 25 : i32
      %scan3A_83 = arith.addi %scan3A, %scan3A_82 : i32
      %scan3A_84 = arith.constant 1 : i32
      scf.for %scan3A_106 = %scan3A to %scan3A_83 step %scan3A_84  : i32 {
        %mul3A_107 = arith.constant 10 : i32
        %mul3A_108 = arith.muli %scan3A_106, %mul3A_107 : i32
        %add3A = arith.constant 0 : i32
        %add3A_109 = arith.addi %add3A, %mul3A_108 : i32
        %add3A_110 = arith.constant 0 : i32
        %add3A_111 = arith.addi %add3A_109, %add3A_110 : i32
        %dma_wait3A_112 = arith.constant 0 : i32
        %dma_wait3A_113 = tpu.memref_slice %arg10[%add3A_111, %dma_wait3A_112] : memref<250x80xi32, #tpu.memory_space<vmem>> -> memref<1x80xi32, #tpu.memory_space<vmem>>
        %dma_wait3A_114 = tpu.memref_squeeze %dma_wait3A_113 : memref<1x80xi32, #tpu.memory_space<vmem>> -> memref<80xi32, #tpu.memory_space<vmem>>
        %dma_wait3A_115 = arith.constant 0 : i32
        %dma_wait3A_116 = arith.constant 0 : i32
        %dma_wait3A_117 = tpu.memref_slice %arg2[%dma_wait3A_115, %dma_wait3A_116] : memref<20000x32xf32, #tpu.memory_space<hbm>> -> memref<20000x32xf32, #tpu.memory_space<hbm>>
        tpu.wait_indirect_dma semaphore(%arg22 : memref<!tpu.dma_semaphore, #tpu.memory_space<semaphore_mem>>) src(%dma_wait3A_117 : memref<20000x32xf32, #tpu.memory_space<hbm>>) dst(%arg12 : memref<80x32xf32, #tpu.memory_space<vmem>>)
        %dma_start3A_118 = arith.constant 0 : i32
        %dma_start3A_119 = tpu.memref_slice %arg11[%add3A_111, %dma_start3A_118] : memref<250x80xi32, #tpu.memory_space<vmem>> -> memref<1x80xi32, #tpu.memory_space<vmem>>
        %dma_start3A_120 = tpu.memref_squeeze %dma_start3A_119 : memref<1x80xi32, #tpu.memory_space<vmem>> -> memref<80xi32, #tpu.memory_space<vmem>>
        %dma_start3A_121 = arith.constant 0 : i32
        %dma_start3A_122 = arith.constant 0 : i32
        %dma_start3A_123 = tpu.memref_slice %arg9[%dma_start3A_121, %dma_start3A_122] : memref<20480x32xf32, #tpu.memory_space<vmem_shared>> -> memref<20480x32xf32, #tpu.memory_space<vmem_shared>>
        tpu.enqueue_indirect_dma source(%arg12 : memref<80x32xf32, #tpu.memory_space<vmem>>) target(%dma_start3A_123 : memref<20480x32xf32, #tpu.memory_space<vmem_shared>>) offsets(%dma_start3A_120 : memref<80xi32, #tpu.memory_space<vmem>>) semaphore(%arg23 : memref<!tpu.dma_semaphore, #tpu.memory_space<semaphore_mem>>) {add = true}
        %ge3A = arith.constant 3 : i32
        %ge3A_124 = arith.cmpi sge, %add3A_111, %ge3A : i32
        %convert_element_type3A_125 = arith.extui %ge3A_124 : i1 to i32
        %cond3A_126 = arith.constant 0 : i32
        %cond3A_127 = arith.cmpi ne, %convert_element_type3A_125, %cond3A_126 : i32
        scf.if %cond3A_127 {
          %dma_wait3A_368 = arith.constant 0 : i32
          %dma_wait3A_369 = tpu.memref_slice %arg11[%add3A_111, %dma_wait3A_368] : memref<250x80xi32, #tpu.memory_space<vmem>> -> memref<1x80xi32, #tpu.memory_space<vmem>>
          %dma_wait3A_370 = tpu.memref_squeeze %dma_wait3A_369 : memref<1x80xi32, #tpu.memory_space<vmem>> -> memref<80xi32, #tpu.memory_space<vmem>>
          %dma_wait3A_371 = arith.constant 0 : i32
          %dma_wait3A_372 = arith.constant 0 : i32
          %dma_wait3A_373 = tpu.memref_slice %arg9[%dma_wait3A_371, %dma_wait3A_372] : memref<20480x32xf32, #tpu.memory_space<vmem_shared>> -> memref<20480x32xf32, #tpu.memory_space<vmem_shared>>
          tpu.wait_indirect_dma semaphore(%arg23 : memref<!tpu.dma_semaphore, #tpu.memory_space<semaphore_mem>>) src(%arg19 : memref<80x32xf32, #tpu.memory_space<vmem>>) dst(%dma_wait3A_373 : memref<20480x32xf32, #tpu.memory_space<vmem_shared>>)
        } else {
        }
        %add3A_128 = arith.constant 7 : i32
        %add3A_129 = arith.addi %add3A_111, %add3A_128 : i32
        %lt3A = arith.constant 250 : i32
        %lt3A_130 = arith.cmpi slt, %add3A_129, %lt3A : i32
        %convert_element_type3A_131 = arith.extui %lt3A_130 : i1 to i32
        %cond3A_132 = arith.constant 0 : i32
        %cond3A_133 = arith.cmpi ne, %convert_element_type3A_131, %cond3A_132 : i32
        scf.if %cond3A_133 {
          %add3A_368 = arith.constant 7 : i32
          %add3A_369 = arith.addi %add3A_111, %add3A_368 : i32
          %dma_start3A_370 = arith.constant 0 : i32
          %dma_start3A_371 = tpu.memref_slice %arg10[%add3A_369, %dma_start3A_370] : memref<250x80xi32, #tpu.memory_space<vmem>> -> memref<1x80xi32, #tpu.memory_space<vmem>>
          %dma_start3A_372 = tpu.memref_squeeze %dma_start3A_371 : memref<1x80xi32, #tpu.memory_space<vmem>> -> memref<80xi32, #tpu.memory_space<vmem>>
          %dma_start3A_373 = arith.constant 0 : i32
          %dma_start3A_374 = arith.constant 0 : i32
          %dma_start3A_375 = tpu.memref_slice %arg2[%dma_start3A_373, %dma_start3A_374] : memref<20000x32xf32, #tpu.memory_space<hbm>> -> memref<20000x32xf32, #tpu.memory_space<hbm>>
          tpu.enqueue_indirect_dma source(%dma_start3A_375 : memref<20000x32xf32, #tpu.memory_space<hbm>>) target(%arg19 : memref<80x32xf32, #tpu.memory_space<vmem>>) offsets(%dma_start3A_372 : memref<80xi32, #tpu.memory_space<vmem>>) semaphore(%arg22 : memref<!tpu.dma_semaphore, #tpu.memory_space<semaphore_mem>>)
        } else {
        }
        %add3A_134 = arith.constant 1 : i32
        %add3A_135 = arith.addi %add3A_109, %add3A_134 : i32
        %dma_wait3A_136 = arith.constant 0 : i32
        %dma_wait3A_137 = tpu.memref_slice %arg10[%add3A_135, %dma_wait3A_136] : memref<250x80xi32, #tpu.memory_space<vmem>> -> memref<1x80xi32, #tpu.memory_space<vmem>>
        %dma_wait3A_138 = tpu.memref_squeeze %dma_wait3A_137 : memref<1x80xi32, #tpu.memory_space<vmem>> -> memref<80xi32, #tpu.memory_space<vmem>>
        %dma_wait3A_139 = arith.constant 0 : i32
        %dma_wait3A_140 = arith.constant 0 : i32
        %dma_wait3A_141 = tpu.memref_slice %arg2[%dma_wait3A_139, %dma_wait3A_140] : memref<20000x32xf32, #tpu.memory_space<hbm>> -> memref<20000x32xf32, #tpu.memory_space<hbm>>
        tpu.wait_indirect_dma semaphore(%arg22 : memref<!tpu.dma_semaphore, #tpu.memory_space<semaphore_mem>>) src(%dma_wait3A_141 : memref<20000x32xf32, #tpu.memory_space<hbm>>) dst(%arg13 : memref<80x32xf32, #tpu.memory_space<vmem>>)
        %dma_start3A_142 = arith.constant 0 : i32
        %dma_start3A_143 = tpu.memref_slice %arg11[%add3A_135, %dma_start3A_142] : memref<250x80xi32, #tpu.memory_space<vmem>> -> memref<1x80xi32, #tpu.memory_space<vmem>>
        %dma_start3A_144 = tpu.memref_squeeze %dma_start3A_143 : memref<1x80xi32, #tpu.memory_space<vmem>> -> memref<80xi32, #tpu.memory_space<vmem>>
        %dma_start3A_145 = arith.constant 0 : i32
        %dma_start3A_146 = arith.constant 0 : i32
        %dma_start3A_147 = tpu.memref_slice %arg9[%dma_start3A_145, %dma_start3A_146] : memref<20480x32xf32, #tpu.memory_space<vmem_shared>> -> memref<20480x32xf32, #tpu.memory_space<vmem_shared>>
        tpu.enqueue_indirect_dma source(%arg13 : memref<80x32xf32, #tpu.memory_space<vmem>>) target(%dma_start3A_147 : memref<20480x32xf32, #tpu.memory_space<vmem_shared>>) offsets(%dma_start3A_144 : memref<80xi32, #tpu.memory_space<vmem>>) semaphore(%arg23 : memref<!tpu.dma_semaphore, #tpu.memory_space<semaphore_mem>>) {add = true}
        %ge3A_148 = arith.constant 3 : i32
        %ge3A_149 = arith.cmpi sge, %add3A_135, %ge3A_148 : i32
        %convert_element_type3A_150 = arith.extui %ge3A_149 : i1 to i32
        %cond3A_151 = arith.constant 0 : i32
        %cond3A_152 = arith.cmpi ne, %convert_element_type3A_150, %cond3A_151 : i32
        scf.if %cond3A_152 {
          %dma_wait3A_368 = arith.constant 0 : i32
          %dma_wait3A_369 = tpu.memref_slice %arg11[%add3A_135, %dma_wait3A_368] : memref<250x80xi32, #tpu.memory_space<vmem>> -> memref<1x80xi32, #tpu.memory_space<vmem>>
          %dma_wait3A_370 = tpu.memref_squeeze %dma_wait3A_369 : memref<1x80xi32, #tpu.memory_space<vmem>> -> memref<80xi32, #tpu.memory_space<vmem>>
          %dma_wait3A_371 = arith.constant 0 : i32
          %dma_wait3A_372 = arith.constant 0 : i32
          %dma_wait3A_373 = tpu.memref_slice %arg9[%dma_wait3A_371, %dma_wait3A_372] : memref<20480x32xf32, #tpu.memory_space<vmem_shared>> -> memref<20480x32xf32, #tpu.memory_space<vmem_shared>>
          tpu.wait_indirect_dma semaphore(%arg23 : memref<!tpu.dma_semaphore, #tpu.memory_space<semaphore_mem>>) src(%arg20 : memref<80x32xf32, #tpu.memory_space<vmem>>) dst(%dma_wait3A_373 : memref<20480x32xf32, #tpu.memory_space<vmem_shared>>)
        } else {
        }
        %add3A_153 = arith.constant 7 : i32
        %add3A_154 = arith.addi %add3A_135, %add3A_153 : i32
        %lt3A_155 = arith.constant 250 : i32
        %lt3A_156 = arith.cmpi slt, %add3A_154, %lt3A_155 : i32
        %convert_element_type3A_157 = arith.extui %lt3A_156 : i1 to i32
        %cond3A_158 = arith.constant 0 : i32
        %cond3A_159 = arith.cmpi ne, %convert_element_type3A_157, %cond3A_158 : i32
        scf.if %cond3A_159 {
          %add3A_368 = arith.constant 7 : i32
          %add3A_369 = arith.addi %add3A_135, %add3A_368 : i32
          %dma_start3A_370 = arith.constant 0 : i32
          %dma_start3A_371 = tpu.memref_slice %arg10[%add3A_369, %dma_start3A_370] : memref<250x80xi32, #tpu.memory_space<vmem>> -> memref<1x80xi32, #tpu.memory_space<vmem>>
          %dma_start3A_372 = tpu.memref_squeeze %dma_start3A_371 : memref<1x80xi32, #tpu.memory_space<vmem>> -> memref<80xi32, #tpu.memory_space<vmem>>
          %dma_start3A_373 = arith.constant 0 : i32
          %dma_start3A_374 = arith.constant 0 : i32
          %dma_start3A_375 = tpu.memref_slice %arg2[%dma_start3A_373, %dma_start3A_374] : memref<20000x32xf32, #tpu.memory_space<hbm>> -> memref<20000x32xf32, #tpu.memory_space<hbm>>
          tpu.enqueue_indirect_dma source(%dma_start3A_375 : memref<20000x32xf32, #tpu.memory_space<hbm>>) target(%arg20 : memref<80x32xf32, #tpu.memory_space<vmem>>) offsets(%dma_start3A_372 : memref<80xi32, #tpu.memory_space<vmem>>) semaphore(%arg22 : memref<!tpu.dma_semaphore, #tpu.memory_space<semaphore_mem>>)
        } else {
        }
        %add3A_160 = arith.constant 2 : i32
        %add3A_161 = arith.addi %add3A_109, %add3A_160 : i32
        %dma_wait3A_162 = arith.constant 0 : i32
        %dma_wait3A_163 = tpu.memref_slice %arg10[%add3A_161, %dma_wait3A_162] : memref<250x80xi32, #tpu.memory_space<vmem>> -> memref<1x80xi32, #tpu.memory_space<vmem>>
        %dma_wait3A_164 = tpu.memref_squeeze %dma_wait3A_163 : memref<1x80xi32, #tpu.memory_space<vmem>> -> memref<80xi32, #tpu.memory_space<vmem>>
        %dma_wait3A_165 = arith.constant 0 : i32
        %dma_wait3A_166 = arith.constant 0 : i32
        %dma_wait3A_167 = tpu.memref_slice %arg2[%dma_wait3A_165, %dma_wait3A_166] : memref<20000x32xf32, #tpu.memory_space<hbm>> -> memref<20000x32xf32, #tpu.memory_space<hbm>>
        tpu.wait_indirect_dma semaphore(%arg22 : memref<!tpu.dma_semaphore, #tpu.memory_space<semaphore_mem>>) src(%dma_wait3A_167 : memref<20000x32xf32, #tpu.memory_space<hbm>>) dst(%arg14 : memref<80x32xf32, #tpu.memory_space<vmem>>)
        %dma_start3A_168 = arith.constant 0 : i32
        %dma_start3A_169 = tpu.memref_slice %arg11[%add3A_161, %dma_start3A_168] : memref<250x80xi32, #tpu.memory_space<vmem>> -> memref<1x80xi32, #tpu.memory_space<vmem>>
        %dma_start3A_170 = tpu.memref_squeeze %dma_start3A_169 : memref<1x80xi32, #tpu.memory_space<vmem>> -> memref<80xi32, #tpu.memory_space<vmem>>
        %dma_start3A_171 = arith.constant 0 : i32
        %dma_start3A_172 = arith.constant 0 : i32
        %dma_start3A_173 = tpu.memref_slice %arg9[%dma_start3A_171, %dma_start3A_172] : memref<20480x32xf32, #tpu.memory_space<vmem_shared>> -> memref<20480x32xf32, #tpu.memory_space<vmem_shared>>
        tpu.enqueue_indirect_dma source(%arg14 : memref<80x32xf32, #tpu.memory_space<vmem>>) target(%dma_start3A_173 : memref<20480x32xf32, #tpu.memory_space<vmem_shared>>) offsets(%dma_start3A_170 : memref<80xi32, #tpu.memory_space<vmem>>) semaphore(%arg23 : memref<!tpu.dma_semaphore, #tpu.memory_space<semaphore_mem>>) {add = true}
        %ge3A_174 = arith.constant 3 : i32
        %ge3A_175 = arith.cmpi sge, %add3A_161, %ge3A_174 : i32
        %convert_element_type3A_176 = arith.extui %ge3A_175 : i1 to i32
        %cond3A_177 = arith.constant 0 : i32
        %cond3A_178 = arith.cmpi ne, %convert_element_type3A_176, %cond3A_177 : i32
        scf.if %cond3A_178 {
          %dma_wait3A_368 = arith.constant 0 : i32
          %dma_wait3A_369 = tpu.memref_slice %arg11[%add3A_161, %dma_wait3A_368] : memref<250x80xi32, #tpu.memory_space<vmem>> -> memref<1x80xi32, #tpu.memory_space<vmem>>
          %dma_wait3A_370 = tpu.memref_squeeze %dma_wait3A_369 : memref<1x80xi32, #tpu.memory_space<vmem>> -> memref<80xi32, #tpu.memory_space<vmem>>
          %dma_wait3A_371 = arith.constant 0 : i32
          %dma_wait3A_372 = arith.constant 0 : i32
          %dma_wait3A_373 = tpu.memref_slice %arg9[%dma_wait3A_371, %dma_wait3A_372] : memref<20480x32xf32, #tpu.memory_space<vmem_shared>> -> memref<20480x32xf32, #tpu.memory_space<vmem_shared>>
          tpu.wait_indirect_dma semaphore(%arg23 : memref<!tpu.dma_semaphore, #tpu.memory_space<semaphore_mem>>) src(%arg21 : memref<80x32xf32, #tpu.memory_space<vmem>>) dst(%dma_wait3A_373 : memref<20480x32xf32, #tpu.memory_space<vmem_shared>>)
        } else {
        }
        %add3A_179 = arith.constant 7 : i32
        %add3A_180 = arith.addi %add3A_161, %add3A_179 : i32
        %lt3A_181 = arith.constant 250 : i32
        %lt3A_182 = arith.cmpi slt, %add3A_180, %lt3A_181 : i32
        %convert_element_type3A_183 = arith.extui %lt3A_182 : i1 to i32
        %cond3A_184 = arith.constant 0 : i32
        %cond3A_185 = arith.cmpi ne, %convert_element_type3A_183, %cond3A_184 : i32
        scf.if %cond3A_185 {
          %add3A_368 = arith.constant 7 : i32
          %add3A_369 = arith.addi %add3A_161, %add3A_368 : i32
          %dma_start3A_370 = arith.constant 0 : i32
          %dma_start3A_371 = tpu.memref_slice %arg10[%add3A_369, %dma_start3A_370] : memref<250x80xi32, #tpu.memory_space<vmem>> -> memref<1x80xi32, #tpu.memory_space<vmem>>
          %dma_start3A_372 = tpu.memref_squeeze %dma_start3A_371 : memref<1x80xi32, #tpu.memory_space<vmem>> -> memref<80xi32, #tpu.memory_space<vmem>>
          %dma_start3A_373 = arith.constant 0 : i32
          %dma_start3A_374 = arith.constant 0 : i32
          %dma_start3A_375 = tpu.memref_slice %arg2[%dma_start3A_373, %dma_start3A_374] : memref<20000x32xf32, #tpu.memory_space<hbm>> -> memref<20000x32xf32, #tpu.memory_space<hbm>>
          tpu.enqueue_indirect_dma source(%dma_start3A_375 : memref<20000x32xf32, #tpu.memory_space<hbm>>) target(%arg21 : memref<80x32xf32, #tpu.memory_space<vmem>>) offsets(%dma_start3A_372 : memref<80xi32, #tpu.memory_space<vmem>>) semaphore(%arg22 : memref<!tpu.dma_semaphore, #tpu.memory_space<semaphore_mem>>)
        } else {
        }
        %add3A_186 = arith.constant 3 : i32
        %add3A_187 = arith.addi %add3A_109, %add3A_186 : i32
        %dma_wait3A_188 = arith.constant 0 : i32
        %dma_wait3A_189 = tpu.memref_slice %arg10[%add3A_187, %dma_wait3A_188] : memref<250x80xi32, #tpu.memory_space<vmem>> -> memref<1x80xi32, #tpu.memory_space<vmem>>
        %dma_wait3A_190 = tpu.memref_squeeze %dma_wait3A_189 : memref<1x80xi32, #tpu.memory_space<vmem>> -> memref<80xi32, #tpu.memory_space<vmem>>
        %dma_wait3A_191 = arith.constant 0 : i32
        %dma_wait3A_192 = arith.constant 0 : i32
        %dma_wait3A_193 = tpu.memref_slice %arg2[%dma_wait3A_191, %dma_wait3A_192] : memref<20000x32xf32, #tpu.memory_space<hbm>> -> memref<20000x32xf32, #tpu.memory_space<hbm>>
        tpu.wait_indirect_dma semaphore(%arg22 : memref<!tpu.dma_semaphore, #tpu.memory_space<semaphore_mem>>) src(%dma_wait3A_193 : memref<20000x32xf32, #tpu.memory_space<hbm>>) dst(%arg15 : memref<80x32xf32, #tpu.memory_space<vmem>>)
        %dma_start3A_194 = arith.constant 0 : i32
        %dma_start3A_195 = tpu.memref_slice %arg11[%add3A_187, %dma_start3A_194] : memref<250x80xi32, #tpu.memory_space<vmem>> -> memref<1x80xi32, #tpu.memory_space<vmem>>
        %dma_start3A_196 = tpu.memref_squeeze %dma_start3A_195 : memref<1x80xi32, #tpu.memory_space<vmem>> -> memref<80xi32, #tpu.memory_space<vmem>>
        %dma_start3A_197 = arith.constant 0 : i32
        %dma_start3A_198 = arith.constant 0 : i32
        %dma_start3A_199 = tpu.memref_slice %arg9[%dma_start3A_197, %dma_start3A_198] : memref<20480x32xf32, #tpu.memory_space<vmem_shared>> -> memref<20480x32xf32, #tpu.memory_space<vmem_shared>>
        tpu.enqueue_indirect_dma source(%arg15 : memref<80x32xf32, #tpu.memory_space<vmem>>) target(%dma_start3A_199 : memref<20480x32xf32, #tpu.memory_space<vmem_shared>>) offsets(%dma_start3A_196 : memref<80xi32, #tpu.memory_space<vmem>>) semaphore(%arg23 : memref<!tpu.dma_semaphore, #tpu.memory_space<semaphore_mem>>) {add = true}
        %ge3A_200 = arith.constant 3 : i32
        %ge3A_201 = arith.cmpi sge, %add3A_187, %ge3A_200 : i32
        %convert_element_type3A_202 = arith.extui %ge3A_201 : i1 to i32
        %cond3A_203 = arith.constant 0 : i32
        %cond3A_204 = arith.cmpi ne, %convert_element_type3A_202, %cond3A_203 : i32
        scf.if %cond3A_204 {
          %dma_wait3A_368 = arith.constant 0 : i32
          %dma_wait3A_369 = tpu.memref_slice %arg11[%add3A_187, %dma_wait3A_368] : memref<250x80xi32, #tpu.memory_space<vmem>> -> memref<1x80xi32, #tpu.memory_space<vmem>>
          %dma_wait3A_370 = tpu.memref_squeeze %dma_wait3A_369 : memref<1x80xi32, #tpu.memory_space<vmem>> -> memref<80xi32, #tpu.memory_space<vmem>>
          %dma_wait3A_371 = arith.constant 0 : i32
          %dma_wait3A_372 = arith.constant 0 : i32
          %dma_wait3A_373 = tpu.memref_slice %arg9[%dma_wait3A_371, %dma_wait3A_372] : memref<20480x32xf32, #tpu.memory_space<vmem_shared>> -> memref<20480x32xf32, #tpu.memory_space<vmem_shared>>
          tpu.wait_indirect_dma semaphore(%arg23 : memref<!tpu.dma_semaphore, #tpu.memory_space<semaphore_mem>>) src(%arg12 : memref<80x32xf32, #tpu.memory_space<vmem>>) dst(%dma_wait3A_373 : memref<20480x32xf32, #tpu.memory_space<vmem_shared>>)
        } else {
        }
        %add3A_205 = arith.constant 7 : i32
        %add3A_206 = arith.addi %add3A_187, %add3A_205 : i32
        %lt3A_207 = arith.constant 250 : i32
        %lt3A_208 = arith.cmpi slt, %add3A_206, %lt3A_207 : i32
        %convert_element_type3A_209 = arith.extui %lt3A_208 : i1 to i32
        %cond3A_210 = arith.constant 0 : i32
        %cond3A_211 = arith.cmpi ne, %convert_element_type3A_209, %cond3A_210 : i32
        scf.if %cond3A_211 {
          %add3A_368 = arith.constant 7 : i32
          %add3A_369 = arith.addi %add3A_187, %add3A_368 : i32
          %dma_start3A_370 = arith.constant 0 : i32
          %dma_start3A_371 = tpu.memref_slice %arg10[%add3A_369, %dma_start3A_370] : memref<250x80xi32, #tpu.memory_space<vmem>> -> memref<1x80xi32, #tpu.memory_space<vmem>>
          %dma_start3A_372 = tpu.memref_squeeze %dma_start3A_371 : memref<1x80xi32, #tpu.memory_space<vmem>> -> memref<80xi32, #tpu.memory_space<vmem>>
          %dma_start3A_373 = arith.constant 0 : i32
          %dma_start3A_374 = arith.constant 0 : i32
          %dma_start3A_375 = tpu.memref_slice %arg2[%dma_start3A_373, %dma_start3A_374] : memref<20000x32xf32, #tpu.memory_space<hbm>> -> memref<20000x32xf32, #tpu.memory_space<hbm>>
          tpu.enqueue_indirect_dma source(%dma_start3A_375 : memref<20000x32xf32, #tpu.memory_space<hbm>>) target(%arg12 : memref<80x32xf32, #tpu.memory_space<vmem>>) offsets(%dma_start3A_372 : memref<80xi32, #tpu.memory_space<vmem>>) semaphore(%arg22 : memref<!tpu.dma_semaphore, #tpu.memory_space<semaphore_mem>>)
        } else {
        }
        %add3A_212 = arith.constant 4 : i32
        %add3A_213 = arith.addi %add3A_109, %add3A_212 : i32
        %dma_wait3A_214 = arith.constant 0 : i32
        %dma_wait3A_215 = tpu.memref_slice %arg10[%add3A_213, %dma_wait3A_214] : memref<250x80xi32, #tpu.memory_space<vmem>> -> memref<1x80xi32, #tpu.memory_space<vmem>>
        %dma_wait3A_216 = tpu.memref_squeeze %dma_wait3A_215 : memref<1x80xi32, #tpu.memory_space<vmem>> -> memref<80xi32, #tpu.memory_space<vmem>>
        %dma_wait3A_217 = arith.constant 0 : i32
        %dma_wait3A_218 = arith.constant 0 : i32
        %dma_wait3A_219 = tpu.memref_slice %arg2[%dma_wait3A_217, %dma_wait3A_218] : memref<20000x32xf32, #tpu.memory_space<hbm>> -> memref<20000x32xf32, #tpu.memory_space<hbm>>
        tpu.wait_indirect_dma semaphore(%arg22 : memref<!tpu.dma_semaphore, #tpu.memory_space<semaphore_mem>>) src(%dma_wait3A_219 : memref<20000x32xf32, #tpu.memory_space<hbm>>) dst(%arg16 : memref<80x32xf32, #tpu.memory_space<vmem>>)
        %dma_start3A_220 = arith.constant 0 : i32
        %dma_start3A_221 = tpu.memref_slice %arg11[%add3A_213, %dma_start3A_220] : memref<250x80xi32, #tpu.memory_space<vmem>> -> memref<1x80xi32, #tpu.memory_space<vmem>>
        %dma_start3A_222 = tpu.memref_squeeze %dma_start3A_221 : memref<1x80xi32, #tpu.memory_space<vmem>> -> memref<80xi32, #tpu.memory_space<vmem>>
        %dma_start3A_223 = arith.constant 0 : i32
        %dma_start3A_224 = arith.constant 0 : i32
        %dma_start3A_225 = tpu.memref_slice %arg9[%dma_start3A_223, %dma_start3A_224] : memref<20480x32xf32, #tpu.memory_space<vmem_shared>> -> memref<20480x32xf32, #tpu.memory_space<vmem_shared>>
        tpu.enqueue_indirect_dma source(%arg16 : memref<80x32xf32, #tpu.memory_space<vmem>>) target(%dma_start3A_225 : memref<20480x32xf32, #tpu.memory_space<vmem_shared>>) offsets(%dma_start3A_222 : memref<80xi32, #tpu.memory_space<vmem>>) semaphore(%arg23 : memref<!tpu.dma_semaphore, #tpu.memory_space<semaphore_mem>>) {add = true}
        %ge3A_226 = arith.constant 3 : i32
        %ge3A_227 = arith.cmpi sge, %add3A_213, %ge3A_226 : i32
        %convert_element_type3A_228 = arith.extui %ge3A_227 : i1 to i32
        %cond3A_229 = arith.constant 0 : i32
        %cond3A_230 = arith.cmpi ne, %convert_element_type3A_228, %cond3A_229 : i32
        scf.if %cond3A_230 {
          %dma_wait3A_368 = arith.constant 0 : i32
          %dma_wait3A_369 = tpu.memref_slice %arg11[%add3A_213, %dma_wait3A_368] : memref<250x80xi32, #tpu.memory_space<vmem>> -> memref<1x80xi32, #tpu.memory_space<vmem>>
          %dma_wait3A_370 = tpu.memref_squeeze %dma_wait3A_369 : memref<1x80xi32, #tpu.memory_space<vmem>> -> memref<80xi32, #tpu.memory_space<vmem>>
          %dma_wait3A_371 = arith.constant 0 : i32
          %dma_wait3A_372 = arith.constant 0 : i32
          %dma_wait3A_373 = tpu.memref_slice %arg9[%dma_wait3A_371, %dma_wait3A_372] : memref<20480x32xf32, #tpu.memory_space<vmem_shared>> -> memref<20480x32xf32, #tpu.memory_space<vmem_shared>>
          tpu.wait_indirect_dma semaphore(%arg23 : memref<!tpu.dma_semaphore, #tpu.memory_space<semaphore_mem>>) src(%arg13 : memref<80x32xf32, #tpu.memory_space<vmem>>) dst(%dma_wait3A_373 : memref<20480x32xf32, #tpu.memory_space<vmem_shared>>)
        } else {
        }
        %add3A_231 = arith.constant 7 : i32
        %add3A_232 = arith.addi %add3A_213, %add3A_231 : i32
        %lt3A_233 = arith.constant 250 : i32
        %lt3A_234 = arith.cmpi slt, %add3A_232, %lt3A_233 : i32
        %convert_element_type3A_235 = arith.extui %lt3A_234 : i1 to i32
        %cond3A_236 = arith.constant 0 : i32
        %cond3A_237 = arith.cmpi ne, %convert_element_type3A_235, %cond3A_236 : i32
        scf.if %cond3A_237 {
          %add3A_368 = arith.constant 7 : i32
          %add3A_369 = arith.addi %add3A_213, %add3A_368 : i32
          %dma_start3A_370 = arith.constant 0 : i32
          %dma_start3A_371 = tpu.memref_slice %arg10[%add3A_369, %dma_start3A_370] : memref<250x80xi32, #tpu.memory_space<vmem>> -> memref<1x80xi32, #tpu.memory_space<vmem>>
          %dma_start3A_372 = tpu.memref_squeeze %dma_start3A_371 : memref<1x80xi32, #tpu.memory_space<vmem>> -> memref<80xi32, #tpu.memory_space<vmem>>
          %dma_start3A_373 = arith.constant 0 : i32
          %dma_start3A_374 = arith.constant 0 : i32
          %dma_start3A_375 = tpu.memref_slice %arg2[%dma_start3A_373, %dma_start3A_374] : memref<20000x32xf32, #tpu.memory_space<hbm>> -> memref<20000x32xf32, #tpu.memory_space<hbm>>
          tpu.enqueue_indirect_dma source(%dma_start3A_375 : memref<20000x32xf32, #tpu.memory_space<hbm>>) target(%arg13 : memref<80x32xf32, #tpu.memory_space<vmem>>) offsets(%dma_start3A_372 : memref<80xi32, #tpu.memory_space<vmem>>) semaphore(%arg22 : memref<!tpu.dma_semaphore, #tpu.memory_space<semaphore_mem>>)
        } else {
        }
        %add3A_238 = arith.constant 5 : i32
        %add3A_239 = arith.addi %add3A_109, %add3A_238 : i32
        %dma_wait3A_240 = arith.constant 0 : i32
        %dma_wait3A_241 = tpu.memref_slice %arg10[%add3A_239, %dma_wait3A_240] : memref<250x80xi32, #tpu.memory_space<vmem>> -> memref<1x80xi32, #tpu.memory_space<vmem>>
        %dma_wait3A_242 = tpu.memref_squeeze %dma_wait3A_241 : memref<1x80xi32, #tpu.memory_space<vmem>> -> memref<80xi32, #tpu.memory_space<vmem>>
        %dma_wait3A_243 = arith.constant 0 : i32
        %dma_wait3A_244 = arith.constant 0 : i32
        %dma_wait3A_245 = tpu.memref_slice %arg2[%dma_wait3A_243, %dma_wait3A_244] : memref<20000x32xf32, #tpu.memory_space<hbm>> -> memref<20000x32xf32, #tpu.memory_space<hbm>>
        tpu.wait_indirect_dma semaphore(%arg22 : memref<!tpu.dma_semaphore, #tpu.memory_space<semaphore_mem>>) src(%dma_wait3A_245 : memref<20000x32xf32, #tpu.memory_space<hbm>>) dst(%arg17 : memref<80x32xf32, #tpu.memory_space<vmem>>)
        %dma_start3A_246 = arith.constant 0 : i32
        %dma_start3A_247 = tpu.memref_slice %arg11[%add3A_239, %dma_start3A_246] : memref<250x80xi32, #tpu.memory_space<vmem>> -> memref<1x80xi32, #tpu.memory_space<vmem>>
        %dma_start3A_248 = tpu.memref_squeeze %dma_start3A_247 : memref<1x80xi32, #tpu.memory_space<vmem>> -> memref<80xi32, #tpu.memory_space<vmem>>
        %dma_start3A_249 = arith.constant 0 : i32
        %dma_start3A_250 = arith.constant 0 : i32
        %dma_start3A_251 = tpu.memref_slice %arg9[%dma_start3A_249, %dma_start3A_250] : memref<20480x32xf32, #tpu.memory_space<vmem_shared>> -> memref<20480x32xf32, #tpu.memory_space<vmem_shared>>
        tpu.enqueue_indirect_dma source(%arg17 : memref<80x32xf32, #tpu.memory_space<vmem>>) target(%dma_start3A_251 : memref<20480x32xf32, #tpu.memory_space<vmem_shared>>) offsets(%dma_start3A_248 : memref<80xi32, #tpu.memory_space<vmem>>) semaphore(%arg23 : memref<!tpu.dma_semaphore, #tpu.memory_space<semaphore_mem>>) {add = true}
        %ge3A_252 = arith.constant 3 : i32
        %ge3A_253 = arith.cmpi sge, %add3A_239, %ge3A_252 : i32
        %convert_element_type3A_254 = arith.extui %ge3A_253 : i1 to i32
        %cond3A_255 = arith.constant 0 : i32
        %cond3A_256 = arith.cmpi ne, %convert_element_type3A_254, %cond3A_255 : i32
        scf.if %cond3A_256 {
          %dma_wait3A_368 = arith.constant 0 : i32
          %dma_wait3A_369 = tpu.memref_slice %arg11[%add3A_239, %dma_wait3A_368] : memref<250x80xi32, #tpu.memory_space<vmem>> -> memref<1x80xi32, #tpu.memory_space<vmem>>
          %dma_wait3A_370 = tpu.memref_squeeze %dma_wait3A_369 : memref<1x80xi32, #tpu.memory_space<vmem>> -> memref<80xi32, #tpu.memory_space<vmem>>
          %dma_wait3A_371 = arith.constant 0 : i32
          %dma_wait3A_372 = arith.constant 0 : i32
          %dma_wait3A_373 = tpu.memref_slice %arg9[%dma_wait3A_371, %dma_wait3A_372] : memref<20480x32xf32, #tpu.memory_space<vmem_shared>> -> memref<20480x32xf32, #tpu.memory_space<vmem_shared>>
          tpu.wait_indirect_dma semaphore(%arg23 : memref<!tpu.dma_semaphore, #tpu.memory_space<semaphore_mem>>) src(%arg14 : memref<80x32xf32, #tpu.memory_space<vmem>>) dst(%dma_wait3A_373 : memref<20480x32xf32, #tpu.memory_space<vmem_shared>>)
        } else {
        }
        %add3A_257 = arith.constant 7 : i32
        %add3A_258 = arith.addi %add3A_239, %add3A_257 : i32
        %lt3A_259 = arith.constant 250 : i32
        %lt3A_260 = arith.cmpi slt, %add3A_258, %lt3A_259 : i32
        %convert_element_type3A_261 = arith.extui %lt3A_260 : i1 to i32
        %cond3A_262 = arith.constant 0 : i32
        %cond3A_263 = arith.cmpi ne, %convert_element_type3A_261, %cond3A_262 : i32
        scf.if %cond3A_263 {
          %add3A_368 = arith.constant 7 : i32
          %add3A_369 = arith.addi %add3A_239, %add3A_368 : i32
          %dma_start3A_370 = arith.constant 0 : i32
          %dma_start3A_371 = tpu.memref_slice %arg10[%add3A_369, %dma_start3A_370] : memref<250x80xi32, #tpu.memory_space<vmem>> -> memref<1x80xi32, #tpu.memory_space<vmem>>
          %dma_start3A_372 = tpu.memref_squeeze %dma_start3A_371 : memref<1x80xi32, #tpu.memory_space<vmem>> -> memref<80xi32, #tpu.memory_space<vmem>>
          %dma_start3A_373 = arith.constant 0 : i32
          %dma_start3A_374 = arith.constant 0 : i32
          %dma_start3A_375 = tpu.memref_slice %arg2[%dma_start3A_373, %dma_start3A_374] : memref<20000x32xf32, #tpu.memory_space<hbm>> -> memref<20000x32xf32, #tpu.memory_space<hbm>>
          tpu.enqueue_indirect_dma source(%dma_start3A_375 : memref<20000x32xf32, #tpu.memory_space<hbm>>) target(%arg14 : memref<80x32xf32, #tpu.memory_space<vmem>>) offsets(%dma_start3A_372 : memref<80xi32, #tpu.memory_space<vmem>>) semaphore(%arg22 : memref<!tpu.dma_semaphore, #tpu.memory_space<semaphore_mem>>)
        } else {
        }
        %add3A_264 = arith.constant 6 : i32
        %add3A_265 = arith.addi %add3A_109, %add3A_264 : i32
        %dma_wait3A_266 = arith.constant 0 : i32
        %dma_wait3A_267 = tpu.memref_slice %arg10[%add3A_265, %dma_wait3A_266] : memref<250x80xi32, #tpu.memory_space<vmem>> -> memref<1x80xi32, #tpu.memory_space<vmem>>
        %dma_wait3A_268 = tpu.memref_squeeze %dma_wait3A_267 : memref<1x80xi32, #tpu.memory_space<vmem>> -> memref<80xi32, #tpu.memory_space<vmem>>
        %dma_wait3A_269 = arith.constant 0 : i32
        %dma_wait3A_270 = arith.constant 0 : i32
        %dma_wait3A_271 = tpu.memref_slice %arg2[%dma_wait3A_269, %dma_wait3A_270] : memref<20000x32xf32, #tpu.memory_space<hbm>> -> memref<20000x32xf32, #tpu.memory_space<hbm>>
        tpu.wait_indirect_dma semaphore(%arg22 : memref<!tpu.dma_semaphore, #tpu.memory_space<semaphore_mem>>) src(%dma_wait3A_271 : memref<20000x32xf32, #tpu.memory_space<hbm>>) dst(%arg18 : memref<80x32xf32, #tpu.memory_space<vmem>>)
        %dma_start3A_272 = arith.constant 0 : i32
        %dma_start3A_273 = tpu.memref_slice %arg11[%add3A_265, %dma_start3A_272] : memref<250x80xi32, #tpu.memory_space<vmem>> -> memref<1x80xi32, #tpu.memory_space<vmem>>
        %dma_start3A_274 = tpu.memref_squeeze %dma_start3A_273 : memref<1x80xi32, #tpu.memory_space<vmem>> -> memref<80xi32, #tpu.memory_space<vmem>>
        %dma_start3A_275 = arith.constant 0 : i32
        %dma_start3A_276 = arith.constant 0 : i32
        %dma_start3A_277 = tpu.memref_slice %arg9[%dma_start3A_275, %dma_start3A_276] : memref<20480x32xf32, #tpu.memory_space<vmem_shared>> -> memref<20480x32xf32, #tpu.memory_space<vmem_shared>>
        tpu.enqueue_indirect_dma source(%arg18 : memref<80x32xf32, #tpu.memory_space<vmem>>) target(%dma_start3A_277 : memref<20480x32xf32, #tpu.memory_space<vmem_shared>>) offsets(%dma_start3A_274 : memref<80xi32, #tpu.memory_space<vmem>>) semaphore(%arg23 : memref<!tpu.dma_semaphore, #tpu.memory_space<semaphore_mem>>) {add = true}
        %ge3A_278 = arith.constant 3 : i32
        %ge3A_279 = arith.cmpi sge, %add3A_265, %ge3A_278 : i32
        %convert_element_type3A_280 = arith.extui %ge3A_279 : i1 to i32
        %cond3A_281 = arith.constant 0 : i32
        %cond3A_282 = arith.cmpi ne, %convert_element_type3A_280, %cond3A_281 : i32
        scf.if %cond3A_282 {
          %dma_wait3A_368 = arith.constant 0 : i32
          %dma_wait3A_369 = tpu.memref_slice %arg11[%add3A_265, %dma_wait3A_368] : memref<250x80xi32, #tpu.memory_space<vmem>> -> memref<1x80xi32, #tpu.memory_space<vmem>>
          %dma_wait3A_370 = tpu.memref_squeeze %dma_wait3A_369 : memref<1x80xi32, #tpu.memory_space<vmem>> -> memref<80xi32, #tpu.memory_space<vmem>>
          %dma_wait3A_371 = arith.constant 0 : i32
          %dma_wait3A_372 = arith.constant 0 : i32
          %dma_wait3A_373 = tpu.memref_slice %arg9[%dma_wait3A_371, %dma_wait3A_372] : memref<20480x32xf32, #tpu.memory_space<vmem_shared>> -> memref<20480x32xf32, #tpu.memory_space<vmem_shared>>
          tpu.wait_indirect_dma semaphore(%arg23 : memref<!tpu.dma_semaphore, #tpu.memory_space<semaphore_mem>>) src(%arg15 : memref<80x32xf32, #tpu.memory_space<vmem>>) dst(%dma_wait3A_373 : memref<20480x32xf32, #tpu.memory_space<vmem_shared>>)
        } else {
        }
        %add3A_283 = arith.constant 7 : i32
        %add3A_284 = arith.addi %add3A_265, %add3A_283 : i32
        %lt3A_285 = arith.constant 250 : i32
        %lt3A_286 = arith.cmpi slt, %add3A_284, %lt3A_285 : i32
        %convert_element_type3A_287 = arith.extui %lt3A_286 : i1 to i32
        %cond3A_288 = arith.constant 0 : i32
        %cond3A_289 = arith.cmpi ne, %convert_element_type3A_287, %cond3A_288 : i32
        scf.if %cond3A_289 {
          %add3A_368 = arith.constant 7 : i32
          %add3A_369 = arith.addi %add3A_265, %add3A_368 : i32
          %dma_start3A_370 = arith.constant 0 : i32
          %dma_start3A_371 = tpu.memref_slice %arg10[%add3A_369, %dma_start3A_370] : memref<250x80xi32, #tpu.memory_space<vmem>> -> memref<1x80xi32, #tpu.memory_space<vmem>>
          %dma_start3A_372 = tpu.memref_squeeze %dma_start3A_371 : memref<1x80xi32, #tpu.memory_space<vmem>> -> memref<80xi32, #tpu.memory_space<vmem>>
          %dma_start3A_373 = arith.constant 0 : i32
          %dma_start3A_374 = arith.constant 0 : i32
          %dma_start3A_375 = tpu.memref_slice %arg2[%dma_start3A_373, %dma_start3A_374] : memref<20000x32xf32, #tpu.memory_space<hbm>> -> memref<20000x32xf32, #tpu.memory_space<hbm>>
          tpu.enqueue_indirect_dma source(%dma_start3A_375 : memref<20000x32xf32, #tpu.memory_space<hbm>>) target(%arg15 : memref<80x32xf32, #tpu.memory_space<vmem>>) offsets(%dma_start3A_372 : memref<80xi32, #tpu.memory_space<vmem>>) semaphore(%arg22 : memref<!tpu.dma_semaphore, #tpu.memory_space<semaphore_mem>>)
        } else {
        }
        %add3A_290 = arith.constant 7 : i32
        %add3A_291 = arith.addi %add3A_109, %add3A_290 : i32
        %dma_wait3A_292 = arith.constant 0 : i32
        %dma_wait3A_293 = tpu.memref_slice %arg10[%add3A_291, %dma_wait3A_292] : memref<250x80xi32, #tpu.memory_space<vmem>> -> memref<1x80xi32, #tpu.memory_space<vmem>>
        %dma_wait3A_294 = tpu.memref_squeeze %dma_wait3A_293 : memref<1x80xi32, #tpu.memory_space<vmem>> -> memref<80xi32, #tpu.memory_space<vmem>>
        %dma_wait3A_295 = arith.constant 0 : i32
        %dma_wait3A_296 = arith.constant 0 : i32
        %dma_wait3A_297 = tpu.memref_slice %arg2[%dma_wait3A_295, %dma_wait3A_296] : memref<20000x32xf32, #tpu.memory_space<hbm>> -> memref<20000x32xf32, #tpu.memory_space<hbm>>
        tpu.wait_indirect_dma semaphore(%arg22 : memref<!tpu.dma_semaphore, #tpu.memory_space<semaphore_mem>>) src(%dma_wait3A_297 : memref<20000x32xf32, #tpu.memory_space<hbm>>) dst(%arg19 : memref<80x32xf32, #tpu.memory_space<vmem>>)
        %dma_start3A_298 = arith.constant 0 : i32
        %dma_start3A_299 = tpu.memref_slice %arg11[%add3A_291, %dma_start3A_298] : memref<250x80xi32, #tpu.memory_space<vmem>> -> memref<1x80xi32, #tpu.memory_space<vmem>>
        %dma_start3A_300 = tpu.memref_squeeze %dma_start3A_299 : memref<1x80xi32, #tpu.memory_space<vmem>> -> memref<80xi32, #tpu.memory_space<vmem>>
        %dma_start3A_301 = arith.constant 0 : i32
        %dma_start3A_302 = arith.constant 0 : i32
        %dma_start3A_303 = tpu.memref_slice %arg9[%dma_start3A_301, %dma_start3A_302] : memref<20480x32xf32, #tpu.memory_space<vmem_shared>> -> memref<20480x32xf32, #tpu.memory_space<vmem_shared>>
        tpu.enqueue_indirect_dma source(%arg19 : memref<80x32xf32, #tpu.memory_space<vmem>>) target(%dma_start3A_303 : memref<20480x32xf32, #tpu.memory_space<vmem_shared>>) offsets(%dma_start3A_300 : memref<80xi32, #tpu.memory_space<vmem>>) semaphore(%arg23 : memref<!tpu.dma_semaphore, #tpu.memory_space<semaphore_mem>>) {add = true}
        %ge3A_304 = arith.constant 3 : i32
        %ge3A_305 = arith.cmpi sge, %add3A_291, %ge3A_304 : i32
        %convert_element_type3A_306 = arith.extui %ge3A_305 : i1 to i32
        %cond3A_307 = arith.constant 0 : i32
        %cond3A_308 = arith.cmpi ne, %convert_element_type3A_306, %cond3A_307 : i32
        scf.if %cond3A_308 {
          %dma_wait3A_368 = arith.constant 0 : i32
          %dma_wait3A_369 = tpu.memref_slice %arg11[%add3A_291, %dma_wait3A_368] : memref<250x80xi32, #tpu.memory_space<vmem>> -> memref<1x80xi32, #tpu.memory_space<vmem>>
          %dma_wait3A_370 = tpu.memref_squeeze %dma_wait3A_369 : memref<1x80xi32, #tpu.memory_space<vmem>> -> memref<80xi32, #tpu.memory_space<vmem>>
          %dma_wait3A_371 = arith.constant 0 : i32
          %dma_wait3A_372 = arith.constant 0 : i32
          %dma_wait3A_373 = tpu.memref_slice %arg9[%dma_wait3A_371, %dma_wait3A_372] : memref<20480x32xf32, #tpu.memory_space<vmem_shared>> -> memref<20480x32xf32, #tpu.memory_space<vmem_shared>>
          tpu.wait_indirect_dma semaphore(%arg23 : memref<!tpu.dma_semaphore, #tpu.memory_space<semaphore_mem>>) src(%arg16 : memref<80x32xf32, #tpu.memory_space<vmem>>) dst(%dma_wait3A_373 : memref<20480x32xf32, #tpu.memory_space<vmem_shared>>)
        } else {
        }
        %add3A_309 = arith.constant 7 : i32
        %add3A_310 = arith.addi %add3A_291, %add3A_309 : i32
        %lt3A_311 = arith.constant 250 : i32
        %lt3A_312 = arith.cmpi slt, %add3A_310, %lt3A_311 : i32
        %convert_element_type3A_313 = arith.extui %lt3A_312 : i1 to i32
        %cond3A_314 = arith.constant 0 : i32
        %cond3A_315 = arith.cmpi ne, %convert_element_type3A_313, %cond3A_314 : i32
        scf.if %cond3A_315 {
          %add3A_368 = arith.constant 7 : i32
          %add3A_369 = arith.addi %add3A_291, %add3A_368 : i32
          %dma_start3A_370 = arith.constant 0 : i32
          %dma_start3A_371 = tpu.memref_slice %arg10[%add3A_369, %dma_start3A_370] : memref<250x80xi32, #tpu.memory_space<vmem>> -> memref<1x80xi32, #tpu.memory_space<vmem>>
          %dma_start3A_372 = tpu.memref_squeeze %dma_start3A_371 : memref<1x80xi32, #tpu.memory_space<vmem>> -> memref<80xi32, #tpu.memory_space<vmem>>
          %dma_start3A_373 = arith.constant 0 : i32
          %dma_start3A_374 = arith.constant 0 : i32
          %dma_start3A_375 = tpu.memref_slice %arg2[%dma_start3A_373, %dma_start3A_374] : memref<20000x32xf32, #tpu.memory_space<hbm>> -> memref<20000x32xf32, #tpu.memory_space<hbm>>
          tpu.enqueue_indirect_dma source(%dma_start3A_375 : memref<20000x32xf32, #tpu.memory_space<hbm>>) target(%arg16 : memref<80x32xf32, #tpu.memory_space<vmem>>) offsets(%dma_start3A_372 : memref<80xi32, #tpu.memory_space<vmem>>) semaphore(%arg22 : memref<!tpu.dma_semaphore, #tpu.memory_space<semaphore_mem>>)
        } else {
        }
        %add3A_316 = arith.constant 8 : i32
        %add3A_317 = arith.addi %add3A_109, %add3A_316 : i32
        %dma_wait3A_318 = arith.constant 0 : i32
        %dma_wait3A_319 = tpu.memref_slice %arg10[%add3A_317, %dma_wait3A_318] : memref<250x80xi32, #tpu.memory_space<vmem>> -> memref<1x80xi32, #tpu.memory_space<vmem>>
        %dma_wait3A_320 = tpu.memref_squeeze %dma_wait3A_319 : memref<1x80xi32, #tpu.memory_space<vmem>> -> memref<80xi32, #tpu.memory_space<vmem>>
        %dma_wait3A_321 = arith.constant 0 : i32
        %dma_wait3A_322 = arith.constant 0 : i32
        %dma_wait3A_323 = tpu.memref_slice %arg2[%dma_wait3A_321, %dma_wait3A_322] : memref<20000x32xf32, #tpu.memory_space<hbm>> -> memref<20000x32xf32, #tpu.memory_space<hbm>>
        tpu.wait_indirect_dma semaphore(%arg22 : memref<!tpu.dma_semaphore, #tpu.memory_space<semaphore_mem>>) src(%dma_wait3A_323 : memref<20000x32xf32, #tpu.memory_space<hbm>>) dst(%arg20 : memref<80x32xf32, #tpu.memory_space<vmem>>)
        %dma_start3A_324 = arith.constant 0 : i32
        %dma_start3A_325 = tpu.memref_slice %arg11[%add3A_317, %dma_start3A_324] : memref<250x80xi32, #tpu.memory_space<vmem>> -> memref<1x80xi32, #tpu.memory_space<vmem>>
        %dma_start3A_326 = tpu.memref_squeeze %dma_start3A_325 : memref<1x80xi32, #tpu.memory_space<vmem>> -> memref<80xi32, #tpu.memory_space<vmem>>
        %dma_start3A_327 = arith.constant 0 : i32
        %dma_start3A_328 = arith.constant 0 : i32
        %dma_start3A_329 = tpu.memref_slice %arg9[%dma_start3A_327, %dma_start3A_328] : memref<20480x32xf32, #tpu.memory_space<vmem_shared>> -> memref<20480x32xf32, #tpu.memory_space<vmem_shared>>
        tpu.enqueue_indirect_dma source(%arg20 : memref<80x32xf32, #tpu.memory_space<vmem>>) target(%dma_start3A_329 : memref<20480x32xf32, #tpu.memory_space<vmem_shared>>) offsets(%dma_start3A_326 : memref<80xi32, #tpu.memory_space<vmem>>) semaphore(%arg23 : memref<!tpu.dma_semaphore, #tpu.memory_space<semaphore_mem>>) {add = true}
        %ge3A_330 = arith.constant 3 : i32
        %ge3A_331 = arith.cmpi sge, %add3A_317, %ge3A_330 : i32
        %convert_element_type3A_332 = arith.extui %ge3A_331 : i1 to i32
        %cond3A_333 = arith.constant 0 : i32
        %cond3A_334 = arith.cmpi ne, %convert_element_type3A_332, %cond3A_333 : i32
        scf.if %cond3A_334 {
          %dma_wait3A_368 = arith.constant 0 : i32
          %dma_wait3A_369 = tpu.memref_slice %arg11[%add3A_317, %dma_wait3A_368] : memref<250x80xi32, #tpu.memory_space<vmem>> -> memref<1x80xi32, #tpu.memory_space<vmem>>
          %dma_wait3A_370 = tpu.memref_squeeze %dma_wait3A_369 : memref<1x80xi32, #tpu.memory_space<vmem>> -> memref<80xi32, #tpu.memory_space<vmem>>
          %dma_wait3A_371 = arith.constant 0 : i32
          %dma_wait3A_372 = arith.constant 0 : i32
          %dma_wait3A_373 = tpu.memref_slice %arg9[%dma_wait3A_371, %dma_wait3A_372] : memref<20480x32xf32, #tpu.memory_space<vmem_shared>> -> memref<20480x32xf32, #tpu.memory_space<vmem_shared>>
          tpu.wait_indirect_dma semaphore(%arg23 : memref<!tpu.dma_semaphore, #tpu.memory_space<semaphore_mem>>) src(%arg17 : memref<80x32xf32, #tpu.memory_space<vmem>>) dst(%dma_wait3A_373 : memref<20480x32xf32, #tpu.memory_space<vmem_shared>>)
        } else {
        }
        %add3A_335 = arith.constant 7 : i32
        %add3A_336 = arith.addi %add3A_317, %add3A_335 : i32
        %lt3A_337 = arith.constant 250 : i32
        %lt3A_338 = arith.cmpi slt, %add3A_336, %lt3A_337 : i32
        %convert_element_type3A_339 = arith.extui %lt3A_338 : i1 to i32
        %cond3A_340 = arith.constant 0 : i32
        %cond3A_341 = arith.cmpi ne, %convert_element_type3A_339, %cond3A_340 : i32
        scf.if %cond3A_341 {
          %add3A_368 = arith.constant 7 : i32
          %add3A_369 = arith.addi %add3A_317, %add3A_368 : i32
          %dma_start3A_370 = arith.constant 0 : i32
          %dma_start3A_371 = tpu.memref_slice %arg10[%add3A_369, %dma_start3A_370] : memref<250x80xi32, #tpu.memory_space<vmem>> -> memref<1x80xi32, #tpu.memory_space<vmem>>
          %dma_start3A_372 = tpu.memref_squeeze %dma_start3A_371 : memref<1x80xi32, #tpu.memory_space<vmem>> -> memref<80xi32, #tpu.memory_space<vmem>>
          %dma_start3A_373 = arith.constant 0 : i32
          %dma_start3A_374 = arith.constant 0 : i32
          %dma_start3A_375 = tpu.memref_slice %arg2[%dma_start3A_373, %dma_start3A_374] : memref<20000x32xf32, #tpu.memory_space<hbm>> -> memref<20000x32xf32, #tpu.memory_space<hbm>>
          tpu.enqueue_indirect_dma source(%dma_start3A_375 : memref<20000x32xf32, #tpu.memory_space<hbm>>) target(%arg17 : memref<80x32xf32, #tpu.memory_space<vmem>>) offsets(%dma_start3A_372 : memref<80xi32, #tpu.memory_space<vmem>>) semaphore(%arg22 : memref<!tpu.dma_semaphore, #tpu.memory_space<semaphore_mem>>)
        } else {
        }
        %add3A_342 = arith.constant 9 : i32
        %add3A_343 = arith.addi %add3A_109, %add3A_342 : i32
        %dma_wait3A_344 = arith.constant 0 : i32
        %dma_wait3A_345 = tpu.memref_slice %arg10[%add3A_343, %dma_wait3A_344] : memref<250x80xi32, #tpu.memory_space<vmem>> -> memref<1x80xi32, #tpu.memory_space<vmem>>
        %dma_wait3A_346 = tpu.memref_squeeze %dma_wait3A_345 : memref<1x80xi32, #tpu.memory_space<vmem>> -> memref<80xi32, #tpu.memory_space<vmem>>
        %dma_wait3A_347 = arith.constant 0 : i32
        %dma_wait3A_348 = arith.constant 0 : i32
        %dma_wait3A_349 = tpu.memref_slice %arg2[%dma_wait3A_347, %dma_wait3A_348] : memref<20000x32xf32, #tpu.memory_space<hbm>> -> memref<20000x32xf32, #tpu.memory_space<hbm>>
        tpu.wait_indirect_dma semaphore(%arg22 : memref<!tpu.dma_semaphore, #tpu.memory_space<semaphore_mem>>) src(%dma_wait3A_349 : memref<20000x32xf32, #tpu.memory_space<hbm>>) dst(%arg21 : memref<80x32xf32, #tpu.memory_space<vmem>>)
        %dma_start3A_350 = arith.constant 0 : i32
        %dma_start3A_351 = tpu.memref_slice %arg11[%add3A_343, %dma_start3A_350] : memref<250x80xi32, #tpu.memory_space<vmem>> -> memref<1x80xi32, #tpu.memory_space<vmem>>
        %dma_start3A_352 = tpu.memref_squeeze %dma_start3A_351 : memref<1x80xi32, #tpu.memory_space<vmem>> -> memref<80xi32, #tpu.memory_space<vmem>>
        %dma_start3A_353 = arith.constant 0 : i32
        %dma_start3A_354 = arith.constant 0 : i32
        %dma_start3A_355 = tpu.memref_slice %arg9[%dma_start3A_353, %dma_start3A_354] : memref<20480x32xf32, #tpu.memory_space<vmem_shared>> -> memref<20480x32xf32, #tpu.memory_space<vmem_shared>>
        tpu.enqueue_indirect_dma source(%arg21 : memref<80x32xf32, #tpu.memory_space<vmem>>) target(%dma_start3A_355 : memref<20480x32xf32, #tpu.memory_space<vmem_shared>>) offsets(%dma_start3A_352 : memref<80xi32, #tpu.memory_space<vmem>>) semaphore(%arg23 : memref<!tpu.dma_semaphore, #tpu.memory_space<semaphore_mem>>) {add = true}
        %ge3A_356 = arith.constant 3 : i32
        %ge3A_357 = arith.cmpi sge, %add3A_343, %ge3A_356 : i32
        %convert_element_type3A_358 = arith.extui %ge3A_357 : i1 to i32
        %cond3A_359 = arith.constant 0 : i32
        %cond3A_360 = arith.cmpi ne, %convert_element_type3A_358, %cond3A_359 : i32
        scf.if %cond3A_360 {
          %dma_wait3A_368 = arith.constant 0 : i32
          %dma_wait3A_369 = tpu.memref_slice %arg11[%add3A_343, %dma_wait3A_368] : memref<250x80xi32, #tpu.memory_space<vmem>> -> memref<1x80xi32, #tpu.memory_space<vmem>>
          %dma_wait3A_370 = tpu.memref_squeeze %dma_wait3A_369 : memref<1x80xi32, #tpu.memory_space<vmem>> -> memref<80xi32, #tpu.memory_space<vmem>>
          %dma_wait3A_371 = arith.constant 0 : i32
          %dma_wait3A_372 = arith.constant 0 : i32
          %dma_wait3A_373 = tpu.memref_slice %arg9[%dma_wait3A_371, %dma_wait3A_372] : memref<20480x32xf32, #tpu.memory_space<vmem_shared>> -> memref<20480x32xf32, #tpu.memory_space<vmem_shared>>
          tpu.wait_indirect_dma semaphore(%arg23 : memref<!tpu.dma_semaphore, #tpu.memory_space<semaphore_mem>>) src(%arg18 : memref<80x32xf32, #tpu.memory_space<vmem>>) dst(%dma_wait3A_373 : memref<20480x32xf32, #tpu.memory_space<vmem_shared>>)
        } else {
        }
        %add3A_361 = arith.constant 7 : i32
        %add3A_362 = arith.addi %add3A_343, %add3A_361 : i32
        %lt3A_363 = arith.constant 250 : i32
        %lt3A_364 = arith.cmpi slt, %add3A_362, %lt3A_363 : i32
        %convert_element_type3A_365 = arith.extui %lt3A_364 : i1 to i32
        %cond3A_366 = arith.constant 0 : i32
        %cond3A_367 = arith.cmpi ne, %convert_element_type3A_365, %cond3A_366 : i32
        scf.if %cond3A_367 {
          %add3A_368 = arith.constant 7 : i32
          %add3A_369 = arith.addi %add3A_343, %add3A_368 : i32
          %dma_start3A_370 = arith.constant 0 : i32
          %dma_start3A_371 = tpu.memref_slice %arg10[%add3A_369, %dma_start3A_370] : memref<250x80xi32, #tpu.memory_space<vmem>> -> memref<1x80xi32, #tpu.memory_space<vmem>>
          %dma_start3A_372 = tpu.memref_squeeze %dma_start3A_371 : memref<1x80xi32, #tpu.memory_space<vmem>> -> memref<80xi32, #tpu.memory_space<vmem>>
          %dma_start3A_373 = arith.constant 0 : i32
          %dma_start3A_374 = arith.constant 0 : i32
          %dma_start3A_375 = tpu.memref_slice %arg2[%dma_start3A_373, %dma_start3A_374] : memref<20000x32xf32, #tpu.memory_space<hbm>> -> memref<20000x32xf32, #tpu.memory_space<hbm>>
          tpu.enqueue_indirect_dma source(%dma_start3A_375 : memref<20000x32xf32, #tpu.memory_space<hbm>>) target(%arg18 : memref<80x32xf32, #tpu.memory_space<vmem>>) offsets(%dma_start3A_372 : memref<80xi32, #tpu.memory_space<vmem>>) semaphore(%arg22 : memref<!tpu.dma_semaphore, #tpu.memory_space<semaphore_mem>>)
        } else {
        }
      }
      %scan3A_85 = arith.constant 25 : i32
      %dma_wait3A = arith.constant 0 : i32
      %dma_wait3A_86 = arith.constant 0 : i32
      %dma_wait3A_87 = tpu.memref_slice %arg11[%dma_wait3A, %dma_wait3A_86] : memref<250x80xi32, #tpu.memory_space<vmem>> -> memref<1x80xi32, #tpu.memory_space<vmem>>
      %dma_wait3A_88 = tpu.memref_squeeze %dma_wait3A_87 : memref<1x80xi32, #tpu.memory_space<vmem>> -> memref<80xi32, #tpu.memory_space<vmem>>
      %dma_wait3A_89 = arith.constant 0 : i32
      %dma_wait3A_90 = arith.constant 0 : i32
      %dma_wait3A_91 = tpu.memref_slice %arg9[%dma_wait3A_89, %dma_wait3A_90] : memref<20480x32xf32, #tpu.memory_space<vmem_shared>> -> memref<20480x32xf32, #tpu.memory_space<vmem_shared>>
      tpu.wait_indirect_dma semaphore(%arg23 : memref<!tpu.dma_semaphore, #tpu.memory_space<semaphore_mem>>) src(%arg12 : memref<80x32xf32, #tpu.memory_space<vmem>>) dst(%dma_wait3A_91 : memref<20480x32xf32, #tpu.memory_space<vmem_shared>>)
      %dma_wait3A_92 = arith.constant 0 : i32
      %dma_wait3A_93 = arith.constant 0 : i32
      %dma_wait3A_94 = tpu.memref_slice %arg11[%dma_wait3A_92, %dma_wait3A_93] : memref<250x80xi32, #tpu.memory_space<vmem>> -> memref<1x80xi32, #tpu.memory_space<vmem>>
      %dma_wait3A_95 = tpu.memref_squeeze %dma_wait3A_94 : memref<1x80xi32, #tpu.memory_space<vmem>> -> memref<80xi32, #tpu.memory_space<vmem>>
      %dma_wait3A_96 = arith.constant 0 : i32
      %dma_wait3A_97 = arith.constant 0 : i32
      %dma_wait3A_98 = tpu.memref_slice %arg9[%dma_wait3A_96, %dma_wait3A_97] : memref<20480x32xf32, #tpu.memory_space<vmem_shared>> -> memref<20480x32xf32, #tpu.memory_space<vmem_shared>>
      tpu.wait_indirect_dma semaphore(%arg23 : memref<!tpu.dma_semaphore, #tpu.memory_space<semaphore_mem>>) src(%arg13 : memref<80x32xf32, #tpu.memory_space<vmem>>) dst(%dma_wait3A_98 : memref<20480x32xf32, #tpu.memory_space<vmem_shared>>)
      %dma_wait3A_99 = arith.constant 0 : i32
      %dma_wait3A_100 = arith.constant 0 : i32
      %dma_wait3A_101 = tpu.memref_slice %arg11[%dma_wait3A_99, %dma_wait3A_100] : memref<250x80xi32, #tpu.memory_space<vmem>> -> memref<1x80xi32, #tpu.memory_space<vmem>>
      %dma_wait3A_102 = tpu.memref_squeeze %dma_wait3A_101 : memref<1x80xi32, #tpu.memory_space<vmem>> -> memref<80xi32, #tpu.memory_space<vmem>>
      %dma_wait3A_103 = arith.constant 0 : i32
      %dma_wait3A_104 = arith.constant 0 : i32
      %dma_wait3A_105 = tpu.memref_slice %arg9[%dma_wait3A_103, %dma_wait3A_104] : memref<20480x32xf32, #tpu.memory_space<vmem_shared>> -> memref<20480x32xf32, #tpu.memory_space<vmem_shared>>
      tpu.wait_indirect_dma semaphore(%arg23 : memref<!tpu.dma_semaphore, #tpu.memory_space<semaphore_mem>>) src(%arg14 : memref<80x32xf32, #tpu.memory_space<vmem>>) dst(%dma_wait3A_105 : memref<20480x32xf32, #tpu.memory_space<vmem_shared>>)
    } else {
    }
    %eq3A_13 = arith.constant 1 : i32
    %eq3A_14 = arith.cmpi eq, %arg0, %eq3A_13 : i32
    %convert_element_type3A_15 = arith.extui %eq3A_14 : i1 to i32
    %cond3A_16 = arith.constant 0 : i32
    %cond3A_17 = arith.cmpi ne, %convert_element_type3A_15, %cond3A_16 : i32
    scf.if %cond3A_17 {
      %run_scoped3A = arith.constant 0 : i32
      %run_scoped3A_31 = arith.constant 1 : i32
      "tpu.region"() ({
        %run_scoped3A_106 = tpu.sem_alloc : memref<!tpu.dma_semaphore, #tpu.memory_space<semaphore_mem>>
        %dma_start3A_107 = arith.constant 0 : i32
        %dma_start3A_108 = arith.constant 0 : i32
        %dma_start3A_109 = tpu.memref_slice %arg5[%run_scoped3A, %arg1, %run_scoped3A_31, %dma_start3A_107, %dma_start3A_108] : memref<2x16x2x250x80xi32, #tpu.memory_space<hbm>> -> memref<1x1x1x250x80xi32, #tpu.memory_space<hbm>>
        %dma_start3A_110 = tpu.memref_squeeze %dma_start3A_109 : memref<1x1x1x250x80xi32, #tpu.memory_space<hbm>> -> memref<250x80xi32, #tpu.memory_space<hbm>>
        %dma_start3A_111 = arith.constant 0 : i32
        %dma_start3A_112 = arith.constant 0 : i32
        %dma_start3A_113 = tpu.memref_slice %arg5[%run_scoped3A, %arg1, %run_scoped3A_31, %dma_start3A_111, %dma_start3A_112] : memref<2x16x2x250x80xi32, #tpu.memory_space<hbm>> -> memref<1x1x1x250x80xi32, #tpu.memory_space<hbm>>
        %dma_start3A_114 = tpu.memref_squeeze %dma_start3A_113 : memref<1x1x1x250x80xi32, #tpu.memory_space<hbm>> -> memref<250x80xi32, #tpu.memory_space<hbm>>
        tpu.enqueue_dma source(%dma_start3A_114 : memref<250x80xi32, #tpu.memory_space<hbm>>) target(%arg10 : memref<250x80xi32, #tpu.memory_space<vmem>>) target_semaphore(%run_scoped3A_106 : memref<!tpu.dma_semaphore, #tpu.memory_space<semaphore_mem>>)
        %dma_wait3A_115 = arith.constant 0 : i32
        %dma_wait3A_116 = arith.constant 0 : i32
        %dma_wait3A_117 = tpu.memref_slice %arg5[%run_scoped3A, %arg1, %run_scoped3A_31, %dma_wait3A_115, %dma_wait3A_116] : memref<2x16x2x250x80xi32, #tpu.memory_space<hbm>> -> memref<1x1x1x250x80xi32, #tpu.memory_space<hbm>>
        %dma_wait3A_118 = tpu.memref_squeeze %dma_wait3A_117 : memref<1x1x1x250x80xi32, #tpu.memory_space<hbm>> -> memref<250x80xi32, #tpu.memory_space<hbm>>
        %dma_wait3A_119 = arith.constant 0 : i32
        %dma_wait3A_120 = arith.constant 0 : i32
        %dma_wait3A_121 = tpu.memref_slice %arg5[%run_scoped3A, %arg1, %run_scoped3A_31, %dma_wait3A_119, %dma_wait3A_120] : memref<2x16x2x250x80xi32, #tpu.memory_space<hbm>> -> memref<1x1x1x250x80xi32, #tpu.memory_space<hbm>>
        %dma_wait3A_122 = tpu.memref_squeeze %dma_wait3A_121 : memref<1x1x1x250x80xi32, #tpu.memory_space<hbm>> -> memref<250x80xi32, #tpu.memory_space<hbm>>
        tpu.wait_dma2 semaphore(%run_scoped3A_106 : memref<!tpu.dma_semaphore, #tpu.memory_space<semaphore_mem>>) src(%dma_wait3A_122 : memref<250x80xi32, #tpu.memory_space<hbm>>) dst(%arg10 : memref<250x80xi32, #tpu.memory_space<vmem>>)
        tpu.yield
      }) : () -> ()
      %run_scoped3A_32 = arith.constant 1 : i32
      %run_scoped3A_33 = arith.constant 1 : i32
      "tpu.region"() ({
        %run_scoped3A_106 = tpu.sem_alloc : memref<!tpu.dma_semaphore, #tpu.memory_space<semaphore_mem>>
        %dma_start3A_107 = arith.constant 0 : i32
        %dma_start3A_108 = arith.constant 0 : i32
        %dma_start3A_109 = tpu.memref_slice %arg5[%run_scoped3A_32, %arg1, %run_scoped3A_33, %dma_start3A_107, %dma_start3A_108] : memref<2x16x2x250x80xi32, #tpu.memory_space<hbm>> -> memref<1x1x1x250x80xi32, #tpu.memory_space<hbm>>
        %dma_start3A_110 = tpu.memref_squeeze %dma_start3A_109 : memref<1x1x1x250x80xi32, #tpu.memory_space<hbm>> -> memref<250x80xi32, #tpu.memory_space<hbm>>
        %dma_start3A_111 = arith.constant 0 : i32
        %dma_start3A_112 = arith.constant 0 : i32
        %dma_start3A_113 = tpu.memref_slice %arg5[%run_scoped3A_32, %arg1, %run_scoped3A_33, %dma_start3A_111, %dma_start3A_112] : memref<2x16x2x250x80xi32, #tpu.memory_space<hbm>> -> memref<1x1x1x250x80xi32, #tpu.memory_space<hbm>>
        %dma_start3A_114 = tpu.memref_squeeze %dma_start3A_113 : memref<1x1x1x250x80xi32, #tpu.memory_space<hbm>> -> memref<250x80xi32, #tpu.memory_space<hbm>>
        tpu.enqueue_dma source(%dma_start3A_114 : memref<250x80xi32, #tpu.memory_space<hbm>>) target(%arg11 : memref<250x80xi32, #tpu.memory_space<vmem>>) target_semaphore(%run_scoped3A_106 : memref<!tpu.dma_semaphore, #tpu.memory_space<semaphore_mem>>)
        %dma_wait3A_115 = arith.constant 0 : i32
        %dma_wait3A_116 = arith.constant 0 : i32
        %dma_wait3A_117 = tpu.memref_slice %arg5[%run_scoped3A_32, %arg1, %run_scoped3A_33, %dma_wait3A_115, %dma_wait3A_116] : memref<2x16x2x250x80xi32, #tpu.memory_space<hbm>> -> memref<1x1x1x250x80xi32, #tpu.memory_space<hbm>>
        %dma_wait3A_118 = tpu.memref_squeeze %dma_wait3A_117 : memref<1x1x1x250x80xi32, #tpu.memory_space<hbm>> -> memref<250x80xi32, #tpu.memory_space<hbm>>
        %dma_wait3A_119 = arith.constant 0 : i32
        %dma_wait3A_120 = arith.constant 0 : i32
        %dma_wait3A_121 = tpu.memref_slice %arg5[%run_scoped3A_32, %arg1, %run_scoped3A_33, %dma_wait3A_119, %dma_wait3A_120] : memref<2x16x2x250x80xi32, #tpu.memory_space<hbm>> -> memref<1x1x1x250x80xi32, #tpu.memory_space<hbm>>
        %dma_wait3A_122 = tpu.memref_squeeze %dma_wait3A_121 : memref<1x1x1x250x80xi32, #tpu.memory_space<hbm>> -> memref<250x80xi32, #tpu.memory_space<hbm>>
        tpu.wait_dma2 semaphore(%run_scoped3A_106 : memref<!tpu.dma_semaphore, #tpu.memory_space<semaphore_mem>>) src(%dma_wait3A_122 : memref<250x80xi32, #tpu.memory_space<hbm>>) dst(%arg11 : memref<250x80xi32, #tpu.memory_space<vmem>>)
        tpu.yield
      }) : () -> ()
      %dma_start3A = arith.constant 0 : i32
      %dma_start3A_34 = arith.constant 0 : i32
      %dma_start3A_35 = tpu.memref_slice %arg10[%dma_start3A, %dma_start3A_34] : memref<250x80xi32, #tpu.memory_space<vmem>> -> memref<1x80xi32, #tpu.memory_space<vmem>>
      %dma_start3A_36 = tpu.memref_squeeze %dma_start3A_35 : memref<1x80xi32, #tpu.memory_space<vmem>> -> memref<80xi32, #tpu.memory_space<vmem>>
      %dma_start3A_37 = arith.constant 0 : i32
      %dma_start3A_38 = arith.constant 0 : i32
      %dma_start3A_39 = tpu.memref_slice %arg4[%dma_start3A_37, %dma_start3A_38] : memref<20000x32xf32, #tpu.memory_space<hbm>> -> memref<20000x32xf32, #tpu.memory_space<hbm>>
      tpu.enqueue_indirect_dma source(%dma_start3A_39 : memref<20000x32xf32, #tpu.memory_space<hbm>>) target(%arg12 : memref<80x32xf32, #tpu.memory_space<vmem>>) offsets(%dma_start3A_36 : memref<80xi32, #tpu.memory_space<vmem>>) semaphore(%arg22 : memref<!tpu.dma_semaphore, #tpu.memory_space<semaphore_mem>>)
      %dma_start3A_40 = arith.constant 1 : i32
      %dma_start3A_41 = arith.constant 0 : i32
      %dma_start3A_42 = tpu.memref_slice %arg10[%dma_start3A_40, %dma_start3A_41] : memref<250x80xi32, #tpu.memory_space<vmem>> -> memref<1x80xi32, #tpu.memory_space<vmem>>
      %dma_start3A_43 = tpu.memref_squeeze %dma_start3A_42 : memref<1x80xi32, #tpu.memory_space<vmem>> -> memref<80xi32, #tpu.memory_space<vmem>>
      %dma_start3A_44 = arith.constant 0 : i32
      %dma_start3A_45 = arith.constant 0 : i32
      %dma_start3A_46 = tpu.memref_slice %arg4[%dma_start3A_44, %dma_start3A_45] : memref<20000x32xf32, #tpu.memory_space<hbm>> -> memref<20000x32xf32, #tpu.memory_space<hbm>>
      tpu.enqueue_indirect_dma source(%dma_start3A_46 : memref<20000x32xf32, #tpu.memory_space<hbm>>) target(%arg13 : memref<80x32xf32, #tpu.memory_space<vmem>>) offsets(%dma_start3A_43 : memref<80xi32, #tpu.memory_space<vmem>>) semaphore(%arg22 : memref<!tpu.dma_semaphore, #tpu.memory_space<semaphore_mem>>)
      %dma_start3A_47 = arith.constant 2 : i32
      %dma_start3A_48 = arith.constant 0 : i32
      %dma_start3A_49 = tpu.memref_slice %arg10[%dma_start3A_47, %dma_start3A_48] : memref<250x80xi32, #tpu.memory_space<vmem>> -> memref<1x80xi32, #tpu.memory_space<vmem>>
      %dma_start3A_50 = tpu.memref_squeeze %dma_start3A_49 : memref<1x80xi32, #tpu.memory_space<vmem>> -> memref<80xi32, #tpu.memory_space<vmem>>
      %dma_start3A_51 = arith.constant 0 : i32
      %dma_start3A_52 = arith.constant 0 : i32
      %dma_start3A_53 = tpu.memref_slice %arg4[%dma_start3A_51, %dma_start3A_52] : memref<20000x32xf32, #tpu.memory_space<hbm>> -> memref<20000x32xf32, #tpu.memory_space<hbm>>
      tpu.enqueue_indirect_dma source(%dma_start3A_53 : memref<20000x32xf32, #tpu.memory_space<hbm>>) target(%arg14 : memref<80x32xf32, #tpu.memory_space<vmem>>) offsets(%dma_start3A_50 : memref<80xi32, #tpu.memory_space<vmem>>) semaphore(%arg22 : memref<!tpu.dma_semaphore, #tpu.memory_space<semaphore_mem>>)
      %dma_start3A_54 = arith.constant 3 : i32
      %dma_start3A_55 = arith.constant 0 : i32
      %dma_start3A_56 = tpu.memref_slice %arg10[%dma_start3A_54, %dma_start3A_55] : memref<250x80xi32, #tpu.memory_space<vmem>> -> memref<1x80xi32, #tpu.memory_space<vmem>>
      %dma_start3A_57 = tpu.memref_squeeze %dma_start3A_56 : memref<1x80xi32, #tpu.memory_space<vmem>> -> memref<80xi32, #tpu.memory_space<vmem>>
      %dma_start3A_58 = arith.constant 0 : i32
      %dma_start3A_59 = arith.constant 0 : i32
      %dma_start3A_60 = tpu.memref_slice %arg4[%dma_start3A_58, %dma_start3A_59] : memref<20000x32xf32, #tpu.memory_space<hbm>> -> memref<20000x32xf32, #tpu.memory_space<hbm>>
      tpu.enqueue_indirect_dma source(%dma_start3A_60 : memref<20000x32xf32, #tpu.memory_space<hbm>>) target(%arg15 : memref<80x32xf32, #tpu.memory_space<vmem>>) offsets(%dma_start3A_57 : memref<80xi32, #tpu.memory_space<vmem>>) semaphore(%arg22 : memref<!tpu.dma_semaphore, #tpu.memory_space<semaphore_mem>>)
      %dma_start3A_61 = arith.constant 4 : i32
      %dma_start3A_62 = arith.constant 0 : i32
      %dma_start3A_63 = tpu.memref_slice %arg10[%dma_start3A_61, %dma_start3A_62] : memref<250x80xi32, #tpu.memory_space<vmem>> -> memref<1x80xi32, #tpu.memory_space<vmem>>
      %dma_start3A_64 = tpu.memref_squeeze %dma_start3A_63 : memref<1x80xi32, #tpu.memory_space<vmem>> -> memref<80xi32, #tpu.memory_space<vmem>>
      %dma_start3A_65 = arith.constant 0 : i32
      %dma_start3A_66 = arith.constant 0 : i32
      %dma_start3A_67 = tpu.memref_slice %arg4[%dma_start3A_65, %dma_start3A_66] : memref<20000x32xf32, #tpu.memory_space<hbm>> -> memref<20000x32xf32, #tpu.memory_space<hbm>>
      tpu.enqueue_indirect_dma source(%dma_start3A_67 : memref<20000x32xf32, #tpu.memory_space<hbm>>) target(%arg16 : memref<80x32xf32, #tpu.memory_space<vmem>>) offsets(%dma_start3A_64 : memref<80xi32, #tpu.memory_space<vmem>>) semaphore(%arg22 : memref<!tpu.dma_semaphore, #tpu.memory_space<semaphore_mem>>)
      %dma_start3A_68 = arith.constant 5 : i32
      %dma_start3A_69 = arith.constant 0 : i32
      %dma_start3A_70 = tpu.memref_slice %arg10[%dma_start3A_68, %dma_start3A_69] : memref<250x80xi32, #tpu.memory_space<vmem>> -> memref<1x80xi32, #tpu.memory_space<vmem>>
      %dma_start3A_71 = tpu.memref_squeeze %dma_start3A_70 : memref<1x80xi32, #tpu.memory_space<vmem>> -> memref<80xi32, #tpu.memory_space<vmem>>
      %dma_start3A_72 = arith.constant 0 : i32
      %dma_start3A_73 = arith.constant 0 : i32
      %dma_start3A_74 = tpu.memref_slice %arg4[%dma_start3A_72, %dma_start3A_73] : memref<20000x32xf32, #tpu.memory_space<hbm>> -> memref<20000x32xf32, #tpu.memory_space<hbm>>
      tpu.enqueue_indirect_dma source(%dma_start3A_74 : memref<20000x32xf32, #tpu.memory_space<hbm>>) target(%arg17 : memref<80x32xf32, #tpu.memory_space<vmem>>) offsets(%dma_start3A_71 : memref<80xi32, #tpu.memory_space<vmem>>) semaphore(%arg22 : memref<!tpu.dma_semaphore, #tpu.memory_space<semaphore_mem>>)
      %dma_start3A_75 = arith.constant 6 : i32
      %dma_start3A_76 = arith.constant 0 : i32
      %dma_start3A_77 = tpu.memref_slice %arg10[%dma_start3A_75, %dma_start3A_76] : memref<250x80xi32, #tpu.memory_space<vmem>> -> memref<1x80xi32, #tpu.memory_space<vmem>>
      %dma_start3A_78 = tpu.memref_squeeze %dma_start3A_77 : memref<1x80xi32, #tpu.memory_space<vmem>> -> memref<80xi32, #tpu.memory_space<vmem>>
      %dma_start3A_79 = arith.constant 0 : i32
      %dma_start3A_80 = arith.constant 0 : i32
      %dma_start3A_81 = tpu.memref_slice %arg4[%dma_start3A_79, %dma_start3A_80] : memref<20000x32xf32, #tpu.memory_space<hbm>> -> memref<20000x32xf32, #tpu.memory_space<hbm>>
      tpu.enqueue_indirect_dma source(%dma_start3A_81 : memref<20000x32xf32, #tpu.memory_space<hbm>>) target(%arg18 : memref<80x32xf32, #tpu.memory_space<vmem>>) offsets(%dma_start3A_78 : memref<80xi32, #tpu.memory_space<vmem>>) semaphore(%arg22 : memref<!tpu.dma_semaphore, #tpu.memory_space<semaphore_mem>>)
      %scan3A = arith.constant 0 : i32
      %scan3A_82 = arith.constant 25 : i32
      %scan3A_83 = arith.addi %scan3A, %scan3A_82 : i32
      %scan3A_84 = arith.constant 1 : i32
      scf.for %scan3A_106 = %scan3A to %scan3A_83 step %scan3A_84  : i32 {
        %mul3A_107 = arith.constant 10 : i32
        %mul3A_108 = arith.muli %scan3A_106, %mul3A_107 : i32
        %add3A = arith.constant 0 : i32
        %add3A_109 = arith.addi %add3A, %mul3A_108 : i32
        %add3A_110 = arith.constant 0 : i32
        %add3A_111 = arith.addi %add3A_109, %add3A_110 : i32
        %dma_wait3A_112 = arith.constant 0 : i32
        %dma_wait3A_113 = tpu.memref_slice %arg10[%add3A_111, %dma_wait3A_112] : memref<250x80xi32, #tpu.memory_space<vmem>> -> memref<1x80xi32, #tpu.memory_space<vmem>>
        %dma_wait3A_114 = tpu.memref_squeeze %dma_wait3A_113 : memref<1x80xi32, #tpu.memory_space<vmem>> -> memref<80xi32, #tpu.memory_space<vmem>>
        %dma_wait3A_115 = arith.constant 0 : i32
        %dma_wait3A_116 = arith.constant 0 : i32
        %dma_wait3A_117 = tpu.memref_slice %arg4[%dma_wait3A_115, %dma_wait3A_116] : memref<20000x32xf32, #tpu.memory_space<hbm>> -> memref<20000x32xf32, #tpu.memory_space<hbm>>
        tpu.wait_indirect_dma semaphore(%arg22 : memref<!tpu.dma_semaphore, #tpu.memory_space<semaphore_mem>>) src(%dma_wait3A_117 : memref<20000x32xf32, #tpu.memory_space<hbm>>) dst(%arg12 : memref<80x32xf32, #tpu.memory_space<vmem>>)
        %dma_start3A_118 = arith.constant 0 : i32
        %dma_start3A_119 = tpu.memref_slice %arg11[%add3A_111, %dma_start3A_118] : memref<250x80xi32, #tpu.memory_space<vmem>> -> memref<1x80xi32, #tpu.memory_space<vmem>>
        %dma_start3A_120 = tpu.memref_squeeze %dma_start3A_119 : memref<1x80xi32, #tpu.memory_space<vmem>> -> memref<80xi32, #tpu.memory_space<vmem>>
        %dma_start3A_121 = arith.constant 0 : i32
        %dma_start3A_122 = arith.constant 0 : i32
        %dma_start3A_123 = tpu.memref_slice %arg9[%dma_start3A_121, %dma_start3A_122] : memref<20480x32xf32, #tpu.memory_space<vmem_shared>> -> memref<20480x32xf32, #tpu.memory_space<vmem_shared>>
        tpu.enqueue_indirect_dma source(%arg12 : memref<80x32xf32, #tpu.memory_space<vmem>>) target(%dma_start3A_123 : memref<20480x32xf32, #tpu.memory_space<vmem_shared>>) offsets(%dma_start3A_120 : memref<80xi32, #tpu.memory_space<vmem>>) semaphore(%arg23 : memref<!tpu.dma_semaphore, #tpu.memory_space<semaphore_mem>>) {add = true}
        %ge3A = arith.constant 3 : i32
        %ge3A_124 = arith.cmpi sge, %add3A_111, %ge3A : i32
        %convert_element_type3A_125 = arith.extui %ge3A_124 : i1 to i32
        %cond3A_126 = arith.constant 0 : i32
        %cond3A_127 = arith.cmpi ne, %convert_element_type3A_125, %cond3A_126 : i32
        scf.if %cond3A_127 {
          %dma_wait3A_368 = arith.constant 0 : i32
          %dma_wait3A_369 = tpu.memref_slice %arg11[%add3A_111, %dma_wait3A_368] : memref<250x80xi32, #tpu.memory_space<vmem>> -> memref<1x80xi32, #tpu.memory_space<vmem>>
          %dma_wait3A_370 = tpu.memref_squeeze %dma_wait3A_369 : memref<1x80xi32, #tpu.memory_space<vmem>> -> memref<80xi32, #tpu.memory_space<vmem>>
          %dma_wait3A_371 = arith.constant 0 : i32
          %dma_wait3A_372 = arith.constant 0 : i32
          %dma_wait3A_373 = tpu.memref_slice %arg9[%dma_wait3A_371, %dma_wait3A_372] : memref<20480x32xf32, #tpu.memory_space<vmem_shared>> -> memref<20480x32xf32, #tpu.memory_space<vmem_shared>>
          tpu.wait_indirect_dma semaphore(%arg23 : memref<!tpu.dma_semaphore, #tpu.memory_space<semaphore_mem>>) src(%arg19 : memref<80x32xf32, #tpu.memory_space<vmem>>) dst(%dma_wait3A_373 : memref<20480x32xf32, #tpu.memory_space<vmem_shared>>)
        } else {
        }
        %add3A_128 = arith.constant 7 : i32
        %add3A_129 = arith.addi %add3A_111, %add3A_128 : i32
        %lt3A = arith.constant 250 : i32
        %lt3A_130 = arith.cmpi slt, %add3A_129, %lt3A : i32
        %convert_element_type3A_131 = arith.extui %lt3A_130 : i1 to i32
        %cond3A_132 = arith.constant 0 : i32
        %cond3A_133 = arith.cmpi ne, %convert_element_type3A_131, %cond3A_132 : i32
        scf.if %cond3A_133 {
          %add3A_368 = arith.constant 7 : i32
          %add3A_369 = arith.addi %add3A_111, %add3A_368 : i32
          %dma_start3A_370 = arith.constant 0 : i32
          %dma_start3A_371 = tpu.memref_slice %arg10[%add3A_369, %dma_start3A_370] : memref<250x80xi32, #tpu.memory_space<vmem>> -> memref<1x80xi32, #tpu.memory_space<vmem>>
          %dma_start3A_372 = tpu.memref_squeeze %dma_start3A_371 : memref<1x80xi32, #tpu.memory_space<vmem>> -> memref<80xi32, #tpu.memory_space<vmem>>
          %dma_start3A_373 = arith.constant 0 : i32
          %dma_start3A_374 = arith.constant 0 : i32
          %dma_start3A_375 = tpu.memref_slice %arg4[%dma_start3A_373, %dma_start3A_374] : memref<20000x32xf32, #tpu.memory_space<hbm>> -> memref<20000x32xf32, #tpu.memory_space<hbm>>
          tpu.enqueue_indirect_dma source(%dma_start3A_375 : memref<20000x32xf32, #tpu.memory_space<hbm>>) target(%arg19 : memref<80x32xf32, #tpu.memory_space<vmem>>) offsets(%dma_start3A_372 : memref<80xi32, #tpu.memory_space<vmem>>) semaphore(%arg22 : memref<!tpu.dma_semaphore, #tpu.memory_space<semaphore_mem>>)
        } else {
        }
        %add3A_134 = arith.constant 1 : i32
        %add3A_135 = arith.addi %add3A_109, %add3A_134 : i32
        %dma_wait3A_136 = arith.constant 0 : i32
        %dma_wait3A_137 = tpu.memref_slice %arg10[%add3A_135, %dma_wait3A_136] : memref<250x80xi32, #tpu.memory_space<vmem>> -> memref<1x80xi32, #tpu.memory_space<vmem>>
        %dma_wait3A_138 = tpu.memref_squeeze %dma_wait3A_137 : memref<1x80xi32, #tpu.memory_space<vmem>> -> memref<80xi32, #tpu.memory_space<vmem>>
        %dma_wait3A_139 = arith.constant 0 : i32
        %dma_wait3A_140 = arith.constant 0 : i32
        %dma_wait3A_141 = tpu.memref_slice %arg4[%dma_wait3A_139, %dma_wait3A_140] : memref<20000x32xf32, #tpu.memory_space<hbm>> -> memref<20000x32xf32, #tpu.memory_space<hbm>>
        tpu.wait_indirect_dma semaphore(%arg22 : memref<!tpu.dma_semaphore, #tpu.memory_space<semaphore_mem>>) src(%dma_wait3A_141 : memref<20000x32xf32, #tpu.memory_space<hbm>>) dst(%arg13 : memref<80x32xf32, #tpu.memory_space<vmem>>)
        %dma_start3A_142 = arith.constant 0 : i32
        %dma_start3A_143 = tpu.memref_slice %arg11[%add3A_135, %dma_start3A_142] : memref<250x80xi32, #tpu.memory_space<vmem>> -> memref<1x80xi32, #tpu.memory_space<vmem>>
        %dma_start3A_144 = tpu.memref_squeeze %dma_start3A_143 : memref<1x80xi32, #tpu.memory_space<vmem>> -> memref<80xi32, #tpu.memory_space<vmem>>
        %dma_start3A_145 = arith.constant 0 : i32
        %dma_start3A_146 = arith.constant 0 : i32
        %dma_start3A_147 = tpu.memref_slice %arg9[%dma_start3A_145, %dma_start3A_146] : memref<20480x32xf32, #tpu.memory_space<vmem_shared>> -> memref<20480x32xf32, #tpu.memory_space<vmem_shared>>
        tpu.enqueue_indirect_dma source(%arg13 : memref<80x32xf32, #tpu.memory_space<vmem>>) target(%dma_start3A_147 : memref<20480x32xf32, #tpu.memory_space<vmem_shared>>) offsets(%dma_start3A_144 : memref<80xi32, #tpu.memory_space<vmem>>) semaphore(%arg23 : memref<!tpu.dma_semaphore, #tpu.memory_space<semaphore_mem>>) {add = true}
        %ge3A_148 = arith.constant 3 : i32
        %ge3A_149 = arith.cmpi sge, %add3A_135, %ge3A_148 : i32
        %convert_element_type3A_150 = arith.extui %ge3A_149 : i1 to i32
        %cond3A_151 = arith.constant 0 : i32
        %cond3A_152 = arith.cmpi ne, %convert_element_type3A_150, %cond3A_151 : i32
        scf.if %cond3A_152 {
          %dma_wait3A_368 = arith.constant 0 : i32
          %dma_wait3A_369 = tpu.memref_slice %arg11[%add3A_135, %dma_wait3A_368] : memref<250x80xi32, #tpu.memory_space<vmem>> -> memref<1x80xi32, #tpu.memory_space<vmem>>
          %dma_wait3A_370 = tpu.memref_squeeze %dma_wait3A_369 : memref<1x80xi32, #tpu.memory_space<vmem>> -> memref<80xi32, #tpu.memory_space<vmem>>
          %dma_wait3A_371 = arith.constant 0 : i32
          %dma_wait3A_372 = arith.constant 0 : i32
          %dma_wait3A_373 = tpu.memref_slice %arg9[%dma_wait3A_371, %dma_wait3A_372] : memref<20480x32xf32, #tpu.memory_space<vmem_shared>> -> memref<20480x32xf32, #tpu.memory_space<vmem_shared>>
          tpu.wait_indirect_dma semaphore(%arg23 : memref<!tpu.dma_semaphore, #tpu.memory_space<semaphore_mem>>) src(%arg20 : memref<80x32xf32, #tpu.memory_space<vmem>>) dst(%dma_wait3A_373 : memref<20480x32xf32, #tpu.memory_space<vmem_shared>>)
        } else {
        }
        %add3A_153 = arith.constant 7 : i32
        %add3A_154 = arith.addi %add3A_135, %add3A_153 : i32
        %lt3A_155 = arith.constant 250 : i32
        %lt3A_156 = arith.cmpi slt, %add3A_154, %lt3A_155 : i32
        %convert_element_type3A_157 = arith.extui %lt3A_156 : i1 to i32
        %cond3A_158 = arith.constant 0 : i32
        %cond3A_159 = arith.cmpi ne, %convert_element_type3A_157, %cond3A_158 : i32
        scf.if %cond3A_159 {
          %add3A_368 = arith.constant 7 : i32
          %add3A_369 = arith.addi %add3A_135, %add3A_368 : i32
          %dma_start3A_370 = arith.constant 0 : i32
          %dma_start3A_371 = tpu.memref_slice %arg10[%add3A_369, %dma_start3A_370] : memref<250x80xi32, #tpu.memory_space<vmem>> -> memref<1x80xi32, #tpu.memory_space<vmem>>
          %dma_start3A_372 = tpu.memref_squeeze %dma_start3A_371 : memref<1x80xi32, #tpu.memory_space<vmem>> -> memref<80xi32, #tpu.memory_space<vmem>>
          %dma_start3A_373 = arith.constant 0 : i32
          %dma_start3A_374 = arith.constant 0 : i32
          %dma_start3A_375 = tpu.memref_slice %arg4[%dma_start3A_373, %dma_start3A_374] : memref<20000x32xf32, #tpu.memory_space<hbm>> -> memref<20000x32xf32, #tpu.memory_space<hbm>>
          tpu.enqueue_indirect_dma source(%dma_start3A_375 : memref<20000x32xf32, #tpu.memory_space<hbm>>) target(%arg20 : memref<80x32xf32, #tpu.memory_space<vmem>>) offsets(%dma_start3A_372 : memref<80xi32, #tpu.memory_space<vmem>>) semaphore(%arg22 : memref<!tpu.dma_semaphore, #tpu.memory_space<semaphore_mem>>)
        } else {
        }
        %add3A_160 = arith.constant 2 : i32
        %add3A_161 = arith.addi %add3A_109, %add3A_160 : i32
        %dma_wait3A_162 = arith.constant 0 : i32
        %dma_wait3A_163 = tpu.memref_slice %arg10[%add3A_161, %dma_wait3A_162] : memref<250x80xi32, #tpu.memory_space<vmem>> -> memref<1x80xi32, #tpu.memory_space<vmem>>
        %dma_wait3A_164 = tpu.memref_squeeze %dma_wait3A_163 : memref<1x80xi32, #tpu.memory_space<vmem>> -> memref<80xi32, #tpu.memory_space<vmem>>
        %dma_wait3A_165 = arith.constant 0 : i32
        %dma_wait3A_166 = arith.constant 0 : i32
        %dma_wait3A_167 = tpu.memref_slice %arg4[%dma_wait3A_165, %dma_wait3A_166] : memref<20000x32xf32, #tpu.memory_space<hbm>> -> memref<20000x32xf32, #tpu.memory_space<hbm>>
        tpu.wait_indirect_dma semaphore(%arg22 : memref<!tpu.dma_semaphore, #tpu.memory_space<semaphore_mem>>) src(%dma_wait3A_167 : memref<20000x32xf32, #tpu.memory_space<hbm>>) dst(%arg14 : memref<80x32xf32, #tpu.memory_space<vmem>>)
        %dma_start3A_168 = arith.constant 0 : i32
        %dma_start3A_169 = tpu.memref_slice %arg11[%add3A_161, %dma_start3A_168] : memref<250x80xi32, #tpu.memory_space<vmem>> -> memref<1x80xi32, #tpu.memory_space<vmem>>
        %dma_start3A_170 = tpu.memref_squeeze %dma_start3A_169 : memref<1x80xi32, #tpu.memory_space<vmem>> -> memref<80xi32, #tpu.memory_space<vmem>>
        %dma_start3A_171 = arith.constant 0 : i32
        %dma_start3A_172 = arith.constant 0 : i32
        %dma_start3A_173 = tpu.memref_slice %arg9[%dma_start3A_171, %dma_start3A_172] : memref<20480x32xf32, #tpu.memory_space<vmem_shared>> -> memref<20480x32xf32, #tpu.memory_space<vmem_shared>>
        tpu.enqueue_indirect_dma source(%arg14 : memref<80x32xf32, #tpu.memory_space<vmem>>) target(%dma_start3A_173 : memref<20480x32xf32, #tpu.memory_space<vmem_shared>>) offsets(%dma_start3A_170 : memref<80xi32, #tpu.memory_space<vmem>>) semaphore(%arg23 : memref<!tpu.dma_semaphore, #tpu.memory_space<semaphore_mem>>) {add = true}
        %ge3A_174 = arith.constant 3 : i32
        %ge3A_175 = arith.cmpi sge, %add3A_161, %ge3A_174 : i32
        %convert_element_type3A_176 = arith.extui %ge3A_175 : i1 to i32
        %cond3A_177 = arith.constant 0 : i32
        %cond3A_178 = arith.cmpi ne, %convert_element_type3A_176, %cond3A_177 : i32
        scf.if %cond3A_178 {
          %dma_wait3A_368 = arith.constant 0 : i32
          %dma_wait3A_369 = tpu.memref_slice %arg11[%add3A_161, %dma_wait3A_368] : memref<250x80xi32, #tpu.memory_space<vmem>> -> memref<1x80xi32, #tpu.memory_space<vmem>>
          %dma_wait3A_370 = tpu.memref_squeeze %dma_wait3A_369 : memref<1x80xi32, #tpu.memory_space<vmem>> -> memref<80xi32, #tpu.memory_space<vmem>>
          %dma_wait3A_371 = arith.constant 0 : i32
          %dma_wait3A_372 = arith.constant 0 : i32
          %dma_wait3A_373 = tpu.memref_slice %arg9[%dma_wait3A_371, %dma_wait3A_372] : memref<20480x32xf32, #tpu.memory_space<vmem_shared>> -> memref<20480x32xf32, #tpu.memory_space<vmem_shared>>
          tpu.wait_indirect_dma semaphore(%arg23 : memref<!tpu.dma_semaphore, #tpu.memory_space<semaphore_mem>>) src(%arg21 : memref<80x32xf32, #tpu.memory_space<vmem>>) dst(%dma_wait3A_373 : memref<20480x32xf32, #tpu.memory_space<vmem_shared>>)
        } else {
        }
        %add3A_179 = arith.constant 7 : i32
        %add3A_180 = arith.addi %add3A_161, %add3A_179 : i32
        %lt3A_181 = arith.constant 250 : i32
        %lt3A_182 = arith.cmpi slt, %add3A_180, %lt3A_181 : i32
        %convert_element_type3A_183 = arith.extui %lt3A_182 : i1 to i32
        %cond3A_184 = arith.constant 0 : i32
        %cond3A_185 = arith.cmpi ne, %convert_element_type3A_183, %cond3A_184 : i32
        scf.if %cond3A_185 {
          %add3A_368 = arith.constant 7 : i32
          %add3A_369 = arith.addi %add3A_161, %add3A_368 : i32
          %dma_start3A_370 = arith.constant 0 : i32
          %dma_start3A_371 = tpu.memref_slice %arg10[%add3A_369, %dma_start3A_370] : memref<250x80xi32, #tpu.memory_space<vmem>> -> memref<1x80xi32, #tpu.memory_space<vmem>>
          %dma_start3A_372 = tpu.memref_squeeze %dma_start3A_371 : memref<1x80xi32, #tpu.memory_space<vmem>> -> memref<80xi32, #tpu.memory_space<vmem>>
          %dma_start3A_373 = arith.constant 0 : i32
          %dma_start3A_374 = arith.constant 0 : i32
          %dma_start3A_375 = tpu.memref_slice %arg4[%dma_start3A_373, %dma_start3A_374] : memref<20000x32xf32, #tpu.memory_space<hbm>> -> memref<20000x32xf32, #tpu.memory_space<hbm>>
          tpu.enqueue_indirect_dma source(%dma_start3A_375 : memref<20000x32xf32, #tpu.memory_space<hbm>>) target(%arg21 : memref<80x32xf32, #tpu.memory_space<vmem>>) offsets(%dma_start3A_372 : memref<80xi32, #tpu.memory_space<vmem>>) semaphore(%arg22 : memref<!tpu.dma_semaphore, #tpu.memory_space<semaphore_mem>>)
        } else {
        }
        %add3A_186 = arith.constant 3 : i32
        %add3A_187 = arith.addi %add3A_109, %add3A_186 : i32
        %dma_wait3A_188 = arith.constant 0 : i32
        %dma_wait3A_189 = tpu.memref_slice %arg10[%add3A_187, %dma_wait3A_188] : memref<250x80xi32, #tpu.memory_space<vmem>> -> memref<1x80xi32, #tpu.memory_space<vmem>>
        %dma_wait3A_190 = tpu.memref_squeeze %dma_wait3A_189 : memref<1x80xi32, #tpu.memory_space<vmem>> -> memref<80xi32, #tpu.memory_space<vmem>>
        %dma_wait3A_191 = arith.constant 0 : i32
        %dma_wait3A_192 = arith.constant 0 : i32
        %dma_wait3A_193 = tpu.memref_slice %arg4[%dma_wait3A_191, %dma_wait3A_192] : memref<20000x32xf32, #tpu.memory_space<hbm>> -> memref<20000x32xf32, #tpu.memory_space<hbm>>
        tpu.wait_indirect_dma semaphore(%arg22 : memref<!tpu.dma_semaphore, #tpu.memory_space<semaphore_mem>>) src(%dma_wait3A_193 : memref<20000x32xf32, #tpu.memory_space<hbm>>) dst(%arg15 : memref<80x32xf32, #tpu.memory_space<vmem>>)
        %dma_start3A_194 = arith.constant 0 : i32
        %dma_start3A_195 = tpu.memref_slice %arg11[%add3A_187, %dma_start3A_194] : memref<250x80xi32, #tpu.memory_space<vmem>> -> memref<1x80xi32, #tpu.memory_space<vmem>>
        %dma_start3A_196 = tpu.memref_squeeze %dma_start3A_195 : memref<1x80xi32, #tpu.memory_space<vmem>> -> memref<80xi32, #tpu.memory_space<vmem>>
        %dma_start3A_197 = arith.constant 0 : i32
        %dma_start3A_198 = arith.constant 0 : i32
        %dma_start3A_199 = tpu.memref_slice %arg9[%dma_start3A_197, %dma_start3A_198] : memref<20480x32xf32, #tpu.memory_space<vmem_shared>> -> memref<20480x32xf32, #tpu.memory_space<vmem_shared>>
        tpu.enqueue_indirect_dma source(%arg15 : memref<80x32xf32, #tpu.memory_space<vmem>>) target(%dma_start3A_199 : memref<20480x32xf32, #tpu.memory_space<vmem_shared>>) offsets(%dma_start3A_196 : memref<80xi32, #tpu.memory_space<vmem>>) semaphore(%arg23 : memref<!tpu.dma_semaphore, #tpu.memory_space<semaphore_mem>>) {add = true}
        %ge3A_200 = arith.constant 3 : i32
        %ge3A_201 = arith.cmpi sge, %add3A_187, %ge3A_200 : i32
        %convert_element_type3A_202 = arith.extui %ge3A_201 : i1 to i32
        %cond3A_203 = arith.constant 0 : i32
        %cond3A_204 = arith.cmpi ne, %convert_element_type3A_202, %cond3A_203 : i32
        scf.if %cond3A_204 {
          %dma_wait3A_368 = arith.constant 0 : i32
          %dma_wait3A_369 = tpu.memref_slice %arg11[%add3A_187, %dma_wait3A_368] : memref<250x80xi32, #tpu.memory_space<vmem>> -> memref<1x80xi32, #tpu.memory_space<vmem>>
          %dma_wait3A_370 = tpu.memref_squeeze %dma_wait3A_369 : memref<1x80xi32, #tpu.memory_space<vmem>> -> memref<80xi32, #tpu.memory_space<vmem>>
          %dma_wait3A_371 = arith.constant 0 : i32
          %dma_wait3A_372 = arith.constant 0 : i32
          %dma_wait3A_373 = tpu.memref_slice %arg9[%dma_wait3A_371, %dma_wait3A_372] : memref<20480x32xf32, #tpu.memory_space<vmem_shared>> -> memref<20480x32xf32, #tpu.memory_space<vmem_shared>>
          tpu.wait_indirect_dma semaphore(%arg23 : memref<!tpu.dma_semaphore, #tpu.memory_space<semaphore_mem>>) src(%arg12 : memref<80x32xf32, #tpu.memory_space<vmem>>) dst(%dma_wait3A_373 : memref<20480x32xf32, #tpu.memory_space<vmem_shared>>)
        } else {
        }
        %add3A_205 = arith.constant 7 : i32
        %add3A_206 = arith.addi %add3A_187, %add3A_205 : i32
        %lt3A_207 = arith.constant 250 : i32
        %lt3A_208 = arith.cmpi slt, %add3A_206, %lt3A_207 : i32
        %convert_element_type3A_209 = arith.extui %lt3A_208 : i1 to i32
        %cond3A_210 = arith.constant 0 : i32
        %cond3A_211 = arith.cmpi ne, %convert_element_type3A_209, %cond3A_210 : i32
        scf.if %cond3A_211 {
          %add3A_368 = arith.constant 7 : i32
          %add3A_369 = arith.addi %add3A_187, %add3A_368 : i32
          %dma_start3A_370 = arith.constant 0 : i32
          %dma_start3A_371 = tpu.memref_slice %arg10[%add3A_369, %dma_start3A_370] : memref<250x80xi32, #tpu.memory_space<vmem>> -> memref<1x80xi32, #tpu.memory_space<vmem>>
          %dma_start3A_372 = tpu.memref_squeeze %dma_start3A_371 : memref<1x80xi32, #tpu.memory_space<vmem>> -> memref<80xi32, #tpu.memory_space<vmem>>
          %dma_start3A_373 = arith.constant 0 : i32
          %dma_start3A_374 = arith.constant 0 : i32
          %dma_start3A_375 = tpu.memref_slice %arg4[%dma_start3A_373, %dma_start3A_374] : memref<20000x32xf32, #tpu.memory_space<hbm>> -> memref<20000x32xf32, #tpu.memory_space<hbm>>
          tpu.enqueue_indirect_dma source(%dma_start3A_375 : memref<20000x32xf32, #tpu.memory_space<hbm>>) target(%arg12 : memref<80x32xf32, #tpu.memory_space<vmem>>) offsets(%dma_start3A_372 : memref<80xi32, #tpu.memory_space<vmem>>) semaphore(%arg22 : memref<!tpu.dma_semaphore, #tpu.memory_space<semaphore_mem>>)
        } else {
        }
        %add3A_212 = arith.constant 4 : i32
        %add3A_213 = arith.addi %add3A_109, %add3A_212 : i32
        %dma_wait3A_214 = arith.constant 0 : i32
        %dma_wait3A_215 = tpu.memref_slice %arg10[%add3A_213, %dma_wait3A_214] : memref<250x80xi32, #tpu.memory_space<vmem>> -> memref<1x80xi32, #tpu.memory_space<vmem>>
        %dma_wait3A_216 = tpu.memref_squeeze %dma_wait3A_215 : memref<1x80xi32, #tpu.memory_space<vmem>> -> memref<80xi32, #tpu.memory_space<vmem>>
        %dma_wait3A_217 = arith.constant 0 : i32
        %dma_wait3A_218 = arith.constant 0 : i32
        %dma_wait3A_219 = tpu.memref_slice %arg4[%dma_wait3A_217, %dma_wait3A_218] : memref<20000x32xf32, #tpu.memory_space<hbm>> -> memref<20000x32xf32, #tpu.memory_space<hbm>>
        tpu.wait_indirect_dma semaphore(%arg22 : memref<!tpu.dma_semaphore, #tpu.memory_space<semaphore_mem>>) src(%dma_wait3A_219 : memref<20000x32xf32, #tpu.memory_space<hbm>>) dst(%arg16 : memref<80x32xf32, #tpu.memory_space<vmem>>)
        %dma_start3A_220 = arith.constant 0 : i32
        %dma_start3A_221 = tpu.memref_slice %arg11[%add3A_213, %dma_start3A_220] : memref<250x80xi32, #tpu.memory_space<vmem>> -> memref<1x80xi32, #tpu.memory_space<vmem>>
        %dma_start3A_222 = tpu.memref_squeeze %dma_start3A_221 : memref<1x80xi32, #tpu.memory_space<vmem>> -> memref<80xi32, #tpu.memory_space<vmem>>
        %dma_start3A_223 = arith.constant 0 : i32
        %dma_start3A_224 = arith.constant 0 : i32
        %dma_start3A_225 = tpu.memref_slice %arg9[%dma_start3A_223, %dma_start3A_224] : memref<20480x32xf32, #tpu.memory_space<vmem_shared>> -> memref<20480x32xf32, #tpu.memory_space<vmem_shared>>
        tpu.enqueue_indirect_dma source(%arg16 : memref<80x32xf32, #tpu.memory_space<vmem>>) target(%dma_start3A_225 : memref<20480x32xf32, #tpu.memory_space<vmem_shared>>) offsets(%dma_start3A_222 : memref<80xi32, #tpu.memory_space<vmem>>) semaphore(%arg23 : memref<!tpu.dma_semaphore, #tpu.memory_space<semaphore_mem>>) {add = true}
        %ge3A_226 = arith.constant 3 : i32
        %ge3A_227 = arith.cmpi sge, %add3A_213, %ge3A_226 : i32
        %convert_element_type3A_228 = arith.extui %ge3A_227 : i1 to i32
        %cond3A_229 = arith.constant 0 : i32
        %cond3A_230 = arith.cmpi ne, %convert_element_type3A_228, %cond3A_229 : i32
        scf.if %cond3A_230 {
          %dma_wait3A_368 = arith.constant 0 : i32
          %dma_wait3A_369 = tpu.memref_slice %arg11[%add3A_213, %dma_wait3A_368] : memref<250x80xi32, #tpu.memory_space<vmem>> -> memref<1x80xi32, #tpu.memory_space<vmem>>
          %dma_wait3A_370 = tpu.memref_squeeze %dma_wait3A_369 : memref<1x80xi32, #tpu.memory_space<vmem>> -> memref<80xi32, #tpu.memory_space<vmem>>
          %dma_wait3A_371 = arith.constant 0 : i32
          %dma_wait3A_372 = arith.constant 0 : i32
          %dma_wait3A_373 = tpu.memref_slice %arg9[%dma_wait3A_371, %dma_wait3A_372] : memref<20480x32xf32, #tpu.memory_space<vmem_shared>> -> memref<20480x32xf32, #tpu.memory_space<vmem_shared>>
          tpu.wait_indirect_dma semaphore(%arg23 : memref<!tpu.dma_semaphore, #tpu.memory_space<semaphore_mem>>) src(%arg13 : memref<80x32xf32, #tpu.memory_space<vmem>>) dst(%dma_wait3A_373 : memref<20480x32xf32, #tpu.memory_space<vmem_shared>>)
        } else {
        }
        %add3A_231 = arith.constant 7 : i32
        %add3A_232 = arith.addi %add3A_213, %add3A_231 : i32
        %lt3A_233 = arith.constant 250 : i32
        %lt3A_234 = arith.cmpi slt, %add3A_232, %lt3A_233 : i32
        %convert_element_type3A_235 = arith.extui %lt3A_234 : i1 to i32
        %cond3A_236 = arith.constant 0 : i32
        %cond3A_237 = arith.cmpi ne, %convert_element_type3A_235, %cond3A_236 : i32
        scf.if %cond3A_237 {
          %add3A_368 = arith.constant 7 : i32
          %add3A_369 = arith.addi %add3A_213, %add3A_368 : i32
          %dma_start3A_370 = arith.constant 0 : i32
          %dma_start3A_371 = tpu.memref_slice %arg10[%add3A_369, %dma_start3A_370] : memref<250x80xi32, #tpu.memory_space<vmem>> -> memref<1x80xi32, #tpu.memory_space<vmem>>
          %dma_start3A_372 = tpu.memref_squeeze %dma_start3A_371 : memref<1x80xi32, #tpu.memory_space<vmem>> -> memref<80xi32, #tpu.memory_space<vmem>>
          %dma_start3A_373 = arith.constant 0 : i32
          %dma_start3A_374 = arith.constant 0 : i32
          %dma_start3A_375 = tpu.memref_slice %arg4[%dma_start3A_373, %dma_start3A_374] : memref<20000x32xf32, #tpu.memory_space<hbm>> -> memref<20000x32xf32, #tpu.memory_space<hbm>>
          tpu.enqueue_indirect_dma source(%dma_start3A_375 : memref<20000x32xf32, #tpu.memory_space<hbm>>) target(%arg13 : memref<80x32xf32, #tpu.memory_space<vmem>>) offsets(%dma_start3A_372 : memref<80xi32, #tpu.memory_space<vmem>>) semaphore(%arg22 : memref<!tpu.dma_semaphore, #tpu.memory_space<semaphore_mem>>)
        } else {
        }
        %add3A_238 = arith.constant 5 : i32
        %add3A_239 = arith.addi %add3A_109, %add3A_238 : i32
        %dma_wait3A_240 = arith.constant 0 : i32
        %dma_wait3A_241 = tpu.memref_slice %arg10[%add3A_239, %dma_wait3A_240] : memref<250x80xi32, #tpu.memory_space<vmem>> -> memref<1x80xi32, #tpu.memory_space<vmem>>
        %dma_wait3A_242 = tpu.memref_squeeze %dma_wait3A_241 : memref<1x80xi32, #tpu.memory_space<vmem>> -> memref<80xi32, #tpu.memory_space<vmem>>
        %dma_wait3A_243 = arith.constant 0 : i32
        %dma_wait3A_244 = arith.constant 0 : i32
        %dma_wait3A_245 = tpu.memref_slice %arg4[%dma_wait3A_243, %dma_wait3A_244] : memref<20000x32xf32, #tpu.memory_space<hbm>> -> memref<20000x32xf32, #tpu.memory_space<hbm>>
        tpu.wait_indirect_dma semaphore(%arg22 : memref<!tpu.dma_semaphore, #tpu.memory_space<semaphore_mem>>) src(%dma_wait3A_245 : memref<20000x32xf32, #tpu.memory_space<hbm>>) dst(%arg17 : memref<80x32xf32, #tpu.memory_space<vmem>>)
        %dma_start3A_246 = arith.constant 0 : i32
        %dma_start3A_247 = tpu.memref_slice %arg11[%add3A_239, %dma_start3A_246] : memref<250x80xi32, #tpu.memory_space<vmem>> -> memref<1x80xi32, #tpu.memory_space<vmem>>
        %dma_start3A_248 = tpu.memref_squeeze %dma_start3A_247 : memref<1x80xi32, #tpu.memory_space<vmem>> -> memref<80xi32, #tpu.memory_space<vmem>>
        %dma_start3A_249 = arith.constant 0 : i32
        %dma_start3A_250 = arith.constant 0 : i32
        %dma_start3A_251 = tpu.memref_slice %arg9[%dma_start3A_249, %dma_start3A_250] : memref<20480x32xf32, #tpu.memory_space<vmem_shared>> -> memref<20480x32xf32, #tpu.memory_space<vmem_shared>>
        tpu.enqueue_indirect_dma source(%arg17 : memref<80x32xf32, #tpu.memory_space<vmem>>) target(%dma_start3A_251 : memref<20480x32xf32, #tpu.memory_space<vmem_shared>>) offsets(%dma_start3A_248 : memref<80xi32, #tpu.memory_space<vmem>>) semaphore(%arg23 : memref<!tpu.dma_semaphore, #tpu.memory_space<semaphore_mem>>) {add = true}
        %ge3A_252 = arith.constant 3 : i32
        %ge3A_253 = arith.cmpi sge, %add3A_239, %ge3A_252 : i32
        %convert_element_type3A_254 = arith.extui %ge3A_253 : i1 to i32
        %cond3A_255 = arith.constant 0 : i32
        %cond3A_256 = arith.cmpi ne, %convert_element_type3A_254, %cond3A_255 : i32
        scf.if %cond3A_256 {
          %dma_wait3A_368 = arith.constant 0 : i32
          %dma_wait3A_369 = tpu.memref_slice %arg11[%add3A_239, %dma_wait3A_368] : memref<250x80xi32, #tpu.memory_space<vmem>> -> memref<1x80xi32, #tpu.memory_space<vmem>>
          %dma_wait3A_370 = tpu.memref_squeeze %dma_wait3A_369 : memref<1x80xi32, #tpu.memory_space<vmem>> -> memref<80xi32, #tpu.memory_space<vmem>>
          %dma_wait3A_371 = arith.constant 0 : i32
          %dma_wait3A_372 = arith.constant 0 : i32
          %dma_wait3A_373 = tpu.memref_slice %arg9[%dma_wait3A_371, %dma_wait3A_372] : memref<20480x32xf32, #tpu.memory_space<vmem_shared>> -> memref<20480x32xf32, #tpu.memory_space<vmem_shared>>
          tpu.wait_indirect_dma semaphore(%arg23 : memref<!tpu.dma_semaphore, #tpu.memory_space<semaphore_mem>>) src(%arg14 : memref<80x32xf32, #tpu.memory_space<vmem>>) dst(%dma_wait3A_373 : memref<20480x32xf32, #tpu.memory_space<vmem_shared>>)
        } else {
        }
        %add3A_257 = arith.constant 7 : i32
        %add3A_258 = arith.addi %add3A_239, %add3A_257 : i32
        %lt3A_259 = arith.constant 250 : i32
        %lt3A_260 = arith.cmpi slt, %add3A_258, %lt3A_259 : i32
        %convert_element_type3A_261 = arith.extui %lt3A_260 : i1 to i32
        %cond3A_262 = arith.constant 0 : i32
        %cond3A_263 = arith.cmpi ne, %convert_element_type3A_261, %cond3A_262 : i32
        scf.if %cond3A_263 {
          %add3A_368 = arith.constant 7 : i32
          %add3A_369 = arith.addi %add3A_239, %add3A_368 : i32
          %dma_start3A_370 = arith.constant 0 : i32
          %dma_start3A_371 = tpu.memref_slice %arg10[%add3A_369, %dma_start3A_370] : memref<250x80xi32, #tpu.memory_space<vmem>> -> memref<1x80xi32, #tpu.memory_space<vmem>>
          %dma_start3A_372 = tpu.memref_squeeze %dma_start3A_371 : memref<1x80xi32, #tpu.memory_space<vmem>> -> memref<80xi32, #tpu.memory_space<vmem>>
          %dma_start3A_373 = arith.constant 0 : i32
          %dma_start3A_374 = arith.constant 0 : i32
          %dma_start3A_375 = tpu.memref_slice %arg4[%dma_start3A_373, %dma_start3A_374] : memref<20000x32xf32, #tpu.memory_space<hbm>> -> memref<20000x32xf32, #tpu.memory_space<hbm>>
          tpu.enqueue_indirect_dma source(%dma_start3A_375 : memref<20000x32xf32, #tpu.memory_space<hbm>>) target(%arg14 : memref<80x32xf32, #tpu.memory_space<vmem>>) offsets(%dma_start3A_372 : memref<80xi32, #tpu.memory_space<vmem>>) semaphore(%arg22 : memref<!tpu.dma_semaphore, #tpu.memory_space<semaphore_mem>>)
        } else {
        }
        %add3A_264 = arith.constant 6 : i32
        %add3A_265 = arith.addi %add3A_109, %add3A_264 : i32
        %dma_wait3A_266 = arith.constant 0 : i32
        %dma_wait3A_267 = tpu.memref_slice %arg10[%add3A_265, %dma_wait3A_266] : memref<250x80xi32, #tpu.memory_space<vmem>> -> memref<1x80xi32, #tpu.memory_space<vmem>>
        %dma_wait3A_268 = tpu.memref_squeeze %dma_wait3A_267 : memref<1x80xi32, #tpu.memory_space<vmem>> -> memref<80xi32, #tpu.memory_space<vmem>>
        %dma_wait3A_269 = arith.constant 0 : i32
        %dma_wait3A_270 = arith.constant 0 : i32
        %dma_wait3A_271 = tpu.memref_slice %arg4[%dma_wait3A_269, %dma_wait3A_270] : memref<20000x32xf32, #tpu.memory_space<hbm>> -> memref<20000x32xf32, #tpu.memory_space<hbm>>
        tpu.wait_indirect_dma semaphore(%arg22 : memref<!tpu.dma_semaphore, #tpu.memory_space<semaphore_mem>>) src(%dma_wait3A_271 : memref<20000x32xf32, #tpu.memory_space<hbm>>) dst(%arg18 : memref<80x32xf32, #tpu.memory_space<vmem>>)
        %dma_start3A_272 = arith.constant 0 : i32
        %dma_start3A_273 = tpu.memref_slice %arg11[%add3A_265, %dma_start3A_272] : memref<250x80xi32, #tpu.memory_space<vmem>> -> memref<1x80xi32, #tpu.memory_space<vmem>>
        %dma_start3A_274 = tpu.memref_squeeze %dma_start3A_273 : memref<1x80xi32, #tpu.memory_space<vmem>> -> memref<80xi32, #tpu.memory_space<vmem>>
        %dma_start3A_275 = arith.constant 0 : i32
        %dma_start3A_276 = arith.constant 0 : i32
        %dma_start3A_277 = tpu.memref_slice %arg9[%dma_start3A_275, %dma_start3A_276] : memref<20480x32xf32, #tpu.memory_space<vmem_shared>> -> memref<20480x32xf32, #tpu.memory_space<vmem_shared>>
        tpu.enqueue_indirect_dma source(%arg18 : memref<80x32xf32, #tpu.memory_space<vmem>>) target(%dma_start3A_277 : memref<20480x32xf32, #tpu.memory_space<vmem_shared>>) offsets(%dma_start3A_274 : memref<80xi32, #tpu.memory_space<vmem>>) semaphore(%arg23 : memref<!tpu.dma_semaphore, #tpu.memory_space<semaphore_mem>>) {add = true}
        %ge3A_278 = arith.constant 3 : i32
        %ge3A_279 = arith.cmpi sge, %add3A_265, %ge3A_278 : i32
        %convert_element_type3A_280 = arith.extui %ge3A_279 : i1 to i32
        %cond3A_281 = arith.constant 0 : i32
        %cond3A_282 = arith.cmpi ne, %convert_element_type3A_280, %cond3A_281 : i32
        scf.if %cond3A_282 {
          %dma_wait3A_368 = arith.constant 0 : i32
          %dma_wait3A_369 = tpu.memref_slice %arg11[%add3A_265, %dma_wait3A_368] : memref<250x80xi32, #tpu.memory_space<vmem>> -> memref<1x80xi32, #tpu.memory_space<vmem>>
          %dma_wait3A_370 = tpu.memref_squeeze %dma_wait3A_369 : memref<1x80xi32, #tpu.memory_space<vmem>> -> memref<80xi32, #tpu.memory_space<vmem>>
          %dma_wait3A_371 = arith.constant 0 : i32
          %dma_wait3A_372 = arith.constant 0 : i32
          %dma_wait3A_373 = tpu.memref_slice %arg9[%dma_wait3A_371, %dma_wait3A_372] : memref<20480x32xf32, #tpu.memory_space<vmem_shared>> -> memref<20480x32xf32, #tpu.memory_space<vmem_shared>>
          tpu.wait_indirect_dma semaphore(%arg23 : memref<!tpu.dma_semaphore, #tpu.memory_space<semaphore_mem>>) src(%arg15 : memref<80x32xf32, #tpu.memory_space<vmem>>) dst(%dma_wait3A_373 : memref<20480x32xf32, #tpu.memory_space<vmem_shared>>)
        } else {
        }
        %add3A_283 = arith.constant 7 : i32
        %add3A_284 = arith.addi %add3A_265, %add3A_283 : i32
        %lt3A_285 = arith.constant 250 : i32
        %lt3A_286 = arith.cmpi slt, %add3A_284, %lt3A_285 : i32
        %convert_element_type3A_287 = arith.extui %lt3A_286 : i1 to i32
        %cond3A_288 = arith.constant 0 : i32
        %cond3A_289 = arith.cmpi ne, %convert_element_type3A_287, %cond3A_288 : i32
        scf.if %cond3A_289 {
          %add3A_368 = arith.constant 7 : i32
          %add3A_369 = arith.addi %add3A_265, %add3A_368 : i32
          %dma_start3A_370 = arith.constant 0 : i32
          %dma_start3A_371 = tpu.memref_slice %arg10[%add3A_369, %dma_start3A_370] : memref<250x80xi32, #tpu.memory_space<vmem>> -> memref<1x80xi32, #tpu.memory_space<vmem>>
          %dma_start3A_372 = tpu.memref_squeeze %dma_start3A_371 : memref<1x80xi32, #tpu.memory_space<vmem>> -> memref<80xi32, #tpu.memory_space<vmem>>
          %dma_start3A_373 = arith.constant 0 : i32
          %dma_start3A_374 = arith.constant 0 : i32
          %dma_start3A_375 = tpu.memref_slice %arg4[%dma_start3A_373, %dma_start3A_374] : memref<20000x32xf32, #tpu.memory_space<hbm>> -> memref<20000x32xf32, #tpu.memory_space<hbm>>
          tpu.enqueue_indirect_dma source(%dma_start3A_375 : memref<20000x32xf32, #tpu.memory_space<hbm>>) target(%arg15 : memref<80x32xf32, #tpu.memory_space<vmem>>) offsets(%dma_start3A_372 : memref<80xi32, #tpu.memory_space<vmem>>) semaphore(%arg22 : memref<!tpu.dma_semaphore, #tpu.memory_space<semaphore_mem>>)
        } else {
        }
        %add3A_290 = arith.constant 7 : i32
        %add3A_291 = arith.addi %add3A_109, %add3A_290 : i32
        %dma_wait3A_292 = arith.constant 0 : i32
        %dma_wait3A_293 = tpu.memref_slice %arg10[%add3A_291, %dma_wait3A_292] : memref<250x80xi32, #tpu.memory_space<vmem>> -> memref<1x80xi32, #tpu.memory_space<vmem>>
        %dma_wait3A_294 = tpu.memref_squeeze %dma_wait3A_293 : memref<1x80xi32, #tpu.memory_space<vmem>> -> memref<80xi32, #tpu.memory_space<vmem>>
        %dma_wait3A_295 = arith.constant 0 : i32
        %dma_wait3A_296 = arith.constant 0 : i32
        %dma_wait3A_297 = tpu.memref_slice %arg4[%dma_wait3A_295, %dma_wait3A_296] : memref<20000x32xf32, #tpu.memory_space<hbm>> -> memref<20000x32xf32, #tpu.memory_space<hbm>>
        tpu.wait_indirect_dma semaphore(%arg22 : memref<!tpu.dma_semaphore, #tpu.memory_space<semaphore_mem>>) src(%dma_wait3A_297 : memref<20000x32xf32, #tpu.memory_space<hbm>>) dst(%arg19 : memref<80x32xf32, #tpu.memory_space<vmem>>)
        %dma_start3A_298 = arith.constant 0 : i32
        %dma_start3A_299 = tpu.memref_slice %arg11[%add3A_291, %dma_start3A_298] : memref<250x80xi32, #tpu.memory_space<vmem>> -> memref<1x80xi32, #tpu.memory_space<vmem>>
        %dma_start3A_300 = tpu.memref_squeeze %dma_start3A_299 : memref<1x80xi32, #tpu.memory_space<vmem>> -> memref<80xi32, #tpu.memory_space<vmem>>
        %dma_start3A_301 = arith.constant 0 : i32
        %dma_start3A_302 = arith.constant 0 : i32
        %dma_start3A_303 = tpu.memref_slice %arg9[%dma_start3A_301, %dma_start3A_302] : memref<20480x32xf32, #tpu.memory_space<vmem_shared>> -> memref<20480x32xf32, #tpu.memory_space<vmem_shared>>
        tpu.enqueue_indirect_dma source(%arg19 : memref<80x32xf32, #tpu.memory_space<vmem>>) target(%dma_start3A_303 : memref<20480x32xf32, #tpu.memory_space<vmem_shared>>) offsets(%dma_start3A_300 : memref<80xi32, #tpu.memory_space<vmem>>) semaphore(%arg23 : memref<!tpu.dma_semaphore, #tpu.memory_space<semaphore_mem>>) {add = true}
        %ge3A_304 = arith.constant 3 : i32
        %ge3A_305 = arith.cmpi sge, %add3A_291, %ge3A_304 : i32
        %convert_element_type3A_306 = arith.extui %ge3A_305 : i1 to i32
        %cond3A_307 = arith.constant 0 : i32
        %cond3A_308 = arith.cmpi ne, %convert_element_type3A_306, %cond3A_307 : i32
        scf.if %cond3A_308 {
          %dma_wait3A_368 = arith.constant 0 : i32
          %dma_wait3A_369 = tpu.memref_slice %arg11[%add3A_291, %dma_wait3A_368] : memref<250x80xi32, #tpu.memory_space<vmem>> -> memref<1x80xi32, #tpu.memory_space<vmem>>
          %dma_wait3A_370 = tpu.memref_squeeze %dma_wait3A_369 : memref<1x80xi32, #tpu.memory_space<vmem>> -> memref<80xi32, #tpu.memory_space<vmem>>
          %dma_wait3A_371 = arith.constant 0 : i32
          %dma_wait3A_372 = arith.constant 0 : i32
          %dma_wait3A_373 = tpu.memref_slice %arg9[%dma_wait3A_371, %dma_wait3A_372] : memref<20480x32xf32, #tpu.memory_space<vmem_shared>> -> memref<20480x32xf32, #tpu.memory_space<vmem_shared>>
          tpu.wait_indirect_dma semaphore(%arg23 : memref<!tpu.dma_semaphore, #tpu.memory_space<semaphore_mem>>) src(%arg16 : memref<80x32xf32, #tpu.memory_space<vmem>>) dst(%dma_wait3A_373 : memref<20480x32xf32, #tpu.memory_space<vmem_shared>>)
        } else {
        }
        %add3A_309 = arith.constant 7 : i32
        %add3A_310 = arith.addi %add3A_291, %add3A_309 : i32
        %lt3A_311 = arith.constant 250 : i32
        %lt3A_312 = arith.cmpi slt, %add3A_310, %lt3A_311 : i32
        %convert_element_type3A_313 = arith.extui %lt3A_312 : i1 to i32
        %cond3A_314 = arith.constant 0 : i32
        %cond3A_315 = arith.cmpi ne, %convert_element_type3A_313, %cond3A_314 : i32
        scf.if %cond3A_315 {
          %add3A_368 = arith.constant 7 : i32
          %add3A_369 = arith.addi %add3A_291, %add3A_368 : i32
          %dma_start3A_370 = arith.constant 0 : i32
          %dma_start3A_371 = tpu.memref_slice %arg10[%add3A_369, %dma_start3A_370] : memref<250x80xi32, #tpu.memory_space<vmem>> -> memref<1x80xi32, #tpu.memory_space<vmem>>
          %dma_start3A_372 = tpu.memref_squeeze %dma_start3A_371 : memref<1x80xi32, #tpu.memory_space<vmem>> -> memref<80xi32, #tpu.memory_space<vmem>>
          %dma_start3A_373 = arith.constant 0 : i32
          %dma_start3A_374 = arith.constant 0 : i32
          %dma_start3A_375 = tpu.memref_slice %arg4[%dma_start3A_373, %dma_start3A_374] : memref<20000x32xf32, #tpu.memory_space<hbm>> -> memref<20000x32xf32, #tpu.memory_space<hbm>>
          tpu.enqueue_indirect_dma source(%dma_start3A_375 : memref<20000x32xf32, #tpu.memory_space<hbm>>) target(%arg16 : memref<80x32xf32, #tpu.memory_space<vmem>>) offsets(%dma_start3A_372 : memref<80xi32, #tpu.memory_space<vmem>>) semaphore(%arg22 : memref<!tpu.dma_semaphore, #tpu.memory_space<semaphore_mem>>)
        } else {
        }
        %add3A_316 = arith.constant 8 : i32
        %add3A_317 = arith.addi %add3A_109, %add3A_316 : i32
        %dma_wait3A_318 = arith.constant 0 : i32
        %dma_wait3A_319 = tpu.memref_slice %arg10[%add3A_317, %dma_wait3A_318] : memref<250x80xi32, #tpu.memory_space<vmem>> -> memref<1x80xi32, #tpu.memory_space<vmem>>
        %dma_wait3A_320 = tpu.memref_squeeze %dma_wait3A_319 : memref<1x80xi32, #tpu.memory_space<vmem>> -> memref<80xi32, #tpu.memory_space<vmem>>
        %dma_wait3A_321 = arith.constant 0 : i32
        %dma_wait3A_322 = arith.constant 0 : i32
        %dma_wait3A_323 = tpu.memref_slice %arg4[%dma_wait3A_321, %dma_wait3A_322] : memref<20000x32xf32, #tpu.memory_space<hbm>> -> memref<20000x32xf32, #tpu.memory_space<hbm>>
        tpu.wait_indirect_dma semaphore(%arg22 : memref<!tpu.dma_semaphore, #tpu.memory_space<semaphore_mem>>) src(%dma_wait3A_323 : memref<20000x32xf32, #tpu.memory_space<hbm>>) dst(%arg20 : memref<80x32xf32, #tpu.memory_space<vmem>>)
        %dma_start3A_324 = arith.constant 0 : i32
        %dma_start3A_325 = tpu.memref_slice %arg11[%add3A_317, %dma_start3A_324] : memref<250x80xi32, #tpu.memory_space<vmem>> -> memref<1x80xi32, #tpu.memory_space<vmem>>
        %dma_start3A_326 = tpu.memref_squeeze %dma_start3A_325 : memref<1x80xi32, #tpu.memory_space<vmem>> -> memref<80xi32, #tpu.memory_space<vmem>>
        %dma_start3A_327 = arith.constant 0 : i32
        %dma_start3A_328 = arith.constant 0 : i32
        %dma_start3A_329 = tpu.memref_slice %arg9[%dma_start3A_327, %dma_start3A_328] : memref<20480x32xf32, #tpu.memory_space<vmem_shared>> -> memref<20480x32xf32, #tpu.memory_space<vmem_shared>>
        tpu.enqueue_indirect_dma source(%arg20 : memref<80x32xf32, #tpu.memory_space<vmem>>) target(%dma_start3A_329 : memref<20480x32xf32, #tpu.memory_space<vmem_shared>>) offsets(%dma_start3A_326 : memref<80xi32, #tpu.memory_space<vmem>>) semaphore(%arg23 : memref<!tpu.dma_semaphore, #tpu.memory_space<semaphore_mem>>) {add = true}
        %ge3A_330 = arith.constant 3 : i32
        %ge3A_331 = arith.cmpi sge, %add3A_317, %ge3A_330 : i32
        %convert_element_type3A_332 = arith.extui %ge3A_331 : i1 to i32
        %cond3A_333 = arith.constant 0 : i32
        %cond3A_334 = arith.cmpi ne, %convert_element_type3A_332, %cond3A_333 : i32
        scf.if %cond3A_334 {
          %dma_wait3A_368 = arith.constant 0 : i32
          %dma_wait3A_369 = tpu.memref_slice %arg11[%add3A_317, %dma_wait3A_368] : memref<250x80xi32, #tpu.memory_space<vmem>> -> memref<1x80xi32, #tpu.memory_space<vmem>>
          %dma_wait3A_370 = tpu.memref_squeeze %dma_wait3A_369 : memref<1x80xi32, #tpu.memory_space<vmem>> -> memref<80xi32, #tpu.memory_space<vmem>>
          %dma_wait3A_371 = arith.constant 0 : i32
          %dma_wait3A_372 = arith.constant 0 : i32
          %dma_wait3A_373 = tpu.memref_slice %arg9[%dma_wait3A_371, %dma_wait3A_372] : memref<20480x32xf32, #tpu.memory_space<vmem_shared>> -> memref<20480x32xf32, #tpu.memory_space<vmem_shared>>
          tpu.wait_indirect_dma semaphore(%arg23 : memref<!tpu.dma_semaphore, #tpu.memory_space<semaphore_mem>>) src(%arg17 : memref<80x32xf32, #tpu.memory_space<vmem>>) dst(%dma_wait3A_373 : memref<20480x32xf32, #tpu.memory_space<vmem_shared>>)
        } else {
        }
        %add3A_335 = arith.constant 7 : i32
        %add3A_336 = arith.addi %add3A_317, %add3A_335 : i32
        %lt3A_337 = arith.constant 250 : i32
        %lt3A_338 = arith.cmpi slt, %add3A_336, %lt3A_337 : i32
        %convert_element_type3A_339 = arith.extui %lt3A_338 : i1 to i32
        %cond3A_340 = arith.constant 0 : i32
        %cond3A_341 = arith.cmpi ne, %convert_element_type3A_339, %cond3A_340 : i32
        scf.if %cond3A_341 {
          %add3A_368 = arith.constant 7 : i32
          %add3A_369 = arith.addi %add3A_317, %add3A_368 : i32
          %dma_start3A_370 = arith.constant 0 : i32
          %dma_start3A_371 = tpu.memref_slice %arg10[%add3A_369, %dma_start3A_370] : memref<250x80xi32, #tpu.memory_space<vmem>> -> memref<1x80xi32, #tpu.memory_space<vmem>>
          %dma_start3A_372 = tpu.memref_squeeze %dma_start3A_371 : memref<1x80xi32, #tpu.memory_space<vmem>> -> memref<80xi32, #tpu.memory_space<vmem>>
          %dma_start3A_373 = arith.constant 0 : i32
          %dma_start3A_374 = arith.constant 0 : i32
          %dma_start3A_375 = tpu.memref_slice %arg4[%dma_start3A_373, %dma_start3A_374] : memref<20000x32xf32, #tpu.memory_space<hbm>> -> memref<20000x32xf32, #tpu.memory_space<hbm>>
          tpu.enqueue_indirect_dma source(%dma_start3A_375 : memref<20000x32xf32, #tpu.memory_space<hbm>>) target(%arg17 : memref<80x32xf32, #tpu.memory_space<vmem>>) offsets(%dma_start3A_372 : memref<80xi32, #tpu.memory_space<vmem>>) semaphore(%arg22 : memref<!tpu.dma_semaphore, #tpu.memory_space<semaphore_mem>>)
        } else {
        }
        %add3A_342 = arith.constant 9 : i32
        %add3A_343 = arith.addi %add3A_109, %add3A_342 : i32
        %dma_wait3A_344 = arith.constant 0 : i32
        %dma_wait3A_345 = tpu.memref_slice %arg10[%add3A_343, %dma_wait3A_344] : memref<250x80xi32, #tpu.memory_space<vmem>> -> memref<1x80xi32, #tpu.memory_space<vmem>>
        %dma_wait3A_346 = tpu.memref_squeeze %dma_wait3A_345 : memref<1x80xi32, #tpu.memory_space<vmem>> -> memref<80xi32, #tpu.memory_space<vmem>>
        %dma_wait3A_347 = arith.constant 0 : i32
        %dma_wait3A_348 = arith.constant 0 : i32
        %dma_wait3A_349 = tpu.memref_slice %arg4[%dma_wait3A_347, %dma_wait3A_348] : memref<20000x32xf32, #tpu.memory_space<hbm>> -> memref<20000x32xf32, #tpu.memory_space<hbm>>
        tpu.wait_indirect_dma semaphore(%arg22 : memref<!tpu.dma_semaphore, #tpu.memory_space<semaphore_mem>>) src(%dma_wait3A_349 : memref<20000x32xf32, #tpu.memory_space<hbm>>) dst(%arg21 : memref<80x32xf32, #tpu.memory_space<vmem>>)
        %dma_start3A_350 = arith.constant 0 : i32
        %dma_start3A_351 = tpu.memref_slice %arg11[%add3A_343, %dma_start3A_350] : memref<250x80xi32, #tpu.memory_space<vmem>> -> memref<1x80xi32, #tpu.memory_space<vmem>>
        %dma_start3A_352 = tpu.memref_squeeze %dma_start3A_351 : memref<1x80xi32, #tpu.memory_space<vmem>> -> memref<80xi32, #tpu.memory_space<vmem>>
        %dma_start3A_353 = arith.constant 0 : i32
        %dma_start3A_354 = arith.constant 0 : i32
        %dma_start3A_355 = tpu.memref_slice %arg9[%dma_start3A_353, %dma_start3A_354] : memref<20480x32xf32, #tpu.memory_space<vmem_shared>> -> memref<20480x32xf32, #tpu.memory_space<vmem_shared>>
        tpu.enqueue_indirect_dma source(%arg21 : memref<80x32xf32, #tpu.memory_space<vmem>>) target(%dma_start3A_355 : memref<20480x32xf32, #tpu.memory_space<vmem_shared>>) offsets(%dma_start3A_352 : memref<80xi32, #tpu.memory_space<vmem>>) semaphore(%arg23 : memref<!tpu.dma_semaphore, #tpu.memory_space<semaphore_mem>>) {add = true}
        %ge3A_356 = arith.constant 3 : i32
        %ge3A_357 = arith.cmpi sge, %add3A_343, %ge3A_356 : i32
        %convert_element_type3A_358 = arith.extui %ge3A_357 : i1 to i32
        %cond3A_359 = arith.constant 0 : i32
        %cond3A_360 = arith.cmpi ne, %convert_element_type3A_358, %cond3A_359 : i32
        scf.if %cond3A_360 {
          %dma_wait3A_368 = arith.constant 0 : i32
          %dma_wait3A_369 = tpu.memref_slice %arg11[%add3A_343, %dma_wait3A_368] : memref<250x80xi32, #tpu.memory_space<vmem>> -> memref<1x80xi32, #tpu.memory_space<vmem>>
          %dma_wait3A_370 = tpu.memref_squeeze %dma_wait3A_369 : memref<1x80xi32, #tpu.memory_space<vmem>> -> memref<80xi32, #tpu.memory_space<vmem>>
          %dma_wait3A_371 = arith.constant 0 : i32
          %dma_wait3A_372 = arith.constant 0 : i32
          %dma_wait3A_373 = tpu.memref_slice %arg9[%dma_wait3A_371, %dma_wait3A_372] : memref<20480x32xf32, #tpu.memory_space<vmem_shared>> -> memref<20480x32xf32, #tpu.memory_space<vmem_shared>>
          tpu.wait_indirect_dma semaphore(%arg23 : memref<!tpu.dma_semaphore, #tpu.memory_space<semaphore_mem>>) src(%arg18 : memref<80x32xf32, #tpu.memory_space<vmem>>) dst(%dma_wait3A_373 : memref<20480x32xf32, #tpu.memory_space<vmem_shared>>)
        } else {
        }
        %add3A_361 = arith.constant 7 : i32
        %add3A_362 = arith.addi %add3A_343, %add3A_361 : i32
        %lt3A_363 = arith.constant 250 : i32
        %lt3A_364 = arith.cmpi slt, %add3A_362, %lt3A_363 : i32
        %convert_element_type3A_365 = arith.extui %lt3A_364 : i1 to i32
        %cond3A_366 = arith.constant 0 : i32
        %cond3A_367 = arith.cmpi ne, %convert_element_type3A_365, %cond3A_366 : i32
        scf.if %cond3A_367 {
          %add3A_368 = arith.constant 7 : i32
          %add3A_369 = arith.addi %add3A_343, %add3A_368 : i32
          %dma_start3A_370 = arith.constant 0 : i32
          %dma_start3A_371 = tpu.memref_slice %arg10[%add3A_369, %dma_start3A_370] : memref<250x80xi32, #tpu.memory_space<vmem>> -> memref<1x80xi32, #tpu.memory_space<vmem>>
          %dma_start3A_372 = tpu.memref_squeeze %dma_start3A_371 : memref<1x80xi32, #tpu.memory_space<vmem>> -> memref<80xi32, #tpu.memory_space<vmem>>
          %dma_start3A_373 = arith.constant 0 : i32
          %dma_start3A_374 = arith.constant 0 : i32
          %dma_start3A_375 = tpu.memref_slice %arg4[%dma_start3A_373, %dma_start3A_374] : memref<20000x32xf32, #tpu.memory_space<hbm>> -> memref<20000x32xf32, #tpu.memory_space<hbm>>
          tpu.enqueue_indirect_dma source(%dma_start3A_375 : memref<20000x32xf32, #tpu.memory_space<hbm>>) target(%arg18 : memref<80x32xf32, #tpu.memory_space<vmem>>) offsets(%dma_start3A_372 : memref<80xi32, #tpu.memory_space<vmem>>) semaphore(%arg22 : memref<!tpu.dma_semaphore, #tpu.memory_space<semaphore_mem>>)
        } else {
        }
      }
      %scan3A_85 = arith.constant 25 : i32
      %dma_wait3A = arith.constant 0 : i32
      %dma_wait3A_86 = arith.constant 0 : i32
      %dma_wait3A_87 = tpu.memref_slice %arg11[%dma_wait3A, %dma_wait3A_86] : memref<250x80xi32, #tpu.memory_space<vmem>> -> memref<1x80xi32, #tpu.memory_space<vmem>>
      %dma_wait3A_88 = tpu.memref_squeeze %dma_wait3A_87 : memref<1x80xi32, #tpu.memory_space<vmem>> -> memref<80xi32, #tpu.memory_space<vmem>>
      %dma_wait3A_89 = arith.constant 0 : i32
      %dma_wait3A_90 = arith.constant 0 : i32
      %dma_wait3A_91 = tpu.memref_slice %arg9[%dma_wait3A_89, %dma_wait3A_90] : memref<20480x32xf32, #tpu.memory_space<vmem_shared>> -> memref<20480x32xf32, #tpu.memory_space<vmem_shared>>
      tpu.wait_indirect_dma semaphore(%arg23 : memref<!tpu.dma_semaphore, #tpu.memory_space<semaphore_mem>>) src(%arg12 : memref<80x32xf32, #tpu.memory_space<vmem>>) dst(%dma_wait3A_91 : memref<20480x32xf32, #tpu.memory_space<vmem_shared>>)
      %dma_wait3A_92 = arith.constant 0 : i32
      %dma_wait3A_93 = arith.constant 0 : i32
      %dma_wait3A_94 = tpu.memref_slice %arg11[%dma_wait3A_92, %dma_wait3A_93] : memref<250x80xi32, #tpu.memory_space<vmem>> -> memref<1x80xi32, #tpu.memory_space<vmem>>
      %dma_wait3A_95 = tpu.memref_squeeze %dma_wait3A_94 : memref<1x80xi32, #tpu.memory_space<vmem>> -> memref<80xi32, #tpu.memory_space<vmem>>
      %dma_wait3A_96 = arith.constant 0 : i32
      %dma_wait3A_97 = arith.constant 0 : i32
      %dma_wait3A_98 = tpu.memref_slice %arg9[%dma_wait3A_96, %dma_wait3A_97] : memref<20480x32xf32, #tpu.memory_space<vmem_shared>> -> memref<20480x32xf32, #tpu.memory_space<vmem_shared>>
      tpu.wait_indirect_dma semaphore(%arg23 : memref<!tpu.dma_semaphore, #tpu.memory_space<semaphore_mem>>) src(%arg13 : memref<80x32xf32, #tpu.memory_space<vmem>>) dst(%dma_wait3A_98 : memref<20480x32xf32, #tpu.memory_space<vmem_shared>>)
      %dma_wait3A_99 = arith.constant 0 : i32
      %dma_wait3A_100 = arith.constant 0 : i32
      %dma_wait3A_101 = tpu.memref_slice %arg11[%dma_wait3A_99, %dma_wait3A_100] : memref<250x80xi32, #tpu.memory_space<vmem>> -> memref<1x80xi32, #tpu.memory_space<vmem>>
      %dma_wait3A_102 = tpu.memref_squeeze %dma_wait3A_101 : memref<1x80xi32, #tpu.memory_space<vmem>> -> memref<80xi32, #tpu.memory_space<vmem>>
      %dma_wait3A_103 = arith.constant 0 : i32
      %dma_wait3A_104 = arith.constant 0 : i32
      %dma_wait3A_105 = tpu.memref_slice %arg9[%dma_wait3A_103, %dma_wait3A_104] : memref<20480x32xf32, #tpu.memory_space<vmem_shared>> -> memref<20480x32xf32, #tpu.memory_space<vmem_shared>>
      tpu.wait_indirect_dma semaphore(%arg23 : memref<!tpu.dma_semaphore, #tpu.memory_space<semaphore_mem>>) src(%arg14 : memref<80x32xf32, #tpu.memory_space<vmem>>) dst(%dma_wait3A_105 : memref<20480x32xf32, #tpu.memory_space<vmem_shared>>)
    } else {
    }
    %barrier3A_18 = arith.constant 0 : index
    tpu.barrier barrier_id(%barrier3A_18)
    %mul3A_19 = arith.constant 1280 : i32
    %mul3A_20 = arith.muli %arg1, %mul3A_19 : i32
    %eq3A_21 = arith.constant 0 : i32
    %eq3A_22 = arith.cmpi eq, %arg0, %eq3A_21 : i32
    %convert_element_type3A_23 = arith.extui %eq3A_22 : i1 to i32
    %cond3A_24 = arith.constant 0 : i32
    %cond3A_25 = arith.cmpi ne, %convert_element_type3A_23, %cond3A_24 : i32
    scf.if %cond3A_25 {
      "tpu.region"() ({
        %run_scoped3A = tpu.sem_alloc : memref<!tpu.dma_semaphore, #tpu.memory_space<semaphore_mem>>
        %dma_start3A = arith.constant 0 : i32
        %dma_start3A_31 = tpu.memref_slice %arg7[%mul3A_20, %dma_start3A] : memref<20480x32xf32, #tpu.memory_space<hbm>> -> memref<1280x32xf32, #tpu.memory_space<hbm>>
        %dma_start3A_32 = arith.constant 0 : i32
        %dma_start3A_33 = tpu.memref_slice %arg9[%mul3A_20, %dma_start3A_32] : memref<20480x32xf32, #tpu.memory_space<vmem_shared>> -> memref<1280x32xf32, #tpu.memory_space<vmem_shared>>
        tpu.enqueue_dma source(%dma_start3A_33 : memref<1280x32xf32, #tpu.memory_space<vmem_shared>>) target(%dma_start3A_31 : memref<1280x32xf32, #tpu.memory_space<hbm>>) target_semaphore(%run_scoped3A : memref<!tpu.dma_semaphore, #tpu.memory_space<semaphore_mem>>)
        %dma_wait3A = arith.constant 0 : i32
        %dma_wait3A_34 = tpu.memref_slice %arg7[%mul3A_20, %dma_wait3A] : memref<20480x32xf32, #tpu.memory_space<hbm>> -> memref<1280x32xf32, #tpu.memory_space<hbm>>
        %dma_wait3A_35 = arith.constant 0 : i32
        %dma_wait3A_36 = tpu.memref_slice %arg9[%mul3A_20, %dma_wait3A_35] : memref<20480x32xf32, #tpu.memory_space<vmem_shared>> -> memref<1280x32xf32, #tpu.memory_space<vmem_shared>>
        tpu.wait_dma2 semaphore(%run_scoped3A : memref<!tpu.dma_semaphore, #tpu.memory_space<semaphore_mem>>) src(%dma_wait3A_36 : memref<1280x32xf32, #tpu.memory_space<vmem_shared>>) dst(%dma_wait3A_34 : memref<1280x32xf32, #tpu.memory_space<hbm>>)
        tpu.yield
      }) : () -> ()
    } else {
    }
    %eq3A_26 = arith.constant 1 : i32
    %eq3A_27 = arith.cmpi eq, %arg0, %eq3A_26 : i32
    %convert_element_type3A_28 = arith.extui %eq3A_27 : i1 to i32
    %cond3A_29 = arith.constant 0 : i32
    %cond3A_30 = arith.cmpi ne, %convert_element_type3A_28, %cond3A_29 : i32
    scf.if %cond3A_30 {
      "tpu.region"() ({
        %run_scoped3A = tpu.sem_alloc : memref<!tpu.dma_semaphore, #tpu.memory_space<semaphore_mem>>
        %dma_start3A = arith.constant 0 : i32
        %dma_start3A_31 = tpu.memref_slice %arg8[%mul3A_20, %dma_start3A] : memref<20480x32xf32, #tpu.memory_space<hbm>> -> memref<1280x32xf32, #tpu.memory_space<hbm>>
        %dma_start3A_32 = arith.constant 0 : i32
        %dma_start3A_33 = tpu.memref_slice %arg9[%mul3A_20, %dma_start3A_32] : memref<20480x32xf32, #tpu.memory_space<vmem_shared>> -> memref<1280x32xf32, #tpu.memory_space<vmem_shared>>
        tpu.enqueue_dma source(%dma_start3A_33 : memref<1280x32xf32, #tpu.memory_space<vmem_shared>>) target(%dma_start3A_31 : memref<1280x32xf32, #tpu.memory_space<hbm>>) target_semaphore(%run_scoped3A : memref<!tpu.dma_semaphore, #tpu.memory_space<semaphore_mem>>)
        %dma_wait3A = arith.constant 0 : i32
        %dma_wait3A_34 = tpu.memref_slice %arg8[%mul3A_20, %dma_wait3A] : memref<20480x32xf32, #tpu.memory_space<hbm>> -> memref<1280x32xf32, #tpu.memory_space<hbm>>
        %dma_wait3A_35 = arith.constant 0 : i32
        %dma_wait3A_36 = tpu.memref_slice %arg9[%mul3A_20, %dma_wait3A_35] : memref<20480x32xf32, #tpu.memory_space<vmem_shared>> -> memref<1280x32xf32, #tpu.memory_space<vmem_shared>>
        tpu.wait_dma2 semaphore(%run_scoped3A : memref<!tpu.dma_semaphore, #tpu.memory_space<semaphore_mem>>) src(%dma_wait3A_36 : memref<1280x32xf32, #tpu.memory_space<vmem_shared>>) dst(%dma_wait3A_34 : memref<1280x32xf32, #tpu.memory_space<hbm>>)
        tpu.yield
      }) : () -> ()
    } else {
    }
    return
  }
}

module attributes {stable_mosaic.version = 14 : i64} {
  func.func @_tc1_body(%arg0: i32, %arg1: memref<2000x64xf32, #tpu.memory_space<vmem>>, %arg2: memref<2000x64xf32, #tpu.memory_space<vmem>>, %arg3: memref<64x32xf32, #tpu.memory_space<vmem>>, %arg4: memref<64x32xf32, #tpu.memory_space<vmem>>, %arg5: memref<64x32xf32, #tpu.memory_space<vmem>>, %arg6: memref<64x32xf32, #tpu.memory_space<vmem>>, %arg7: memref<1x32xf32, #tpu.memory_space<vmem>>, %arg8: memref<1x32xf32, #tpu.memory_space<vmem>>, %arg9: memref<2000x32xf32, #tpu.memory_space<vmem>>, %arg10: memref<2000x32xf32, #tpu.memory_space<vmem>>, %arg11: memref<2000x32xf32, #tpu.memory_space<vmem>>, %arg12: memref<2000x32xf32, #tpu.memory_space<vmem>>) attributes {dimension_semantics = [#tpu.dimension_semantics<arbitrary>], iteration_bounds = array<i64: 10>, scalar_prefetch = 0 : i64, scratch_operands = 0 : i64, tpu.core_type = #tpu.core_type<tc>, window_params = [{transform_indices = @transform_0, window_bounds = array<i64: 2000, 64>}, {transform_indices = @transform_1, window_bounds = array<i64: 2000, 64>}, {pipeline_mode = #tpu.pipeline_mode<synchronous>, transform_indices = @transform_2, window_bounds = array<i64: 64, 32>}, {pipeline_mode = #tpu.pipeline_mode<synchronous>, transform_indices = @transform_3, window_bounds = array<i64: 64, 32>}, {pipeline_mode = #tpu.pipeline_mode<synchronous>, transform_indices = @transform_4, window_bounds = array<i64: 64, 32>}, {pipeline_mode = #tpu.pipeline_mode<synchronous>, transform_indices = @transform_5, window_bounds = array<i64: 64, 32>}, {pipeline_mode = #tpu.pipeline_mode<synchronous>, transform_indices = @transform_6, window_bounds = array<i64: 1, 32>}, {pipeline_mode = #tpu.pipeline_mode<synchronous>, transform_indices = @transform_7, window_bounds = array<i64: 1, 32>}, {transform_indices = @transform_8, window_bounds = array<i64: 2000, 32>}, {transform_indices = @transform_9, window_bounds = array<i64: 2000, 32>}, {transform_indices = @transform_10, window_bounds = array<i64: 2000, 32>}, {transform_indices = @transform_11, window_bounds = array<i64: 2000, 32>}]} {
    %get3A = arith.constant 0 : index
    %get3A_0 = arith.constant 0 : index
    %get3A_1 = vector.load %arg1[%get3A, %get3A_0] : memref<2000x64xf32, #tpu.memory_space<vmem>>, vector<2000x64xf32>
    %get3A_2 = arith.constant 0 : index
    %get3A_3 = arith.constant 0 : index
    %get3A_4 = vector.load %arg2[%get3A_2, %get3A_3] : memref<2000x64xf32, #tpu.memory_space<vmem>>, vector<2000x64xf32>
    %get3A_5 = arith.constant 0 : index
    %get3A_6 = arith.constant 0 : index
    %get3A_7 = vector.load %arg3[%get3A_5, %get3A_6] : memref<64x32xf32, #tpu.memory_space<vmem>>, vector<64x32xf32>
    %dot_general3A = arith.constant dense<0.000000e+00> : vector<2000x32xf32>
    %dot_general3A_8 = tpu.matmul %get3A_1, %get3A_7, %dot_general3A {dimension_numbers = #tpu.dot_dimension_numbers<[1], [0], [0], [1], [0, 0, 1, 1], [], []>, transpose_lhs_hint = false} : vector<2000x64xf32>, vector<64x32xf32>, vector<2000x32xf32> -> vector<2000x32xf32>
    %swap3A = arith.constant 0 : index
    %swap3A_9 = arith.constant 0 : index
    %swap3A_10 = vector.load %arg9[%swap3A, %swap3A_9] : memref<2000x32xf32, #tpu.memory_space<vmem>>, vector<2000x32xf32>
    tpu.vector_store %arg9[%swap3A, %swap3A_9], %dot_general3A_8 {strides = array<i32>} : memref<2000x32xf32, #tpu.memory_space<vmem>>, vector<2000x32xf32>,
    %get3A_11 = arith.constant 0 : index
    %get3A_12 = arith.constant 0 : index
    %get3A_13 = vector.load %arg5[%get3A_11, %get3A_12] : memref<64x32xf32, #tpu.memory_space<vmem>>, vector<64x32xf32>
    %dot_general3A_14 = arith.constant dense<0.000000e+00> : vector<2000x32xf32>
    %dot_general3A_15 = tpu.matmul %get3A_4, %get3A_13, %dot_general3A_14 {dimension_numbers = #tpu.dot_dimension_numbers<[1], [0], [0], [1], [0, 0, 1, 1], [], []>, transpose_lhs_hint = false} : vector<2000x64xf32>, vector<64x32xf32>, vector<2000x32xf32> -> vector<2000x32xf32>
    %swap3A_16 = arith.constant 0 : index
    %swap3A_17 = arith.constant 0 : index
    %swap3A_18 = vector.load %arg10[%swap3A_16, %swap3A_17] : memref<2000x32xf32, #tpu.memory_space<vmem>>, vector<2000x32xf32>
    tpu.vector_store %arg10[%swap3A_16, %swap3A_17], %dot_general3A_15 {strides = array<i32>} : memref<2000x32xf32, #tpu.memory_space<vmem>>, vector<2000x32xf32>,
    %get3A_19 = arith.constant 0 : index
    %get3A_20 = arith.constant 0 : index
    %get3A_21 = vector.load %arg4[%get3A_19, %get3A_20] : memref<64x32xf32, #tpu.memory_space<vmem>>, vector<64x32xf32>
    %dot_general3A_22 = arith.constant dense<0.000000e+00> : vector<2000x32xf32>
    %dot_general3A_23 = tpu.matmul %get3A_4, %get3A_21, %dot_general3A_22 {dimension_numbers = #tpu.dot_dimension_numbers<[1], [0], [0], [1], [0, 0, 1, 1], [], []>, transpose_lhs_hint = false} : vector<2000x64xf32>, vector<64x32xf32>, vector<2000x32xf32> -> vector<2000x32xf32>
    %get3A_24 = arith.constant 0 : index
    %get3A_25 = arith.constant 0 : index
    %get3A_26 = vector.load %arg7[%get3A_24, %get3A_25] : memref<1x32xf32, #tpu.memory_space<vmem>>, vector<1x32xf32>
    %add3A = vector.broadcast %get3A_26 : vector<1x32xf32> to vector<2000x32xf32>
    %add3A_27 = arith.addf %dot_general3A_23, %add3A : vector<2000x32xf32>
    %swap3A_28 = arith.constant 0 : index
    %swap3A_29 = arith.constant 0 : index
    %swap3A_30 = vector.load %arg11[%swap3A_28, %swap3A_29] : memref<2000x32xf32, #tpu.memory_space<vmem>>, vector<2000x32xf32>
    tpu.vector_store %arg11[%swap3A_28, %swap3A_29], %add3A_27 {strides = array<i32>} : memref<2000x32xf32, #tpu.memory_space<vmem>>, vector<2000x32xf32>,
    %get3A_31 = arith.constant 0 : index
    %get3A_32 = arith.constant 0 : index
    %get3A_33 = vector.load %arg6[%get3A_31, %get3A_32] : memref<64x32xf32, #tpu.memory_space<vmem>>, vector<64x32xf32>
    %dot_general3A_34 = arith.constant dense<0.000000e+00> : vector<2000x32xf32>
    %dot_general3A_35 = tpu.matmul %get3A_1, %get3A_33, %dot_general3A_34 {dimension_numbers = #tpu.dot_dimension_numbers<[1], [0], [0], [1], [0, 0, 1, 1], [], []>, transpose_lhs_hint = false} : vector<2000x64xf32>, vector<64x32xf32>, vector<2000x32xf32> -> vector<2000x32xf32>
    %get3A_36 = arith.constant 0 : index
    %get3A_37 = arith.constant 0 : index
    %get3A_38 = vector.load %arg8[%get3A_36, %get3A_37] : memref<1x32xf32, #tpu.memory_space<vmem>>, vector<1x32xf32>
    %add3A_39 = vector.broadcast %get3A_38 : vector<1x32xf32> to vector<2000x32xf32>
    %add3A_40 = arith.addf %dot_general3A_35, %add3A_39 : vector<2000x32xf32>
    %swap3A_41 = arith.constant 0 : index
    %swap3A_42 = arith.constant 0 : index
    %swap3A_43 = vector.load %arg12[%swap3A_41, %swap3A_42] : memref<2000x32xf32, #tpu.memory_space<vmem>>, vector<2000x32xf32>
    tpu.vector_store %arg12[%swap3A_41, %swap3A_42], %add3A_40 {strides = array<i32>} : memref<2000x32xf32, #tpu.memory_space<vmem>>, vector<2000x32xf32>,
    return
  }
  func.func @transform_0(%arg0: i32) -> (i32, i32) {
    %c0_i32 = arith.constant 0 : i32
    %c0_i32_0 = arith.constant 0 : i32
    return %arg0, %c0_i32 : i32, i32
  }
  func.func @transform_1(%arg0: i32) -> (i32, i32) {
    %c0_i32 = arith.constant 0 : i32
    %c0_i32_0 = arith.constant 0 : i32
    return %arg0, %c0_i32 : i32, i32
  }
  func.func @transform_2(%arg0: i32) -> (i32, i32) {
    %c0_i32 = arith.constant 0 : i32
    %c0_i32_0 = arith.constant 0 : i32
    %c0_i32_1 = arith.constant 0 : i32
    return %c0_i32, %c0_i32_0 : i32, i32
  }
  func.func @transform_3(%arg0: i32) -> (i32, i32) {
    %c0_i32 = arith.constant 0 : i32
    %c0_i32_0 = arith.constant 0 : i32
    %c0_i32_1 = arith.constant 0 : i32
    return %c0_i32, %c0_i32_0 : i32, i32
  }
  func.func @transform_4(%arg0: i32) -> (i32, i32) {
    %c0_i32 = arith.constant 0 : i32
    %c0_i32_0 = arith.constant 0 : i32
    %c0_i32_1 = arith.constant 0 : i32
    return %c0_i32, %c0_i32_0 : i32, i32
  }
  func.func @transform_5(%arg0: i32) -> (i32, i32) {
    %c0_i32 = arith.constant 0 : i32
    %c0_i32_0 = arith.constant 0 : i32
    %c0_i32_1 = arith.constant 0 : i32
    return %c0_i32, %c0_i32_0 : i32, i32
  }
  func.func @transform_6(%arg0: i32) -> (i32, i32) {
    %c0_i32 = arith.constant 0 : i32
    %c0_i32_0 = arith.constant 0 : i32
    %c0_i32_1 = arith.constant 0 : i32
    return %c0_i32, %c0_i32_0 : i32, i32
  }
  func.func @transform_7(%arg0: i32) -> (i32, i32) {
    %c0_i32 = arith.constant 0 : i32
    %c0_i32_0 = arith.constant 0 : i32
    %c0_i32_1 = arith.constant 0 : i32
    return %c0_i32, %c0_i32_0 : i32, i32
  }
  func.func @transform_8(%arg0: i32) -> (i32, i32) {
    %c0_i32 = arith.constant 0 : i32
    %c0_i32_0 = arith.constant 0 : i32
    return %arg0, %c0_i32 : i32, i32
  }
  func.func @transform_9(%arg0: i32) -> (i32, i32) {
    %c0_i32 = arith.constant 0 : i32
    %c0_i32_0 = arith.constant 0 : i32
    return %arg0, %c0_i32 : i32, i32
  }
  func.func @transform_10(%arg0: i32) -> (i32, i32) {
    %c0_i32 = arith.constant 0 : i32
    %c0_i32_0 = arith.constant 0 : i32
    return %arg0, %c0_i32 : i32, i32
  }
  func.func @transform_11(%arg0: i32) -> (i32, i32) {
    %c0_i32 = arith.constant 0 : i32
    %c0_i32_0 = arith.constant 0 : i32
    return %arg0, %c0_i32 : i32, i32
  }
}

module attributes {stable_mosaic.version = 14 : i64} {
  func.func @_tc2_body(%arg0: i32, %arg1: memref<2000x32xf32, #tpu.memory_space<vmem>>, %arg2: memref<2000x32xf32, #tpu.memory_space<vmem>>, %arg3: memref<2000x32xf32, #tpu.memory_space<vmem>>, %arg4: memref<2000x32xf32, #tpu.memory_space<vmem>>, %arg5: memref<32x10xf32, #tpu.memory_space<vmem>>, %arg6: memref<32x10xf32, #tpu.memory_space<vmem>>, %arg7: memref<1x10xf32, #tpu.memory_space<vmem>>, %arg8: memref<2000x16xbf16, #tpu.memory_space<vmem>>, %arg9: memref<2000x16xf32, #tpu.memory_space<vmem>>) attributes {dimension_semantics = [#tpu.dimension_semantics<arbitrary>], iteration_bounds = array<i64: 10>, scalar_prefetch = 0 : i64, scratch_operands = 0 : i64, tpu.core_type = #tpu.core_type<tc>, window_params = [{transform_indices = @transform_0, window_bounds = array<i64: 2000, 32>}, {transform_indices = @transform_1, window_bounds = array<i64: 2000, 32>}, {transform_indices = @transform_2, window_bounds = array<i64: 2000, 32>}, {transform_indices = @transform_3, window_bounds = array<i64: 2000, 32>}, {pipeline_mode = #tpu.pipeline_mode<synchronous>, transform_indices = @transform_4, window_bounds = array<i64: 32, 10>}, {pipeline_mode = #tpu.pipeline_mode<synchronous>, transform_indices = @transform_5, window_bounds = array<i64: 32, 10>}, {pipeline_mode = #tpu.pipeline_mode<synchronous>, transform_indices = @transform_6, window_bounds = array<i64: 1, 10>}, {transform_indices = @transform_7, window_bounds = array<i64: 2000, 16>}, {transform_indices = @transform_8, window_bounds = array<i64: 2000, 16>}]} {
    %get3A = arith.constant 0 : index
    %get3A_0 = arith.constant 0 : index
    %get3A_1 = vector.load %arg1[%get3A, %get3A_0] : memref<2000x32xf32, #tpu.memory_space<vmem>>, vector<2000x32xf32>
    %get3A_2 = arith.constant 0 : index
    %get3A_3 = arith.constant 0 : index
    %get3A_4 = vector.load %arg2[%get3A_2, %get3A_3] : memref<2000x32xf32, #tpu.memory_space<vmem>>, vector<2000x32xf32>
    %add3A = arith.addf %get3A_1, %get3A_4 : vector<2000x32xf32>
    %max3A = arith.constant 0.000000e+00 : f32
    %max3A_5 = vector.broadcast %max3A : f32 to vector<2000x32xf32>
    %max3A_6 = arith.maximumf %add3A, %max3A_5 : vector<2000x32xf32>
    %get3A_7 = arith.constant 0 : index
    %get3A_8 = arith.constant 0 : index
    %get3A_9 = vector.load %arg3[%get3A_7, %get3A_8] : memref<2000x32xf32, #tpu.memory_space<vmem>>, vector<2000x32xf32>
    %get3A_10 = arith.constant 0 : index
    %get3A_11 = arith.constant 0 : index
    %get3A_12 = vector.load %arg4[%get3A_10, %get3A_11] : memref<2000x32xf32, #tpu.memory_space<vmem>>, vector<2000x32xf32>
    %add3A_13 = arith.addf %get3A_9, %get3A_12 : vector<2000x32xf32>
    %max3A_14 = arith.constant 0.000000e+00 : f32
    %max3A_15 = vector.broadcast %max3A_14 : f32 to vector<2000x32xf32>
    %max3A_16 = arith.maximumf %add3A_13, %max3A_15 : vector<2000x32xf32>
    %get3A_17 = arith.constant 0 : index
    %get3A_18 = arith.constant 0 : index
    %get3A_19 = vector.load %arg5[%get3A_17, %get3A_18] : memref<32x10xf32, #tpu.memory_space<vmem>>, vector<32x10xf32>
    %jit3A = arith.constant 0 : i32
    %convert_element_type3A = arith.sitofp %jit3A : i32 to f32
    %pad3A = vector.broadcast %convert_element_type3A : f32 to vector<32x6xf32>
    %pad3A_20 = tpu.concatenate %get3A_19, %pad3A in 1 : vector<32x10xf32>, vector<32x6xf32> -> vector<32x16xf32>
    %get3A_21 = arith.constant 0 : index
    %get3A_22 = arith.constant 0 : index
    %get3A_23 = vector.load %arg6[%get3A_21, %get3A_22] : memref<32x10xf32, #tpu.memory_space<vmem>>, vector<32x10xf32>
    %jit3A_24 = arith.constant 0 : i32
    %convert_element_type3A_25 = arith.sitofp %jit3A_24 : i32 to f32
    %pad3A_26 = vector.broadcast %convert_element_type3A_25 : f32 to vector<32x6xf32>
    %pad3A_27 = tpu.concatenate %get3A_23, %pad3A_26 in 1 : vector<32x10xf32>, vector<32x6xf32> -> vector<32x16xf32>
    %get3A_28 = arith.constant 0 : index
    %get3A_29 = arith.constant 0 : index
    %get3A_30 = vector.load %arg7[%get3A_28, %get3A_29] : memref<1x10xf32, #tpu.memory_space<vmem>>, vector<1x10xf32>
    %jit3A_31 = arith.constant 0 : i32
    %convert_element_type3A_32 = arith.sitofp %jit3A_31 : i32 to f32
    %pad3A_33 = vector.broadcast %convert_element_type3A_32 : f32 to vector<1x6xf32>
    %pad3A_34 = tpu.concatenate %get3A_30, %pad3A_33 in 1 : vector<1x10xf32>, vector<1x6xf32> -> vector<1x16xf32>
    %dot_general3A = arith.constant dense<0.000000e+00> : vector<2000x16xf32>
    %dot_general3A_35 = tpu.matmul %max3A_6, %pad3A_20, %dot_general3A {dimension_numbers = #tpu.dot_dimension_numbers<[1], [0], [0], [1], [0, 0, 1, 1], [], []>, transpose_lhs_hint = false} : vector<2000x32xf32>, vector<32x16xf32>, vector<2000x16xf32> -> vector<2000x16xf32>
    %convert_element_type3A_36 = arith.truncf %dot_general3A_35 : vector<2000x16xf32> to vector<2000x16xbf16>
    %swap3A = arith.constant 0 : index
    %swap3A_37 = arith.constant 0 : index
    %swap3A_38 = vector.load %arg8[%swap3A, %swap3A_37] : memref<2000x16xbf16, #tpu.memory_space<vmem>>, vector<2000x16xbf16>
    tpu.vector_store %arg8[%swap3A, %swap3A_37], %convert_element_type3A_36 {strides = array<i32>} : memref<2000x16xbf16, #tpu.memory_space<vmem>>, vector<2000x16xbf16>,
    %dot_general3A_39 = arith.constant dense<0.000000e+00> : vector<2000x16xf32>
    %dot_general3A_40 = tpu.matmul %max3A_16, %pad3A_27, %dot_general3A_39 {dimension_numbers = #tpu.dot_dimension_numbers<[1], [0], [0], [1], [0, 0, 1, 1], [], []>, transpose_lhs_hint = false} : vector<2000x32xf32>, vector<32x16xf32>, vector<2000x16xf32> -> vector<2000x16xf32>
    %add3A_41 = vector.broadcast %pad3A_34 : vector<1x16xf32> to vector<2000x16xf32>
    %add3A_42 = arith.addf %dot_general3A_40, %add3A_41 : vector<2000x16xf32>
    %swap3A_43 = arith.constant 0 : index
    %swap3A_44 = arith.constant 0 : index
    %swap3A_45 = vector.load %arg9[%swap3A_43, %swap3A_44] : memref<2000x16xf32, #tpu.memory_space<vmem>>, vector<2000x16xf32>
    tpu.vector_store %arg9[%swap3A_43, %swap3A_44], %add3A_42 {strides = array<i32>} : memref<2000x16xf32, #tpu.memory_space<vmem>>, vector<2000x16xf32>,
    return
  }
  func.func @transform_0(%arg0: i32) -> (i32, i32) {
    %c0_i32 = arith.constant 0 : i32
    %c0_i32_0 = arith.constant 0 : i32
    return %arg0, %c0_i32 : i32, i32
  }
  func.func @transform_1(%arg0: i32) -> (i32, i32) {
    %c0_i32 = arith.constant 0 : i32
    %c0_i32_0 = arith.constant 0 : i32
    return %arg0, %c0_i32 : i32, i32
  }
  func.func @transform_2(%arg0: i32) -> (i32, i32) {
    %c0_i32 = arith.constant 0 : i32
    %c0_i32_0 = arith.constant 0 : i32
    return %arg0, %c0_i32 : i32, i32
  }
  func.func @transform_3(%arg0: i32) -> (i32, i32) {
    %c0_i32 = arith.constant 0 : i32
    %c0_i32_0 = arith.constant 0 : i32
    return %arg0, %c0_i32 : i32, i32
  }
  func.func @transform_4(%arg0: i32) -> (i32, i32) {
    %c0_i32 = arith.constant 0 : i32
    %c0_i32_0 = arith.constant 0 : i32
    %c0_i32_1 = arith.constant 0 : i32
    return %c0_i32, %c0_i32_0 : i32, i32
  }
  func.func @transform_5(%arg0: i32) -> (i32, i32) {
    %c0_i32 = arith.constant 0 : i32
    %c0_i32_0 = arith.constant 0 : i32
    %c0_i32_1 = arith.constant 0 : i32
    return %c0_i32, %c0_i32_0 : i32, i32
  }
  func.func @transform_6(%arg0: i32) -> (i32, i32) {
    %c0_i32 = arith.constant 0 : i32
    %c0_i32_0 = arith.constant 0 : i32
    %c0_i32_1 = arith.constant 0 : i32
    return %c0_i32, %c0_i32_0 : i32, i32
  }
  func.func @transform_7(%arg0: i32) -> (i32, i32) {
    %c0_i32 = arith.constant 0 : i32
    %c0_i32_0 = arith.constant 0 : i32
    return %arg0, %c0_i32 : i32, i32
  }
  func.func @transform_8(%arg0: i32) -> (i32, i32) {
    %c0_i32 = arith.constant 0 : i32
    %c0_i32_0 = arith.constant 0 : i32
    return %arg0, %c0_i32 : i32, i32
  }
}

module attributes {stable_mosaic.version = 14 : i64} {
  func.func @_tc3_body(%arg0: i32, %arg1: memref<2000x16xbf16, #tpu.memory_space<vmem>>, %arg2: memref<2000x16xbf16, #tpu.memory_space<vmem>>, %arg3: memref<2000x16xf32, #tpu.memory_space<vmem>>, %arg4: memref<2000x1xi32, #tpu.memory_space<vmem>>, %arg5: memref<1x1xf32, #tpu.memory_space<vmem>>) attributes {dimension_semantics = [#tpu.dimension_semantics<arbitrary>], iteration_bounds = array<i64: 10>, scalar_prefetch = 0 : i64, scratch_operands = 0 : i64, tpu.core_type = #tpu.core_type<tc>, window_params = [{transform_indices = @transform_0, window_bounds = array<i64: 2000, 16>}, {transform_indices = @transform_1, window_bounds = array<i64: 2000, 16>}, {transform_indices = @transform_2, window_bounds = array<i64: 2000, 16>}, {transform_indices = @transform_3, window_bounds = array<i64: 2000, 1>}, {pipeline_mode = #tpu.pipeline_mode<synchronous>, transform_indices = @transform_4, window_bounds = array<i64: 1, 1>}]} {
    %get3A = arith.constant 0 : index
    %get3A_0 = arith.constant 0 : index
    %get3A_1 = vector.load %arg1[%get3A, %get3A_0] : memref<2000x16xbf16, #tpu.memory_space<vmem>>, vector<2000x16xbf16>
    %get3A_2 = arith.constant 0 : index
    %get3A_3 = arith.constant 0 : index
    %get3A_4 = vector.load %arg2[%get3A_2, %get3A_3] : memref<2000x16xbf16, #tpu.memory_space<vmem>>, vector<2000x16xbf16>
    %add3A = arith.addf %get3A_1, %get3A_4 : vector<2000x16xbf16>
    %convert_element_type3A = arith.extf %add3A : vector<2000x16xbf16> to vector<2000x16xf32>
    %get3A_5 = arith.constant 0 : index
    %get3A_6 = arith.constant 0 : index
    %get3A_7 = vector.load %arg3[%get3A_5, %get3A_6] : memref<2000x16xf32, #tpu.memory_space<vmem>>, vector<2000x16xf32>
    %add3A_8 = arith.addf %convert_element_type3A, %get3A_7 : vector<2000x16xf32>
    %iota3A = tpu.iota {dimensions = array<i32: 1>} : vector<2000x16xi32>
    %lt3A = arith.constant 10 : i32
    %lt3A_9 = vector.broadcast %lt3A : i32 to vector<2000x16xi32>
    %lt3A_10 = arith.cmpi slt, %iota3A, %lt3A_9 : vector<2000x16xi32>
    %jit3A = arith.constant -1.000000e+30 : f32
    %broadcast_in_dim3A = vector.broadcast %jit3A : f32 to vector<2000x16xf32>
    %select_n3A = arith.select %lt3A_10, %add3A_8, %broadcast_in_dim3A : vector<2000x16xi1>, vector<2000x16xf32>
    %reduce_max3A = arith.constant dense<0xFF800000> : vector<2000xf32>
    %reduce_max3A_11 = vector.multi_reduction <maximumf>, %select_n3A, %reduce_max3A [1] : vector<2000x16xf32> to vector<2000xf32>
    %broadcast_in_dim3A_12 = vector.shape_cast %reduce_max3A_11 : vector<2000xf32> to vector<2000x1xf32>
    %sub3A = vector.broadcast %broadcast_in_dim3A_12 : vector<2000x1xf32> to vector<2000x16xf32>
    %sub3A_13 = arith.subf %add3A_8, %sub3A : vector<2000x16xf32>
    %exp3A = math.exp %sub3A_13 : vector<2000x16xf32>
    %jit3A_14 = arith.constant 0.000000e+00 : f32
    %broadcast_in_dim3A_15 = vector.broadcast %jit3A_14 : f32 to vector<2000x16xf32>
    %select_n3A_16 = arith.select %lt3A_10, %exp3A, %broadcast_in_dim3A_15 : vector<2000x16xi1>, vector<2000x16xf32>
    %squeeze3A = vector.shape_cast %broadcast_in_dim3A_12 : vector<2000x1xf32> to vector<2000xf32>
    %reduce_sum3A = arith.constant dense<0.000000e+00> : vector<2000xf32>
    %reduce_sum3A_17 = vector.multi_reduction <add>, %select_n3A_16, %reduce_sum3A [1] : vector<2000x16xf32> to vector<2000xf32>
    %log3A = math.log %reduce_sum3A_17 : vector<2000xf32>
    %add3A_18 = arith.addf %squeeze3A, %log3A : vector<2000xf32>
    %get3A_19 = arith.constant 0 : index
    %get3A_20 = arith.constant 0 : index
    %get3A_21 = vector.load %arg4[%get3A_19, %get3A_20] : memref<2000x1xi32, #tpu.memory_space<vmem>>, vector<2000x1xi32>
    %eq3A = vector.broadcast %get3A_21 : vector<2000x1xi32> to vector<2000x16xi32>
    %eq3A_22 = arith.cmpi eq, %iota3A, %eq3A : vector<2000x16xi32>
    %jit3A_23 = arith.constant 0.000000e+00 : f32
    %broadcast_in_dim3A_24 = vector.broadcast %jit3A_23 : f32 to vector<2000x16xf32>
    %select_n3A_25 = arith.select %eq3A_22, %add3A_8, %broadcast_in_dim3A_24 : vector<2000x16xi1>, vector<2000x16xf32>
    %reduce_sum3A_26 = arith.constant dense<0.000000e+00> : vector<2000xf32>
    %reduce_sum3A_27 = vector.multi_reduction <add>, %select_n3A_25, %reduce_sum3A_26 [1] : vector<2000x16xf32> to vector<2000xf32>
    %sub3A_28 = arith.subf %add3A_18, %reduce_sum3A_27 : vector<2000xf32>
    %reduce_sum3A_29 = vector.shape_cast %sub3A_28 : vector<2000xf32> to vector<1x2000xf32>
    %reduce_sum3A_30 = arith.constant dense<0.000000e+00> : vector<1xf32>
    %reduce_sum3A_31 = vector.multi_reduction <add>, %reduce_sum3A_29, %reduce_sum3A_30 [1] : vector<1x2000xf32> to vector<1xf32>
    %reduce_sum3A_32 = vector.shape_cast %reduce_sum3A_31 : vector<1xf32> to vector<1x1xf32>
    %reduce_sum3A_33 = vector.extract %reduce_sum3A_32[0, 0] : f32 from vector<1x1xf32>
    %mul3A = arith.constant 5.000000e-05 : f32
    %mul3A_34 = arith.mulf %reduce_sum3A_33, %mul3A : f32
    %reshape3A = vector.broadcast %mul3A_34 : f32 to vector<1x1xf32>
    %eq3A_35 = arith.constant 0 : i32
    %eq3A_36 = arith.cmpi eq, %arg0, %eq3A_35 : i32
    %convert_element_type3A_37 = arith.extui %eq3A_36 : i1 to i32
    %cond3A = arith.constant 0 : i32
    %cond3A_38 = arith.cmpi ne, %convert_element_type3A_37, %cond3A : i32
    scf.if %cond3A_38 {
      %broadcast_in_dim3A_45 = arith.constant 0.000000e+00 : f32
      %broadcast_in_dim3A_46 = vector.broadcast %broadcast_in_dim3A_45 : f32 to vector<1x1xf32>
      %swap3A_47 = arith.constant 0 : index
      %swap3A_48 = arith.constant 0 : index
      %swap3A_49 = vector.load %arg5[%swap3A_47, %swap3A_48] : memref<1x1xf32, #tpu.memory_space<vmem>>, vector<1x1xf32>
      tpu.vector_store %arg5[%swap3A_47, %swap3A_48], %broadcast_in_dim3A_46 {strides = array<i32>} : memref<1x1xf32, #tpu.memory_space<vmem>>, vector<1x1xf32>,
    } else {
    }
    %get3A_39 = arith.constant 0 : index
    %get3A_40 = arith.constant 0 : index
    %get3A_41 = vector.load %arg5[%get3A_39, %get3A_40] : memref<1x1xf32, #tpu.memory_space<vmem>>, vector<1x1xf32>
    %add3A_42 = arith.addf %get3A_41, %reshape3A : vector<1x1xf32>
    %swap3A = arith.constant 0 : index
    %swap3A_43 = arith.constant 0 : index
    %swap3A_44 = vector.load %arg5[%swap3A, %swap3A_43] : memref<1x1xf32, #tpu.memory_space<vmem>>, vector<1x1xf32>
    tpu.vector_store %arg5[%swap3A, %swap3A_43], %add3A_42 {strides = array<i32>} : memref<1x1xf32, #tpu.memory_space<vmem>>, vector<1x1xf32>,
    return
  }
  func.func @transform_0(%arg0: i32) -> (i32, i32) {
    %c0_i32 = arith.constant 0 : i32
    %c0_i32_0 = arith.constant 0 : i32
    return %arg0, %c0_i32 : i32, i32
  }
  func.func @transform_1(%arg0: i32) -> (i32, i32) {
    %c0_i32 = arith.constant 0 : i32
    %c0_i32_0 = arith.constant 0 : i32
    return %arg0, %c0_i32 : i32, i32
  }
  func.func @transform_2(%arg0: i32) -> (i32, i32) {
    %c0_i32 = arith.constant 0 : i32
    %c0_i32_0 = arith.constant 0 : i32
    return %arg0, %c0_i32 : i32, i32
  }
  func.func @transform_3(%arg0: i32) -> (i32, i32) {
    %c0_i32 = arith.constant 0 : i32
    %c0_i32_0 = arith.constant 0 : i32
    return %arg0, %c0_i32 : i32, i32
  }
  func.func @transform_4(%arg0: i32) -> (i32, i32) {
    %c0_i32 = arith.constant 0 : i32
    %c0_i32_0 = arith.constant 0 : i32
    %c0_i32_1 = arith.constant 0 : i32
    return %c0_i32, %c0_i32_0 : i32, i32
  }
}

</mosaic_0001>

<sc_bundles>
// kernel: kernel.10.cloned.1.call-start
scs
__scs_entry_jumppad:
0x0: {  	(pc) =	sbr.rel $0x88, $3  }
0x1: {  	(tag) =	ssettag $0x0;
	lr =	simm.s32 $0x1  }
0x2: {  	[smem:$0x3F93] =	sst lr;
	_ =	strace $0xD0000000  }
0x3: {  	_ = 	snop  }
0x4: {  	_ = 	snop  }
0x5: {  	_ = 	snop  }
0x6: {  	_ = 	snop  }
0x7: {  	_ = 	snop  }
__scs_overlays_trampoline_lowered:
0x8: {  	[smem:$0x3FA2] =	sst s0  }
0x9: {  	[smem:$0x3FA3] =	sst s1  }
0xa: {  	[smem:$0x3FA4] =	sst s2  }
0xb: {  	[smem:$0x3FA5] =	sst s3  }
0xc: {  	[smem:$0x3FA6] =	sst s4  }
0xd: {  	[smem:$0x3FA7] =	sst s5  }
0xe: {  	[smem:$0x3FA8] =	sst s6  }
0xf: {  	[smem:$0x3FA9] =	sst s7  }
0x10: {  	[smem:$0x3FAA] =	sst s8  }
0x11: {  	[smem:$0x3FAB] =	sst s9;
	s0 =	simm.s32 @!p0 $0x0  }
0x12: {  	s1 =	sld [smem:$0x3F91];
	s0 =	simm.s32 @p0 $0x1  }
0x13: {  	[smem:$0x3FAC] =	sst s0;
	s0 =	simm.s32 @!p1 $0x0  }
0x14: {  	s2 =	sld [smem:$0x3F90];
	s0 =	simm.s32 @p1 $0x1  }
0x15: {  	[smem:$0x3FAD] =	sst s0;
	s0 =	simm.s32 @!p2 $0x0  }
0x16: {  	s3 =	sld [smem:$0x3FDB];
	s0 =	simm.s32 @p2 $0x1  }
0x17: {  	s4 =	simm.s32 $0x1BF5;
	[smem:$0x3FAF] =	sst s0  }
0x18: {  	s0 =	sld [smem:$0x3F92];
	_ =	swait.ge [sflag:s4], $0x0  }
0x19: {  	s7 =	sld [smem:$0x3F93]  }
0x1a: {  	s8 =	sadd.s32 $0xFFFFE003, lr  }
0x1b: {  	s9 =	sadd.s32 $0xFFFFFEF7, lr;
	s5 =	simm.s32 $0xFFFFFFFF;
	p2 =	slt.u32 s8, $0xFFFFF086  }
0x1c: {  	p1 =	slt.u32 s9, $0xF7A;
	s5 =	simm.s32 @!p2 $0x0  }
0x1d: {  	s5 =	simm.s32 @p1 $0x1;
	p0 =	seq.s32 s7, s2  }
0x1e: {  	s7 =	smul.u32 @!p0 $0xF7A, s2;
	p2 =	seq.s32 @!p0 s5, $0x0  }
0x1f: {  	s9 =	smul.u32 $0xF7A, s1;
	s8 =	simm.s32 @!p0 $0x1BF5;
	p2 =	por !p2, p0  }
0x20: {  	[sflag:s8] =	ssyncset.s32 @!p0 $0xFFFFF086;
	s6 =	sadd.s32 @!p0 s3, s7;
	s7 =	simm.s32 @!p0 $0x108  }
0x21: {  	s3 =	sadd.s32 s3, s9;
	s6 =	sadd.s32 @!p0 $0x88, s6;
	s7 =	simm.s32 @p2 $0x1082  }
0x22: {  	[simem:s7], [sflag:s8] =	dma.local @!p0 [hbm:s6], $0xF7A  }
0x23: {  	s9 =	sor.u32 $0xD0000000, s2;
	s6 =	simm.s32 $0x108;
	_ =	swait.ge @!p0 [sflag:s8], $0x0  }
0x24: {  	s3 =	sadd.s32 $0x88, s3;
	s6 =	simm.s32 @!p1 $0x1082;
	[sflag:s4] =	ssyncset.s32 $0xFFFFF086  }
0x25: {  	[simem:s6], [sflag:s4] =	dma.local [hbm:s3], $0xF7A  }
0x26: {  	[smem:$0x3F93] =	sst s1;
	(tag) =	ssettag s2;
	_ =	strace s9  }
0x27: {  	s1 =	sld [smem:$0x3FA3]  }
0x28: {  	s2 =	sld [smem:$0x3FA4]  }
0x29: {  	s4 =	sld [smem:$0x3FA6]  }
0x2a: {  	p0 =	seq.s32 s5, $0x0;
	s5 =	sld [smem:$0x3FA7]  }
0x2b: {  	s6 =	sld [smem:$0x3FA8]  }
0x2c: {  	s7 =	sld [smem:$0x3FA9]  }
0x2d: {  	s3 =	simm.s32 $0x108;
	s8 =	sld [smem:$0x3FAA]  }
0x2e: {  	s3 =	simm.s32 @!p0 $0x1082;
	s9 =	sld [smem:$0x3FAB]  }
0x2f: {  	lr =	sadd.s32 s0, s3;
	s0 =	sld [smem:$0x3FA2]  }
0x30: {  	s3 =	sld [smem:$0x3FA5]  }
0x31: {  	[smem:$0x3FAE] =	sst s10  }
0x32: {  	s10 =	sld [smem:$0x3FAC];
	_ =	sdelay $0x3  }
0x33: {  	p0 =	seq.s32 s10, $0x1;
	s10 =	sld [smem:$0x3FAE];
	_ =	sdelay $0x3  }
0x34: {  	[smem:$0x3FAE] =	sst s10  }
0x35: {  	s10 =	sld [smem:$0x3FAD];
	_ =	sdelay $0x3  }
0x36: {  	p1 =	seq.s32 s10, $0x1;
	s10 =	sld [smem:$0x3FAE];
	_ =	sdelay $0x3  }
0x37: {  	[smem:$0x3FAE] =	sst s10  }
0x38: {  	s10 =	sld [smem:$0x3FAF]  }
0x39: {  	_ = 	snop;
	(pc) =	sbr.ind lr, $3  }
0x3a: {  	_ = 	snop  }
0x3b: {  	_ = 	snop  }
0x3c: {  	p2 =	seq.s32 s10, $0x1;
	s10 =	sld [smem:$0x3FAE]  }
0x3d: {  	_ =	shalt  }
0x3e: {  	_ =	shalt  }
0x3f: {  	_ =	shalt  }
0x40: {  	_ =	shalt  }
0x41: {  	_ =	shalt  }
0x42: {  	_ =	shalt  }
0x43: {  	_ =	shalt  }
0x44: {  	_ =	shalt  }
0x45: {  	_ =	shalt  }
0x46: {  	_ =	shalt  }
0x47: {  	_ =	shalt  }
0x48: {  	_ =	shalt  }
0x49: {  	_ =	shalt  }
0x4a: {  	_ =	shalt  }
0x4b: {  	_ =	shalt  }
0x4c: {  	_ =	shalt  }
0x4d: {  	_ =	shalt  }
0x4e: {  	_ =	shalt  }
0x4f: {  	_ =	shalt  }
0x50: {  	_ =	shalt  }
0x51: {  	_ =	shalt  }
0x52: {  	_ =	shalt  }
0x53: {  	_ =	shalt  }
0x54: {  	_ =	shalt  }
0x55: {  	_ =	shalt  }
0x56: {  	_ =	shalt  }
0x57: {  	_ =	shalt  }
0x58: {  	_ =	shalt  }
0x59: {  	_ =	shalt  }
0x5a: {  	_ =	shalt  }
0x5b: {  	_ =	shalt  }
0x5c: {  	_ =	shalt  }
0x5d: {  	_ =	shalt  }
0x5e: {  	_ =	shalt  }
0x5f: {  	_ =	shalt  }
0x60: {  	_ =	shalt  }
0x61: {  	_ =	shalt  }
0x62: {  	_ =	shalt  }
0x63: {  	_ =	shalt  }
0x64: {  	_ =	shalt  }
0x65: {  	_ =	shalt  }
0x66: {  	_ =	shalt  }
0x67: {  	_ =	shalt  }
0x68: {  	_ =	shalt  }
0x69: {  	_ =	shalt  }
0x6a: {  	_ =	shalt  }
0x6b: {  	_ =	shalt  }
0x6c: {  	_ =	shalt  }
0x6d: {  	_ =	shalt  }
0x6e: {  	_ =	shalt  }
0x6f: {  	_ =	shalt  }
0x70: {  	_ =	shalt  }
0x71: {  	_ =	shalt  }
0x72: {  	_ =	shalt  }
0x73: {  	_ =	shalt  }
0x74: {  	_ =	shalt  }
0x75: {  	_ =	shalt  }
0x76: {  	_ =	shalt  }
0x77: {  	_ =	shalt  }
0x78: {  	_ =	shalt  }
0x79: {  	_ =	shalt  }
0x7a: {  	_ =	shalt  }
0x7b: {  	_ =	shalt  }
0x7c: {  	_ =	shalt  }
0x7d: {  	_ =	shalt  }
0x7e: {  	_ =	shalt  }
0x7f: {  	_ =	shalt  }
0x80: {  	_ =	shalt  }
0x81: {  	_ =	shalt  }
0x82: {  	_ =	shalt  }
0x83: {  	_ =	shalt  }
0x84: {  	_ =	shalt  }
0x85: {  	_ =	shalt  }
0x86: {  	_ =	shalt  }
0x87: {  	_ =	shalt  }
.Lfunc_end0:
.L_simem_size_0:
called_computation.1_lowered:
.L_overlay_start_0:
0x88: {  	s2 =	sld [smem:$0x3FD9]  }
0x89: {  	s3 =	sld [smem:$0x3FFE];
	_ =	sdelay $0x1  }
0x8a: {  	s1 =	srdreg.scid  }
0x8b: {  	s0 =	sand.u32 $0x1, s1  }
0x8c: {  	s16 =	sshll.u32 s0, $0xA;
	s2 =	sadd.s32 s3, s2  }
0x8d: {  	s2 =	sadd.s32 s2, s16  }
0x8e: {  	[smem:$0x3FBA] =	sst s2  }
0x8f: {  	_ = 	snop  }
0x90: {  	(tm) =	ssettm $0x1  }
0x91: {  	s17 =	sld [smem:$0x3FFB];
	_ =	sdelay $0x3  }
0x92: {  	_ =	strace s17  }
0x93: {  	s2 =	sld [smem:$0x3FFC];
	_ =	sdelay $0x3  }
0x94: {  	_ =	strace s2  }
0x95: {  	s2 =	sld [smem:$0x3FFD];
	_ =	sdelay $0x3  }
0x96: {  	_ =	strace s2  }
0x97: {  	_ =	strace $0x8FFFFFFF  }
0x98: {  	s18 =	sld [smem:$0x3FDB];
	_ =	sdelay $0x1  }
0x99: {  	s19 =	simm.s32 $_scs_section_size  }
0x9a: {  	s4 =	simm.s32 $_size__tile_overlayer_lowered;
	s5 =	simm.s32 $_tile_overlayer_lowered  }
0x9b: {  	s22 =	simm.s32 $0x1BFF;
	s21 =	sshll.u32 s5, $0x1;
	s2 =	sadd.s32 s19, s18  }
0x9c: {  	s6 =	simm.s32 $0x0;
	s20 =	sshll.u32 s4, $0x1;
	s4 =	sadd.s32 s21, s2  }
0x9d: {  	[timem:s6], [sflag:s22] =	dma.local [hbm:s4], s20  }
0x9e: {  	_ =	swait.ge [sflag:s22], s20  }
0x9f: {  	s3 =	ssub.s32 $0x0, s20;
	[sflag:s22] =	ssyncset.done $0x0  }
0xa0: {  	[sflag:s22] =	ssyncadd.s32 s3;
	_ =	sdelay $0x1  }
0xa1: {  	s23 =	simm.s32 $0x1B8B  }
0xa2: {  	_ =	swait.ge [sflag:s23], $0x1  }
0xa3: {  	[sflag:s23] =	ssyncset.done $0x0  }
0xa4: {  	s25 =	simm.s32 $0x1B8E;
	s24 =	sld [smem:$0x3FFE];
	[sflag:s23] =	ssyncadd.s32 $0xFFFFFFFF  }
0xa5: {  	s26 =	simm.s32 $execute0_lowered;
	[smem:$0x3FD2] =	sst s25  }
0xa6: {  	s4 =	sshll.u32 s26, $0x1;
	_ =	strace $0x80000049;
	[dreg:$0x1] =	wrdreg $0xFFFFFFFF  }
0xa7: {  	s28 =	simm.s32 $_size_execute0_lowered;
	s2 =	sadd.s32 s2, s4;
	[dreg:$0x0] =	wrdreg $0x0  }
0xa8: {  	s4 =	sshll.u32 s28, $0x1;
	[dreg:$0x2] =	wrdreg s2  }
0xa9: {  	[dreg:$0x3] =	wrdreg s4  }
0xaa: {  	[dreg:$0x4] =	wrdreg $0xC0  }
0xab: {  	_ =	task [dreg:s6], $0x5FFFF  }
0xac: {  	[dreg:$0x1] =	wrdreg $0xFFFFFFFF  }
0xad: {  	[dreg:$0x0] =	wrdreg $0x60  }
0xae: {  	[dreg:$0x2] =	wrdreg s24  }
0xaf: {  	[dreg:$0x3] =	wrdreg $0x0  }
0xb0: {  	[dreg:$0x4] =	wrdreg $0x9  }
0xb1: {  	_ =	task.clear_ibuf [dreg:s6], $0x5FFFF;
	_ =	strace $0x90000049  }
0xb2: {  	s29 =	simm.s32 $0x9;
	_ =	strace $0x8000004B  }
0xb3: {  	_ =	swait.ge [sflag:s29], $0x1  }
0xb4: {  	[sflag:s29] =	ssyncadd.s32 $0xFFFFFFFF  }
0xb5: {  	_ =	strace $0x9000004B  }
0xb6: {  	_ =	sfence  }
0xb7: {  	s30 =	sld [smem:$0x0];
	_ =	sdelay $0x2  }
0xb8: {  	s31 =	sshll.u32 s1, $0xD;
	s1 =	sshrl.u32 s1, $0x2  }
0xb9: {  	s3 =	sand.u32 $0x4000, s31;
	s1 =	sadd.s32 s1, s30  }
0xba: {  	s0 =	sor.u32 s3, s0;
	s1 =	sshll.u32 s1, $0x11  }
0xbb: {  	s0 =	sor.u32 s1, s0  }
0xbc: {  	s0 =	sadd.s32 $0x8F2B, s0  }
0xbd: {  	[sflag:s0] =	ssyncadd.remote.s32 $0x1  }
0xbe: {  	_ =	sfence.sel $0xFFFF  }
0xbf: {  	[dreg:$0x0] =	wrdreg $0xFFFFFFFF;
	(pc) =	sbr.abs _section_cstart, $3  }
0xc0: {  	[dreg:$0x1] =	wrdreg $0xFFFFFFFF  }
0xc1: {  	_ =	task.clear_ibuf [dreg:s6], $0x2FFFF;
	_ =	strace $0x9FFFFFFF  }
0xc2: {  	(tm) =	ssettm $0x7FFFFFFF  }
0xc3: {  	_ =	shalt  }
tec
execute0_lowered:
.L_overlay_start_1:
0x0: {  	(tag) =	ssettag $0x1  }
0x1: {  	s0 =	rddreg [dreg:$0x0];
	s1 =	srdreg.scid  }
0x2: {  	s2 =	rddreg [dreg:$0x1];
	s9 =	stileid.u32  }
0x3: {  	s5 =	simm.s32 $0x0;
	s14 =	simm.s32 $0x3;
	s15 =	simm.s32 $0x2800  }
0x4: {  	s16 =	simm.s32 $0x4F10;
	s17 =	simm.s32 $0x50;
	s18 =	simm.s32 $0x7620  }
0x5: {  	s28 =	simm.s32 $0x8020;
	s29 =	simm.s32 $0x4F60;
	s30 =	simm.s32 $0x2  }
0x6: {  	s31 =	simm.s32 $0x2990;
	s1 =	sand.u32 $0x1, s1;
	s4 =	smul.u32 $0x4E20, s9  }
0x7: {  	[smem:$0x7FF] =	sst s5;
	s20 =	smul.u32 $0x5000, s9;
	s6 =	sadd.s32 $0x8EA00, s0  }
0x8: {  	s9 =	sshll.u32 s9, $0x6;
	s5 =	simm.s32 $0x2A30;
	s3 =	smul.u32 $0x4E200, s1  }
0x9: {  	_ =	strace $0x8000004A;
	[dreg:$0x3] =	wrdreg s6;
	s21 =	ssub.s32 $0x2, s1  }
0xa: {  	s6 =	sor.u32 $0x1C03, s9;
	p0 =	seq.s32 s1, $0x1;
	s1 =	simm.s32 $0x8E00  }
0xb: {  	s9 =	simm.s32 $0x0;
	s7 =	sshrl.u32 s21, $0x1;
	s8 =	sshrl.u32 s20, $0x1  }
0xc: {  	s1 =	simm.s32 @!p0 $0xDE00;
	s25 =	sshrl.u32 s20, $0x4;
	s20 =	simm.s32 $0x78A0  }
0xd: {  	s3 =	sadd.s32 s4, s3;
	s4 =	sadd.s32 $0x3E00, s0;
	s7 =	ssub.s32 s21, s7  }
0xe: {  	s8 =	sadd.s32 s8, s2;
	s3 =	sshrl.u32 s3, $0x3;
	s26 =	smax.u32 s7, $0x1  }
0xf: {  	s13 =	sshrl.u32 s8, $0x3;
	s7 =	simm.s32 $0x5050;
	s3 =	sadd.s32 s3, s0  }
0x10: {  	s8 =	simm.s32 $0x2A80;
	[dreg:$0x8] =	wrdreg s26;
	s22 =	sadd.s32 $0x2B200, s3  }
0x11: {  	s0 =	sadd.s32 s1, s0;
	s23 =	sadd.s32 $0x3EA80, s3;
	[dreg:$0x4] =	wrdreg s22  }
.Ltmp0:
0x12: {  	s24 =	sadd.s32 $0x2B6E2, s3;
	[dreg:$0x5] =	wrdreg s23;
	(pc) =	sbr.rel .LBB2_1-.Ltmp0, $4  }
0x13: {  	s26 =	simm.s32 $0x2940;
	s3 =	sadd.s32 $0x3EF62, s3;
	[dreg:$0x6] =	wrdreg s24  }
0x14: {  	s1 =	simm.s32 $0x29E0;
	s0 =	sadd.s32 s0, s25;
	[dreg:$0x7] =	wrdreg s3  }
0x15: {  	s25 =	simm.s32 $0x1;
	[dreg:$0x9] =	wrdreg s0;
	s22 =	simm.s32 $0x7B20  }
0x16: {  	s24 =	simm.s32 $0x7DA0;
	s0 =	simm.s32 $0x4FB0;
	s3 =	simm.s32 $0x5000  }
.LBB2_7:
0x17: {  	_ =	swait.ge [sflag:s25], $0x280  }
0x18: {  	[sflag:s25] =	ssyncset.done $0x0  }
0x19: {  	[sflag:s25] =	ssyncadd.s32 $0xFFFFFD80  }
0x1a: {  	[spmem:s2] =	stream.indirect.scatter.add.bf16 [tilespmem:s28], [sflag:$0x2], $0x8, s12, s17, $0xb8;
	[tilespmem:$0x82A0] =	vst v63  }
0x1b: {  	_ =	swait.ge [sflag:s30], $0x280  }
0x1c: {  	[sflag:s30] =	ssyncset.done $0x0  }
0x1d: {  	[sflag:s30] =	ssyncadd.s32 $0xFFFFFD80  }
0x1e: {  	_ =	swait.ge [sflag:s30], $0x280  }
0x1f: {  	[sflag:s30] =	ssyncset.done $0x0  }
0x20: {  	[sflag:s30] =	ssyncadd.s32 $0xFFFFFD80  }
0x21: {  	[bflag:$0x0] =	sbarrier.arrive $0xFFFF  }
0x22: {  	s10 =	rddreg [dreg:$0x9]  }
0x23: {  	[hbm:s10], [sflag:s6] =	dma.local [spmem:s13], $0x500  }
0x24: {  	_ =	swait.ge [sflag:s14], $0x500  }
0x25: {  	s9 =	sadd.s32 $0x1, s9;
	s23 =	rddreg [dreg:$0x8]  }
0x26: {  	p0 =	sne.s32 s9, s23  }
.Ltmp1:
0x27: {  	_ = 	snop;
	(pc) =	sbr.rel @!p0 .LBB2_8-.Ltmp1, $3  }
0x28: {  	_ =	sdelay $0x1  }
0x29: {  	[sflag:s14] =	ssyncset.done $0x0  }
0x2a: {  	[sflag:s14] =	ssyncadd.s32 $0xFFFFFB00  }
.LBB2_1:
0x2b: {  	s10 =	rddreg [dreg:$0x3]  }
0x2c: {  	[spmem:s13], [sflag:s6] =	dma.local [hbm:s10], $0x500  }
0x2d: {  	_ =	swait.ge [sflag:s14], $0x500  }
0x2e: {  	[sflag:s14] =	ssyncset.done $0x0  }
0x2f: {  	[sflag:s14] =	ssyncadd.s32 $0xFFFFFB00  }
0x30: {  	[bflag:$0x0] =	sbarrier.arrive $0xFFFF  }
0x31: {  	s23 =	simm.s32 $0x0;
	s11 =	rddreg [dreg:$0x4]  }
0x32: {  	[tilespmem:s15], [sflag:$0x3] =	stream.linear.gather [hbm4b:s11+s23], $0x2710, $0x38;
	[tilespmem:$0x82A0] =	vst v63  }
0x33: {  	_ =	swait.ge [sflag:s14], $0x2710  }
0x34: {  	[sflag:s14] =	ssyncset.done $0x0  }
0x35: {  	s12 =	rddreg [dreg:$0x5];
	[sflag:s14] =	ssyncadd.s32 $0xFFFFD8F0  }
0x36: {  	[tilespmem:s16], [sflag:$0x3] =	stream.linear.gather [hbm4b:s12+s23], $0x2710, $0x38;
	[tilespmem:$0x82A0] =	vst v63  }
0x37: {  	_ =	swait.ge [sflag:s14], $0x2710  }
0x38: {  	[sflag:s14] =	ssyncset.done $0x0  }
0x39: {  	[sflag:s14] =	ssyncadd.s32 $0xFFFFD8F0  }
0x3a: {  	[tilespmem:s18], [sflag:$0x1] =	stream.indirect.gather [hbm4b:s4+s17], $0x8, s15, s17, $0xb8;
	[tilespmem:$0x82A0] =	vst v63  }
0x3b: {  	s19 =	simm.s32 $0x2850  }
0x3c: {  	[tilespmem:s20], [sflag:$0x1] =	stream.indirect.gather [hbm4b:s4+s17], $0x8, s19, s17, $0xb8;
	[tilespmem:$0x82A0] =	vst v63  }
0x3d: {  	s21 =	simm.s32 $0x28A0  }
0x3e: {  	[tilespmem:s22], [sflag:$0x1] =	stream.indirect.gather [hbm4b:s4+s17], $0x8, s21, s17, $0xb8;
	[tilespmem:$0x82A0] =	vst v63  }
0x3f: {  	s23 =	simm.s32 $0x28F0  }
0x40: {  	[tilespmem:s24], [sflag:$0x1] =	stream.indirect.gather [hbm4b:s4+s17], $0x8, s23, s17, $0xb8;
	[tilespmem:$0x82A0] =	vst v63  }
0x41: {  	_ =	swait.ge [sflag:s25], $0x280  }
0x42: {  	[sflag:s25] =	ssyncset.done $0x0  }
0x43: {  	[sflag:s25] =	ssyncadd.s32 $0xFFFFFD80  }
0x44: {  	[spmem:s2] =	stream.indirect.scatter.add.bf16 [tilespmem:s18], [sflag:$0x2], $0x8, s16, s17, $0xb8;
	[tilespmem:$0x82A0] =	vst v63  }
0x45: {  	_ = 	snop  }
0x46: {  	[tilespmem:s28], [sflag:$0x1] =	stream.indirect.gather [hbm4b:s4+s17], $0x8, s26, s17, $0xb8;
	[tilespmem:$0x82A0] =	vst v63  }
0x47: {  	_ =	swait.ge [sflag:s25], $0x280  }
0x48: {  	[sflag:s25] =	ssyncset.done $0x0  }
0x49: {  	[sflag:s25] =	ssyncadd.s32 $0xFFFFFD80  }
0x4a: {  	[spmem:s2] =	stream.indirect.scatter.add.bf16 [tilespmem:s20], [sflag:$0x2], $0x8, s29, s17, $0xb8;
	[tilespmem:$0x82A0] =	vst v63  }
0x4b: {  	_ =	swait.ge [sflag:s30], $0x280  }
0x4c: {  	[sflag:s30] =	ssyncset.done $0x0  }
0x4d: {  	[sflag:s30] =	ssyncadd.s32 $0xFFFFFD80  }
0x4e: {  	[tilespmem:s18], [sflag:$0x1] =	stream.indirect.gather [hbm4b:s4+s17], $0x8, s31, s17, $0xb8;
	[tilespmem:$0x82A0] =	vst v63  }
0x4f: {  	_ =	swait.ge [sflag:s25], $0x280  }
0x50: {  	[sflag:s25] =	ssyncset.done $0x0  }
0x51: {  	[sflag:s25] =	ssyncadd.s32 $0xFFFFFD80  }
0x52: {  	[spmem:s2] =	stream.indirect.scatter.add.bf16 [tilespmem:s22], [sflag:$0x2], $0x8, s0, s17, $0xb8;
	[tilespmem:$0x82A0] =	vst v63  }
0x53: {  	_ =	swait.ge [sflag:s30], $0x280  }
0x54: {  	[sflag:s30] =	ssyncset.done $0x0  }
0x55: {  	[sflag:s30] =	ssyncadd.s32 $0xFFFFFD80  }
0x56: {  	[tilespmem:s20], [sflag:$0x1] =	stream.indirect.gather [hbm4b:s4+s17], $0x8, s1, s17, $0xb8;
	[tilespmem:$0x82A0] =	vst v63  }
0x57: {  	_ =	swait.ge [sflag:s25], $0x280  }
0x58: {  	[sflag:s25] =	ssyncset.done $0x0  }
0x59: {  	[sflag:s25] =	ssyncadd.s32 $0xFFFFFD80  }
0x5a: {  	[spmem:s2] =	stream.indirect.scatter.add.bf16 [tilespmem:s24], [sflag:$0x2], $0x8, s3, s17, $0xb8;
	[tilespmem:$0x82A0] =	vst v63  }
0x5b: {  	_ =	swait.ge [sflag:s30], $0x280  }
0x5c: {  	[sflag:s30] =	ssyncset.done $0x0  }
0x5d: {  	[sflag:s30] =	ssyncadd.s32 $0xFFFFFD80  }
0x5e: {  	[tilespmem:s22], [sflag:$0x1] =	stream.indirect.gather [hbm4b:s4+s17], $0x8, s5, s17, $0xb8;
	[tilespmem:$0x82A0] =	vst v63  }
0x5f: {  	_ =	swait.ge [sflag:s25], $0x280  }
0x60: {  	[sflag:s25] =	ssyncset.done $0x0  }
0x61: {  	[sflag:s25] =	ssyncadd.s32 $0xFFFFFD80  }
0x62: {  	[spmem:s2] =	stream.indirect.scatter.add.bf16 [tilespmem:s28], [sflag:$0x2], $0x8, s7, s17, $0xb8;
	[tilespmem:$0x82A0] =	vst v63  }
0x63: {  	_ =	swait.ge [sflag:s30], $0x280  }
0x64: {  	[sflag:s30] =	ssyncset.done $0x0  }
0x65: {  	s10 =	simm.s32 $0x0;
	[sflag:s30] =	ssyncadd.s32 $0xFFFFFD80  }
0x66: {  	[tilespmem:s24], [sflag:$0x1] =	stream.indirect.gather [hbm4b:s4+s17], $0x8, s8, s17, $0xb8;
	[tilespmem:$0x82A0] =	vst v63  }
.LBB2_2:
0x67: {  	_ =	swait.ge [sflag:s25], $0x280  }
0x68: {  	s11 =	sshra.s32 s10, $0x2;
	[sflag:s25] =	ssyncset.done $0x0  }
0x69: {  	s12 =	sadd.s32 $0x50A0, s11;
	[sflag:s25] =	ssyncadd.s32 $0xFFFFFD80  }
0x6a: {  	[spmem:s2] =	stream.indirect.scatter.add.bf16 [tilespmem:s18], [sflag:$0x2], $0x8, s12, s17, $0xb8;
	[tilespmem:$0x82A0] =	vst v63  }
0x6b: {  	_ =	swait.ge [sflag:s30], $0x280  }
0x6c: {  	[sflag:s30] =	ssyncset.done $0x0  }
0x6d: {  	s19 =	sadd.s32 $0x2AD0, s11;
	[sflag:s30] =	ssyncadd.s32 $0xFFFFFD80  }
0x6e: {  	[tilespmem:s28], [sflag:$0x1] =	stream.indirect.gather [hbm4b:s4+s17], $0x8, s19, s17, $0xb8;
	[tilespmem:$0x82A0] =	vst v63  }
0x6f: {  	_ =	swait.ge [sflag:s25], $0x280  }
0x70: {  	[sflag:s25] =	ssyncset.done $0x0  }
0x71: {  	s21 =	sadd.s32 $0x50F0, s11;
	[sflag:s25] =	ssyncadd.s32 $0xFFFFFD80  }
0x72: {  	[spmem:s2] =	stream.indirect.scatter.add.bf16 [tilespmem:s20], [sflag:$0x2], $0x8, s21, s17, $0xb8;
	[tilespmem:$0x82A0] =	vst v63  }
0x73: {  	_ =	swait.ge [sflag:s30], $0x280  }
0x74: {  	p0 =	seq.s32 s10, $0x8FC0;
	[sflag:s30] =	ssyncset.done $0x0  }
0x75: {  	s12 =	simm.s32 @p0 $0x1;
	[sflag:s30] =	ssyncadd.s32 $0xFFFFFD80  }
0x76: {  	_ =	swait.ge @p0 [sflag:s12], $0x280  }
0x77: {  	[sflag:s12] =	ssyncset.done @p0 $0x0  }
0x78: {  	[sflag:s12] =	ssyncadd.s32 @p0 $0xFFFFFD80;
	s12 =	sshra.s32 @p0 s10, $0x2  }
0x79: {  	s19 =	simm.s32 @p0 $0x50;
	s21 =	simm.s32 @p0 $0x7B20;
	s12 =	sadd.s32 @p0 $0x5140, s12  }
0x7a: {  	[spmem:s2] =	stream.indirect.scatter.add.bf16 @p0 [tilespmem:s21], [sflag:$0x2], $0x8, s12, s19, $0xb8;
	[tilespmem:$0x82A0] =	vst v63  }
0x7b: {  	s12 =	simm.s32 @p0 $0x2  }
0x7c: {  	_ =	swait.ge @p0 [sflag:s12], $0x280  }
0x7d: {  	[sflag:s12] =	ssyncset.done @p0 $0x0  }
0x7e: {  	[sflag:s12] =	ssyncadd.s32 @p0 $0xFFFFFD80;
	s12 =	sshra.s32 @!p0 s10, $0x2  }
0x7f: {  	s23 =	simm.s32 @!p0 $0x7620;
	s21 =	simm.s32 @!p0 $0x50;
	s19 =	sadd.s32 @!p0 $0x2B20, s12  }
0x80: {  	[tilespmem:s23], [sflag:$0x1] =	stream.indirect.gather @!p0 [hbm4b:s4+s21], $0x8, s19, s21, $0xb8;
	[tilespmem:$0x82A0] =	vst v63  }
0x81: {  	s19 =	simm.s32 @!p0 $0x1  }
0x82: {  	_ =	swait.ge @!p0 [sflag:s19], $0x280  }
0x83: {  	[sflag:s19] =	ssyncset.done @!p0 $0x0  }
0x84: {  	s23 =	simm.s32 @!p0 $0x7B20;
	[sflag:s19] =	ssyncadd.s32 @!p0 $0xFFFFFD80;
	s19 =	sadd.s32 @!p0 $0x5140, s12  }
0x85: {  	[spmem:s2] =	stream.indirect.scatter.add.bf16 @!p0 [tilespmem:s23], [sflag:$0x2], $0x8, s19, s21, $0xb8;
	[tilespmem:$0x82A0] =	vst v63  }
0x86: {  	s19 =	simm.s32 @!p0 $0x2  }
0x87: {  	_ =	swait.ge @!p0 [sflag:s19], $0x280  }
0x88: {  	[sflag:s19] =	ssyncset.done @!p0 $0x0  }
0x89: {  	s12 =	sadd.s32 @!p0 $0x2B70, s12;
	[sflag:s19] =	ssyncadd.s32 @!p0 $0xFFFFFD80;
	s19 =	simm.s32 @!p0 $0x78A0  }
0x8a: {  	[tilespmem:s19], [sflag:$0x1] =	stream.indirect.gather @!p0 [hbm4b:s4+s21], $0x8, s12, s21, $0xb8;
	[tilespmem:$0x82A0] =	vst v63  }
0x8b: {  	_ =	swait.ge [sflag:s25], $0x280  }
0x8c: {  	[sflag:s25] =	ssyncset.done $0x0  }
.Ltmp2:
0x8d: {  	s23 =	sadd.s32 $0x5190, s11;
	[sflag:s25] =	ssyncadd.s32 $0xFFFFFD80;
	(pc) =	sbr.rel @p0 .LBB2_4-.Ltmp2, $4  }
0x8e: {  	[spmem:s2] =	stream.indirect.scatter.add.bf16 [tilespmem:s24], [sflag:$0x2], $0x8, s23, s17, $0xb8;
	[tilespmem:$0x82A0] =	vst v63  }
0x8f: {  	_ =	swait.ge [sflag:s30], $0x280  }
0x90: {  	[sflag:s30] =	ssyncset.done $0x0  }
0x91: {  	s12 =	sadd.s32 $0x51E0, s11;
	[sflag:s30] =	ssyncadd.s32 $0xFFFFFD80  }
0x92: {  	s19 =	sadd.s32 $0x2BC0, s11  }
0x93: {  	[tilespmem:s22], [sflag:$0x1] =	stream.indirect.gather [hbm4b:s4+s17], $0x8, s19, s17, $0xb8;
	[tilespmem:$0x82A0] =	vst v63  }
0x94: {  	_ =	swait.ge [sflag:s25], $0x280  }
0x95: {  	[sflag:s25] =	ssyncset.done $0x0  }
0x96: {  	[sflag:s25] =	ssyncadd.s32 $0xFFFFFD80  }
0x97: {  	[spmem:s2] =	stream.indirect.scatter.add.bf16 [tilespmem:s28], [sflag:$0x2], $0x8, s12, s17, $0xb8;
	[tilespmem:$0x82A0] =	vst v63  }
.Ltmp3:
0x98: {  	_ = 	snop;
	(pc) =	sbr.rel .LBB2_2-.Ltmp3, $4  }
0x99: {  	_ =	swait.ge [sflag:s30], $0x280  }
0x9a: {  	[sflag:s30] =	ssyncset.done $0x0  }
0x9b: {  	s23 =	sadd.s32 $0x2C10, s11;
	s10 =	sadd.s32 $0x640, s10;
	[sflag:s30] =	ssyncadd.s32 $0xFFFFFD80  }
0x9c: {  	[tilespmem:s24], [sflag:$0x1] =	stream.indirect.gather [hbm4b:s4+s17], $0x8, s23, s17, $0xb8;
	[tilespmem:$0x82A0] =	vst v63  }
.LBB2_4:
0x9d: {  	_ =	swait.ge [sflag:s25], $0x280  }
0x9e: {  	[sflag:s25] =	ssyncset.done $0x0  }
0x9f: {  	[sflag:s25] =	ssyncadd.s32 $0xFFFFFD80  }
0xa0: {  	[spmem:s2] =	stream.indirect.scatter.add.bf16 [tilespmem:s28], [sflag:$0x2], $0x8, s12, s17, $0xb8;
	[tilespmem:$0x82A0] =	vst v63  }
0xa1: {  	_ =	swait.ge [sflag:s30], $0x280  }
0xa2: {  	[sflag:s30] =	ssyncset.done $0x0  }
0xa3: {  	[sflag:s30] =	ssyncadd.s32 $0xFFFFFD80  }
0xa4: {  	_ =	swait.ge [sflag:s30], $0x280  }
0xa5: {  	[sflag:s30] =	ssyncset.done $0x0  }
0xa6: {  	s10 =	simm.s32 $0x0;
	s11 =	rddreg [dreg:$0x6];
	[sflag:s30] =	ssyncadd.s32 $0xFFFFFD80  }
0xa7: {  	[tilespmem:s15], [sflag:$0x3] =	stream.linear.gather [hbm4b:s11+s10], $0x2710, $0x38;
	[tilespmem:$0x82A0] =	vst v63  }
0xa8: {  	_ =	swait.ge [sflag:s14], $0x2710  }
0xa9: {  	[sflag:s14] =	ssyncset.done $0x0  }
0xaa: {  	s12 =	rddreg [dreg:$0x7];
	[sflag:s14] =	ssyncadd.s32 $0xFFFFD8F0  }
0xab: {  	[tilespmem:s16], [sflag:$0x3] =	stream.linear.gather [hbm4b:s12+s10], $0x2710, $0x38;
	[tilespmem:$0x82A0] =	vst v63  }
0xac: {  	_ =	swait.ge [sflag:s14], $0x2710  }
0xad: {  	[sflag:s14] =	ssyncset.done $0x0  }
0xae: {  	[sflag:s14] =	ssyncadd.s32 $0xFFFFD8F0  }
0xaf: {  	[tilespmem:s18], [sflag:$0x1] =	stream.indirect.gather [hbm4b:s4+s17], $0x8, s15, s17, $0xb8;
	[tilespmem:$0x82A0] =	vst v63  }
0xb0: {  	s19 =	simm.s32 $0x2850  }
0xb1: {  	[tilespmem:s20], [sflag:$0x1] =	stream.indirect.gather [hbm4b:s4+s17], $0x8, s19, s17, $0xb8;
	[tilespmem:$0x82A0] =	vst v63  }
0xb2: {  	s21 =	simm.s32 $0x28A0  }
0xb3: {  	[tilespmem:s22], [sflag:$0x1] =	stream.indirect.gather [hbm4b:s4+s17], $0x8, s21, s17, $0xb8;
	[tilespmem:$0x82A0] =	vst v63  }
0xb4: {  	s23 =	simm.s32 $0x28F0  }
0xb5: {  	[tilespmem:s24], [sflag:$0x1] =	stream.indirect.gather [hbm4b:s4+s17], $0x8, s23, s17, $0xb8;
	[tilespmem:$0x82A0] =	vst v63  }
0xb6: {  	_ =	swait.ge [sflag:s25], $0x280  }
0xb7: {  	[sflag:s25] =	ssyncset.done $0x0  }
0xb8: {  	[sflag:s25] =	ssyncadd.s32 $0xFFFFFD80  }
0xb9: {  	[spmem:s2] =	stream.indirect.scatter.add.bf16 [tilespmem:s18], [sflag:$0x2], $0x8, s16, s17, $0xb8;
	[tilespmem:$0x82A0] =	vst v63  }
0xba: {  	_ = 	snop  }
0xbb: {  	[tilespmem:s28], [sflag:$0x1] =	stream.indirect.gather [hbm4b:s4+s17], $0x8, s26, s17, $0xb8;
	[tilespmem:$0x82A0] =	vst v63  }
0xbc: {  	_ =	swait.ge [sflag:s25], $0x280  }
0xbd: {  	[sflag:s25] =	ssyncset.done $0x0  }
0xbe: {  	[sflag:s25] =	ssyncadd.s32 $0xFFFFFD80  }
0xbf: {  	[spmem:s2] =	stream.indirect.scatter.add.bf16 [tilespmem:s20], [sflag:$0x2], $0x8, s29, s17, $0xb8;
	[tilespmem:$0x82A0] =	vst v63  }
0xc0: {  	_ =	swait.ge [sflag:s30], $0x280  }
0xc1: {  	[sflag:s30] =	ssyncset.done $0x0  }
0xc2: {  	[sflag:s30] =	ssyncadd.s32 $0xFFFFFD80  }
0xc3: {  	[tilespmem:s18], [sflag:$0x1] =	stream.indirect.gather [hbm4b:s4+s17], $0x8, s31, s17, $0xb8;
	[tilespmem:$0x82A0] =	vst v63  }
0xc4: {  	_ =	swait.ge [sflag:s25], $0x280  }
0xc5: {  	[sflag:s25] =	ssyncset.done $0x0  }
0xc6: {  	[sflag:s25] =	ssyncadd.s32 $0xFFFFFD80  }
0xc7: {  	[spmem:s2] =	stream.indirect.scatter.add.bf16 [tilespmem:s22], [sflag:$0x2], $0x8, s0, s17, $0xb8;
	[tilespmem:$0x82A0] =	vst v63  }
0xc8: {  	_ =	swait.ge [sflag:s30], $0x280  }
0xc9: {  	[sflag:s30] =	ssyncset.done $0x0  }
0xca: {  	[sflag:s30] =	ssyncadd.s32 $0xFFFFFD80  }
0xcb: {  	[tilespmem:s20], [sflag:$0x1] =	stream.indirect.gather [hbm4b:s4+s17], $0x8, s1, s17, $0xb8;
	[tilespmem:$0x82A0] =	vst v63  }
0xcc: {  	_ =	swait.ge [sflag:s25], $0x280  }
0xcd: {  	[sflag:s25] =	ssyncset.done $0x0  }
0xce: {  	[sflag:s25] =	ssyncadd.s32 $0xFFFFFD80  }
0xcf: {  	[spmem:s2] =	stream.indirect.scatter.add.bf16 [tilespmem:s24], [sflag:$0x2], $0x8, s3, s17, $0xb8;
	[tilespmem:$0x82A0] =	vst v63  }
0xd0: {  	_ =	swait.ge [sflag:s30], $0x280  }
0xd1: {  	[sflag:s30] =	ssyncset.done $0x0  }
0xd2: {  	[sflag:s30] =	ssyncadd.s32 $0xFFFFFD80  }
0xd3: {  	[tilespmem:s22], [sflag:$0x1] =	stream.indirect.gather [hbm4b:s4+s17], $0x8, s5, s17, $0xb8;
	[tilespmem:$0x82A0] =	vst v63  }
0xd4: {  	_ =	swait.ge [sflag:s25], $0x280  }
0xd5: {  	[sflag:s25] =	ssyncset.done $0x0  }
0xd6: {  	[sflag:s25] =	ssyncadd.s32 $0xFFFFFD80  }
0xd7: {  	[spmem:s2] =	stream.indirect.scatter.add.bf16 [tilespmem:s28], [sflag:$0x2], $0x8, s7, s17, $0xb8;
	[tilespmem:$0x82A0] =	vst v63  }
0xd8: {  	_ =	swait.ge [sflag:s30], $0x280  }
0xd9: {  	[sflag:s30] =	ssyncset.done $0x0  }
0xda: {  	[sflag:s30] =	ssyncadd.s32 $0xFFFFFD80  }
0xdb: {  	[tilespmem:s24], [sflag:$0x1] =	stream.indirect.gather [hbm4b:s4+s17], $0x8, s8, s17, $0xb8;
	[tilespmem:$0x82A0] =	vst v63  }
.LBB2_5:
0xdc: {  	_ =	swait.ge [sflag:s25], $0x280  }
0xdd: {  	s11 =	sshra.s32 s10, $0x2;
	[sflag:s25] =	ssyncset.done $0x0  }
0xde: {  	s12 =	sadd.s32 $0x50A0, s11;
	[sflag:s25] =	ssyncadd.s32 $0xFFFFFD80  }
0xdf: {  	[spmem:s2] =	stream.indirect.scatter.add.bf16 [tilespmem:s18], [sflag:$0x2], $0x8, s12, s17, $0xb8;
	[tilespmem:$0x82A0] =	vst v63  }
0xe0: {  	_ =	swait.ge [sflag:s30], $0x280  }
0xe1: {  	[sflag:s30] =	ssyncset.done $0x0  }
0xe2: {  	s19 =	sadd.s32 $0x2AD0, s11;
	[sflag:s30] =	ssyncadd.s32 $0xFFFFFD80  }
0xe3: {  	[tilespmem:s28], [sflag:$0x1] =	stream.indirect.gather [hbm4b:s4+s17], $0x8, s19, s17, $0xb8;
	[tilespmem:$0x82A0] =	vst v63  }
0xe4: {  	_ =	swait.ge [sflag:s25], $0x280  }
0xe5: {  	[sflag:s25] =	ssyncset.done $0x0  }
0xe6: {  	s21 =	sadd.s32 $0x50F0, s11;
	[sflag:s25] =	ssyncadd.s32 $0xFFFFFD80  }
0xe7: {  	[spmem:s2] =	stream.indirect.scatter.add.bf16 [tilespmem:s20], [sflag:$0x2], $0x8, s21, s17, $0xb8;
	[tilespmem:$0x82A0] =	vst v63  }
0xe8: {  	_ =	swait.ge [sflag:s30], $0x280  }
0xe9: {  	p0 =	seq.s32 s10, $0x8FC0;
	[sflag:s30] =	ssyncset.done $0x0  }
0xea: {  	s12 =	simm.s32 @p0 $0x1;
	[sflag:s30] =	ssyncadd.s32 $0xFFFFFD80  }
0xeb: {  	_ =	swait.ge @p0 [sflag:s12], $0x280  }
0xec: {  	[sflag:s12] =	ssyncset.done @p0 $0x0  }
0xed: {  	[sflag:s12] =	ssyncadd.s32 @p0 $0xFFFFFD80;
	s12 =	sshra.s32 @p0 s10, $0x2  }
0xee: {  	s19 =	simm.s32 @p0 $0x50;
	s21 =	simm.s32 @p0 $0x7B20;
	s12 =	sadd.s32 @p0 $0x5140, s12  }
0xef: {  	[spmem:s2] =	stream.indirect.scatter.add.bf16 @p0 [tilespmem:s21], [sflag:$0x2], $0x8, s12, s19, $0xb8;
	[tilespmem:$0x82A0] =	vst v63  }
0xf0: {  	s12 =	simm.s32 @p0 $0x2  }
0xf1: {  	_ =	swait.ge @p0 [sflag:s12], $0x280  }
0xf2: {  	[sflag:s12] =	ssyncset.done @p0 $0x0  }
0xf3: {  	[sflag:s12] =	ssyncadd.s32 @p0 $0xFFFFFD80;
	s12 =	sshra.s32 @!p0 s10, $0x2  }
0xf4: {  	s23 =	simm.s32 @!p0 $0x7620;
	s21 =	simm.s32 @!p0 $0x50;
	s19 =	sadd.s32 @!p0 $0x2B20, s12  }
0xf5: {  	[tilespmem:s23], [sflag:$0x1] =	stream.indirect.gather @!p0 [hbm4b:s4+s21], $0x8, s19, s21, $0xb8;
	[tilespmem:$0x82A0] =	vst v63  }
0xf6: {  	s19 =	simm.s32 @!p0 $0x1  }
0xf7: {  	_ =	swait.ge @!p0 [sflag:s19], $0x280  }
0xf8: {  	[sflag:s19] =	ssyncset.done @!p0 $0x0  }
0xf9: {  	s23 =	simm.s32 @!p0 $0x7B20;
	[sflag:s19] =	ssyncadd.s32 @!p0 $0xFFFFFD80;
	s19 =	sadd.s32 @!p0 $0x5140, s12  }
0xfa: {  	[spmem:s2] =	stream.indirect.scatter.add.bf16 @!p0 [tilespmem:s23], [sflag:$0x2], $0x8, s19, s21, $0xb8;
	[tilespmem:$0x82A0] =	vst v63  }
0xfb: {  	s19 =	simm.s32 @!p0 $0x2  }
0xfc: {  	_ =	swait.ge @!p0 [sflag:s19], $0x280  }
0xfd: {  	[sflag:s19] =	ssyncset.done @!p0 $0x0  }
0xfe: {  	s12 =	sadd.s32 @!p0 $0x2B70, s12;
	[sflag:s19] =	ssyncadd.s32 @!p0 $0xFFFFFD80;
	s19 =	simm.s32 @!p0 $0x78A0  }
0xff: {  	[tilespmem:s19], [sflag:$0x1] =	stream.indirect.gather @!p0 [hbm4b:s4+s21], $0x8, s12, s21, $0xb8;
	[tilespmem:$0x82A0] =	vst v63  }
0x100: {  	_ =	swait.ge [sflag:s25], $0x280  }
0x101: {  	[sflag:s25] =	ssyncset.done $0x0  }
.Ltmp4:
0x102: {  	s23 =	sadd.s32 $0x5190, s11;
	[sflag:s25] =	ssyncadd.s32 $0xFFFFFD80;
	(pc) =	sbr.rel @p0 .LBB2_7-.Ltmp4, $4  }
0x103: {  	[spmem:s2] =	stream.indirect.scatter.add.bf16 [tilespmem:s24], [sflag:$0x2], $0x8, s23, s17, $0xb8;
	[tilespmem:$0x82A0] =	vst v63  }
0x104: {  	_ =	swait.ge [sflag:s30], $0x280  }
0x105: {  	[sflag:s30] =	ssyncset.done $0x0  }
0x106: {  	s12 =	sadd.s32 $0x51E0, s11;
	[sflag:s30] =	ssyncadd.s32 $0xFFFFFD80  }
0x107: {  	s19 =	sadd.s32 $0x2BC0, s11  }
0x108: {  	[tilespmem:s22], [sflag:$0x1] =	stream.indirect.gather [hbm4b:s4+s17], $0x8, s19, s17, $0xb8;
	[tilespmem:$0x82A0] =	vst v63  }
0x109: {  	_ =	swait.ge [sflag:s25], $0x280  }
0x10a: {  	[sflag:s25] =	ssyncset.done $0x0  }
0x10b: {  	[sflag:s25] =	ssyncadd.s32 $0xFFFFFD80  }
0x10c: {  	[spmem:s2] =	stream.indirect.scatter.add.bf16 [tilespmem:s28], [sflag:$0x2], $0x8, s12, s17, $0xb8;
	[tilespmem:$0x82A0] =	vst v63  }
.Ltmp5:
0x10d: {  	_ = 	snop;
	(pc) =	sbr.rel .LBB2_5-.Ltmp5, $4  }
0x10e: {  	_ =	swait.ge [sflag:s30], $0x280  }
0x10f: {  	[sflag:s30] =	ssyncset.done $0x0  }
0x110: {  	s23 =	sadd.s32 $0x2C10, s11;
	s10 =	sadd.s32 $0x640, s10;
	[sflag:s30] =	ssyncadd.s32 $0xFFFFFD80  }
0x111: {  	[tilespmem:s24], [sflag:$0x1] =	stream.indirect.gather [hbm4b:s4+s17], $0x8, s23, s17, $0xb8;
	[tilespmem:$0x82A0] =	vst v63  }
.LBB2_8:
0x112: {  	_ =	sfence.sel $0x180000  }
0x113: {  	[bflag:$0x0] =	sbarrier.arrive $0xFFFF  }
0x114: {  	_ =	strace $0x9000004A  }
0x115: {  	s0 =	stileid.u32;
	[bflag:$0x2] =	sbarrier.arrive $0xFFFF  }
0x116: {  	p0 =	sne.s32 s0, $0x0;
	s0 =	rddreg [dreg:$0x2]  }
0x117: {  	s0 =	sadd.s32 @!p0 $0x100000, s0  }
0x118: {  	[sflag:s0] =	ssyncadd.tile.s32 @!p0 $0x1;
	_ =	shalt  }
.Lfunc_end2:
_tile_overlayer_lowered:
.L_overlay_start_2:
0x119: {  	(tag) =	ssettag $0x2  }
0x11a: {  	s0 =	rddreg [dreg:$0x0];
	s2 =	stileid.u32  }
0x11b: {  	s1 =	rddreg [dreg:$0x1];
	p0 =	sne.s32 s2, $0x0  }
0x11c: {  	s3 =	rddreg [dreg:$0x2];
	[bflag:$0x3] =	sbarrier.arrive $0xFFFF;
	s2 =	simm.s32 @!p0 $0x1C03  }
0x11d: {  	[timem:s3], [sflag:s2] =	dma.local @!p0 [hbm:s0], s1  }
0x11e: {  	s0 =	simm.s32 @!p0 $0x3  }
0x11f: {  	_ =	swait.ge @!p0 [sflag:s0], s1  }
0x120: {  	s1 =	ssub.s32 @!p0 $0x0, s1;
	[sflag:s0] =	ssyncset.done @!p0 $0x0  }
0x121: {  	[sflag:s0] =	ssyncadd.s32 @!p0 s1  }
0x122: {  	[bflag:$0x3] =	sbarrier.arrive $0xFFFF  }
0x123: {  	_ =	shalt  }

// kernel: kernel.7.cloned.1.call-start
scs
__scs_entry_jumppad:
0x0: {  	(pc) =	sbr.rel $0x88, $3  }
0x1: {  	(tag) =	ssettag $0x0;
	lr =	simm.s32 $0x1  }
0x2: {  	[smem:$0x3F93] =	sst lr;
	_ =	strace $0xD0000000  }
0x3: {  	_ = 	snop  }
0x4: {  	_ = 	snop  }
0x5: {  	_ = 	snop  }
0x6: {  	_ = 	snop  }
0x7: {  	_ = 	snop  }
__scs_overlays_trampoline_lowered:
0x8: {  	[smem:$0x3FA2] =	sst s0  }
0x9: {  	[smem:$0x3FA3] =	sst s1  }
0xa: {  	[smem:$0x3FA4] =	sst s2  }
0xb: {  	[smem:$0x3FA5] =	sst s3  }
0xc: {  	[smem:$0x3FA6] =	sst s4  }
0xd: {  	[smem:$0x3FA7] =	sst s5  }
0xe: {  	[smem:$0x3FA8] =	sst s6  }
0xf: {  	[smem:$0x3FA9] =	sst s7  }
0x10: {  	[smem:$0x3FAA] =	sst s8  }
0x11: {  	[smem:$0x3FAB] =	sst s9;
	s0 =	simm.s32 @!p0 $0x0  }
0x12: {  	s1 =	sld [smem:$0x3F91];
	s0 =	simm.s32 @p0 $0x1  }
0x13: {  	[smem:$0x3FAC] =	sst s0;
	s0 =	simm.s32 @!p1 $0x0  }
0x14: {  	s2 =	sld [smem:$0x3F90];
	s0 =	simm.s32 @p1 $0x1  }
0x15: {  	[smem:$0x3FAD] =	sst s0;
	s0 =	simm.s32 @!p2 $0x0  }
0x16: {  	s3 =	sld [smem:$0x3FDB];
	s0 =	simm.s32 @p2 $0x1  }
0x17: {  	s4 =	simm.s32 $0x1BF5;
	[smem:$0x3FAF] =	sst s0  }
0x18: {  	s0 =	sld [smem:$0x3F92];
	_ =	swait.ge [sflag:s4], $0x0  }
0x19: {  	s7 =	sld [smem:$0x3F93]  }
0x1a: {  	s8 =	sadd.s32 $0xFFFFE003, lr  }
0x1b: {  	s9 =	sadd.s32 $0xFFFFFEF7, lr;
	s5 =	simm.s32 $0xFFFFFFFF;
	p2 =	slt.u32 s8, $0xFFFFF086  }
0x1c: {  	p1 =	slt.u32 s9, $0xF7A;
	s5 =	simm.s32 @!p2 $0x0  }
0x1d: {  	s5 =	simm.s32 @p1 $0x1;
	p0 =	seq.s32 s7, s2  }
0x1e: {  	s7 =	smul.u32 @!p0 $0xF7A, s2;
	p2 =	seq.s32 @!p0 s5, $0x0  }
0x1f: {  	s9 =	smul.u32 $0xF7A, s1;
	s8 =	simm.s32 @!p0 $0x1BF5;
	p2 =	por !p2, p0  }
0x20: {  	[sflag:s8] =	ssyncset.s32 @!p0 $0xFFFFF086;
	s6 =	sadd.s32 @!p0 s3, s7;
	s7 =	simm.s32 @!p0 $0x108  }
0x21: {  	s3 =	sadd.s32 s3, s9;
	s6 =	sadd.s32 @!p0 $0x88, s6;
	s7 =	simm.s32 @p2 $0x1082  }
0x22: {  	[simem:s7], [sflag:s8] =	dma.local @!p0 [hbm:s6], $0xF7A  }
0x23: {  	s9 =	sor.u32 $0xD0000000, s2;
	s6 =	simm.s32 $0x108;
	_ =	swait.ge @!p0 [sflag:s8], $0x0  }
0x24: {  	s3 =	sadd.s32 $0x88, s3;
	s6 =	simm.s32 @!p1 $0x1082;
	[sflag:s4] =	ssyncset.s32 $0xFFFFF086  }
0x25: {  	[simem:s6], [sflag:s4] =	dma.local [hbm:s3], $0xF7A  }
0x26: {  	[smem:$0x3F93] =	sst s1;
	(tag) =	ssettag s2;
	_ =	strace s9  }
0x27: {  	s1 =	sld [smem:$0x3FA3]  }
0x28: {  	s2 =	sld [smem:$0x3FA4]  }
0x29: {  	s4 =	sld [smem:$0x3FA6]  }
0x2a: {  	p0 =	seq.s32 s5, $0x0;
	s5 =	sld [smem:$0x3FA7]  }
0x2b: {  	s6 =	sld [smem:$0x3FA8]  }
0x2c: {  	s7 =	sld [smem:$0x3FA9]  }
0x2d: {  	s3 =	simm.s32 $0x108;
	s8 =	sld [smem:$0x3FAA]  }
0x2e: {  	s3 =	simm.s32 @!p0 $0x1082;
	s9 =	sld [smem:$0x3FAB]  }
0x2f: {  	lr =	sadd.s32 s0, s3;
	s0 =	sld [smem:$0x3FA2]  }
0x30: {  	s3 =	sld [smem:$0x3FA5]  }
0x31: {  	[smem:$0x3FAE] =	sst s10  }
0x32: {  	s10 =	sld [smem:$0x3FAC];
	_ =	sdelay $0x3  }
0x33: {  	p0 =	seq.s32 s10, $0x1;
	s10 =	sld [smem:$0x3FAE];
	_ =	sdelay $0x3  }
0x34: {  	[smem:$0x3FAE] =	sst s10  }
0x35: {  	s10 =	sld [smem:$0x3FAD];
	_ =	sdelay $0x3  }
0x36: {  	p1 =	seq.s32 s10, $0x1;
	s10 =	sld [smem:$0x3FAE];
	_ =	sdelay $0x3  }
0x37: {  	[smem:$0x3FAE] =	sst s10  }
0x38: {  	s10 =	sld [smem:$0x3FAF]  }
0x39: {  	_ = 	snop;
	(pc) =	sbr.ind lr, $3  }
0x3a: {  	_ = 	snop  }
0x3b: {  	_ = 	snop  }
0x3c: {  	p2 =	seq.s32 s10, $0x1;
	s10 =	sld [smem:$0x3FAE]  }
0x3d: {  	_ =	shalt  }
0x3e: {  	_ =	shalt  }
0x3f: {  	_ =	shalt  }
0x40: {  	_ =	shalt  }
0x41: {  	_ =	shalt  }
0x42: {  	_ =	shalt  }
0x43: {  	_ =	shalt  }
0x44: {  	_ =	shalt  }
0x45: {  	_ =	shalt  }
0x46: {  	_ =	shalt  }
0x47: {  	_ =	shalt  }
0x48: {  	_ =	shalt  }
0x49: {  	_ =	shalt  }
0x4a: {  	_ =	shalt  }
0x4b: {  	_ =	shalt  }
0x4c: {  	_ =	shalt  }
0x4d: {  	_ =	shalt  }
0x4e: {  	_ =	shalt  }
0x4f: {  	_ =	shalt  }
0x50: {  	_ =	shalt  }
0x51: {  	_ =	shalt  }
0x52: {  	_ =	shalt  }
0x53: {  	_ =	shalt  }
0x54: {  	_ =	shalt  }
0x55: {  	_ =	shalt  }
0x56: {  	_ =	shalt  }
0x57: {  	_ =	shalt  }
0x58: {  	_ =	shalt  }
0x59: {  	_ =	shalt  }
0x5a: {  	_ =	shalt  }
0x5b: {  	_ =	shalt  }
0x5c: {  	_ =	shalt  }
0x5d: {  	_ =	shalt  }
0x5e: {  	_ =	shalt  }
0x5f: {  	_ =	shalt  }
0x60: {  	_ =	shalt  }
0x61: {  	_ =	shalt  }
0x62: {  	_ =	shalt  }
0x63: {  	_ =	shalt  }
0x64: {  	_ =	shalt  }
0x65: {  	_ =	shalt  }
0x66: {  	_ =	shalt  }
0x67: {  	_ =	shalt  }
0x68: {  	_ =	shalt  }
0x69: {  	_ =	shalt  }
0x6a: {  	_ =	shalt  }
0x6b: {  	_ =	shalt  }
0x6c: {  	_ =	shalt  }
0x6d: {  	_ =	shalt  }
0x6e: {  	_ =	shalt  }
0x6f: {  	_ =	shalt  }
0x70: {  	_ =	shalt  }
0x71: {  	_ =	shalt  }
0x72: {  	_ =	shalt  }
0x73: {  	_ =	shalt  }
0x74: {  	_ =	shalt  }
0x75: {  	_ =	shalt  }
0x76: {  	_ =	shalt  }
0x77: {  	_ =	shalt  }
0x78: {  	_ =	shalt  }
0x79: {  	_ =	shalt  }
0x7a: {  	_ =	shalt  }
0x7b: {  	_ =	shalt  }
0x7c: {  	_ =	shalt  }
0x7d: {  	_ =	shalt  }
0x7e: {  	_ =	shalt  }
0x7f: {  	_ =	shalt  }
0x80: {  	_ =	shalt  }
0x81: {  	_ =	shalt  }
0x82: {  	_ =	shalt  }
0x83: {  	_ =	shalt  }
0x84: {  	_ =	shalt  }
0x85: {  	_ =	shalt  }
0x86: {  	_ =	shalt  }
0x87: {  	_ =	shalt  }
.Lfunc_end0:
.L_simem_size_0:
called_computation_lowered:
.L_overlay_start_0:
0x88: {  	s2 =	sld [smem:$0x3FD9]  }
0x89: {  	s3 =	sld [smem:$0x3FFE];
	_ =	sdelay $0x1  }
0x8a: {  	s1 =	srdreg.scid  }
0x8b: {  	s0 =	sand.u32 $0x1, s1  }
0x8c: {  	s16 =	sshll.u32 s0, $0xA;
	s2 =	sadd.s32 s3, s2  }
0x8d: {  	s2 =	sadd.s32 s2, s16  }
0x8e: {  	[smem:$0x3FBA] =	sst s2  }
0x8f: {  	_ = 	snop  }
0x90: {  	(tm) =	ssettm $0x1  }
0x91: {  	s17 =	sld [smem:$0x3FFB];
	_ =	sdelay $0x3  }
0x92: {  	_ =	strace s17  }
0x93: {  	s2 =	sld [smem:$0x3FFC];
	_ =	sdelay $0x3  }
0x94: {  	_ =	strace s2  }
0x95: {  	s2 =	sld [smem:$0x3FFD];
	_ =	sdelay $0x3  }
0x96: {  	_ =	strace s2  }
0x97: {  	_ =	strace $0x8FFFFFFF  }
0x98: {  	s18 =	sld [smem:$0x3FDB];
	_ =	sdelay $0x1  }
0x99: {  	s19 =	simm.s32 $_scs_section_size  }
0x9a: {  	s4 =	simm.s32 $_size__tile_overlayer_lowered;
	s5 =	simm.s32 $_tile_overlayer_lowered  }
0x9b: {  	s22 =	simm.s32 $0x1BFF;
	s21 =	sshll.u32 s5, $0x1;
	s2 =	sadd.s32 s19, s18  }
0x9c: {  	s6 =	simm.s32 $0x0;
	s20 =	sshll.u32 s4, $0x1;
	s4 =	sadd.s32 s21, s2  }
0x9d: {  	[timem:s6], [sflag:s22] =	dma.local [hbm:s4], s20  }
0x9e: {  	_ =	swait.ge [sflag:s22], s20  }
0x9f: {  	s3 =	ssub.s32 $0x0, s20;
	[sflag:s22] =	ssyncset.done $0x0  }
0xa0: {  	[sflag:s22] =	ssyncadd.s32 s3;
	_ =	sdelay $0x1  }
0xa1: {  	s23 =	simm.s32 $0x1B8B  }
0xa2: {  	_ =	swait.ge [sflag:s23], $0x1  }
0xa3: {  	[sflag:s23] =	ssyncset.done $0x0  }
0xa4: {  	s25 =	simm.s32 $0x1B8E;
	s24 =	sld [smem:$0x3FFE];
	[sflag:s23] =	ssyncadd.s32 $0xFFFFFFFF  }
0xa5: {  	s26 =	simm.s32 $execute0_lowered;
	[smem:$0x3FD2] =	sst s25  }
0xa6: {  	s4 =	sshll.u32 s26, $0x1;
	_ =	strace $0x80000046;
	[dreg:$0x1] =	wrdreg $0xFFFFFFFF  }
0xa7: {  	s28 =	simm.s32 $_size_execute0_lowered;
	s2 =	sadd.s32 s2, s4;
	[dreg:$0x0] =	wrdreg $0x0  }
0xa8: {  	s4 =	sshll.u32 s28, $0x1;
	[dreg:$0x2] =	wrdreg s2  }
0xa9: {  	[dreg:$0x3] =	wrdreg s4  }
0xaa: {  	[dreg:$0x4] =	wrdreg $0xC0  }
0xab: {  	_ =	task [dreg:s6], $0x5FFFF  }
0xac: {  	[dreg:$0x1] =	wrdreg $0xFFFFFFFF  }
0xad: {  	[dreg:$0x0] =	wrdreg $0x60  }
0xae: {  	[dreg:$0x2] =	wrdreg s24  }
0xaf: {  	[dreg:$0x3] =	wrdreg $0x0  }
0xb0: {  	[dreg:$0x4] =	wrdreg $0x9  }
0xb1: {  	_ =	task.clear_ibuf [dreg:s6], $0x5FFFF;
	_ =	strace $0x90000046  }
0xb2: {  	s29 =	simm.s32 $0x9;
	_ =	strace $0x80000048  }
0xb3: {  	_ =	swait.ge [sflag:s29], $0x1  }
0xb4: {  	[sflag:s29] =	ssyncadd.s32 $0xFFFFFFFF  }
0xb5: {  	_ =	strace $0x90000048  }
0xb6: {  	_ =	sfence  }
0xb7: {  	s30 =	sld [smem:$0x0];
	_ =	sdelay $0x2  }
0xb8: {  	s31 =	sshll.u32 s1, $0xD;
	s1 =	sshrl.u32 s1, $0x2  }
0xb9: {  	s3 =	sand.u32 $0x4000, s31;
	s1 =	sadd.s32 s1, s30  }
0xba: {  	s0 =	sor.u32 s3, s0;
	s1 =	sshll.u32 s1, $0x11  }
0xbb: {  	s0 =	sor.u32 s1, s0  }
0xbc: {  	s0 =	sadd.s32 $0x8F2B, s0  }
0xbd: {  	[sflag:s0] =	ssyncadd.remote.s32 $0x1  }
0xbe: {  	_ =	sfence.sel $0xFFFF  }
0xbf: {  	[dreg:$0x0] =	wrdreg $0xFFFFFFFF;
	(pc) =	sbr.abs _section_cstart, $3  }
0xc0: {  	[dreg:$0x1] =	wrdreg $0xFFFFFFFF  }
0xc1: {  	_ =	task.clear_ibuf [dreg:s6], $0x2FFFF;
	_ =	strace $0x9FFFFFFF  }
0xc2: {  	(tm) =	ssettm $0x7FFFFFFF  }
0xc3: {  	_ =	shalt  }
tec
execute0_lowered:
.L_overlay_start_1:
0x0: {  	(tag) =	ssettag $0x1  }
0x1: {  	s0 =	rddreg [dreg:$0x0]  }
0x2: {  	s1 =	rddreg [dreg:$0x1];
	s2 =	simm.s32 $0x0;
	s6 =	srdreg.scid  }
0x3: {  	s12 =	stileid.u32;
	s28 =	simm.s32 $0x14640;
	s30 =	simm.s32 $0x15040  }
0x4: {  	s13 =	simm.s32 $0x17840;
	[smem:$0x7FF] =	sst s2;
	s3 =	sadd.s32 $0x17800, s0  }
0x5: {  	s4 =	sadd.s32 $0x52400, s0;
	s5 =	sadd.s32 $0x3E00, s0;
	s7 =	sadd.s32 $0x2B200, s0  }
0x6: {  	s6 =	sand.u32 $0x1, s6;
	s8 =	sadd.s32 $0x79600, s0;
	s9 =	smul.u32 $0x9C40, s12  }
0x7: {  	s10 =	sadd.s32 $0x13C600, s0;
	_ =	strace $0x80000047;
	[dreg:$0x3] =	wrdreg s8  }
0x8: {  	s11 =	smul.u32 $0xA000, s12;
	s0 =	sadd.s32 $0x7AA00, s0;
	[dreg:$0x4] =	wrdreg s10  }
0x9: {  	s19 =	sshll.u32 s12, $0x6;
	s14 =	ssub.s32 $0x2, s6;
	[dreg:$0x5] =	wrdreg s0  }
0xa: {  	s10 =	sor.u32 $0x1C03, s19;
	p0 =	sne.s32 s6, $0x0;
	s15 =	sshrl.u32 s14, $0x1  }
0xb: {  	s17 =	sshrl.u32 s9, $0x3;
	s18 =	sadd.s32 s11, s1;
	[dreg:$0x7] =	wrdreg s10  }
0xc: {  	s31 =	sshrl.u32 s11, $0x3;
	s16 =	ssub.s32 s14, s15;
	[dreg:$0x6] =	wrdreg s18  }
0xd: {  	s20 =	sadd.s32 $0x13880, s17;
	s21 =	sadd.s32 s7, s17;
	s23 =	sadd.s32 s4, s17  }
0xe: {  	s24 =	sadd.s32 $0x9C4, s17;
	s8 =	sadd.s32 $0x14244, s17;
	[dreg:$0x10] =	wrdreg s31  }
0xf: {  	s14 =	simm.s32 $0x1;
	s15 =	simm.s32 $0x18240;
	[dreg:$0x8] =	wrdreg s21  }
0x10: {  	s17 =	simm.s32 $0x19640;
	s22 =	sadd.s32 s7, s20;
	[dreg:$0xa] =	wrdreg s23  }
0x11: {  	s18 =	simm.s32 $0x2;
	s12 =	sadd.s32 s4, s20;
	[dreg:$0x9] =	wrdreg s22  }
0x12: {  	s25 =	sadd.s32 s4, s24;
	s4 =	sadd.s32 s4, s8;
	[dreg:$0xb] =	wrdreg s12  }
.Ltmp0:
0x13: {  	s26 =	sadd.s32 s7, s24;
	[dreg:$0xc] =	wrdreg s25;
	(pc) =	sbr.rel .LBB2_1-.Ltmp0, $4  }
0x14: {  	s29 =	sadd.s32 s7, s8;
	s0 =	smax.u32 s16, $0x1;
	[dreg:$0xd] =	wrdreg s4  }
0x15: {  	s21 =	simm.s32 $0x3;
	s24 =	simm.s32 $0x50;
	[dreg:$0xe] =	wrdreg s26  }
0x16: {  	s8 =	simm.s32 $0x16E40;
	s16 =	simm.s32 $0x18C40;
	[dreg:$0xf] =	wrdreg s29  }
0x17: {  	[dreg:$0x11] =	wrdreg s0;
	s25 =	simm.s32 $0x13C40;
	s0 =	simm.s32 $0x15A40  }
.LBB2_14:
0x18: {  	s4 =	rddreg [dreg:$0x5]  }
.LBB2_15:
0x19: {  	_ =	swait.ge [sflag:s18], $0xA00  }
0x1a: {  	[sflag:s18] =	ssyncset.done $0x0  }
0x1b: {  	[sflag:s18] =	ssyncadd.s32 $0xFFFFF600  }
0x1c: {  	_ =	swait.ge [sflag:s18], $0xA00  }
0x1d: {  	[sflag:s18] =	ssyncset.done $0x0  }
0x1e: {  	[sflag:s18] =	ssyncadd.s32 $0xFFFFF600  }
0x1f: {  	_ =	swait.ge [sflag:s18], $0xA00  }
0x20: {  	[sflag:s18] =	ssyncset.done $0x0  }
0x21: {  	[sflag:s18] =	ssyncadd.s32 $0xFFFFF600  }
0x22: {  	s7 =	rddreg [dreg:$0x10];
	[bflag:$0x0] =	sbarrier.arrive $0xFFFF  }
0x23: {  	s4 =	sadd.s32 s4, s7;
	s10 =	rddreg [dreg:$0x7]  }
0x24: {  	[hbm:s4], [sflag:s10] =	dma.local [spmem:s6], $0x1400  }
0x25: {  	_ =	swait.ge [sflag:s21], $0x1400  }
0x26: {  	s2 =	sadd.s32 $0x1, s2;
	s31 =	rddreg [dreg:$0x11]  }
0x27: {  	p1 =	sne.s32 s2, s31  }
.Ltmp1:
0x28: {  	_ = 	snop;
	(pc) =	sbr.rel @!p1 .LBB2_16-.Ltmp1, $3  }
0x29: {  	_ =	sdelay $0x1  }
0x2a: {  	[sflag:s21] =	ssyncset.done $0x0  }
0x2b: {  	[sflag:s21] =	ssyncadd.s32 $0xFFFFEC00  }
.LBB2_1:
0x2c: {  	s4 =	rddreg [dreg:$0x6]  }
0x2d: {  	s31 =	rddreg [dreg:$0x3];
	s6 =	sshrl.u32 s4, $0x3  }
0x2e: {  	[spmem:s6], [sflag:s10] =	dma.local [hbm:s31], $0x1400  }
.Ltmp2:
0x2f: {  	_ =	swait.ge [sflag:s21], $0x1400;
	(pc) =	sbr.rel @p0 .LBB2_5-.Ltmp2, $4  }
0x30: {  	[sflag:s21] =	ssyncset.done $0x0  }
0x31: {  	[sflag:s21] =	ssyncadd.s32 $0xFFFFEC00  }
0x32: {  	[bflag:$0x0] =	sbarrier.arrive $0xFFFF  }
0x33: {  	s9 =	simm.s32 $0x0  }
0x34: {  	s4 =	rddreg [dreg:$0xa];
	s7 =	simm.s32 $0xA000  }
0x35: {  	[tilespmem:s7], [sflag:$0x3] =	stream.linear.gather [hbm4b:s4+s9], $0x4E20, $0x38;
	[tilespmem:$0x1A040] =	vst v63  }
0x36: {  	_ =	swait.ge [sflag:s21], $0x4E20  }
0x37: {  	[sflag:s21] =	ssyncset.done $0x0  }
0x38: {  	s10 =	simm.s32 $0xEE20;
	s12 =	rddreg [dreg:$0xb];
	[sflag:s21] =	ssyncadd.s32 $0xFFFFB1E0  }
0x39: {  	[tilespmem:s10], [sflag:$0x3] =	stream.linear.gather [hbm4b:s12+s9], $0x4E20, $0x38;
	[tilespmem:$0x1A040] =	vst v63  }
0x3a: {  	_ =	swait.ge [sflag:s21], $0x4E20  }
0x3b: {  	[sflag:s21] =	ssyncset.done $0x0  }
0x3c: {  	[sflag:s21] =	ssyncadd.s32 $0xFFFFB1E0  }
0x3d: {  	[tilespmem:s25], [sflag:$0x1] =	stream.indirect.gather [hbm4b:s3+s24], $0x20, s7, s24, $0xb8;
	[tilespmem:$0x1A040] =	vst v63  }
0x3e: {  	s19 =	simm.s32 $0xA050  }
0x3f: {  	[tilespmem:s28], [sflag:$0x1] =	stream.indirect.gather [hbm4b:s3+s24], $0x20, s19, s24, $0xb8;
	[tilespmem:$0x1A040] =	vst v63  }
0x40: {  	s20 =	simm.s32 $0xA0A0  }
0x41: {  	[tilespmem:s30], [sflag:$0x1] =	stream.indirect.gather [hbm4b:s3+s24], $0x20, s20, s24, $0xb8;
	[tilespmem:$0x1A040] =	vst v63  }
0x42: {  	s22 =	simm.s32 $0xA0F0  }
0x43: {  	[tilespmem:s0], [sflag:$0x1] =	stream.indirect.gather [hbm4b:s3+s24], $0x20, s22, s24, $0xb8;
	[tilespmem:$0x1A040] =	vst v63  }
0x44: {  	s23 =	simm.s32 $0xA140;
	s26 =	simm.s32 $0x16440  }
0x45: {  	[tilespmem:s26], [sflag:$0x1] =	stream.indirect.gather [hbm4b:s3+s24], $0x20, s23, s24, $0xb8;
	[tilespmem:$0x1A040] =	vst v63  }
0x46: {  	s29 =	simm.s32 $0xA190  }
0x47: {  	[tilespmem:s8], [sflag:$0x1] =	stream.indirect.gather [hbm4b:s3+s24], $0x20, s29, s24, $0xb8;
	[tilespmem:$0x1A040] =	vst v63  }
0x48: {  	s31 =	simm.s32 $0xA1E0  }
0x49: {  	[tilespmem:s13], [sflag:$0x1] =	stream.indirect.gather [hbm4b:s3+s24], $0x20, s31, s24, $0xb8;
	[tilespmem:$0x1A040] =	vst v63  }
.LBB2_3:
0x4a: {  	_ =	swait.ge [sflag:s14], $0xA00  }
0x4b: {  	s23 =	sshra.s32 s9, $0x2;
	[sflag:s14] =	ssyncset.done $0x0  }
0x4c: {  	p1 =	seq.s32 s9, $0x0;
	s4 =	sadd.s32 $0xEE20, s23;
	[sflag:s14] =	ssyncadd.s32 $0xFFFFF600  }
0x4d: {  	[spmem:s1] =	stream.indirect.scatter.add.f32 [tilespmem:s25], [sflag:$0x2], $0x20, s4, s24, $0xb8;
	[tilespmem:$0x1A040] =	vst v63  }
0x4e: {  	s4 =	simm.s32 @!p1 $0x2  }
0x4f: {  	_ =	swait.ge @!p1 [sflag:s4], $0xA00  }
0x50: {  	[sflag:s4] =	ssyncset.done @!p1 $0x0  }
0x51: {  	s7 =	sadd.s32 $0xA230, s23;
	[sflag:s4] =	ssyncadd.s32 @!p1 $0xFFFFF600  }
0x52: {  	[tilespmem:s15], [sflag:$0x1] =	stream.indirect.gather [hbm4b:s3+s24], $0x20, s7, s24, $0xb8;
	[tilespmem:$0x1A040] =	vst v63  }
0x53: {  	_ =	swait.ge [sflag:s14], $0xA00  }
0x54: {  	[sflag:s14] =	ssyncset.done $0x0  }
0x55: {  	s10 =	sadd.s32 $0xEE70, s23;
	[sflag:s14] =	ssyncadd.s32 $0xFFFFF600  }
0x56: {  	[spmem:s1] =	stream.indirect.scatter.add.f32 [tilespmem:s28], [sflag:$0x2], $0x20, s10, s24, $0xb8;
	[tilespmem:$0x1A040] =	vst v63  }
0x57: {  	_ =	swait.ge @!p1 [sflag:s4], $0xA00  }
0x58: {  	[sflag:s4] =	ssyncset.done @!p1 $0x0  }
0x59: {  	s11 =	sadd.s32 $0xA280, s23;
	[sflag:s4] =	ssyncadd.s32 @!p1 $0xFFFFF600  }
0x5a: {  	[tilespmem:s16], [sflag:$0x1] =	stream.indirect.gather [hbm4b:s3+s24], $0x20, s11, s24, $0xb8;
	[tilespmem:$0x1A040] =	vst v63  }
0x5b: {  	_ =	swait.ge [sflag:s14], $0xA00  }
0x5c: {  	[sflag:s14] =	ssyncset.done $0x0  }
0x5d: {  	s12 =	sadd.s32 $0xEEC0, s23;
	[sflag:s14] =	ssyncadd.s32 $0xFFFFF600  }
0x5e: {  	[spmem:s1] =	stream.indirect.scatter.add.f32 [tilespmem:s30], [sflag:$0x2], $0x20, s12, s24, $0xb8;
	[tilespmem:$0x1A040] =	vst v63  }
0x5f: {  	_ =	swait.ge @!p1 [sflag:s4], $0xA00  }
0x60: {  	[sflag:s4] =	ssyncset.done @!p1 $0x0  }
0x61: {  	s19 =	sadd.s32 $0xA2D0, s23;
	[sflag:s4] =	ssyncadd.s32 @!p1 $0xFFFFF600  }
0x62: {  	[tilespmem:s17], [sflag:$0x1] =	stream.indirect.gather [hbm4b:s3+s24], $0x20, s19, s24, $0xb8;
	[tilespmem:$0x1A040] =	vst v63  }
0x63: {  	_ =	swait.ge [sflag:s14], $0xA00  }
0x64: {  	[sflag:s14] =	ssyncset.done $0x0  }
0x65: {  	s20 =	sadd.s32 $0xEF10, s23;
	[sflag:s14] =	ssyncadd.s32 $0xFFFFF600  }
0x66: {  	[spmem:s1] =	stream.indirect.scatter.add.f32 [tilespmem:s0], [sflag:$0x2], $0x20, s20, s24, $0xb8;
	[tilespmem:$0x1A040] =	vst v63  }
0x67: {  	_ =	swait.ge [sflag:s18], $0xA00  }
0x68: {  	p1 =	seq.s32 s9, $0x12C00;
	[sflag:s18] =	ssyncset.done $0x0  }
0x69: {  	s19 =	simm.s32 @p1 $0x1;
	[sflag:s18] =	ssyncadd.s32 $0xFFFFF600  }
0x6a: {  	s4 =	sshra.s32 @p1 s9, $0x2;
	_ =	swait.ge @p1 [sflag:s19], $0xA00  }
0x6b: {  	s11 =	simm.s32 @p1 $0x16440;
	s31 =	simm.s32 @p1 $0x2;
	[sflag:s19] =	ssyncset.done @p1 $0x0  }
0x6c: {  	s7 =	sadd.s32 @p1 $0xEF60, s4;
	s20 =	simm.s32 @p1 $0x50;
	[sflag:s19] =	ssyncadd.s32 @p1 $0xFFFFF600  }
0x6d: {  	[spmem:s1] =	stream.indirect.scatter.add.f32 @p1 [tilespmem:s11], [sflag:$0x2], $0x20, s7, s20, $0xb8;
	[tilespmem:$0x1A040] =	vst v63  }
0x6e: {  	_ =	swait.ge @p1 [sflag:s31], $0xA00  }
0x6f: {  	s26 =	sshra.s32 @!p1 s9, $0x2;
	s29 =	simm.s32 @!p1 $0x50;
	[sflag:s31] =	ssyncset.done @p1 $0x0  }
0x70: {  	s7 =	sadd.s32 @!p1 $0xA320, s26;
	s11 =	simm.s32 @!p1 $0x13C40;
	[sflag:s31] =	ssyncadd.s32 @p1 $0xFFFFF600  }
0x71: {  	[tilespmem:s11], [sflag:$0x1] =	stream.indirect.gather @!p1 [hbm4b:s3+s29], $0x20, s7, s29, $0xb8;
	[tilespmem:$0x1A040] =	vst v63  }
0x72: {  	s7 =	simm.s32 @!p1 $0x1  }
0x73: {  	_ =	swait.ge @!p1 [sflag:s7], $0xA00  }
0x74: {  	[sflag:s7] =	ssyncset.done @!p1 $0x0  }
0x75: {  	s12 =	simm.s32 @!p1 $0x16440;
	s11 =	sadd.s32 @!p1 $0xEF60, s26;
	[sflag:s7] =	ssyncadd.s32 @!p1 $0xFFFFF600  }
0x76: {  	[spmem:s1] =	stream.indirect.scatter.add.f32 @!p1 [tilespmem:s12], [sflag:$0x2], $0x20, s11, s29, $0xb8;
	[tilespmem:$0x1A040] =	vst v63  }
0x77: {  	s11 =	simm.s32 @!p1 $0x2  }
0x78: {  	_ =	swait.ge @!p1 [sflag:s11], $0xA00  }
0x79: {  	[sflag:s11] =	ssyncset.done @!p1 $0x0  }
0x7a: {  	s22 =	simm.s32 @!p1 $0x14640;
	s10 =	sadd.s32 @!p1 $0xA370, s26;
	[sflag:s11] =	ssyncadd.s32 @!p1 $0xFFFFF600  }
0x7b: {  	[tilespmem:s22], [sflag:$0x1] =	stream.indirect.gather @!p1 [hbm4b:s3+s29], $0x20, s10, s29, $0xb8;
	[tilespmem:$0x1A040] =	vst v63  }
0x7c: {  	_ =	swait.ge [sflag:s14], $0xA00  }
0x7d: {  	[sflag:s14] =	ssyncset.done $0x0  }
0x7e: {  	s22 =	sadd.s32 $0xEFB0, s23;
	[sflag:s14] =	ssyncadd.s32 $0xFFFFF600  }
0x7f: {  	[spmem:s1] =	stream.indirect.scatter.add.f32 [tilespmem:s8], [sflag:$0x2], $0x20, s22, s24, $0xb8;
	[tilespmem:$0x1A040] =	vst v63  }
0x80: {  	_ =	swait.ge [sflag:s18], $0xA00  }
0x81: {  	[sflag:s18] =	ssyncset.done $0x0  }
0x82: {  	[sflag:s18] =	ssyncadd.s32 $0xFFFFF600  }
0x83: {  	_ =	swait.ge @p1 [sflag:s19], $0xA00  }
0x84: {  	[sflag:s19] =	ssyncset.done @p1 $0x0  }
0x85: {  	s10 =	sadd.s32 @p1 $0xF000, s4;
	s22 =	simm.s32 @p1 $0x17840;
	[sflag:s19] =	ssyncadd.s32 @p1 $0xFFFFF600  }
0x86: {  	[spmem:s1] =	stream.indirect.scatter.add.f32 @p1 [tilespmem:s22], [sflag:$0x2], $0x20, s10, s20, $0xb8;
	[tilespmem:$0x1A040] =	vst v63  }
0x87: {  	_ =	swait.ge @p1 [sflag:s31], $0xA00  }
0x88: {  	[sflag:s31] =	ssyncset.done @p1 $0x0  }
0x89: {  	s10 =	sadd.s32 @!p1 $0xA3C0, s26;
	s22 =	simm.s32 @!p1 $0x15040;
	[sflag:s31] =	ssyncadd.s32 @p1 $0xFFFFF600  }
0x8a: {  	[tilespmem:s22], [sflag:$0x1] =	stream.indirect.gather @!p1 [hbm4b:s3+s29], $0x20, s10, s29, $0xb8;
	[tilespmem:$0x1A040] =	vst v63  }
0x8b: {  	_ =	swait.ge @!p1 [sflag:s7], $0xA00  }
0x8c: {  	[sflag:s7] =	ssyncset.done @!p1 $0x0  }
0x8d: {  	s10 =	sadd.s32 @!p1 $0xF000, s26;
	s22 =	simm.s32 @!p1 $0x17840;
	[sflag:s7] =	ssyncadd.s32 @!p1 $0xFFFFF600  }
0x8e: {  	[spmem:s1] =	stream.indirect.scatter.add.f32 @!p1 [tilespmem:s22], [sflag:$0x2], $0x20, s10, s29, $0xb8;
	[tilespmem:$0x1A040] =	vst v63  }
0x8f: {  	_ =	swait.ge @!p1 [sflag:s11], $0xA00  }
0x90: {  	[sflag:s11] =	ssyncset.done @!p1 $0x0  }
0x91: {  	s10 =	sadd.s32 @!p1 $0xA410, s26;
	s22 =	simm.s32 @!p1 $0x15A40;
	[sflag:s11] =	ssyncadd.s32 @!p1 $0xFFFFF600  }
0x92: {  	[tilespmem:s22], [sflag:$0x1] =	stream.indirect.gather @!p1 [hbm4b:s3+s29], $0x20, s10, s29, $0xb8;
	[tilespmem:$0x1A040] =	vst v63  }
0x93: {  	_ =	swait.ge [sflag:s14], $0xA00  }
0x94: {  	[sflag:s14] =	ssyncset.done $0x0  }
0x95: {  	s22 =	sadd.s32 $0xF050, s23;
	[sflag:s14] =	ssyncadd.s32 $0xFFFFF600  }
0x96: {  	[spmem:s1] =	stream.indirect.scatter.add.f32 [tilespmem:s15], [sflag:$0x2], $0x20, s22, s24, $0xb8;
	[tilespmem:$0x1A040] =	vst v63  }
0x97: {  	_ =	swait.ge [sflag:s18], $0xA00  }
0x98: {  	[sflag:s18] =	ssyncset.done $0x0  }
0x99: {  	[sflag:s18] =	ssyncadd.s32 $0xFFFFF600  }
0x9a: {  	_ =	swait.ge @p1 [sflag:s19], $0xA00  }
0x9b: {  	[sflag:s19] =	ssyncset.done @p1 $0x0  }
0x9c: {  	s4 =	sadd.s32 @p1 $0xF0A0, s4;
	s10 =	simm.s32 @p1 $0x18C40;
	[sflag:s19] =	ssyncadd.s32 @p1 $0xFFFFF600  }
0x9d: {  	[spmem:s1] =	stream.indirect.scatter.add.f32 @p1 [tilespmem:s10], [sflag:$0x2], $0x20, s4, s20, $0xb8;
	[tilespmem:$0x1A040] =	vst v63  }
0x9e: {  	_ =	swait.ge @p1 [sflag:s31], $0xA00  }
0x9f: {  	[sflag:s31] =	ssyncset.done @p1 $0x0  }
0xa0: {  	s4 =	sadd.s32 @!p1 $0xA460, s26;
	[sflag:s31] =	ssyncadd.s32 @p1 $0xFFFFF600  }
0xa1: {  	[tilespmem:s12], [sflag:$0x1] =	stream.indirect.gather @!p1 [hbm4b:s3+s29], $0x20, s4, s29, $0xb8;
	[tilespmem:$0x1A040] =	vst v63  }
0xa2: {  	_ =	swait.ge @!p1 [sflag:s7], $0xA00  }
0xa3: {  	[sflag:s7] =	ssyncset.done @!p1 $0x0  }
0xa4: {  	s4 =	sadd.s32 @!p1 $0xF0A0, s26;
	[sflag:s7] =	ssyncadd.s32 @!p1 $0xFFFFF600;
	s7 =	simm.s32 @!p1 $0x18C40  }
0xa5: {  	[spmem:s1] =	stream.indirect.scatter.add.f32 @!p1 [tilespmem:s7], [sflag:$0x2], $0x20, s4, s29, $0xb8;
	[tilespmem:$0x1A040] =	vst v63  }
0xa6: {  	_ =	swait.ge @!p1 [sflag:s11], $0xA00  }
0xa7: {  	[sflag:s11] =	ssyncset.done @!p1 $0x0  }
0xa8: {  	s4 =	sadd.s32 @!p1 $0xA4B0, s26;
	s7 =	simm.s32 @!p1 $0x16E40;
	[sflag:s11] =	ssyncadd.s32 @!p1 $0xFFFFF600  }
0xa9: {  	[tilespmem:s7], [sflag:$0x1] =	stream.indirect.gather @!p1 [hbm4b:s3+s29], $0x20, s4, s29, $0xb8;
	[tilespmem:$0x1A040] =	vst v63  }
0xaa: {  	_ =	swait.ge [sflag:s14], $0xA00  }
0xab: {  	[sflag:s14] =	ssyncset.done $0x0  }
.Ltmp3:
0xac: {  	s31 =	sadd.s32 $0xF0F0, s23;
	[sflag:s14] =	ssyncadd.s32 $0xFFFFF600;
	(pc) =	sbr.rel @p1 .LBB2_8-.Ltmp3, $4  }
0xad: {  	[spmem:s1] =	stream.indirect.scatter.add.f32 [tilespmem:s17], [sflag:$0x2], $0x20, s31, s24, $0xb8;
	[tilespmem:$0x1A040] =	vst v63  }
0xae: {  	_ =	swait.ge [sflag:s18], $0xA00  }
0xaf: {  	[sflag:s18] =	ssyncset.done $0x0  }
0xb0: {  	[sflag:s18] =	ssyncadd.s32 $0xFFFFF600  }
.Ltmp4:
0xb1: {  	(pc) =	sbr.rel .LBB2_3-.Ltmp4, $3  }
0xb2: {  	_ =	sdelay $0x1  }
0xb3: {  	s4 =	sadd.s32 $0xA500, s23;
	s9 =	sadd.s32 $0xC80, s9  }
0xb4: {  	[tilespmem:s13], [sflag:$0x1] =	stream.indirect.gather [hbm4b:s3+s24], $0x20, s4, s24, $0xb8;
	[tilespmem:$0x1A040] =	vst v63  }
.LBB2_5:
0xb5: {  	s4 =	rddreg [dreg:$0x8];
	s7 =	simm.s32 $0xA000  }
0xb6: {  	[tilespmem:s7], [sflag:$0x3] =	stream.linear.gather [hbm4b:s4+s9], $0x4E20, $0x38;
	[tilespmem:$0x1A040] =	vst v63  }
0xb7: {  	_ =	swait.ge [sflag:s21], $0x4E20  }
0xb8: {  	[sflag:s21] =	ssyncset.done $0x0  }
0xb9: {  	s10 =	simm.s32 $0xEE20;
	s12 =	rddreg [dreg:$0x9];
	[sflag:s21] =	ssyncadd.s32 $0xFFFFB1E0  }
0xba: {  	[tilespmem:s10], [sflag:$0x3] =	stream.linear.gather [hbm4b:s12+s9], $0x4E20, $0x38;
	[tilespmem:$0x1A040] =	vst v63  }
0xbb: {  	_ =	swait.ge [sflag:s21], $0x4E20  }
0xbc: {  	[sflag:s21] =	ssyncset.done $0x0  }
0xbd: {  	[sflag:s21] =	ssyncadd.s32 $0xFFFFB1E0  }
0xbe: {  	[tilespmem:s25], [sflag:$0x1] =	stream.indirect.gather [hbm4b:s5+s24], $0x20, s7, s24, $0xb8;
	[tilespmem:$0x1A040] =	vst v63  }
0xbf: {  	s19 =	simm.s32 $0xA050  }
0xc0: {  	[tilespmem:s28], [sflag:$0x1] =	stream.indirect.gather [hbm4b:s5+s24], $0x20, s19, s24, $0xb8;
	[tilespmem:$0x1A040] =	vst v63  }
0xc1: {  	s20 =	simm.s32 $0xA0A0  }
0xc2: {  	[tilespmem:s30], [sflag:$0x1] =	stream.indirect.gather [hbm4b:s5+s24], $0x20, s20, s24, $0xb8;
	[tilespmem:$0x1A040] =	vst v63  }
0xc3: {  	s22 =	simm.s32 $0xA0F0  }
0xc4: {  	[tilespmem:s0], [sflag:$0x1] =	stream.indirect.gather [hbm4b:s5+s24], $0x20, s22, s24, $0xb8;
	[tilespmem:$0x1A040] =	vst v63  }
0xc5: {  	s23 =	simm.s32 $0xA140;
	s26 =	simm.s32 $0x16440  }
0xc6: {  	[tilespmem:s26], [sflag:$0x1] =	stream.indirect.gather [hbm4b:s5+s24], $0x20, s23, s24, $0xb8;
	[tilespmem:$0x1A040] =	vst v63  }
0xc7: {  	s29 =	simm.s32 $0xA190  }
0xc8: {  	[tilespmem:s8], [sflag:$0x1] =	stream.indirect.gather [hbm4b:s5+s24], $0x20, s29, s24, $0xb8;
	[tilespmem:$0x1A040] =	vst v63  }
0xc9: {  	s31 =	simm.s32 $0xA1E0  }
0xca: {  	[tilespmem:s13], [sflag:$0x1] =	stream.indirect.gather [hbm4b:s5+s24], $0x20, s31, s24, $0xb8;
	[tilespmem:$0x1A040] =	vst v63  }
.LBB2_6:
0xcb: {  	_ =	swait.ge [sflag:s14], $0xA00  }
0xcc: {  	s23 =	sshra.s32 s9, $0x2;
	[sflag:s14] =	ssyncset.done $0x0  }
0xcd: {  	p1 =	seq.s32 s9, $0x0;
	s4 =	sadd.s32 $0xEE20, s23;
	[sflag:s14] =	ssyncadd.s32 $0xFFFFF600  }
0xce: {  	[spmem:s1] =	stream.indirect.scatter.add.f32 [tilespmem:s25], [sflag:$0x2], $0x20, s4, s24, $0xb8;
	[tilespmem:$0x1A040] =	vst v63  }
0xcf: {  	s4 =	simm.s32 @!p1 $0x2  }
0xd0: {  	_ =	swait.ge @!p1 [sflag:s4], $0xA00  }
0xd1: {  	[sflag:s4] =	ssyncset.done @!p1 $0x0  }
0xd2: {  	s7 =	sadd.s32 $0xA230, s23;
	[sflag:s4] =	ssyncadd.s32 @!p1 $0xFFFFF600  }
0xd3: {  	[tilespmem:s15], [sflag:$0x1] =	stream.indirect.gather [hbm4b:s5+s24], $0x20, s7, s24, $0xb8;
	[tilespmem:$0x1A040] =	vst v63  }
0xd4: {  	_ =	swait.ge [sflag:s14], $0xA00  }
0xd5: {  	[sflag:s14] =	ssyncset.done $0x0  }
0xd6: {  	s10 =	sadd.s32 $0xEE70, s23;
	[sflag:s14] =	ssyncadd.s32 $0xFFFFF600  }
0xd7: {  	[spmem:s1] =	stream.indirect.scatter.add.f32 [tilespmem:s28], [sflag:$0x2], $0x20, s10, s24, $0xb8;
	[tilespmem:$0x1A040] =	vst v63  }
0xd8: {  	_ =	swait.ge @!p1 [sflag:s4], $0xA00  }
0xd9: {  	[sflag:s4] =	ssyncset.done @!p1 $0x0  }
0xda: {  	s11 =	sadd.s32 $0xA280, s23;
	[sflag:s4] =	ssyncadd.s32 @!p1 $0xFFFFF600  }
0xdb: {  	[tilespmem:s16], [sflag:$0x1] =	stream.indirect.gather [hbm4b:s5+s24], $0x20, s11, s24, $0xb8;
	[tilespmem:$0x1A040] =	vst v63  }
0xdc: {  	_ =	swait.ge [sflag:s14], $0xA00  }
0xdd: {  	[sflag:s14] =	ssyncset.done $0x0  }
0xde: {  	s12 =	sadd.s32 $0xEEC0, s23;
	[sflag:s14] =	ssyncadd.s32 $0xFFFFF600  }
0xdf: {  	[spmem:s1] =	stream.indirect.scatter.add.f32 [tilespmem:s30], [sflag:$0x2], $0x20, s12, s24, $0xb8;
	[tilespmem:$0x1A040] =	vst v63  }
0xe0: {  	_ =	swait.ge @!p1 [sflag:s4], $0xA00  }
0xe1: {  	[sflag:s4] =	ssyncset.done @!p1 $0x0  }
0xe2: {  	s19 =	sadd.s32 $0xA2D0, s23;
	[sflag:s4] =	ssyncadd.s32 @!p1 $0xFFFFF600  }
0xe3: {  	[tilespmem:s17], [sflag:$0x1] =	stream.indirect.gather [hbm4b:s5+s24], $0x20, s19, s24, $0xb8;
	[tilespmem:$0x1A040] =	vst v63  }
0xe4: {  	_ =	swait.ge [sflag:s14], $0xA00  }
0xe5: {  	[sflag:s14] =	ssyncset.done $0x0  }
0xe6: {  	s20 =	sadd.s32 $0xEF10, s23;
	[sflag:s14] =	ssyncadd.s32 $0xFFFFF600  }
0xe7: {  	[spmem:s1] =	stream.indirect.scatter.add.f32 [tilespmem:s0], [sflag:$0x2], $0x20, s20, s24, $0xb8;
	[tilespmem:$0x1A040] =	vst v63  }
0xe8: {  	_ =	swait.ge [sflag:s18], $0xA00  }
0xe9: {  	p1 =	seq.s32 s9, $0x12C00;
	[sflag:s18] =	ssyncset.done $0x0  }
0xea: {  	s19 =	simm.s32 @p1 $0x1;
	[sflag:s18] =	ssyncadd.s32 $0xFFFFF600  }
0xeb: {  	_ =	swait.ge @p1 [sflag:s19], $0xA00  }
0xec: {  	s31 =	sshra.s32 @p1 s9, $0x2;
	s7 =	simm.s32 @p1 $0x16440;
	[sflag:s19] =	ssyncset.done @p1 $0x0  }
0xed: {  	s4 =	sadd.s32 @p1 $0xEF60, s31;
	s20 =	simm.s32 @p1 $0x50;
	[sflag:s19] =	ssyncadd.s32 @p1 $0xFFFFF600  }
0xee: {  	[spmem:s1] =	stream.indirect.scatter.add.f32 @p1 [tilespmem:s7], [sflag:$0x2], $0x20, s4, s20, $0xb8;
	[tilespmem:$0x1A040] =	vst v63  }
0xef: {  	s4 =	simm.s32 @p1 $0x2  }
0xf0: {  	_ =	swait.ge @p1 [sflag:s4], $0xA00  }
0xf1: {  	s26 =	sshra.s32 @!p1 s9, $0x2;
	s29 =	simm.s32 @!p1 $0x50;
	[sflag:s4] =	ssyncset.done @p1 $0x0  }
0xf2: {  	s10 =	simm.s32 @!p1 $0x13C40;
	s7 =	sadd.s32 @!p1 $0xA320, s26;
	[sflag:s4] =	ssyncadd.s32 @p1 $0xFFFFF600  }
0xf3: {  	[tilespmem:s10], [sflag:$0x1] =	stream.indirect.gather @!p1 [hbm4b:s5+s29], $0x20, s7, s29, $0xb8;
	[tilespmem:$0x1A040] =	vst v63  }
0xf4: {  	s7 =	simm.s32 @!p1 $0x1  }
0xf5: {  	_ =	swait.ge @!p1 [sflag:s7], $0xA00  }
0xf6: {  	s12 =	simm.s32 @!p1 $0x16440;
	[sflag:s7] =	ssyncset.done @!p1 $0x0  }
0xf7: {  	s11 =	simm.s32 @!p1 $0x2;
	s10 =	sadd.s32 @!p1 $0xEF60, s26;
	[sflag:s7] =	ssyncadd.s32 @!p1 $0xFFFFF600  }
0xf8: {  	[spmem:s1] =	stream.indirect.scatter.add.f32 @!p1 [tilespmem:s12], [sflag:$0x2], $0x20, s10, s29, $0xb8;
	[tilespmem:$0x1A040] =	vst v63  }
0xf9: {  	_ =	swait.ge @!p1 [sflag:s11], $0xA00  }
0xfa: {  	[sflag:s11] =	ssyncset.done @!p1 $0x0  }
0xfb: {  	s22 =	simm.s32 @!p1 $0x14640;
	s10 =	sadd.s32 @!p1 $0xA370, s26;
	[sflag:s11] =	ssyncadd.s32 @!p1 $0xFFFFF600  }
0xfc: {  	[tilespmem:s22], [sflag:$0x1] =	stream.indirect.gather @!p1 [hbm4b:s5+s29], $0x20, s10, s29, $0xb8;
	[tilespmem:$0x1A040] =	vst v63  }
0xfd: {  	_ =	swait.ge [sflag:s14], $0xA00  }
0xfe: {  	[sflag:s14] =	ssyncset.done $0x0  }
0xff: {  	s22 =	sadd.s32 $0xEFB0, s23;
	[sflag:s14] =	ssyncadd.s32 $0xFFFFF600  }
0x100: {  	[spmem:s1] =	stream.indirect.scatter.add.f32 [tilespmem:s8], [sflag:$0x2], $0x20, s22, s24, $0xb8;
	[tilespmem:$0x1A040] =	vst v63  }
0x101: {  	_ =	swait.ge [sflag:s18], $0xA00  }
0x102: {  	[sflag:s18] =	ssyncset.done $0x0  }
0x103: {  	[sflag:s18] =	ssyncadd.s32 $0xFFFFF600  }
0x104: {  	_ =	swait.ge @p1 [sflag:s19], $0xA00  }
0x105: {  	[sflag:s19] =	ssyncset.done @p1 $0x0  }
0x106: {  	s10 =	sadd.s32 @p1 $0xF000, s31;
	s22 =	simm.s32 @p1 $0x17840;
	[sflag:s19] =	ssyncadd.s32 @p1 $0xFFFFF600  }
0x107: {  	[spmem:s1] =	stream.indirect.scatter.add.f32 @p1 [tilespmem:s22], [sflag:$0x2], $0x20, s10, s20, $0xb8;
	[tilespmem:$0x1A040] =	vst v63  }
0x108: {  	_ =	swait.ge @p1 [sflag:s4], $0xA00  }
0x109: {  	[sflag:s4] =	ssyncset.done @p1 $0x0  }
0x10a: {  	s10 =	sadd.s32 @!p1 $0xA3C0, s26;
	s22 =	simm.s32 @!p1 $0x15040;
	[sflag:s4] =	ssyncadd.s32 @p1 $0xFFFFF600  }
0x10b: {  	[tilespmem:s22], [sflag:$0x1] =	stream.indirect.gather @!p1 [hbm4b:s5+s29], $0x20, s10, s29, $0xb8;
	[tilespmem:$0x1A040] =	vst v63  }
0x10c: {  	_ =	swait.ge @!p1 [sflag:s7], $0xA00  }
0x10d: {  	[sflag:s7] =	ssyncset.done @!p1 $0x0  }
0x10e: {  	s10 =	sadd.s32 @!p1 $0xF000, s26;
	s22 =	simm.s32 @!p1 $0x17840;
	[sflag:s7] =	ssyncadd.s32 @!p1 $0xFFFFF600  }
0x10f: {  	[spmem:s1] =	stream.indirect.scatter.add.f32 @!p1 [tilespmem:s22], [sflag:$0x2], $0x20, s10, s29, $0xb8;
	[tilespmem:$0x1A040] =	vst v63  }
0x110: {  	_ =	swait.ge @!p1 [sflag:s11], $0xA00  }
0x111: {  	[sflag:s11] =	ssyncset.done @!p1 $0x0  }
0x112: {  	s10 =	sadd.s32 @!p1 $0xA410, s26;
	s22 =	simm.s32 @!p1 $0x15A40;
	[sflag:s11] =	ssyncadd.s32 @!p1 $0xFFFFF600  }
0x113: {  	[tilespmem:s22], [sflag:$0x1] =	stream.indirect.gather @!p1 [hbm4b:s5+s29], $0x20, s10, s29, $0xb8;
	[tilespmem:$0x1A040] =	vst v63  }
0x114: {  	_ =	swait.ge [sflag:s14], $0xA00  }
0x115: {  	[sflag:s14] =	ssyncset.done $0x0  }
0x116: {  	s22 =	sadd.s32 $0xF050, s23;
	[sflag:s14] =	ssyncadd.s32 $0xFFFFF600  }
0x117: {  	[spmem:s1] =	stream.indirect.scatter.add.f32 [tilespmem:s15], [sflag:$0x2], $0x20, s22, s24, $0xb8;
	[tilespmem:$0x1A040] =	vst v63  }
0x118: {  	_ =	swait.ge [sflag:s18], $0xA00  }
0x119: {  	[sflag:s18] =	ssyncset.done $0x0  }
0x11a: {  	[sflag:s18] =	ssyncadd.s32 $0xFFFFF600  }
0x11b: {  	_ =	swait.ge @p1 [sflag:s19], $0xA00  }
0x11c: {  	[sflag:s19] =	ssyncset.done @p1 $0x0  }
0x11d: {  	s10 =	sadd.s32 @p1 $0xF0A0, s31;
	[sflag:s19] =	ssyncadd.s32 @p1 $0xFFFFF600;
	s19 =	simm.s32 @p1 $0x18C40  }
0x11e: {  	[spmem:s1] =	stream.indirect.scatter.add.f32 @p1 [tilespmem:s19], [sflag:$0x2], $0x20, s10, s20, $0xb8;
	[tilespmem:$0x1A040] =	vst v63  }
0x11f: {  	_ =	swait.ge @p1 [sflag:s4], $0xA00  }
0x120: {  	[sflag:s4] =	ssyncset.done @p1 $0x0  }
0x121: {  	[sflag:s4] =	ssyncadd.s32 @p1 $0xFFFFF600;
	s4 =	sadd.s32 @!p1 $0xA460, s26  }
0x122: {  	[tilespmem:s12], [sflag:$0x1] =	stream.indirect.gather @!p1 [hbm4b:s5+s29], $0x20, s4, s29, $0xb8;
	[tilespmem:$0x1A040] =	vst v63  }
0x123: {  	_ =	swait.ge @!p1 [sflag:s7], $0xA00  }
0x124: {  	[sflag:s7] =	ssyncset.done @!p1 $0x0  }
0x125: {  	s4 =	sadd.s32 @!p1 $0xF0A0, s26;
	[sflag:s7] =	ssyncadd.s32 @!p1 $0xFFFFF600;
	s7 =	simm.s32 @!p1 $0x18C40  }
0x126: {  	[spmem:s1] =	stream.indirect.scatter.add.f32 @!p1 [tilespmem:s7], [sflag:$0x2], $0x20, s4, s29, $0xb8;
	[tilespmem:$0x1A040] =	vst v63  }
0x127: {  	_ =	swait.ge @!p1 [sflag:s11], $0xA00  }
0x128: {  	[sflag:s11] =	ssyncset.done @!p1 $0x0  }
0x129: {  	s4 =	sadd.s32 @!p1 $0xA4B0, s26;
	s7 =	simm.s32 @!p1 $0x16E40;
	[sflag:s11] =	ssyncadd.s32 @!p1 $0xFFFFF600  }
0x12a: {  	[tilespmem:s7], [sflag:$0x1] =	stream.indirect.gather @!p1 [hbm4b:s5+s29], $0x20, s4, s29, $0xb8;
	[tilespmem:$0x1A040] =	vst v63  }
0x12b: {  	_ =	swait.ge [sflag:s14], $0xA00  }
0x12c: {  	[sflag:s14] =	ssyncset.done $0x0  }
.Ltmp5:
0x12d: {  	s31 =	sadd.s32 $0xF0F0, s23;
	[sflag:s14] =	ssyncadd.s32 $0xFFFFF600;
	(pc) =	sbr.rel @p1 .LBB2_12-.Ltmp5, $4  }
0x12e: {  	[spmem:s1] =	stream.indirect.scatter.add.f32 [tilespmem:s17], [sflag:$0x2], $0x20, s31, s24, $0xb8;
	[tilespmem:$0x1A040] =	vst v63  }
0x12f: {  	_ =	swait.ge [sflag:s18], $0xA00  }
0x130: {  	[sflag:s18] =	ssyncset.done $0x0  }
0x131: {  	[sflag:s18] =	ssyncadd.s32 $0xFFFFF600  }
.Ltmp6:
0x132: {  	(pc) =	sbr.rel .LBB2_6-.Ltmp6, $3  }
0x133: {  	_ =	sdelay $0x1  }
0x134: {  	s4 =	sadd.s32 $0xA500, s23;
	s9 =	sadd.s32 $0xC80, s9  }
0x135: {  	[tilespmem:s13], [sflag:$0x1] =	stream.indirect.gather [hbm4b:s5+s24], $0x20, s4, s24, $0xb8;
	[tilespmem:$0x1A040] =	vst v63  }
.LBB2_8:
0x136: {  	_ =	swait.ge [sflag:s18], $0xA00  }
0x137: {  	[sflag:s18] =	ssyncset.done $0x0  }
0x138: {  	[sflag:s18] =	ssyncadd.s32 $0xFFFFF600  }
0x139: {  	_ =	swait.ge [sflag:s18], $0xA00  }
0x13a: {  	[sflag:s18] =	ssyncset.done $0x0  }
0x13b: {  	[sflag:s18] =	ssyncadd.s32 $0xFFFFF600  }
0x13c: {  	_ =	swait.ge [sflag:s18], $0xA00  }
0x13d: {  	s9 =	simm.s32 $0x0;
	[sflag:s18] =	ssyncset.done $0x0  }
0x13e: {  	s7 =	simm.s32 $0xA000;
	s4 =	rddreg [dreg:$0xc];
	[sflag:s18] =	ssyncadd.s32 $0xFFFFF600  }
0x13f: {  	[tilespmem:s7], [sflag:$0x3] =	stream.linear.gather [hbm4b:s4+s9], $0x4E20, $0x38;
	[tilespmem:$0x1A040] =	vst v63  }
0x140: {  	_ =	swait.ge [sflag:s21], $0x4E20  }
0x141: {  	[sflag:s21] =	ssyncset.done $0x0  }
0x142: {  	s10 =	simm.s32 $0xEE20;
	s12 =	rddreg [dreg:$0xd];
	[sflag:s21] =	ssyncadd.s32 $0xFFFFB1E0  }
0x143: {  	[tilespmem:s10], [sflag:$0x3] =	stream.linear.gather [hbm4b:s12+s9], $0x4E20, $0x38;
	[tilespmem:$0x1A040] =	vst v63  }
0x144: {  	_ =	swait.ge [sflag:s21], $0x4E20  }
0x145: {  	[sflag:s21] =	ssyncset.done $0x0  }
0x146: {  	[sflag:s21] =	ssyncadd.s32 $0xFFFFB1E0  }
0x147: {  	[tilespmem:s25], [sflag:$0x1] =	stream.indirect.gather [hbm4b:s3+s24], $0x20, s7, s24, $0xb8;
	[tilespmem:$0x1A040] =	vst v63  }
0x148: {  	s19 =	simm.s32 $0xA050  }
0x149: {  	[tilespmem:s28], [sflag:$0x1] =	stream.indirect.gather [hbm4b:s3+s24], $0x20, s19, s24, $0xb8;
	[tilespmem:$0x1A040] =	vst v63  }
0x14a: {  	s20 =	simm.s32 $0xA0A0  }
0x14b: {  	[tilespmem:s30], [sflag:$0x1] =	stream.indirect.gather [hbm4b:s3+s24], $0x20, s20, s24, $0xb8;
	[tilespmem:$0x1A040] =	vst v63  }
0x14c: {  	s22 =	simm.s32 $0xA0F0  }
0x14d: {  	[tilespmem:s0], [sflag:$0x1] =	stream.indirect.gather [hbm4b:s3+s24], $0x20, s22, s24, $0xb8;
	[tilespmem:$0x1A040] =	vst v63  }
0x14e: {  	s23 =	simm.s32 $0xA140;
	s26 =	simm.s32 $0x16440  }
0x14f: {  	[tilespmem:s26], [sflag:$0x1] =	stream.indirect.gather [hbm4b:s3+s24], $0x20, s23, s24, $0xb8;
	[tilespmem:$0x1A040] =	vst v63  }
0x150: {  	s29 =	simm.s32 $0xA190  }
0x151: {  	[tilespmem:s8], [sflag:$0x1] =	stream.indirect.gather [hbm4b:s3+s24], $0x20, s29, s24, $0xb8;
	[tilespmem:$0x1A040] =	vst v63  }
0x152: {  	s31 =	simm.s32 $0xA1E0  }
0x153: {  	[tilespmem:s13], [sflag:$0x1] =	stream.indirect.gather [hbm4b:s3+s24], $0x20, s31, s24, $0xb8;
	[tilespmem:$0x1A040] =	vst v63  }
.LBB2_9:
0x154: {  	_ =	swait.ge [sflag:s14], $0xA00  }
0x155: {  	s23 =	sshra.s32 s9, $0x2;
	[sflag:s14] =	ssyncset.done $0x0  }
0x156: {  	p1 =	seq.s32 s9, $0x0;
	s4 =	sadd.s32 $0xEE20, s23;
	[sflag:s14] =	ssyncadd.s32 $0xFFFFF600  }
0x157: {  	[spmem:s1] =	stream.indirect.scatter.add.f32 [tilespmem:s25], [sflag:$0x2], $0x20, s4, s24, $0xb8;
	[tilespmem:$0x1A040] =	vst v63  }
0x158: {  	s4 =	simm.s32 @!p1 $0x2  }
0x159: {  	_ =	swait.ge @!p1 [sflag:s4], $0xA00  }
0x15a: {  	[sflag:s4] =	ssyncset.done @!p1 $0x0  }
0x15b: {  	s7 =	sadd.s32 $0xA230, s23;
	[sflag:s4] =	ssyncadd.s32 @!p1 $0xFFFFF600  }
0x15c: {  	[tilespmem:s15], [sflag:$0x1] =	stream.indirect.gather [hbm4b:s3+s24], $0x20, s7, s24, $0xb8;
	[tilespmem:$0x1A040] =	vst v63  }
0x15d: {  	_ =	swait.ge [sflag:s14], $0xA00  }
0x15e: {  	[sflag:s14] =	ssyncset.done $0x0  }
0x15f: {  	s10 =	sadd.s32 $0xEE70, s23;
	[sflag:s14] =	ssyncadd.s32 $0xFFFFF600  }
0x160: {  	[spmem:s1] =	stream.indirect.scatter.add.f32 [tilespmem:s28], [sflag:$0x2], $0x20, s10, s24, $0xb8;
	[tilespmem:$0x1A040] =	vst v63  }
0x161: {  	_ =	swait.ge @!p1 [sflag:s4], $0xA00  }
0x162: {  	[sflag:s4] =	ssyncset.done @!p1 $0x0  }
0x163: {  	s11 =	sadd.s32 $0xA280, s23;
	[sflag:s4] =	ssyncadd.s32 @!p1 $0xFFFFF600  }
0x164: {  	[tilespmem:s16], [sflag:$0x1] =	stream.indirect.gather [hbm4b:s3+s24], $0x20, s11, s24, $0xb8;
	[tilespmem:$0x1A040] =	vst v63  }
0x165: {  	_ =	swait.ge [sflag:s14], $0xA00  }
0x166: {  	[sflag:s14] =	ssyncset.done $0x0  }
0x167: {  	s12 =	sadd.s32 $0xEEC0, s23;
	[sflag:s14] =	ssyncadd.s32 $0xFFFFF600  }
0x168: {  	[spmem:s1] =	stream.indirect.scatter.add.f32 [tilespmem:s30], [sflag:$0x2], $0x20, s12, s24, $0xb8;
	[tilespmem:$0x1A040] =	vst v63  }
0x169: {  	_ =	swait.ge @!p1 [sflag:s4], $0xA00  }
0x16a: {  	[sflag:s4] =	ssyncset.done @!p1 $0x0  }
0x16b: {  	s19 =	sadd.s32 $0xA2D0, s23;
	[sflag:s4] =	ssyncadd.s32 @!p1 $0xFFFFF600  }
0x16c: {  	[tilespmem:s17], [sflag:$0x1] =	stream.indirect.gather [hbm4b:s3+s24], $0x20, s19, s24, $0xb8;
	[tilespmem:$0x1A040] =	vst v63  }
0x16d: {  	_ =	swait.ge [sflag:s14], $0xA00  }
0x16e: {  	[sflag:s14] =	ssyncset.done $0x0  }
0x16f: {  	s20 =	sadd.s32 $0xEF10, s23;
	[sflag:s14] =	ssyncadd.s32 $0xFFFFF600  }
0x170: {  	[spmem:s1] =	stream.indirect.scatter.add.f32 [tilespmem:s0], [sflag:$0x2], $0x20, s20, s24, $0xb8;
	[tilespmem:$0x1A040] =	vst v63  }
0x171: {  	_ =	swait.ge [sflag:s18], $0xA00  }
0x172: {  	p1 =	seq.s32 s9, $0x12C00;
	[sflag:s18] =	ssyncset.done $0x0  }
0x173: {  	s19 =	simm.s32 @p1 $0x1;
	[sflag:s18] =	ssyncadd.s32 $0xFFFFF600  }
0x174: {  	s4 =	sshra.s32 @p1 s9, $0x2;
	_ =	swait.ge @p1 [sflag:s19], $0xA00  }
0x175: {  	s10 =	simm.s32 @p1 $0x16440;
	s31 =	simm.s32 @p1 $0x2;
	[sflag:s19] =	ssyncset.done @p1 $0x0  }
0x176: {  	s7 =	sadd.s32 @p1 $0xEF60, s4;
	s20 =	simm.s32 @p1 $0x50;
	[sflag:s19] =	ssyncadd.s32 @p1 $0xFFFFF600  }
0x177: {  	[spmem:s1] =	stream.indirect.scatter.add.f32 @p1 [tilespmem:s10], [sflag:$0x2], $0x20, s7, s20, $0xb8;
	[tilespmem:$0x1A040] =	vst v63  }
0x178: {  	_ =	swait.ge @p1 [sflag:s31], $0xA00  }
0x179: {  	s26 =	sshra.s32 @!p1 s9, $0x2;
	s29 =	simm.s32 @!p1 $0x50;
	[sflag:s31] =	ssyncset.done @p1 $0x0  }
0x17a: {  	s7 =	sadd.s32 @!p1 $0xA320, s26;
	s10 =	simm.s32 @!p1 $0x13C40;
	[sflag:s31] =	ssyncadd.s32 @p1 $0xFFFFF600  }
0x17b: {  	[tilespmem:s10], [sflag:$0x1] =	stream.indirect.gather @!p1 [hbm4b:s3+s29], $0x20, s7, s29, $0xb8;
	[tilespmem:$0x1A040] =	vst v63  }
0x17c: {  	s7 =	simm.s32 @!p1 $0x1  }
0x17d: {  	_ =	swait.ge @!p1 [sflag:s7], $0xA00  }
0x17e: {  	s12 =	simm.s32 @!p1 $0x16440;
	[sflag:s7] =	ssyncset.done @!p1 $0x0  }
0x17f: {  	s11 =	simm.s32 @!p1 $0x2;
	s10 =	sadd.s32 @!p1 $0xEF60, s26;
	[sflag:s7] =	ssyncadd.s32 @!p1 $0xFFFFF600  }
0x180: {  	[spmem:s1] =	stream.indirect.scatter.add.f32 @!p1 [tilespmem:s12], [sflag:$0x2], $0x20, s10, s29, $0xb8;
	[tilespmem:$0x1A040] =	vst v63  }
0x181: {  	_ =	swait.ge @!p1 [sflag:s11], $0xA00  }
0x182: {  	[sflag:s11] =	ssyncset.done @!p1 $0x0  }
0x183: {  	s22 =	simm.s32 @!p1 $0x14640;
	s10 =	sadd.s32 @!p1 $0xA370, s26;
	[sflag:s11] =	ssyncadd.s32 @!p1 $0xFFFFF600  }
0x184: {  	[tilespmem:s22], [sflag:$0x1] =	stream.indirect.gather @!p1 [hbm4b:s3+s29], $0x20, s10, s29, $0xb8;
	[tilespmem:$0x1A040] =	vst v63  }
0x185: {  	_ =	swait.ge [sflag:s14], $0xA00  }
0x186: {  	[sflag:s14] =	ssyncset.done $0x0  }
0x187: {  	s22 =	sadd.s32 $0xEFB0, s23;
	[sflag:s14] =	ssyncadd.s32 $0xFFFFF600  }
0x188: {  	[spmem:s1] =	stream.indirect.scatter.add.f32 [tilespmem:s8], [sflag:$0x2], $0x20, s22, s24, $0xb8;
	[tilespmem:$0x1A040] =	vst v63  }
0x189: {  	_ =	swait.ge [sflag:s18], $0xA00  }
0x18a: {  	[sflag:s18] =	ssyncset.done $0x0  }
0x18b: {  	[sflag:s18] =	ssyncadd.s32 $0xFFFFF600  }
0x18c: {  	_ =	swait.ge @p1 [sflag:s19], $0xA00  }
0x18d: {  	[sflag:s19] =	ssyncset.done @p1 $0x0  }
0x18e: {  	s10 =	sadd.s32 @p1 $0xF000, s4;
	s22 =	simm.s32 @p1 $0x17840;
	[sflag:s19] =	ssyncadd.s32 @p1 $0xFFFFF600  }
0x18f: {  	[spmem:s1] =	stream.indirect.scatter.add.f32 @p1 [tilespmem:s22], [sflag:$0x2], $0x20, s10, s20, $0xb8;
	[tilespmem:$0x1A040] =	vst v63  }
0x190: {  	_ =	swait.ge @p1 [sflag:s31], $0xA00  }
0x191: {  	[sflag:s31] =	ssyncset.done @p1 $0x0  }
0x192: {  	s10 =	sadd.s32 @!p1 $0xA3C0, s26;
	s22 =	simm.s32 @!p1 $0x15040;
	[sflag:s31] =	ssyncadd.s32 @p1 $0xFFFFF600  }
0x193: {  	[tilespmem:s22], [sflag:$0x1] =	stream.indirect.gather @!p1 [hbm4b:s3+s29], $0x20, s10, s29, $0xb8;
	[tilespmem:$0x1A040] =	vst v63  }
0x194: {  	_ =	swait.ge @!p1 [sflag:s7], $0xA00  }
0x195: {  	[sflag:s7] =	ssyncset.done @!p1 $0x0  }
0x196: {  	s10 =	sadd.s32 @!p1 $0xF000, s26;
	s22 =	simm.s32 @!p1 $0x17840;
	[sflag:s7] =	ssyncadd.s32 @!p1 $0xFFFFF600  }
0x197: {  	[spmem:s1] =	stream.indirect.scatter.add.f32 @!p1 [tilespmem:s22], [sflag:$0x2], $0x20, s10, s29, $0xb8;
	[tilespmem:$0x1A040] =	vst v63  }
0x198: {  	_ =	swait.ge @!p1 [sflag:s11], $0xA00  }
0x199: {  	[sflag:s11] =	ssyncset.done @!p1 $0x0  }
0x19a: {  	s10 =	sadd.s32 @!p1 $0xA410, s26;
	s22 =	simm.s32 @!p1 $0x15A40;
	[sflag:s11] =	ssyncadd.s32 @!p1 $0xFFFFF600  }
0x19b: {  	[tilespmem:s22], [sflag:$0x1] =	stream.indirect.gather @!p1 [hbm4b:s3+s29], $0x20, s10, s29, $0xb8;
	[tilespmem:$0x1A040] =	vst v63  }
0x19c: {  	_ =	swait.ge [sflag:s14], $0xA00  }
0x19d: {  	[sflag:s14] =	ssyncset.done $0x0  }
0x19e: {  	s22 =	sadd.s32 $0xF050, s23;
	[sflag:s14] =	ssyncadd.s32 $0xFFFFF600  }
0x19f: {  	[spmem:s1] =	stream.indirect.scatter.add.f32 [tilespmem:s15], [sflag:$0x2], $0x20, s22, s24, $0xb8;
	[tilespmem:$0x1A040] =	vst v63  }
0x1a0: {  	_ =	swait.ge [sflag:s18], $0xA00  }
0x1a1: {  	[sflag:s18] =	ssyncset.done $0x0  }
0x1a2: {  	[sflag:s18] =	ssyncadd.s32 $0xFFFFF600  }
0x1a3: {  	_ =	swait.ge @p1 [sflag:s19], $0xA00  }
0x1a4: {  	[sflag:s19] =	ssyncset.done @p1 $0x0  }
0x1a5: {  	s4 =	sadd.s32 @p1 $0xF0A0, s4;
	s10 =	simm.s32 @p1 $0x18C40;
	[sflag:s19] =	ssyncadd.s32 @p1 $0xFFFFF600  }
0x1a6: {  	[spmem:s1] =	stream.indirect.scatter.add.f32 @p1 [tilespmem:s10], [sflag:$0x2], $0x20, s4, s20, $0xb8;
	[tilespmem:$0x1A040] =	vst v63  }
0x1a7: {  	_ =	swait.ge @p1 [sflag:s31], $0xA00  }
0x1a8: {  	[sflag:s31] =	ssyncset.done @p1 $0x0  }
0x1a9: {  	s4 =	sadd.s32 @!p1 $0xA460, s26;
	[sflag:s31] =	ssyncadd.s32 @p1 $0xFFFFF600  }
0x1aa: {  	[tilespmem:s12], [sflag:$0x1] =	stream.indirect.gather @!p1 [hbm4b:s3+s29], $0x20, s4, s29, $0xb8;
	[tilespmem:$0x1A040] =	vst v63  }
0x1ab: {  	_ =	swait.ge @!p1 [sflag:s7], $0xA00  }
0x1ac: {  	[sflag:s7] =	ssyncset.done @!p1 $0x0  }
0x1ad: {  	s4 =	sadd.s32 @!p1 $0xF0A0, s26;
	[sflag:s7] =	ssyncadd.s32 @!p1 $0xFFFFF600;
	s7 =	simm.s32 @!p1 $0x18C40  }
0x1ae: {  	[spmem:s1] =	stream.indirect.scatter.add.f32 @!p1 [tilespmem:s7], [sflag:$0x2], $0x20, s4, s29, $0xb8;
	[tilespmem:$0x1A040] =	vst v63  }
0x1af: {  	_ =	swait.ge @!p1 [sflag:s11], $0xA00  }
0x1b0: {  	[sflag:s11] =	ssyncset.done @!p1 $0x0  }
0x1b1: {  	s4 =	sadd.s32 @!p1 $0xA4B0, s26;
	s7 =	simm.s32 @!p1 $0x16E40;
	[sflag:s11] =	ssyncadd.s32 @!p1 $0xFFFFF600  }
0x1b2: {  	[tilespmem:s7], [sflag:$0x1] =	stream.indirect.gather @!p1 [hbm4b:s3+s29], $0x20, s4, s29, $0xb8;
	[tilespmem:$0x1A040] =	vst v63  }
0x1b3: {  	_ =	swait.ge [sflag:s14], $0xA00  }
0x1b4: {  	[sflag:s14] =	ssyncset.done $0x0  }
.Ltmp7:
0x1b5: {  	s31 =	sadd.s32 $0xF0F0, s23;
	[sflag:s14] =	ssyncadd.s32 $0xFFFFF600;
	(pc) =	sbr.rel @p1 .LBB2_10-.Ltmp7, $4  }
0x1b6: {  	[spmem:s1] =	stream.indirect.scatter.add.f32 [tilespmem:s17], [sflag:$0x2], $0x20, s31, s24, $0xb8;
	[tilespmem:$0x1A040] =	vst v63  }
0x1b7: {  	_ =	swait.ge [sflag:s18], $0xA00  }
0x1b8: {  	[sflag:s18] =	ssyncset.done $0x0  }
0x1b9: {  	[sflag:s18] =	ssyncadd.s32 $0xFFFFF600  }
.Ltmp8:
0x1ba: {  	(pc) =	sbr.rel .LBB2_9-.Ltmp8, $3  }
0x1bb: {  	_ =	sdelay $0x1  }
0x1bc: {  	s4 =	sadd.s32 $0xA500, s23;
	s9 =	sadd.s32 $0xC80, s9  }
0x1bd: {  	[tilespmem:s13], [sflag:$0x1] =	stream.indirect.gather [hbm4b:s3+s24], $0x20, s4, s24, $0xb8;
	[tilespmem:$0x1A040] =	vst v63  }
.LBB2_12:
0x1be: {  	_ =	swait.ge [sflag:s18], $0xA00  }
0x1bf: {  	[sflag:s18] =	ssyncset.done $0x0  }
0x1c0: {  	[sflag:s18] =	ssyncadd.s32 $0xFFFFF600  }
0x1c1: {  	_ =	swait.ge [sflag:s18], $0xA00  }
0x1c2: {  	[sflag:s18] =	ssyncset.done $0x0  }
0x1c3: {  	[sflag:s18] =	ssyncadd.s32 $0xFFFFF600  }
0x1c4: {  	_ =	swait.ge [sflag:s18], $0xA00  }
0x1c5: {  	s9 =	simm.s32 $0x0;
	[sflag:s18] =	ssyncset.done $0x0  }
0x1c6: {  	s7 =	simm.s32 $0xA000;
	s4 =	rddreg [dreg:$0xe];
	[sflag:s18] =	ssyncadd.s32 $0xFFFFF600  }
0x1c7: {  	[tilespmem:s7], [sflag:$0x3] =	stream.linear.gather [hbm4b:s4+s9], $0x4E20, $0x38;
	[tilespmem:$0x1A040] =	vst v63  }
0x1c8: {  	_ =	swait.ge [sflag:s21], $0x4E20  }
0x1c9: {  	[sflag:s21] =	ssyncset.done $0x0  }
0x1ca: {  	s10 =	simm.s32 $0xEE20;
	s12 =	rddreg [dreg:$0xf];
	[sflag:s21] =	ssyncadd.s32 $0xFFFFB1E0  }
0x1cb: {  	[tilespmem:s10], [sflag:$0x3] =	stream.linear.gather [hbm4b:s12+s9], $0x4E20, $0x38;
	[tilespmem:$0x1A040] =	vst v63  }
0x1cc: {  	_ =	swait.ge [sflag:s21], $0x4E20  }
0x1cd: {  	[sflag:s21] =	ssyncset.done $0x0  }
0x1ce: {  	[sflag:s21] =	ssyncadd.s32 $0xFFFFB1E0  }
0x1cf: {  	[tilespmem:s25], [sflag:$0x1] =	stream.indirect.gather [hbm4b:s5+s24], $0x20, s7, s24, $0xb8;
	[tilespmem:$0x1A040] =	vst v63  }
0x1d0: {  	s19 =	simm.s32 $0xA050  }
0x1d1: {  	[tilespmem:s28], [sflag:$0x1] =	stream.indirect.gather [hbm4b:s5+s24], $0x20, s19, s24, $0xb8;
	[tilespmem:$0x1A040] =	vst v63  }
0x1d2: {  	s20 =	simm.s32 $0xA0A0  }
0x1d3: {  	[tilespmem:s30], [sflag:$0x1] =	stream.indirect.gather [hbm4b:s5+s24], $0x20, s20, s24, $0xb8;
	[tilespmem:$0x1A040] =	vst v63  }
0x1d4: {  	s22 =	simm.s32 $0xA0F0  }
0x1d5: {  	[tilespmem:s0], [sflag:$0x1] =	stream.indirect.gather [hbm4b:s5+s24], $0x20, s22, s24, $0xb8;
	[tilespmem:$0x1A040] =	vst v63  }
0x1d6: {  	s23 =	simm.s32 $0xA140;
	s26 =	simm.s32 $0x16440  }
0x1d7: {  	[tilespmem:s26], [sflag:$0x1] =	stream.indirect.gather [hbm4b:s5+s24], $0x20, s23, s24, $0xb8;
	[tilespmem:$0x1A040] =	vst v63  }
0x1d8: {  	s29 =	simm.s32 $0xA190  }
0x1d9: {  	[tilespmem:s8], [sflag:$0x1] =	stream.indirect.gather [hbm4b:s5+s24], $0x20, s29, s24, $0xb8;
	[tilespmem:$0x1A040] =	vst v63  }
0x1da: {  	s31 =	simm.s32 $0xA1E0  }
0x1db: {  	[tilespmem:s13], [sflag:$0x1] =	stream.indirect.gather [hbm4b:s5+s24], $0x20, s31, s24, $0xb8;
	[tilespmem:$0x1A040] =	vst v63  }
.LBB2_13:
0x1dc: {  	_ =	swait.ge [sflag:s14], $0xA00  }
0x1dd: {  	s23 =	sshra.s32 s9, $0x2;
	[sflag:s14] =	ssyncset.done $0x0  }
0x1de: {  	p1 =	seq.s32 s9, $0x0;
	s4 =	sadd.s32 $0xEE20, s23;
	[sflag:s14] =	ssyncadd.s32 $0xFFFFF600  }
0x1df: {  	[spmem:s1] =	stream.indirect.scatter.add.f32 [tilespmem:s25], [sflag:$0x2], $0x20, s4, s24, $0xb8;
	[tilespmem:$0x1A040] =	vst v63  }
0x1e0: {  	s4 =	simm.s32 @!p1 $0x2  }
0x1e1: {  	_ =	swait.ge @!p1 [sflag:s4], $0xA00  }
0x1e2: {  	[sflag:s4] =	ssyncset.done @!p1 $0x0  }
0x1e3: {  	s7 =	sadd.s32 $0xA230, s23;
	[sflag:s4] =	ssyncadd.s32 @!p1 $0xFFFFF600  }
0x1e4: {  	[tilespmem:s15], [sflag:$0x1] =	stream.indirect.gather [hbm4b:s5+s24], $0x20, s7, s24, $0xb8;
	[tilespmem:$0x1A040] =	vst v63  }
0x1e5: {  	_ =	swait.ge [sflag:s14], $0xA00  }
0x1e6: {  	[sflag:s14] =	ssyncset.done $0x0  }
0x1e7: {  	s10 =	sadd.s32 $0xEE70, s23;
	[sflag:s14] =	ssyncadd.s32 $0xFFFFF600  }
0x1e8: {  	[spmem:s1] =	stream.indirect.scatter.add.f32 [tilespmem:s28], [sflag:$0x2], $0x20, s10, s24, $0xb8;
	[tilespmem:$0x1A040] =	vst v63  }
0x1e9: {  	_ =	swait.ge @!p1 [sflag:s4], $0xA00  }
0x1ea: {  	[sflag:s4] =	ssyncset.done @!p1 $0x0  }
0x1eb: {  	s11 =	sadd.s32 $0xA280, s23;
	[sflag:s4] =	ssyncadd.s32 @!p1 $0xFFFFF600  }
0x1ec: {  	[tilespmem:s16], [sflag:$0x1] =	stream.indirect.gather [hbm4b:s5+s24], $0x20, s11, s24, $0xb8;
	[tilespmem:$0x1A040] =	vst v63  }
0x1ed: {  	_ =	swait.ge [sflag:s14], $0xA00  }
0x1ee: {  	[sflag:s14] =	ssyncset.done $0x0  }
0x1ef: {  	s12 =	sadd.s32 $0xEEC0, s23;
	[sflag:s14] =	ssyncadd.s32 $0xFFFFF600  }
0x1f0: {  	[spmem:s1] =	stream.indirect.scatter.add.f32 [tilespmem:s30], [sflag:$0x2], $0x20, s12, s24, $0xb8;
	[tilespmem:$0x1A040] =	vst v63  }
0x1f1: {  	_ =	swait.ge @!p1 [sflag:s4], $0xA00  }
0x1f2: {  	[sflag:s4] =	ssyncset.done @!p1 $0x0  }
0x1f3: {  	s19 =	sadd.s32 $0xA2D0, s23;
	[sflag:s4] =	ssyncadd.s32 @!p1 $0xFFFFF600  }
0x1f4: {  	[tilespmem:s17], [sflag:$0x1] =	stream.indirect.gather [hbm4b:s5+s24], $0x20, s19, s24, $0xb8;
	[tilespmem:$0x1A040] =	vst v63  }
0x1f5: {  	_ =	swait.ge [sflag:s14], $0xA00  }
0x1f6: {  	[sflag:s14] =	ssyncset.done $0x0  }
0x1f7: {  	s20 =	sadd.s32 $0xEF10, s23;
	[sflag:s14] =	ssyncadd.s32 $0xFFFFF600  }
0x1f8: {  	[spmem:s1] =	stream.indirect.scatter.add.f32 [tilespmem:s0], [sflag:$0x2], $0x20, s20, s24, $0xb8;
	[tilespmem:$0x1A040] =	vst v63  }
0x1f9: {  	_ =	swait.ge [sflag:s18], $0xA00  }
0x1fa: {  	p1 =	seq.s32 s9, $0x12C00;
	[sflag:s18] =	ssyncset.done $0x0  }
0x1fb: {  	s19 =	simm.s32 @p1 $0x1;
	[sflag:s18] =	ssyncadd.s32 $0xFFFFF600  }
0x1fc: {  	s4 =	sshra.s32 @p1 s9, $0x2;
	_ =	swait.ge @p1 [sflag:s19], $0xA00  }
0x1fd: {  	s10 =	simm.s32 @p1 $0x16440;
	s31 =	simm.s32 @p1 $0x2;
	[sflag:s19] =	ssyncset.done @p1 $0x0  }
0x1fe: {  	s7 =	sadd.s32 @p1 $0xEF60, s4;
	s20 =	simm.s32 @p1 $0x50;
	[sflag:s19] =	ssyncadd.s32 @p1 $0xFFFFF600  }
0x1ff: {  	[spmem:s1] =	stream.indirect.scatter.add.f32 @p1 [tilespmem:s10], [sflag:$0x2], $0x20, s7, s20, $0xb8;
	[tilespmem:$0x1A040] =	vst v63  }
0x200: {  	_ =	swait.ge @p1 [sflag:s31], $0xA00  }
0x201: {  	s26 =	sshra.s32 @!p1 s9, $0x2;
	s29 =	simm.s32 @!p1 $0x50;
	[sflag:s31] =	ssyncset.done @p1 $0x0  }
0x202: {  	s7 =	sadd.s32 @!p1 $0xA320, s26;
	s10 =	simm.s32 @!p1 $0x13C40;
	[sflag:s31] =	ssyncadd.s32 @p1 $0xFFFFF600  }
0x203: {  	[tilespmem:s10], [sflag:$0x1] =	stream.indirect.gather @!p1 [hbm4b:s5+s29], $0x20, s7, s29, $0xb8;
	[tilespmem:$0x1A040] =	vst v63  }
0x204: {  	s7 =	simm.s32 @!p1 $0x1  }
0x205: {  	_ =	swait.ge @!p1 [sflag:s7], $0xA00  }
0x206: {  	s12 =	simm.s32 @!p1 $0x16440;
	[sflag:s7] =	ssyncset.done @!p1 $0x0  }
0x207: {  	s11 =	simm.s32 @!p1 $0x2;
	s10 =	sadd.s32 @!p1 $0xEF60, s26;
	[sflag:s7] =	ssyncadd.s32 @!p1 $0xFFFFF600  }
0x208: {  	[spmem:s1] =	stream.indirect.scatter.add.f32 @!p1 [tilespmem:s12], [sflag:$0x2], $0x20, s10, s29, $0xb8;
	[tilespmem:$0x1A040] =	vst v63  }
0x209: {  	_ =	swait.ge @!p1 [sflag:s11], $0xA00  }
0x20a: {  	[sflag:s11] =	ssyncset.done @!p1 $0x0  }
0x20b: {  	s22 =	simm.s32 @!p1 $0x14640;
	s10 =	sadd.s32 @!p1 $0xA370, s26;
	[sflag:s11] =	ssyncadd.s32 @!p1 $0xFFFFF600  }
0x20c: {  	[tilespmem:s22], [sflag:$0x1] =	stream.indirect.gather @!p1 [hbm4b:s5+s29], $0x20, s10, s29, $0xb8;
	[tilespmem:$0x1A040] =	vst v63  }
0x20d: {  	_ =	swait.ge [sflag:s14], $0xA00  }
0x20e: {  	[sflag:s14] =	ssyncset.done $0x0  }
0x20f: {  	s22 =	sadd.s32 $0xEFB0, s23;
	[sflag:s14] =	ssyncadd.s32 $0xFFFFF600  }
0x210: {  	[spmem:s1] =	stream.indirect.scatter.add.f32 [tilespmem:s8], [sflag:$0x2], $0x20, s22, s24, $0xb8;
	[tilespmem:$0x1A040] =	vst v63  }
0x211: {  	_ =	swait.ge [sflag:s18], $0xA00  }
0x212: {  	[sflag:s18] =	ssyncset.done $0x0  }
0x213: {  	[sflag:s18] =	ssyncadd.s32 $0xFFFFF600  }
0x214: {  	_ =	swait.ge @p1 [sflag:s19], $0xA00  }
0x215: {  	[sflag:s19] =	ssyncset.done @p1 $0x0  }
0x216: {  	s10 =	sadd.s32 @p1 $0xF000, s4;
	s22 =	simm.s32 @p1 $0x17840;
	[sflag:s19] =	ssyncadd.s32 @p1 $0xFFFFF600  }
0x217: {  	[spmem:s1] =	stream.indirect.scatter.add.f32 @p1 [tilespmem:s22], [sflag:$0x2], $0x20, s10, s20, $0xb8;
	[tilespmem:$0x1A040] =	vst v63  }
0x218: {  	_ =	swait.ge @p1 [sflag:s31], $0xA00  }
0x219: {  	[sflag:s31] =	ssyncset.done @p1 $0x0  }
0x21a: {  	s10 =	sadd.s32 @!p1 $0xA3C0, s26;
	s22 =	simm.s32 @!p1 $0x15040;
	[sflag:s31] =	ssyncadd.s32 @p1 $0xFFFFF600  }
0x21b: {  	[tilespmem:s22], [sflag:$0x1] =	stream.indirect.gather @!p1 [hbm4b:s5+s29], $0x20, s10, s29, $0xb8;
	[tilespmem:$0x1A040] =	vst v63  }
0x21c: {  	_ =	swait.ge @!p1 [sflag:s7], $0xA00  }
0x21d: {  	[sflag:s7] =	ssyncset.done @!p1 $0x0  }
0x21e: {  	s10 =	sadd.s32 @!p1 $0xF000, s26;
	s22 =	simm.s32 @!p1 $0x17840;
	[sflag:s7] =	ssyncadd.s32 @!p1 $0xFFFFF600  }
0x21f: {  	[spmem:s1] =	stream.indirect.scatter.add.f32 @!p1 [tilespmem:s22], [sflag:$0x2], $0x20, s10, s29, $0xb8;
	[tilespmem:$0x1A040] =	vst v63  }
0x220: {  	_ =	swait.ge @!p1 [sflag:s11], $0xA00  }
0x221: {  	[sflag:s11] =	ssyncset.done @!p1 $0x0  }
0x222: {  	s10 =	sadd.s32 @!p1 $0xA410, s26;
	s22 =	simm.s32 @!p1 $0x15A40;
	[sflag:s11] =	ssyncadd.s32 @!p1 $0xFFFFF600  }
0x223: {  	[tilespmem:s22], [sflag:$0x1] =	stream.indirect.gather @!p1 [hbm4b:s5+s29], $0x20, s10, s29, $0xb8;
	[tilespmem:$0x1A040] =	vst v63  }
0x224: {  	_ =	swait.ge [sflag:s14], $0xA00  }
0x225: {  	[sflag:s14] =	ssyncset.done $0x0  }
0x226: {  	s22 =	sadd.s32 $0xF050, s23;
	[sflag:s14] =	ssyncadd.s32 $0xFFFFF600  }
0x227: {  	[spmem:s1] =	stream.indirect.scatter.add.f32 [tilespmem:s15], [sflag:$0x2], $0x20, s22, s24, $0xb8;
	[tilespmem:$0x1A040] =	vst v63  }
0x228: {  	_ =	swait.ge [sflag:s18], $0xA00  }
0x229: {  	[sflag:s18] =	ssyncset.done $0x0  }
0x22a: {  	[sflag:s18] =	ssyncadd.s32 $0xFFFFF600  }
0x22b: {  	_ =	swait.ge @p1 [sflag:s19], $0xA00  }
0x22c: {  	[sflag:s19] =	ssyncset.done @p1 $0x0  }
0x22d: {  	s4 =	sadd.s32 @p1 $0xF0A0, s4;
	s10 =	simm.s32 @p1 $0x18C40;
	[sflag:s19] =	ssyncadd.s32 @p1 $0xFFFFF600  }
0x22e: {  	[spmem:s1] =	stream.indirect.scatter.add.f32 @p1 [tilespmem:s10], [sflag:$0x2], $0x20, s4, s20, $0xb8;
	[tilespmem:$0x1A040] =	vst v63  }
0x22f: {  	_ =	swait.ge @p1 [sflag:s31], $0xA00  }
0x230: {  	[sflag:s31] =	ssyncset.done @p1 $0x0  }
0x231: {  	s4 =	sadd.s32 @!p1 $0xA460, s26;
	[sflag:s31] =	ssyncadd.s32 @p1 $0xFFFFF600  }
0x232: {  	[tilespmem:s12], [sflag:$0x1] =	stream.indirect.gather @!p1 [hbm4b:s5+s29], $0x20, s4, s29, $0xb8;
	[tilespmem:$0x1A040] =	vst v63  }
0x233: {  	_ =	swait.ge @!p1 [sflag:s7], $0xA00  }
0x234: {  	[sflag:s7] =	ssyncset.done @!p1 $0x0  }
0x235: {  	s4 =	sadd.s32 @!p1 $0xF0A0, s26;
	[sflag:s7] =	ssyncadd.s32 @!p1 $0xFFFFF600;
	s7 =	simm.s32 @!p1 $0x18C40  }
0x236: {  	[spmem:s1] =	stream.indirect.scatter.add.f32 @!p1 [tilespmem:s7], [sflag:$0x2], $0x20, s4, s29, $0xb8;
	[tilespmem:$0x1A040] =	vst v63  }
0x237: {  	_ =	swait.ge @!p1 [sflag:s11], $0xA00  }
0x238: {  	[sflag:s11] =	ssyncset.done @!p1 $0x0  }
0x239: {  	s4 =	sadd.s32 @!p1 $0xA4B0, s26;
	s7 =	simm.s32 @!p1 $0x16E40;
	[sflag:s11] =	ssyncadd.s32 @!p1 $0xFFFFF600  }
0x23a: {  	[tilespmem:s7], [sflag:$0x1] =	stream.indirect.gather @!p1 [hbm4b:s5+s29], $0x20, s4, s29, $0xb8;
	[tilespmem:$0x1A040] =	vst v63  }
0x23b: {  	_ =	swait.ge [sflag:s14], $0xA00  }
0x23c: {  	[sflag:s14] =	ssyncset.done $0x0  }
.Ltmp9:
0x23d: {  	s31 =	sadd.s32 $0xF0F0, s23;
	[sflag:s14] =	ssyncadd.s32 $0xFFFFF600;
	(pc) =	sbr.rel @p1 .LBB2_14-.Ltmp9, $4  }
0x23e: {  	[spmem:s1] =	stream.indirect.scatter.add.f32 [tilespmem:s17], [sflag:$0x2], $0x20, s31, s24, $0xb8;
	[tilespmem:$0x1A040] =	vst v63  }
0x23f: {  	_ =	swait.ge [sflag:s18], $0xA00  }
0x240: {  	[sflag:s18] =	ssyncset.done $0x0  }
0x241: {  	[sflag:s18] =	ssyncadd.s32 $0xFFFFF600  }
.Ltmp10:
0x242: {  	(pc) =	sbr.rel .LBB2_13-.Ltmp10, $3  }
0x243: {  	_ =	sdelay $0x1  }
0x244: {  	s4 =	sadd.s32 $0xA500, s23;
	s9 =	sadd.s32 $0xC80, s9  }
0x245: {  	[tilespmem:s13], [sflag:$0x1] =	stream.indirect.gather [hbm4b:s5+s24], $0x20, s4, s24, $0xb8;
	[tilespmem:$0x1A040] =	vst v63  }
.LBB2_10:
.Ltmp11:
0x246: {  	(pc) =	sbr.rel .LBB2_15-.Ltmp11, $2  }
0x247: {  	_ =	sdelay $0x2  }
0x248: {  	s4 =	rddreg [dreg:$0x4]  }
.LBB2_16:
0x249: {  	_ =	sfence.sel $0x180000  }
0x24a: {  	[bflag:$0x0] =	sbarrier.arrive $0xFFFF  }
0x24b: {  	_ =	strace $0x90000047  }
0x24c: {  	s0 =	stileid.u32;
	[bflag:$0x2] =	sbarrier.arrive $0xFFFF  }
0x24d: {  	p0 =	sne.s32 s0, $0x0;
	s0 =	rddreg [dreg:$0x2]  }
0x24e: {  	s0 =	sadd.s32 @!p0 $0x100000, s0  }
0x24f: {  	[sflag:s0] =	ssyncadd.tile.s32 @!p0 $0x1;
	_ =	shalt  }
.Lfunc_end2:
_tile_overlayer_lowered:
.L_overlay_start_2:
0x250: {  	(tag) =	ssettag $0x2  }
0x251: {  	s0 =	rddreg [dreg:$0x0];
	s2 =	stileid.u32  }
0x252: {  	s1 =	rddreg [dreg:$0x1];
	p0 =	sne.s32 s2, $0x0  }
0x253: {  	s3 =	rddreg [dreg:$0x2];
	[bflag:$0x3] =	sbarrier.arrive $0xFFFF;
	s2 =	simm.s32 @!p0 $0x1C03  }
0x254: {  	[timem:s3], [sflag:s2] =	dma.local @!p0 [hbm:s0], s1  }
0x255: {  	s0 =	simm.s32 @!p0 $0x3  }
0x256: {  	_ =	swait.ge @!p0 [sflag:s0], s1  }
0x257: {  	s1 =	ssub.s32 @!p0 $0x0, s1;
	[sflag:s0] =	ssyncset.done @!p0 $0x0  }
0x258: {  	[sflag:s0] =	ssyncadd.s32 @!p0 s1  }
0x259: {  	[bflag:$0x3] =	sbarrier.arrive $0xFFFF  }
0x25a: {  	_ =	shalt  }

</sc_bundles>
